<compile_context>
chip_gen: v7x
topology: tpu7x:2x2x1
jax: 0.10.2.dev20260603
libtpu: 0.0.44.dev20260713+nightly
codegen_flags: <defaults>
</compile_context>

<pallas_src>
import functools
import math

import jax
import jax.numpy as jnp
from jax import lax
from jax.experimental import pallas as pl
from jax.experimental.pallas import tpu as pltpu
from jax.experimental.pallas import tpu_sc as plsc

D = 128
SEQ = 200
BATCH = 4096
VOCAB = 4
NC, NS = 2, 16
NW = NC * NS
ROWS = BATCH * SEQ
RPW = ROWS // NW
CHUNK = 128
NSTEP = RPW // CHUNK
RING = 6
PREF = 3
NITER = NSTEP // RING
TROWS = SEQ * VOCAB


def _prep_body(table_ref, pe_ref, comb_ref):
    scale = jnp.float32(math.sqrt(float(D)))
    pe = pe_ref[...]
    for v in range(VOCAB):
        comb_ref[:, v, :] = pe + table_ref[v, :][None, :] * scale


def _sc_body(comb_hbm, tok_hbm, out_hbm, idx_v,
             buf_0, buf_1, buf_2, buf_3, buf_4, buf_5, comb_sh,
             gsem_0, gsem_1, gsem_2, gsem_3, gsem_4, gsem_5,
             ssem_0, ssem_1, ssem_2, ssem_3, ssem_4, ssem_5, tsem):
    bufs = (buf_0, buf_1, buf_2, buf_3, buf_4, buf_5)
    gsems = (gsem_0, gsem_1, gsem_2, gsem_3, gsem_4, gsem_5)
    ssems = (ssem_0, ssem_1, ssem_2, ssem_3, ssem_4, ssem_5)
    cid = lax.axis_index("c")
    sid = lax.axis_index("s")
    wid = sid * NC + cid
    base = wid * RPW

    tok_cp = pltpu.make_async_copy(tok_hbm.at[wid], idx_v, tsem)
    tok_cp.start()

    srows = 80

    @pl.when(sid < TROWS // srows)
    def _stage():
        off = pl.multiple_of(sid * srows, 8)
        pltpu.sync_copy(comb_hbm.at[pl.ds(off, srows)], buf_0.at[pl.ds(0, srows)])
        pltpu.sync_copy(buf_0.at[pl.ds(0, srows)], comb_sh.at[pl.ds(off, srows)])

    plsc.subcore_barrier()
    tok_cp.wait()

    def convertstep(s):
        lanes = lax.iota(jnp.int32, 16)
        for c in range(CHUNK // 16):
            off = c * 16
            tok16 = idx_v[s, pl.ds(off, 16)]
            pos = (lanes + (s * CHUNK + off)) % SEQ
            idx_v[s, pl.ds(off, 16)] = tok16 + VOCAB * pos

    def gather(s, b, issue):
        cp = pltpu.make_async_copy(comb_hbm.at[idx_v.at[s]], bufs[b], gsems[b])
        if issue:
            cp.start()
        else:
            cp.wait()

    def scatter(s, b, issue):
        cp = pltpu.make_async_copy(
            bufs[b], out_hbm.at[pl.ds(base + s * CHUNK, CHUNK)], ssems[b]
        )
        if issue:
            cp.start()
        else:
            cp.wait()

    for s in range(PREF + 1):
        convertstep(s)
    for s in range(PREF):
        gather(s, s, True)

    def body(k, carry):
        for j in range(RING):
            s = RING * k + j
            bcur = j
            bpre = (j + PREF) % RING

            if j >= PREF:
                scatter(s - PREF, (j - PREF) % RING, False)
            else:
                @pl.when(k > 0)
                def _(s=s, j=j):
                    scatter(s - PREF, (j - PREF) % RING, False)

            if RING * (NITER - 1) + j + PREF < NSTEP:
                gather(s + PREF, bpre, True)
            else:
                @pl.when(k < NITER - 1)
                def _(s=s, bpre=bpre):
                    gather(s + PREF, bpre, True)

            if RING * (NITER - 1) + j + PREF + 1 < NSTEP:
                convertstep(s + PREF + 1)
            else:
                @pl.when(k < NITER - 1)
                def _(s=s):
                    convertstep(s + PREF + 1)

            gather(s, bcur, False)
            scatter(s, bcur, True)
        return carry

    lax.fori_loop(0, NITER, body, 0)

    for s in range(RING * NITER, NSTEP):
        scatter(s - PREF, (s - PREF) % RING, False)
        gather(s, s % RING, False)
        scatter(s, s % RING, True)
    for s in range(NSTEP - PREF, NSTEP):
        scatter(s, s % RING, False)


def kernel(token_indices, table, pe):
    comb = pl.pallas_call(
        _prep_body,
        out_shape=jax.ShapeDtypeStruct((SEQ, VOCAB, D), jnp.float32),
    )(table, pe[:SEQ])

    comb = comb.reshape(TROWS, D)
    tok3 = token_indices.reshape(NW, NSTEP, CHUNK)

    sc = pl.kernel(
        _sc_body,
        out_type=jax.ShapeDtypeStruct((ROWS, D), jnp.float32),
        mesh=plsc.VectorSubcoreMesh(
            core_axis_name="c", subcore_axis_name="s", num_cores=NC, num_subcores=NS
        ),
        scratch_types=[
            pltpu.VMEM((NSTEP, CHUNK), jnp.int32),
            pltpu.VMEM((CHUNK, D), jnp.float32),
            pltpu.VMEM((CHUNK, D), jnp.float32),
            pltpu.VMEM((CHUNK, D), jnp.float32),
            pltpu.VMEM((CHUNK, D), jnp.float32),
            pltpu.VMEM((CHUNK, D), jnp.float32),
            pltpu.VMEM((CHUNK, D), jnp.float32),
            pltpu.VMEM_SHARED((TROWS, D), jnp.float32),
            pltpu.SemaphoreType.DMA,
            pltpu.SemaphoreType.DMA,
            pltpu.SemaphoreType.DMA,
            pltpu.SemaphoreType.DMA,
            pltpu.SemaphoreType.DMA,
            pltpu.SemaphoreType.DMA,
            pltpu.SemaphoreType.DMA,
            pltpu.SemaphoreType.DMA,
            pltpu.SemaphoreType.DMA,
            pltpu.SemaphoreType.DMA,
            pltpu.SemaphoreType.DMA,
            pltpu.SemaphoreType.DMA,
            pltpu.SemaphoreType.DMA,
        ],
    )
    out = sc(comb, tok3)
    return out.reshape(BATCH, SEQ, D)

# --- scband reference (transcript-rebuilt; emitter-appended) ---
"""Pipeline reference for scband-an-bn-an-embedding-78975858638936 (READ-ONLY COPY).

The authoritative reference and input builder live on the scoring server;
editing this copy changes nothing except your own understanding.
"""

import jax, jax.numpy as jnp
import numpy as np

D_MODEL = 128
MAX_SEQ = 200
BATCH = 4096
SEQ = 200
VOCAB = 4


def make_pe(d_model, max_seq):
    position = np.arange(max_seq, dtype=np.float32)[:, None]
    div_term = np.exp(np.arange(0, d_model, 2, dtype=np.float32) * (-np.log(10000.0) / d_model))
    pe = np.zeros((max_seq, d_model), dtype=np.float32)
    pe[:, 0::2] = np.sin(position * div_term)
    pe[:, 1::2] = np.cos(position * div_term)
    return jnp.asarray(pe)


def setup_inputs(seed: int = 0) -> dict:
    key = jax.random.key(seed)
    k1, k2 = jax.random.split(key)
    # token indices in [0, 4): 0=pad, 1=a, 2=b, 3=unk (bypassing string tokenize)
    token_indices = jax.random.randint(k1, (BATCH, SEQ), 0, VOCAB, dtype=jnp.int32)
    # embedding table init ~ nn.Embedding default N(0,1), then structured overwrite
    table = jax.random.normal(k2, (VOCAB, D_MODEL), dtype=jnp.float32)
    table = table.at[1, : D_MODEL // 4].set(1.0)
    table = table.at[2, D_MODEL // 4 : D_MODEL // 2].set(1.0)
    pe = make_pe(D_MODEL, MAX_SEQ)
    return {"token_indices": token_indices, "table": table, "pe": pe}


def reference(token_indices, table, pe):
    # embedding lookup (gather) + scale + positional encoding add
    emb = jnp.take(table, token_indices, axis=0) * np.sqrt(D_MODEL)
    seq_len = token_indices.shape[1]
    out = emb + pe[:seq_len]
    return out

if __name__ == "__main__":
    import jax
    _d = setup_inputs()
    print(jax.jit(kernel)(*tuple(_d.values())))

</pallas_src>

<mosaic_0001>
#map = affine_map<(d0, d1) -> (0, 0)>
#map1 = affine_map<(d0, d1) -> (0, 0, 0)>
module attributes {stable_mosaic.version = 14 : i64} {
  func.func @_sc_body(%arg0: i32, %arg1: i32, %arg2: memref<800x128xf32, #tpu.memory_space<hbm>>, %arg3: memref<32x200x128xi32, #tpu.memory_space<hbm>>, %arg4: memref<819200x128xf32, #tpu.memory_space<hbm>>, %arg5: memref<200x128xi32, #tpu.memory_space<vmem>>, %arg6: memref<128x128xf32, #tpu.memory_space<vmem>>, %arg7: memref<128x128xf32, #tpu.memory_space<vmem>>, %arg8: memref<128x128xf32, #tpu.memory_space<vmem>>, %arg9: memref<128x128xf32, #tpu.memory_space<vmem>>, %arg10: memref<128x128xf32, #tpu.memory_space<vmem>>, %arg11: memref<128x128xf32, #tpu.memory_space<vmem>>, %arg12: memref<800x128xf32, #tpu.memory_space<vmem_shared>>, %arg13: memref<!tpu.dma_semaphore, #tpu.memory_space<semaphore_mem>>, %arg14: memref<!tpu.dma_semaphore, #tpu.memory_space<semaphore_mem>>, %arg15: memref<!tpu.dma_semaphore, #tpu.memory_space<semaphore_mem>>, %arg16: memref<!tpu.dma_semaphore, #tpu.memory_space<semaphore_mem>>, %arg17: memref<!tpu.dma_semaphore, #tpu.memory_space<semaphore_mem>>, %arg18: memref<!tpu.dma_semaphore, #tpu.memory_space<semaphore_mem>>, %arg19: memref<!tpu.dma_semaphore, #tpu.memory_space<semaphore_mem>>, %arg20: memref<!tpu.dma_semaphore, #tpu.memory_space<semaphore_mem>>, %arg21: memref<!tpu.dma_semaphore, #tpu.memory_space<semaphore_mem>>, %arg22: memref<!tpu.dma_semaphore, #tpu.memory_space<semaphore_mem>>, %arg23: memref<!tpu.dma_semaphore, #tpu.memory_space<semaphore_mem>>, %arg24: memref<!tpu.dma_semaphore, #tpu.memory_space<semaphore_mem>>, %arg25: memref<!tpu.dma_semaphore, #tpu.memory_space<semaphore_mem>>) attributes {dimension_semantics = [#tpu.dimension_semantics<core_parallel>, #tpu.dimension_semantics<subcore_parallel>], iteration_bounds = array<i64: 2, 16>, scalar_prefetch = 0 : i64, scratch_operands = 21 : i64, tpu.core_type = #tpu.core_type<sc_vector_subcore>, window_params = [{transform_indices = #map}, {transform_indices = #map1}, {transform_indices = #map}]} {
    %mul3A = arith.constant 2 : i32
    %mul3A_0 = arith.muli %arg1, %mul3A : i32
    %add3A = arith.addi %mul3A_0, %arg0 : i32
    %mul3A_1 = arith.constant 25600 : i32
    %mul3A_2 = arith.muli %add3A, %mul3A_1 : i32
    %dma_start3A = arith.constant 0 : i32
    %dma_start3A_3 = arith.constant 0 : i32
    %dma_start3A_4 = tpu.memref_slice %arg3[%add3A, %dma_start3A, %dma_start3A_3] : memref<32x200x128xi32, #tpu.memory_space<hbm>> -> memref<1x200x128xi32, #tpu.memory_space<hbm>>
    %dma_start3A_5 = tpu.memref_squeeze %dma_start3A_4 : memref<1x200x128xi32, #tpu.memory_space<hbm>> -> memref<200x128xi32, #tpu.memory_space<hbm>>
    %dma_start3A_6 = arith.constant 0 : i32
    %dma_start3A_7 = arith.constant 0 : i32
    %dma_start3A_8 = tpu.memref_slice %arg3[%add3A, %dma_start3A_6, %dma_start3A_7] : memref<32x200x128xi32, #tpu.memory_space<hbm>> -> memref<1x200x128xi32, #tpu.memory_space<hbm>>
    %dma_start3A_9 = tpu.memref_squeeze %dma_start3A_8 : memref<1x200x128xi32, #tpu.memory_space<hbm>> -> memref<200x128xi32, #tpu.memory_space<hbm>>
    tpu.enqueue_dma source(%dma_start3A_9 : memref<200x128xi32, #tpu.memory_space<hbm>>) target(%arg5 : memref<200x128xi32, #tpu.memory_space<vmem>>) target_semaphore(%arg25 : memref<!tpu.dma_semaphore, #tpu.memory_space<semaphore_mem>>)
    %lt3A = arith.constant 10 : i32
    %lt3A_10 = arith.cmpi slt, %arg1, %lt3A : i32
    %convert_element_type3A = arith.extui %lt3A_10 : i1 to i32
    %cond3A = arith.constant 0 : i32
    %cond3A_11 = arith.cmpi ne, %convert_element_type3A, %cond3A : i32
    scf.if %cond3A_11 {
      %mul3A_1376 = arith.constant 80 : i32
      %mul3A_1377 = arith.muli %arg1, %mul3A_1376 : i32
      %multiple_of3A = tpu.assume_multiple %mul3A_1377, 8 : i32
      "tpu.region"() ({
        %run_scoped3A = tpu.sem_alloc : memref<!tpu.dma_semaphore, #tpu.memory_space<semaphore_mem>>
        %dma_start3A_1378 = arith.constant 0 : i32
        %dma_start3A_1379 = arith.constant 0 : i32
        %dma_start3A_1380 = tpu.memref_slice %arg6[%dma_start3A_1378, %dma_start3A_1379] : memref<128x128xf32, #tpu.memory_space<vmem>> -> memref<80x128xf32, #tpu.memory_space<vmem>>
        %dma_start3A_1381 = arith.constant 0 : i32
        %dma_start3A_1382 = tpu.memref_slice %arg2[%multiple_of3A, %dma_start3A_1381] : memref<800x128xf32, #tpu.memory_space<hbm>> -> memref<80x128xf32, #tpu.memory_space<hbm>>
        %dma_start3A_1383 = arith.constant 0 : i32
        %dma_start3A_1384 = arith.constant 0 : i32
        %dma_start3A_1385 = tpu.memref_slice %arg6[%dma_start3A_1383, %dma_start3A_1384] : memref<128x128xf32, #tpu.memory_space<vmem>> -> memref<80x128xf32, #tpu.memory_space<vmem>>
        %dma_start3A_1386 = arith.constant 0 : i32
        %dma_start3A_1387 = tpu.memref_slice %arg2[%multiple_of3A, %dma_start3A_1386] : memref<800x128xf32, #tpu.memory_space<hbm>> -> memref<80x128xf32, #tpu.memory_space<hbm>>
        tpu.enqueue_dma source(%dma_start3A_1387 : memref<80x128xf32, #tpu.memory_space<hbm>>) target(%dma_start3A_1385 : memref<80x128xf32, #tpu.memory_space<vmem>>) target_semaphore(%run_scoped3A : memref<!tpu.dma_semaphore, #tpu.memory_space<semaphore_mem>>)
        %dma_wait3A_1388 = arith.constant 0 : i32
        %dma_wait3A_1389 = arith.constant 0 : i32
        %dma_wait3A_1390 = tpu.memref_slice %arg6[%dma_wait3A_1388, %dma_wait3A_1389] : memref<128x128xf32, #tpu.memory_space<vmem>> -> memref<80x128xf32, #tpu.memory_space<vmem>>
        %dma_wait3A_1391 = arith.constant 0 : i32
        %dma_wait3A_1392 = tpu.memref_slice %arg2[%multiple_of3A, %dma_wait3A_1391] : memref<800x128xf32, #tpu.memory_space<hbm>> -> memref<80x128xf32, #tpu.memory_space<hbm>>
        %dma_wait3A_1393 = arith.constant 0 : i32
        %dma_wait3A_1394 = arith.constant 0 : i32
        %dma_wait3A_1395 = tpu.memref_slice %arg6[%dma_wait3A_1393, %dma_wait3A_1394] : memref<128x128xf32, #tpu.memory_space<vmem>> -> memref<80x128xf32, #tpu.memory_space<vmem>>
        %dma_wait3A_1396 = arith.constant 0 : i32
        %dma_wait3A_1397 = tpu.memref_slice %arg2[%multiple_of3A, %dma_wait3A_1396] : memref<800x128xf32, #tpu.memory_space<hbm>> -> memref<80x128xf32, #tpu.memory_space<hbm>>
        tpu.wait_dma2 semaphore(%run_scoped3A : memref<!tpu.dma_semaphore, #tpu.memory_space<semaphore_mem>>) src(%dma_wait3A_1397 : memref<80x128xf32, #tpu.memory_space<hbm>>) dst(%dma_wait3A_1395 : memref<80x128xf32, #tpu.memory_space<vmem>>)
        tpu.yield
      }) : () -> ()
      "tpu.region"() ({
        %run_scoped3A = tpu.sem_alloc : memref<!tpu.dma_semaphore, #tpu.memory_space<semaphore_mem>>
        %dma_start3A_1378 = arith.constant 0 : i32
        %dma_start3A_1379 = arith.constant 0 : i32
        %dma_start3A_1380 = tpu.memref_slice %arg6[%dma_start3A_1378, %dma_start3A_1379] : memref<128x128xf32, #tpu.memory_space<vmem>> -> memref<80x128xf32, #tpu.memory_space<vmem>>
        %dma_start3A_1381 = arith.constant 0 : i32
        %dma_start3A_1382 = tpu.memref_slice %arg12[%multiple_of3A, %dma_start3A_1381] : memref<800x128xf32, #tpu.memory_space<vmem_shared>> -> memref<80x128xf32, #tpu.memory_space<vmem_shared>>
        %dma_start3A_1383 = arith.constant 0 : i32
        %dma_start3A_1384 = tpu.memref_slice %arg12[%multiple_of3A, %dma_start3A_1383] : memref<800x128xf32, #tpu.memory_space<vmem_shared>> -> memref<80x128xf32, #tpu.memory_space<vmem_shared>>
        %dma_start3A_1385 = arith.constant 0 : i32
        %dma_start3A_1386 = arith.constant 0 : i32
        %dma_start3A_1387 = tpu.memref_slice %arg6[%dma_start3A_1385, %dma_start3A_1386] : memref<128x128xf32, #tpu.memory_space<vmem>> -> memref<80x128xf32, #tpu.memory_space<vmem>>
        tpu.enqueue_dma source(%dma_start3A_1387 : memref<80x128xf32, #tpu.memory_space<vmem>>) target(%dma_start3A_1384 : memref<80x128xf32, #tpu.memory_space<vmem_shared>>) target_semaphore(%run_scoped3A : memref<!tpu.dma_semaphore, #tpu.memory_space<semaphore_mem>>)
        %dma_wait3A_1388 = arith.constant 0 : i32
        %dma_wait3A_1389 = arith.constant 0 : i32
        %dma_wait3A_1390 = tpu.memref_slice %arg6[%dma_wait3A_1388, %dma_wait3A_1389] : memref<128x128xf32, #tpu.memory_space<vmem>> -> memref<80x128xf32, #tpu.memory_space<vmem>>
        %dma_wait3A_1391 = arith.constant 0 : i32
        %dma_wait3A_1392 = tpu.memref_slice %arg12[%multiple_of3A, %dma_wait3A_1391] : memref<800x128xf32, #tpu.memory_space<vmem_shared>> -> memref<80x128xf32, #tpu.memory_space<vmem_shared>>
        %dma_wait3A_1393 = arith.constant 0 : i32
        %dma_wait3A_1394 = tpu.memref_slice %arg12[%multiple_of3A, %dma_wait3A_1393] : memref<800x128xf32, #tpu.memory_space<vmem_shared>> -> memref<80x128xf32, #tpu.memory_space<vmem_shared>>
        %dma_wait3A_1395 = arith.constant 0 : i32
        %dma_wait3A_1396 = arith.constant 0 : i32
        %dma_wait3A_1397 = tpu.memref_slice %arg6[%dma_wait3A_1395, %dma_wait3A_1396] : memref<128x128xf32, #tpu.memory_space<vmem>> -> memref<80x128xf32, #tpu.memory_space<vmem>>
        tpu.wait_dma2 semaphore(%run_scoped3A : memref<!tpu.dma_semaphore, #tpu.memory_space<semaphore_mem>>) src(%dma_wait3A_1397 : memref<80x128xf32, #tpu.memory_space<vmem>>) dst(%dma_wait3A_1394 : memref<80x128xf32, #tpu.memory_space<vmem_shared>>)
        tpu.yield
      }) : () -> ()
    } else {
    }
    %barrier3A = arith.constant 0 : index
    tpu.barrier barrier_id(%barrier3A)
    %dma_wait3A = arith.constant 0 : i32
    %dma_wait3A_12 = arith.constant 0 : i32
    %dma_wait3A_13 = tpu.memref_slice %arg3[%add3A, %dma_wait3A, %dma_wait3A_12] : memref<32x200x128xi32, #tpu.memory_space<hbm>> -> memref<1x200x128xi32, #tpu.memory_space<hbm>>
    %dma_wait3A_14 = tpu.memref_squeeze %dma_wait3A_13 : memref<1x200x128xi32, #tpu.memory_space<hbm>> -> memref<200x128xi32, #tpu.memory_space<hbm>>
    %dma_wait3A_15 = arith.constant 0 : i32
    %dma_wait3A_16 = arith.constant 0 : i32
    %dma_wait3A_17 = tpu.memref_slice %arg3[%add3A, %dma_wait3A_15, %dma_wait3A_16] : memref<32x200x128xi32, #tpu.memory_space<hbm>> -> memref<1x200x128xi32, #tpu.memory_space<hbm>>
    %dma_wait3A_18 = tpu.memref_squeeze %dma_wait3A_17 : memref<1x200x128xi32, #tpu.memory_space<hbm>> -> memref<200x128xi32, #tpu.memory_space<hbm>>
    tpu.wait_dma2 semaphore(%arg25 : memref<!tpu.dma_semaphore, #tpu.memory_space<semaphore_mem>>) src(%dma_wait3A_18 : memref<200x128xi32, #tpu.memory_space<hbm>>) dst(%arg5 : memref<200x128xi32, #tpu.memory_space<vmem>>)
    %iota3A = tpu.iota {dimensions = array<i32: 0>} : vector<16xi32>
    %get3A = arith.constant 0 : i32
    %get3A_19 = arith.index_cast %get3A : i32 to index
    %get3A_20 = arith.constant 0 : index
    %get3A_21 = tpu.vector_load %arg5[%get3A_19, %get3A_20] {strides = array<i32>} : memref<200x128xi32, #tpu.memory_space<vmem>>, vector<1x16xi32>,
    %get3A_22 = vector.shape_cast %get3A_21 : vector<1x16xi32> to vector<16xi32>
    %add3A_23 = arith.constant 0 : i32
    %add3A_24 = vector.broadcast %add3A_23 : i32 to vector<16xi32>
    %add3A_25 = arith.addi %iota3A, %add3A_24 : vector<16xi32>
    %jit3A = arith.constant 200 : i32
    %eq3A = arith.constant 0 : i32
    %eq3A_26 = arith.cmpi eq, %jit3A, %eq3A : i32
    %jit3A_27 = arith.constant 1 : i32
    %select_n3A = arith.select %eq3A_26, %jit3A_27, %jit3A : i32
    %rem3A = vector.broadcast %select_n3A : i32 to vector<16xi32>
    %rem3A_28 = arith.remsi %add3A_25, %rem3A : vector<16xi32>
    %ne3A = arith.constant 0 : i32
    %ne3A_29 = vector.broadcast %ne3A : i32 to vector<16xi32>
    %ne3A_30 = arith.cmpi ne, %rem3A_28, %ne3A_29 : vector<16xi32>
    %lt3A_31 = arith.constant 0 : i32
    %lt3A_32 = vector.broadcast %lt3A_31 : i32 to vector<16xi32>
    %lt3A_33 = arith.cmpi slt, %rem3A_28, %lt3A_32 : vector<16xi32>
    %lt3A_34 = arith.constant 0 : i32
    %lt3A_35 = arith.cmpi slt, %select_n3A, %lt3A_34 : i32
    %ne3A_36 = vector.broadcast %lt3A_35 : i1 to vector<16xi1>
    %ne3A_37 = vector.broadcast %ne3A_36 : vector<16xi1> to vector<16xi1>
    %ne3A_38 = arith.xori %lt3A_33, %ne3A_37 : vector<16xi1>
    %and3A = arith.andi %ne3A_38, %ne3A_30 : vector<16xi1>
    %add3A_39 = vector.broadcast %select_n3A : i32 to vector<16xi32>
    %add3A_40 = arith.addi %rem3A_28, %add3A_39 : vector<16xi32>
    %select_n3A_41 = arith.select %and3A, %add3A_40, %rem3A_28 : vector<16xi1>, vector<16xi32>
    %mul3A_42 = arith.constant 4 : i32
    %mul3A_43 = vector.broadcast %mul3A_42 : i32 to vector<16xi32>
    %mul3A_44 = arith.muli %mul3A_43, %select_n3A_41 : vector<16xi32>
    %add3A_45 = arith.addi %get3A_22, %mul3A_44 : vector<16xi32>
    %swap3A = arith.constant 0 : i32
    %swap3A_46 = arith.index_cast %swap3A : i32 to index
    %swap3A_47 = arith.constant 0 : index
    %swap3A_48 = tpu.vector_load %arg5[%swap3A_46, %swap3A_47] {strides = array<i32>} : memref<200x128xi32, #tpu.memory_space<vmem>>, vector<1x16xi32>,
    %swap3A_49 = vector.shape_cast %swap3A_48 : vector<1x16xi32> to vector<16xi32>
    %swap3A_50 = vector.shape_cast %add3A_45 : vector<16xi32> to vector<1x16xi32>
    tpu.vector_store %arg5[%swap3A_46, %swap3A_47], %swap3A_50 {strides = array<i32>} : memref<200x128xi32, #tpu.memory_space<vmem>>, vector<1x16xi32>,
    %get3A_51 = arith.constant 0 : i32
    %get3A_52 = arith.index_cast %get3A_51 : i32 to index
    %get3A_53 = arith.constant 16 : index
    %get3A_54 = tpu.vector_load %arg5[%get3A_52, %get3A_53] {strides = array<i32>} : memref<200x128xi32, #tpu.memory_space<vmem>>, vector<1x16xi32>,
    %get3A_55 = vector.shape_cast %get3A_54 : vector<1x16xi32> to vector<16xi32>
    %add3A_56 = arith.constant 16 : i32
    %add3A_57 = vector.broadcast %add3A_56 : i32 to vector<16xi32>
    %add3A_58 = arith.addi %iota3A, %add3A_57 : vector<16xi32>
    %jit3A_59 = arith.constant 200 : i32
    %eq3A_60 = arith.constant 0 : i32
    %eq3A_61 = arith.cmpi eq, %jit3A_59, %eq3A_60 : i32
    %jit3A_62 = arith.constant 1 : i32
    %select_n3A_63 = arith.select %eq3A_61, %jit3A_62, %jit3A_59 : i32
    %rem3A_64 = vector.broadcast %select_n3A_63 : i32 to vector<16xi32>
    %rem3A_65 = arith.remsi %add3A_58, %rem3A_64 : vector<16xi32>
    %ne3A_66 = arith.constant 0 : i32
    %ne3A_67 = vector.broadcast %ne3A_66 : i32 to vector<16xi32>
    %ne3A_68 = arith.cmpi ne, %rem3A_65, %ne3A_67 : vector<16xi32>
    %lt3A_69 = arith.constant 0 : i32
    %lt3A_70 = vector.broadcast %lt3A_69 : i32 to vector<16xi32>
    %lt3A_71 = arith.cmpi slt, %rem3A_65, %lt3A_70 : vector<16xi32>
    %lt3A_72 = arith.constant 0 : i32
    %lt3A_73 = arith.cmpi slt, %select_n3A_63, %lt3A_72 : i32
    %ne3A_74 = vector.broadcast %lt3A_73 : i1 to vector<16xi1>
    %ne3A_75 = vector.broadcast %ne3A_74 : vector<16xi1> to vector<16xi1>
    %ne3A_76 = arith.xori %lt3A_71, %ne3A_75 : vector<16xi1>
    %and3A_77 = arith.andi %ne3A_76, %ne3A_68 : vector<16xi1>
    %add3A_78 = vector.broadcast %select_n3A_63 : i32 to vector<16xi32>
    %add3A_79 = arith.addi %rem3A_65, %add3A_78 : vector<16xi32>
    %select_n3A_80 = arith.select %and3A_77, %add3A_79, %rem3A_65 : vector<16xi1>, vector<16xi32>
    %mul3A_81 = arith.constant 4 : i32
    %mul3A_82 = vector.broadcast %mul3A_81 : i32 to vector<16xi32>
    %mul3A_83 = arith.muli %mul3A_82, %select_n3A_80 : vector<16xi32>
    %add3A_84 = arith.addi %get3A_55, %mul3A_83 : vector<16xi32>
    %swap3A_85 = arith.constant 0 : i32
    %swap3A_86 = arith.index_cast %swap3A_85 : i32 to index
    %swap3A_87 = arith.constant 16 : index
    %swap3A_88 = tpu.vector_load %arg5[%swap3A_86, %swap3A_87] {strides = array<i32>} : memref<200x128xi32, #tpu.memory_space<vmem>>, vector<1x16xi32>,
    %swap3A_89 = vector.shape_cast %swap3A_88 : vector<1x16xi32> to vector<16xi32>
    %swap3A_90 = vector.shape_cast %add3A_84 : vector<16xi32> to vector<1x16xi32>
    tpu.vector_store %arg5[%swap3A_86, %swap3A_87], %swap3A_90 {strides = array<i32>} : memref<200x128xi32, #tpu.memory_space<vmem>>, vector<1x16xi32>,
    %get3A_91 = arith.constant 0 : i32
    %get3A_92 = arith.index_cast %get3A_91 : i32 to index
    %get3A_93 = arith.constant 32 : index
    %get3A_94 = tpu.vector_load %arg5[%get3A_92, %get3A_93] {strides = array<i32>} : memref<200x128xi32, #tpu.memory_space<vmem>>, vector<1x16xi32>,
    %get3A_95 = vector.shape_cast %get3A_94 : vector<1x16xi32> to vector<16xi32>
    %add3A_96 = arith.constant 32 : i32
    %add3A_97 = vector.broadcast %add3A_96 : i32 to vector<16xi32>
    %add3A_98 = arith.addi %iota3A, %add3A_97 : vector<16xi32>
    %jit3A_99 = arith.constant 200 : i32
    %eq3A_100 = arith.constant 0 : i32
    %eq3A_101 = arith.cmpi eq, %jit3A_99, %eq3A_100 : i32
    %jit3A_102 = arith.constant 1 : i32
    %select_n3A_103 = arith.select %eq3A_101, %jit3A_102, %jit3A_99 : i32
    %rem3A_104 = vector.broadcast %select_n3A_103 : i32 to vector<16xi32>
    %rem3A_105 = arith.remsi %add3A_98, %rem3A_104 : vector<16xi32>
    %ne3A_106 = arith.constant 0 : i32
    %ne3A_107 = vector.broadcast %ne3A_106 : i32 to vector<16xi32>
    %ne3A_108 = arith.cmpi ne, %rem3A_105, %ne3A_107 : vector<16xi32>
    %lt3A_109 = arith.constant 0 : i32
    %lt3A_110 = vector.broadcast %lt3A_109 : i32 to vector<16xi32>
    %lt3A_111 = arith.cmpi slt, %rem3A_105, %lt3A_110 : vector<16xi32>
    %lt3A_112 = arith.constant 0 : i32
    %lt3A_113 = arith.cmpi slt, %select_n3A_103, %lt3A_112 : i32
    %ne3A_114 = vector.broadcast %lt3A_113 : i1 to vector<16xi1>
    %ne3A_115 = vector.broadcast %ne3A_114 : vector<16xi1> to vector<16xi1>
    %ne3A_116 = arith.xori %lt3A_111, %ne3A_115 : vector<16xi1>
    %and3A_117 = arith.andi %ne3A_116, %ne3A_108 : vector<16xi1>
    %add3A_118 = vector.broadcast %select_n3A_103 : i32 to vector<16xi32>
    %add3A_119 = arith.addi %rem3A_105, %add3A_118 : vector<16xi32>
    %select_n3A_120 = arith.select %and3A_117, %add3A_119, %rem3A_105 : vector<16xi1>, vector<16xi32>
    %mul3A_121 = arith.constant 4 : i32
    %mul3A_122 = vector.broadcast %mul3A_121 : i32 to vector<16xi32>
    %mul3A_123 = arith.muli %mul3A_122, %select_n3A_120 : vector<16xi32>
    %add3A_124 = arith.addi %get3A_95, %mul3A_123 : vector<16xi32>
    %swap3A_125 = arith.constant 0 : i32
    %swap3A_126 = arith.index_cast %swap3A_125 : i32 to index
    %swap3A_127 = arith.constant 32 : index
    %swap3A_128 = tpu.vector_load %arg5[%swap3A_126, %swap3A_127] {strides = array<i32>} : memref<200x128xi32, #tpu.memory_space<vmem>>, vector<1x16xi32>,
    %swap3A_129 = vector.shape_cast %swap3A_128 : vector<1x16xi32> to vector<16xi32>
    %swap3A_130 = vector.shape_cast %add3A_124 : vector<16xi32> to vector<1x16xi32>
    tpu.vector_store %arg5[%swap3A_126, %swap3A_127], %swap3A_130 {strides = array<i32>} : memref<200x128xi32, #tpu.memory_space<vmem>>, vector<1x16xi32>,
    %get3A_131 = arith.constant 0 : i32
    %get3A_132 = arith.index_cast %get3A_131 : i32 to index
    %get3A_133 = arith.constant 48 : index
    %get3A_134 = tpu.vector_load %arg5[%get3A_132, %get3A_133] {strides = array<i32>} : memref<200x128xi32, #tpu.memory_space<vmem>>, vector<1x16xi32>,
    %get3A_135 = vector.shape_cast %get3A_134 : vector<1x16xi32> to vector<16xi32>
    %add3A_136 = arith.constant 48 : i32
    %add3A_137 = vector.broadcast %add3A_136 : i32 to vector<16xi32>
    %add3A_138 = arith.addi %iota3A, %add3A_137 : vector<16xi32>
    %jit3A_139 = arith.constant 200 : i32
    %eq3A_140 = arith.constant 0 : i32
    %eq3A_141 = arith.cmpi eq, %jit3A_139, %eq3A_140 : i32
    %jit3A_142 = arith.constant 1 : i32
    %select_n3A_143 = arith.select %eq3A_141, %jit3A_142, %jit3A_139 : i32
    %rem3A_144 = vector.broadcast %select_n3A_143 : i32 to vector<16xi32>
    %rem3A_145 = arith.remsi %add3A_138, %rem3A_144 : vector<16xi32>
    %ne3A_146 = arith.constant 0 : i32
    %ne3A_147 = vector.broadcast %ne3A_146 : i32 to vector<16xi32>
    %ne3A_148 = arith.cmpi ne, %rem3A_145, %ne3A_147 : vector<16xi32>
    %lt3A_149 = arith.constant 0 : i32
    %lt3A_150 = vector.broadcast %lt3A_149 : i32 to vector<16xi32>
    %lt3A_151 = arith.cmpi slt, %rem3A_145, %lt3A_150 : vector<16xi32>
    %lt3A_152 = arith.constant 0 : i32
    %lt3A_153 = arith.cmpi slt, %select_n3A_143, %lt3A_152 : i32
    %ne3A_154 = vector.broadcast %lt3A_153 : i1 to vector<16xi1>
    %ne3A_155 = vector.broadcast %ne3A_154 : vector<16xi1> to vector<16xi1>
    %ne3A_156 = arith.xori %lt3A_151, %ne3A_155 : vector<16xi1>
    %and3A_157 = arith.andi %ne3A_156, %ne3A_148 : vector<16xi1>
    %add3A_158 = vector.broadcast %select_n3A_143 : i32 to vector<16xi32>
    %add3A_159 = arith.addi %rem3A_145, %add3A_158 : vector<16xi32>
    %select_n3A_160 = arith.select %and3A_157, %add3A_159, %rem3A_145 : vector<16xi1>, vector<16xi32>
    %mul3A_161 = arith.constant 4 : i32
    %mul3A_162 = vector.broadcast %mul3A_161 : i32 to vector<16xi32>
    %mul3A_163 = arith.muli %mul3A_162, %select_n3A_160 : vector<16xi32>
    %add3A_164 = arith.addi %get3A_135, %mul3A_163 : vector<16xi32>
    %swap3A_165 = arith.constant 0 : i32
    %swap3A_166 = arith.index_cast %swap3A_165 : i32 to index
    %swap3A_167 = arith.constant 48 : index
    %swap3A_168 = tpu.vector_load %arg5[%swap3A_166, %swap3A_167] {strides = array<i32>} : memref<200x128xi32, #tpu.memory_space<vmem>>, vector<1x16xi32>,
    %swap3A_169 = vector.shape_cast %swap3A_168 : vector<1x16xi32> to vector<16xi32>
    %swap3A_170 = vector.shape_cast %add3A_164 : vector<16xi32> to vector<1x16xi32>
    tpu.vector_store %arg5[%swap3A_166, %swap3A_167], %swap3A_170 {strides = array<i32>} : memref<200x128xi32, #tpu.memory_space<vmem>>, vector<1x16xi32>,
    %get3A_171 = arith.constant 0 : i32
    %get3A_172 = arith.index_cast %get3A_171 : i32 to index
    %get3A_173 = arith.constant 64 : index
    %get3A_174 = tpu.vector_load %arg5[%get3A_172, %get3A_173] {strides = array<i32>} : memref<200x128xi32, #tpu.memory_space<vmem>>, vector<1x16xi32>,
    %get3A_175 = vector.shape_cast %get3A_174 : vector<1x16xi32> to vector<16xi32>
    %add3A_176 = arith.constant 64 : i32
    %add3A_177 = vector.broadcast %add3A_176 : i32 to vector<16xi32>
    %add3A_178 = arith.addi %iota3A, %add3A_177 : vector<16xi32>
    %jit3A_179 = arith.constant 200 : i32
    %eq3A_180 = arith.constant 0 : i32
    %eq3A_181 = arith.cmpi eq, %jit3A_179, %eq3A_180 : i32
    %jit3A_182 = arith.constant 1 : i32
    %select_n3A_183 = arith.select %eq3A_181, %jit3A_182, %jit3A_179 : i32
    %rem3A_184 = vector.broadcast %select_n3A_183 : i32 to vector<16xi32>
    %rem3A_185 = arith.remsi %add3A_178, %rem3A_184 : vector<16xi32>
    %ne3A_186 = arith.constant 0 : i32
    %ne3A_187 = vector.broadcast %ne3A_186 : i32 to vector<16xi32>
    %ne3A_188 = arith.cmpi ne, %rem3A_185, %ne3A_187 : vector<16xi32>
    %lt3A_189 = arith.constant 0 : i32
    %lt3A_190 = vector.broadcast %lt3A_189 : i32 to vector<16xi32>
    %lt3A_191 = arith.cmpi slt, %rem3A_185, %lt3A_190 : vector<16xi32>
    %lt3A_192 = arith.constant 0 : i32
    %lt3A_193 = arith.cmpi slt, %select_n3A_183, %lt3A_192 : i32
    %ne3A_194 = vector.broadcast %lt3A_193 : i1 to vector<16xi1>
    %ne3A_195 = vector.broadcast %ne3A_194 : vector<16xi1> to vector<16xi1>
    %ne3A_196 = arith.xori %lt3A_191, %ne3A_195 : vector<16xi1>
    %and3A_197 = arith.andi %ne3A_196, %ne3A_188 : vector<16xi1>
    %add3A_198 = vector.broadcast %select_n3A_183 : i32 to vector<16xi32>
    %add3A_199 = arith.addi %rem3A_185, %add3A_198 : vector<16xi32>
    %select_n3A_200 = arith.select %and3A_197, %add3A_199, %rem3A_185 : vector<16xi1>, vector<16xi32>
    %mul3A_201 = arith.constant 4 : i32
    %mul3A_202 = vector.broadcast %mul3A_201 : i32 to vector<16xi32>
    %mul3A_203 = arith.muli %mul3A_202, %select_n3A_200 : vector<16xi32>
    %add3A_204 = arith.addi %get3A_175, %mul3A_203 : vector<16xi32>
    %swap3A_205 = arith.constant 0 : i32
    %swap3A_206 = arith.index_cast %swap3A_205 : i32 to index
    %swap3A_207 = arith.constant 64 : index
    %swap3A_208 = tpu.vector_load %arg5[%swap3A_206, %swap3A_207] {strides = array<i32>} : memref<200x128xi32, #tpu.memory_space<vmem>>, vector<1x16xi32>,
    %swap3A_209 = vector.shape_cast %swap3A_208 : vector<1x16xi32> to vector<16xi32>
    %swap3A_210 = vector.shape_cast %add3A_204 : vector<16xi32> to vector<1x16xi32>
    tpu.vector_store %arg5[%swap3A_206, %swap3A_207], %swap3A_210 {strides = array<i32>} : memref<200x128xi32, #tpu.memory_space<vmem>>, vector<1x16xi32>,
    %get3A_211 = arith.constant 0 : i32
    %get3A_212 = arith.index_cast %get3A_211 : i32 to index
    %get3A_213 = arith.constant 80 : index
    %get3A_214 = tpu.vector_load %arg5[%get3A_212, %get3A_213] {strides = array<i32>} : memref<200x128xi32, #tpu.memory_space<vmem>>, vector<1x16xi32>,
    %get3A_215 = vector.shape_cast %get3A_214 : vector<1x16xi32> to vector<16xi32>
    %add3A_216 = arith.constant 80 : i32
    %add3A_217 = vector.broadcast %add3A_216 : i32 to vector<16xi32>
    %add3A_218 = arith.addi %iota3A, %add3A_217 : vector<16xi32>
    %jit3A_219 = arith.constant 200 : i32
    %eq3A_220 = arith.constant 0 : i32
    %eq3A_221 = arith.cmpi eq, %jit3A_219, %eq3A_220 : i32
    %jit3A_222 = arith.constant 1 : i32
    %select_n3A_223 = arith.select %eq3A_221, %jit3A_222, %jit3A_219 : i32
    %rem3A_224 = vector.broadcast %select_n3A_223 : i32 to vector<16xi32>
    %rem3A_225 = arith.remsi %add3A_218, %rem3A_224 : vector<16xi32>
    %ne3A_226 = arith.constant 0 : i32
    %ne3A_227 = vector.broadcast %ne3A_226 : i32 to vector<16xi32>
    %ne3A_228 = arith.cmpi ne, %rem3A_225, %ne3A_227 : vector<16xi32>
    %lt3A_229 = arith.constant 0 : i32
    %lt3A_230 = vector.broadcast %lt3A_229 : i32 to vector<16xi32>
    %lt3A_231 = arith.cmpi slt, %rem3A_225, %lt3A_230 : vector<16xi32>
    %lt3A_232 = arith.constant 0 : i32
    %lt3A_233 = arith.cmpi slt, %select_n3A_223, %lt3A_232 : i32
    %ne3A_234 = vector.broadcast %lt3A_233 : i1 to vector<16xi1>
    %ne3A_235 = vector.broadcast %ne3A_234 : vector<16xi1> to vector<16xi1>
    %ne3A_236 = arith.xori %lt3A_231, %ne3A_235 : vector<16xi1>
    %and3A_237 = arith.andi %ne3A_236, %ne3A_228 : vector<16xi1>
    %add3A_238 = vector.broadcast %select_n3A_223 : i32 to vector<16xi32>
    %add3A_239 = arith.addi %rem3A_225, %add3A_238 : vector<16xi32>
    %select_n3A_240 = arith.select %and3A_237, %add3A_239, %rem3A_225 : vector<16xi1>, vector<16xi32>
    %mul3A_241 = arith.constant 4 : i32
    %mul3A_242 = vector.broadcast %mul3A_241 : i32 to vector<16xi32>
    %mul3A_243 = arith.muli %mul3A_242, %select_n3A_240 : vector<16xi32>
    %add3A_244 = arith.addi %get3A_215, %mul3A_243 : vector<16xi32>
    %swap3A_245 = arith.constant 0 : i32
    %swap3A_246 = arith.index_cast %swap3A_245 : i32 to index
    %swap3A_247 = arith.constant 80 : index
    %swap3A_248 = tpu.vector_load %arg5[%swap3A_246, %swap3A_247] {strides = array<i32>} : memref<200x128xi32, #tpu.memory_space<vmem>>, vector<1x16xi32>,
    %swap3A_249 = vector.shape_cast %swap3A_248 : vector<1x16xi32> to vector<16xi32>
    %swap3A_250 = vector.shape_cast %add3A_244 : vector<16xi32> to vector<1x16xi32>
    tpu.vector_store %arg5[%swap3A_246, %swap3A_247], %swap3A_250 {strides = array<i32>} : memref<200x128xi32, #tpu.memory_space<vmem>>, vector<1x16xi32>,
    %get3A_251 = arith.constant 0 : i32
    %get3A_252 = arith.index_cast %get3A_251 : i32 to index
    %get3A_253 = arith.constant 96 : index
    %get3A_254 = tpu.vector_load %arg5[%get3A_252, %get3A_253] {strides = array<i32>} : memref<200x128xi32, #tpu.memory_space<vmem>>, vector<1x16xi32>,
    %get3A_255 = vector.shape_cast %get3A_254 : vector<1x16xi32> to vector<16xi32>
    %add3A_256 = arith.constant 96 : i32
    %add3A_257 = vector.broadcast %add3A_256 : i32 to vector<16xi32>
    %add3A_258 = arith.addi %iota3A, %add3A_257 : vector<16xi32>
    %jit3A_259 = arith.constant 200 : i32
    %eq3A_260 = arith.constant 0 : i32
    %eq3A_261 = arith.cmpi eq, %jit3A_259, %eq3A_260 : i32
    %jit3A_262 = arith.constant 1 : i32
    %select_n3A_263 = arith.select %eq3A_261, %jit3A_262, %jit3A_259 : i32
    %rem3A_264 = vector.broadcast %select_n3A_263 : i32 to vector<16xi32>
    %rem3A_265 = arith.remsi %add3A_258, %rem3A_264 : vector<16xi32>
    %ne3A_266 = arith.constant 0 : i32
    %ne3A_267 = vector.broadcast %ne3A_266 : i32 to vector<16xi32>
    %ne3A_268 = arith.cmpi ne, %rem3A_265, %ne3A_267 : vector<16xi32>
    %lt3A_269 = arith.constant 0 : i32
    %lt3A_270 = vector.broadcast %lt3A_269 : i32 to vector<16xi32>
    %lt3A_271 = arith.cmpi slt, %rem3A_265, %lt3A_270 : vector<16xi32>
    %lt3A_272 = arith.constant 0 : i32
    %lt3A_273 = arith.cmpi slt, %select_n3A_263, %lt3A_272 : i32
    %ne3A_274 = vector.broadcast %lt3A_273 : i1 to vector<16xi1>
    %ne3A_275 = vector.broadcast %ne3A_274 : vector<16xi1> to vector<16xi1>
    %ne3A_276 = arith.xori %lt3A_271, %ne3A_275 : vector<16xi1>
    %and3A_277 = arith.andi %ne3A_276, %ne3A_268 : vector<16xi1>
    %add3A_278 = vector.broadcast %select_n3A_263 : i32 to vector<16xi32>
    %add3A_279 = arith.addi %rem3A_265, %add3A_278 : vector<16xi32>
    %select_n3A_280 = arith.select %and3A_277, %add3A_279, %rem3A_265 : vector<16xi1>, vector<16xi32>
    %mul3A_281 = arith.constant 4 : i32
    %mul3A_282 = vector.broadcast %mul3A_281 : i32 to vector<16xi32>
    %mul3A_283 = arith.muli %mul3A_282, %select_n3A_280 : vector<16xi32>
    %add3A_284 = arith.addi %get3A_255, %mul3A_283 : vector<16xi32>
    %swap3A_285 = arith.constant 0 : i32
    %swap3A_286 = arith.index_cast %swap3A_285 : i32 to index
    %swap3A_287 = arith.constant 96 : index
    %swap3A_288 = tpu.vector_load %arg5[%swap3A_286, %swap3A_287] {strides = array<i32>} : memref<200x128xi32, #tpu.memory_space<vmem>>, vector<1x16xi32>,
    %swap3A_289 = vector.shape_cast %swap3A_288 : vector<1x16xi32> to vector<16xi32>
    %swap3A_290 = vector.shape_cast %add3A_284 : vector<16xi32> to vector<1x16xi32>
    tpu.vector_store %arg5[%swap3A_286, %swap3A_287], %swap3A_290 {strides = array<i32>} : memref<200x128xi32, #tpu.memory_space<vmem>>, vector<1x16xi32>,
    %get3A_291 = arith.constant 0 : i32
    %get3A_292 = arith.index_cast %get3A_291 : i32 to index
    %get3A_293 = arith.constant 112 : index
    %get3A_294 = tpu.vector_load %arg5[%get3A_292, %get3A_293] {strides = array<i32>} : memref<200x128xi32, #tpu.memory_space<vmem>>, vector<1x16xi32>,
    %get3A_295 = vector.shape_cast %get3A_294 : vector<1x16xi32> to vector<16xi32>
    %add3A_296 = arith.constant 112 : i32
    %add3A_297 = vector.broadcast %add3A_296 : i32 to vector<16xi32>
    %add3A_298 = arith.addi %iota3A, %add3A_297 : vector<16xi32>
    %jit3A_299 = arith.constant 200 : i32
    %eq3A_300 = arith.constant 0 : i32
    %eq3A_301 = arith.cmpi eq, %jit3A_299, %eq3A_300 : i32
    %jit3A_302 = arith.constant 1 : i32
    %select_n3A_303 = arith.select %eq3A_301, %jit3A_302, %jit3A_299 : i32
    %rem3A_304 = vector.broadcast %select_n3A_303 : i32 to vector<16xi32>
    %rem3A_305 = arith.remsi %add3A_298, %rem3A_304 : vector<16xi32>
    %ne3A_306 = arith.constant 0 : i32
    %ne3A_307 = vector.broadcast %ne3A_306 : i32 to vector<16xi32>
    %ne3A_308 = arith.cmpi ne, %rem3A_305, %ne3A_307 : vector<16xi32>
    %lt3A_309 = arith.constant 0 : i32
    %lt3A_310 = vector.broadcast %lt3A_309 : i32 to vector<16xi32>
    %lt3A_311 = arith.cmpi slt, %rem3A_305, %lt3A_310 : vector<16xi32>
    %lt3A_312 = arith.constant 0 : i32
    %lt3A_313 = arith.cmpi slt, %select_n3A_303, %lt3A_312 : i32
    %ne3A_314 = vector.broadcast %lt3A_313 : i1 to vector<16xi1>
    %ne3A_315 = vector.broadcast %ne3A_314 : vector<16xi1> to vector<16xi1>
    %ne3A_316 = arith.xori %lt3A_311, %ne3A_315 : vector<16xi1>
    %and3A_317 = arith.andi %ne3A_316, %ne3A_308 : vector<16xi1>
    %add3A_318 = vector.broadcast %select_n3A_303 : i32 to vector<16xi32>
    %add3A_319 = arith.addi %rem3A_305, %add3A_318 : vector<16xi32>
    %select_n3A_320 = arith.select %and3A_317, %add3A_319, %rem3A_305 : vector<16xi1>, vector<16xi32>
    %mul3A_321 = arith.constant 4 : i32
    %mul3A_322 = vector.broadcast %mul3A_321 : i32 to vector<16xi32>
    %mul3A_323 = arith.muli %mul3A_322, %select_n3A_320 : vector<16xi32>
    %add3A_324 = arith.addi %get3A_295, %mul3A_323 : vector<16xi32>
    %swap3A_325 = arith.constant 0 : i32
    %swap3A_326 = arith.index_cast %swap3A_325 : i32 to index
    %swap3A_327 = arith.constant 112 : index
    %swap3A_328 = tpu.vector_load %arg5[%swap3A_326, %swap3A_327] {strides = array<i32>} : memref<200x128xi32, #tpu.memory_space<vmem>>, vector<1x16xi32>,
    %swap3A_329 = vector.shape_cast %swap3A_328 : vector<1x16xi32> to vector<16xi32>
    %swap3A_330 = vector.shape_cast %add3A_324 : vector<16xi32> to vector<1x16xi32>
    tpu.vector_store %arg5[%swap3A_326, %swap3A_327], %swap3A_330 {strides = array<i32>} : memref<200x128xi32, #tpu.memory_space<vmem>>, vector<1x16xi32>,
    %iota3A_331 = tpu.iota {dimensions = array<i32: 0>} : vector<16xi32>
    %get3A_332 = arith.constant 1 : i32
    %get3A_333 = arith.index_cast %get3A_332 : i32 to index
    %get3A_334 = arith.constant 0 : index
    %get3A_335 = tpu.vector_load %arg5[%get3A_333, %get3A_334] {strides = array<i32>} : memref<200x128xi32, #tpu.memory_space<vmem>>, vector<1x16xi32>,
    %get3A_336 = vector.shape_cast %get3A_335 : vector<1x16xi32> to vector<16xi32>
    %add3A_337 = arith.constant 128 : i32
    %add3A_338 = vector.broadcast %add3A_337 : i32 to vector<16xi32>
    %add3A_339 = arith.addi %iota3A_331, %add3A_338 : vector<16xi32>
    %jit3A_340 = arith.constant 200 : i32
    %eq3A_341 = arith.constant 0 : i32
    %eq3A_342 = arith.cmpi eq, %jit3A_340, %eq3A_341 : i32
    %jit3A_343 = arith.constant 1 : i32
    %select_n3A_344 = arith.select %eq3A_342, %jit3A_343, %jit3A_340 : i32
    %rem3A_345 = vector.broadcast %select_n3A_344 : i32 to vector<16xi32>
    %rem3A_346 = arith.remsi %add3A_339, %rem3A_345 : vector<16xi32>
    %ne3A_347 = arith.constant 0 : i32
    %ne3A_348 = vector.broadcast %ne3A_347 : i32 to vector<16xi32>
    %ne3A_349 = arith.cmpi ne, %rem3A_346, %ne3A_348 : vector<16xi32>
    %lt3A_350 = arith.constant 0 : i32
    %lt3A_351 = vector.broadcast %lt3A_350 : i32 to vector<16xi32>
    %lt3A_352 = arith.cmpi slt, %rem3A_346, %lt3A_351 : vector<16xi32>
    %lt3A_353 = arith.constant 0 : i32
    %lt3A_354 = arith.cmpi slt, %select_n3A_344, %lt3A_353 : i32
    %ne3A_355 = vector.broadcast %lt3A_354 : i1 to vector<16xi1>
    %ne3A_356 = vector.broadcast %ne3A_355 : vector<16xi1> to vector<16xi1>
    %ne3A_357 = arith.xori %lt3A_352, %ne3A_356 : vector<16xi1>
    %and3A_358 = arith.andi %ne3A_357, %ne3A_349 : vector<16xi1>
    %add3A_359 = vector.broadcast %select_n3A_344 : i32 to vector<16xi32>
    %add3A_360 = arith.addi %rem3A_346, %add3A_359 : vector<16xi32>
    %select_n3A_361 = arith.select %and3A_358, %add3A_360, %rem3A_346 : vector<16xi1>, vector<16xi32>
    %mul3A_362 = arith.constant 4 : i32
    %mul3A_363 = vector.broadcast %mul3A_362 : i32 to vector<16xi32>
    %mul3A_364 = arith.muli %mul3A_363, %select_n3A_361 : vector<16xi32>
    %add3A_365 = arith.addi %get3A_336, %mul3A_364 : vector<16xi32>
    %swap3A_366 = arith.constant 1 : i32
    %swap3A_367 = arith.index_cast %swap3A_366 : i32 to index
    %swap3A_368 = arith.constant 0 : index
    %swap3A_369 = tpu.vector_load %arg5[%swap3A_367, %swap3A_368] {strides = array<i32>} : memref<200x128xi32, #tpu.memory_space<vmem>>, vector<1x16xi32>,
    %swap3A_370 = vector.shape_cast %swap3A_369 : vector<1x16xi32> to vector<16xi32>
    %swap3A_371 = vector.shape_cast %add3A_365 : vector<16xi32> to vector<1x16xi32>
    tpu.vector_store %arg5[%swap3A_367, %swap3A_368], %swap3A_371 {strides = array<i32>} : memref<200x128xi32, #tpu.memory_space<vmem>>, vector<1x16xi32>,
    %get3A_372 = arith.constant 1 : i32
    %get3A_373 = arith.index_cast %get3A_372 : i32 to index
    %get3A_374 = arith.constant 16 : index
    %get3A_375 = tpu.vector_load %arg5[%get3A_373, %get3A_374] {strides = array<i32>} : memref<200x128xi32, #tpu.memory_space<vmem>>, vector<1x16xi32>,
    %get3A_376 = vector.shape_cast %get3A_375 : vector<1x16xi32> to vector<16xi32>
    %add3A_377 = arith.constant 144 : i32
    %add3A_378 = vector.broadcast %add3A_377 : i32 to vector<16xi32>
    %add3A_379 = arith.addi %iota3A_331, %add3A_378 : vector<16xi32>
    %jit3A_380 = arith.constant 200 : i32
    %eq3A_381 = arith.constant 0 : i32
    %eq3A_382 = arith.cmpi eq, %jit3A_380, %eq3A_381 : i32
    %jit3A_383 = arith.constant 1 : i32
    %select_n3A_384 = arith.select %eq3A_382, %jit3A_383, %jit3A_380 : i32
    %rem3A_385 = vector.broadcast %select_n3A_384 : i32 to vector<16xi32>
    %rem3A_386 = arith.remsi %add3A_379, %rem3A_385 : vector<16xi32>
    %ne3A_387 = arith.constant 0 : i32
    %ne3A_388 = vector.broadcast %ne3A_387 : i32 to vector<16xi32>
    %ne3A_389 = arith.cmpi ne, %rem3A_386, %ne3A_388 : vector<16xi32>
    %lt3A_390 = arith.constant 0 : i32
    %lt3A_391 = vector.broadcast %lt3A_390 : i32 to vector<16xi32>
    %lt3A_392 = arith.cmpi slt, %rem3A_386, %lt3A_391 : vector<16xi32>
    %lt3A_393 = arith.constant 0 : i32
    %lt3A_394 = arith.cmpi slt, %select_n3A_384, %lt3A_393 : i32
    %ne3A_395 = vector.broadcast %lt3A_394 : i1 to vector<16xi1>
    %ne3A_396 = vector.broadcast %ne3A_395 : vector<16xi1> to vector<16xi1>
    %ne3A_397 = arith.xori %lt3A_392, %ne3A_396 : vector<16xi1>
    %and3A_398 = arith.andi %ne3A_397, %ne3A_389 : vector<16xi1>
    %add3A_399 = vector.broadcast %select_n3A_384 : i32 to vector<16xi32>
    %add3A_400 = arith.addi %rem3A_386, %add3A_399 : vector<16xi32>
    %select_n3A_401 = arith.select %and3A_398, %add3A_400, %rem3A_386 : vector<16xi1>, vector<16xi32>
    %mul3A_402 = arith.constant 4 : i32
    %mul3A_403 = vector.broadcast %mul3A_402 : i32 to vector<16xi32>
    %mul3A_404 = arith.muli %mul3A_403, %select_n3A_401 : vector<16xi32>
    %add3A_405 = arith.addi %get3A_376, %mul3A_404 : vector<16xi32>
    %swap3A_406 = arith.constant 1 : i32
    %swap3A_407 = arith.index_cast %swap3A_406 : i32 to index
    %swap3A_408 = arith.constant 16 : index
    %swap3A_409 = tpu.vector_load %arg5[%swap3A_407, %swap3A_408] {strides = array<i32>} : memref<200x128xi32, #tpu.memory_space<vmem>>, vector<1x16xi32>,
    %swap3A_410 = vector.shape_cast %swap3A_409 : vector<1x16xi32> to vector<16xi32>
    %swap3A_411 = vector.shape_cast %add3A_405 : vector<16xi32> to vector<1x16xi32>
    tpu.vector_store %arg5[%swap3A_407, %swap3A_408], %swap3A_411 {strides = array<i32>} : memref<200x128xi32, #tpu.memory_space<vmem>>, vector<1x16xi32>,
    %get3A_412 = arith.constant 1 : i32
    %get3A_413 = arith.index_cast %get3A_412 : i32 to index
    %get3A_414 = arith.constant 32 : index
    %get3A_415 = tpu.vector_load %arg5[%get3A_413, %get3A_414] {strides = array<i32>} : memref<200x128xi32, #tpu.memory_space<vmem>>, vector<1x16xi32>,
    %get3A_416 = vector.shape_cast %get3A_415 : vector<1x16xi32> to vector<16xi32>
    %add3A_417 = arith.constant 160 : i32
    %add3A_418 = vector.broadcast %add3A_417 : i32 to vector<16xi32>
    %add3A_419 = arith.addi %iota3A_331, %add3A_418 : vector<16xi32>
    %jit3A_420 = arith.constant 200 : i32
    %eq3A_421 = arith.constant 0 : i32
    %eq3A_422 = arith.cmpi eq, %jit3A_420, %eq3A_421 : i32
    %jit3A_423 = arith.constant 1 : i32
    %select_n3A_424 = arith.select %eq3A_422, %jit3A_423, %jit3A_420 : i32
    %rem3A_425 = vector.broadcast %select_n3A_424 : i32 to vector<16xi32>
    %rem3A_426 = arith.remsi %add3A_419, %rem3A_425 : vector<16xi32>
    %ne3A_427 = arith.constant 0 : i32
    %ne3A_428 = vector.broadcast %ne3A_427 : i32 to vector<16xi32>
    %ne3A_429 = arith.cmpi ne, %rem3A_426, %ne3A_428 : vector<16xi32>
    %lt3A_430 = arith.constant 0 : i32
    %lt3A_431 = vector.broadcast %lt3A_430 : i32 to vector<16xi32>
    %lt3A_432 = arith.cmpi slt, %rem3A_426, %lt3A_431 : vector<16xi32>
    %lt3A_433 = arith.constant 0 : i32
    %lt3A_434 = arith.cmpi slt, %select_n3A_424, %lt3A_433 : i32
    %ne3A_435 = vector.broadcast %lt3A_434 : i1 to vector<16xi1>
    %ne3A_436 = vector.broadcast %ne3A_435 : vector<16xi1> to vector<16xi1>
    %ne3A_437 = arith.xori %lt3A_432, %ne3A_436 : vector<16xi1>
    %and3A_438 = arith.andi %ne3A_437, %ne3A_429 : vector<16xi1>
    %add3A_439 = vector.broadcast %select_n3A_424 : i32 to vector<16xi32>
    %add3A_440 = arith.addi %rem3A_426, %add3A_439 : vector<16xi32>
    %select_n3A_441 = arith.select %and3A_438, %add3A_440, %rem3A_426 : vector<16xi1>, vector<16xi32>
    %mul3A_442 = arith.constant 4 : i32
    %mul3A_443 = vector.broadcast %mul3A_442 : i32 to vector<16xi32>
    %mul3A_444 = arith.muli %mul3A_443, %select_n3A_441 : vector<16xi32>
    %add3A_445 = arith.addi %get3A_416, %mul3A_444 : vector<16xi32>
    %swap3A_446 = arith.constant 1 : i32
    %swap3A_447 = arith.index_cast %swap3A_446 : i32 to index
    %swap3A_448 = arith.constant 32 : index
    %swap3A_449 = tpu.vector_load %arg5[%swap3A_447, %swap3A_448] {strides = array<i32>} : memref<200x128xi32, #tpu.memory_space<vmem>>, vector<1x16xi32>,
    %swap3A_450 = vector.shape_cast %swap3A_449 : vector<1x16xi32> to vector<16xi32>
    %swap3A_451 = vector.shape_cast %add3A_445 : vector<16xi32> to vector<1x16xi32>
    tpu.vector_store %arg5[%swap3A_447, %swap3A_448], %swap3A_451 {strides = array<i32>} : memref<200x128xi32, #tpu.memory_space<vmem>>, vector<1x16xi32>,
    %get3A_452 = arith.constant 1 : i32
    %get3A_453 = arith.index_cast %get3A_452 : i32 to index
    %get3A_454 = arith.constant 48 : index
    %get3A_455 = tpu.vector_load %arg5[%get3A_453, %get3A_454] {strides = array<i32>} : memref<200x128xi32, #tpu.memory_space<vmem>>, vector<1x16xi32>,
    %get3A_456 = vector.shape_cast %get3A_455 : vector<1x16xi32> to vector<16xi32>
    %add3A_457 = arith.constant 176 : i32
    %add3A_458 = vector.broadcast %add3A_457 : i32 to vector<16xi32>
    %add3A_459 = arith.addi %iota3A_331, %add3A_458 : vector<16xi32>
    %jit3A_460 = arith.constant 200 : i32
    %eq3A_461 = arith.constant 0 : i32
    %eq3A_462 = arith.cmpi eq, %jit3A_460, %eq3A_461 : i32
    %jit3A_463 = arith.constant 1 : i32
    %select_n3A_464 = arith.select %eq3A_462, %jit3A_463, %jit3A_460 : i32
    %rem3A_465 = vector.broadcast %select_n3A_464 : i32 to vector<16xi32>
    %rem3A_466 = arith.remsi %add3A_459, %rem3A_465 : vector<16xi32>
    %ne3A_467 = arith.constant 0 : i32
    %ne3A_468 = vector.broadcast %ne3A_467 : i32 to vector<16xi32>
    %ne3A_469 = arith.cmpi ne, %rem3A_466, %ne3A_468 : vector<16xi32>
    %lt3A_470 = arith.constant 0 : i32
    %lt3A_471 = vector.broadcast %lt3A_470 : i32 to vector<16xi32>
    %lt3A_472 = arith.cmpi slt, %rem3A_466, %lt3A_471 : vector<16xi32>
    %lt3A_473 = arith.constant 0 : i32
    %lt3A_474 = arith.cmpi slt, %select_n3A_464, %lt3A_473 : i32
    %ne3A_475 = vector.broadcast %lt3A_474 : i1 to vector<16xi1>
    %ne3A_476 = vector.broadcast %ne3A_475 : vector<16xi1> to vector<16xi1>
    %ne3A_477 = arith.xori %lt3A_472, %ne3A_476 : vector<16xi1>
    %and3A_478 = arith.andi %ne3A_477, %ne3A_469 : vector<16xi1>
    %add3A_479 = vector.broadcast %select_n3A_464 : i32 to vector<16xi32>
    %add3A_480 = arith.addi %rem3A_466, %add3A_479 : vector<16xi32>
    %select_n3A_481 = arith.select %and3A_478, %add3A_480, %rem3A_466 : vector<16xi1>, vector<16xi32>
    %mul3A_482 = arith.constant 4 : i32
    %mul3A_483 = vector.broadcast %mul3A_482 : i32 to vector<16xi32>
    %mul3A_484 = arith.muli %mul3A_483, %select_n3A_481 : vector<16xi32>
    %add3A_485 = arith.addi %get3A_456, %mul3A_484 : vector<16xi32>
    %swap3A_486 = arith.constant 1 : i32
    %swap3A_487 = arith.index_cast %swap3A_486 : i32 to index
    %swap3A_488 = arith.constant 48 : index
    %swap3A_489 = tpu.vector_load %arg5[%swap3A_487, %swap3A_488] {strides = array<i32>} : memref<200x128xi32, #tpu.memory_space<vmem>>, vector<1x16xi32>,
    %swap3A_490 = vector.shape_cast %swap3A_489 : vector<1x16xi32> to vector<16xi32>
    %swap3A_491 = vector.shape_cast %add3A_485 : vector<16xi32> to vector<1x16xi32>
    tpu.vector_store %arg5[%swap3A_487, %swap3A_488], %swap3A_491 {strides = array<i32>} : memref<200x128xi32, #tpu.memory_space<vmem>>, vector<1x16xi32>,
    %get3A_492 = arith.constant 1 : i32
    %get3A_493 = arith.index_cast %get3A_492 : i32 to index
    %get3A_494 = arith.constant 64 : index
    %get3A_495 = tpu.vector_load %arg5[%get3A_493, %get3A_494] {strides = array<i32>} : memref<200x128xi32, #tpu.memory_space<vmem>>, vector<1x16xi32>,
    %get3A_496 = vector.shape_cast %get3A_495 : vector<1x16xi32> to vector<16xi32>
    %add3A_497 = arith.constant 192 : i32
    %add3A_498 = vector.broadcast %add3A_497 : i32 to vector<16xi32>
    %add3A_499 = arith.addi %iota3A_331, %add3A_498 : vector<16xi32>
    %jit3A_500 = arith.constant 200 : i32
    %eq3A_501 = arith.constant 0 : i32
    %eq3A_502 = arith.cmpi eq, %jit3A_500, %eq3A_501 : i32
    %jit3A_503 = arith.constant 1 : i32
    %select_n3A_504 = arith.select %eq3A_502, %jit3A_503, %jit3A_500 : i32
    %rem3A_505 = vector.broadcast %select_n3A_504 : i32 to vector<16xi32>
    %rem3A_506 = arith.remsi %add3A_499, %rem3A_505 : vector<16xi32>
    %ne3A_507 = arith.constant 0 : i32
    %ne3A_508 = vector.broadcast %ne3A_507 : i32 to vector<16xi32>
    %ne3A_509 = arith.cmpi ne, %rem3A_506, %ne3A_508 : vector<16xi32>
    %lt3A_510 = arith.constant 0 : i32
    %lt3A_511 = vector.broadcast %lt3A_510 : i32 to vector<16xi32>
    %lt3A_512 = arith.cmpi slt, %rem3A_506, %lt3A_511 : vector<16xi32>
    %lt3A_513 = arith.constant 0 : i32
    %lt3A_514 = arith.cmpi slt, %select_n3A_504, %lt3A_513 : i32
    %ne3A_515 = vector.broadcast %lt3A_514 : i1 to vector<16xi1>
    %ne3A_516 = vector.broadcast %ne3A_515 : vector<16xi1> to vector<16xi1>
    %ne3A_517 = arith.xori %lt3A_512, %ne3A_516 : vector<16xi1>
    %and3A_518 = arith.andi %ne3A_517, %ne3A_509 : vector<16xi1>
    %add3A_519 = vector.broadcast %select_n3A_504 : i32 to vector<16xi32>
    %add3A_520 = arith.addi %rem3A_506, %add3A_519 : vector<16xi32>
    %select_n3A_521 = arith.select %and3A_518, %add3A_520, %rem3A_506 : vector<16xi1>, vector<16xi32>
    %mul3A_522 = arith.constant 4 : i32
    %mul3A_523 = vector.broadcast %mul3A_522 : i32 to vector<16xi32>
    %mul3A_524 = arith.muli %mul3A_523, %select_n3A_521 : vector<16xi32>
    %add3A_525 = arith.addi %get3A_496, %mul3A_524 : vector<16xi32>
    %swap3A_526 = arith.constant 1 : i32
    %swap3A_527 = arith.index_cast %swap3A_526 : i32 to index
    %swap3A_528 = arith.constant 64 : index
    %swap3A_529 = tpu.vector_load %arg5[%swap3A_527, %swap3A_528] {strides = array<i32>} : memref<200x128xi32, #tpu.memory_space<vmem>>, vector<1x16xi32>,
    %swap3A_530 = vector.shape_cast %swap3A_529 : vector<1x16xi32> to vector<16xi32>
    %swap3A_531 = vector.shape_cast %add3A_525 : vector<16xi32> to vector<1x16xi32>
    tpu.vector_store %arg5[%swap3A_527, %swap3A_528], %swap3A_531 {strides = array<i32>} : memref<200x128xi32, #tpu.memory_space<vmem>>, vector<1x16xi32>,
    %get3A_532 = arith.constant 1 : i32
    %get3A_533 = arith.index_cast %get3A_532 : i32 to index
    %get3A_534 = arith.constant 80 : index
    %get3A_535 = tpu.vector_load %arg5[%get3A_533, %get3A_534] {strides = array<i32>} : memref<200x128xi32, #tpu.memory_space<vmem>>, vector<1x16xi32>,
    %get3A_536 = vector.shape_cast %get3A_535 : vector<1x16xi32> to vector<16xi32>
    %add3A_537 = arith.constant 208 : i32
    %add3A_538 = vector.broadcast %add3A_537 : i32 to vector<16xi32>
    %add3A_539 = arith.addi %iota3A_331, %add3A_538 : vector<16xi32>
    %jit3A_540 = arith.constant 200 : i32
    %eq3A_541 = arith.constant 0 : i32
    %eq3A_542 = arith.cmpi eq, %jit3A_540, %eq3A_541 : i32
    %jit3A_543 = arith.constant 1 : i32
    %select_n3A_544 = arith.select %eq3A_542, %jit3A_543, %jit3A_540 : i32
    %rem3A_545 = vector.broadcast %select_n3A_544 : i32 to vector<16xi32>
    %rem3A_546 = arith.remsi %add3A_539, %rem3A_545 : vector<16xi32>
    %ne3A_547 = arith.constant 0 : i32
    %ne3A_548 = vector.broadcast %ne3A_547 : i32 to vector<16xi32>
    %ne3A_549 = arith.cmpi ne, %rem3A_546, %ne3A_548 : vector<16xi32>
    %lt3A_550 = arith.constant 0 : i32
    %lt3A_551 = vector.broadcast %lt3A_550 : i32 to vector<16xi32>
    %lt3A_552 = arith.cmpi slt, %rem3A_546, %lt3A_551 : vector<16xi32>
    %lt3A_553 = arith.constant 0 : i32
    %lt3A_554 = arith.cmpi slt, %select_n3A_544, %lt3A_553 : i32
    %ne3A_555 = vector.broadcast %lt3A_554 : i1 to vector<16xi1>
    %ne3A_556 = vector.broadcast %ne3A_555 : vector<16xi1> to vector<16xi1>
    %ne3A_557 = arith.xori %lt3A_552, %ne3A_556 : vector<16xi1>
    %and3A_558 = arith.andi %ne3A_557, %ne3A_549 : vector<16xi1>
    %add3A_559 = vector.broadcast %select_n3A_544 : i32 to vector<16xi32>
    %add3A_560 = arith.addi %rem3A_546, %add3A_559 : vector<16xi32>
    %select_n3A_561 = arith.select %and3A_558, %add3A_560, %rem3A_546 : vector<16xi1>, vector<16xi32>
    %mul3A_562 = arith.constant 4 : i32
    %mul3A_563 = vector.broadcast %mul3A_562 : i32 to vector<16xi32>
    %mul3A_564 = arith.muli %mul3A_563, %select_n3A_561 : vector<16xi32>
    %add3A_565 = arith.addi %get3A_536, %mul3A_564 : vector<16xi32>
    %swap3A_566 = arith.constant 1 : i32
    %swap3A_567 = arith.index_cast %swap3A_566 : i32 to index
    %swap3A_568 = arith.constant 80 : index
    %swap3A_569 = tpu.vector_load %arg5[%swap3A_567, %swap3A_568] {strides = array<i32>} : memref<200x128xi32, #tpu.memory_space<vmem>>, vector<1x16xi32>,
    %swap3A_570 = vector.shape_cast %swap3A_569 : vector<1x16xi32> to vector<16xi32>
    %swap3A_571 = vector.shape_cast %add3A_565 : vector<16xi32> to vector<1x16xi32>
    tpu.vector_store %arg5[%swap3A_567, %swap3A_568], %swap3A_571 {strides = array<i32>} : memref<200x128xi32, #tpu.memory_space<vmem>>, vector<1x16xi32>,
    %get3A_572 = arith.constant 1 : i32
    %get3A_573 = arith.index_cast %get3A_572 : i32 to index
    %get3A_574 = arith.constant 96 : index
    %get3A_575 = tpu.vector_load %arg5[%get3A_573, %get3A_574] {strides = array<i32>} : memref<200x128xi32, #tpu.memory_space<vmem>>, vector<1x16xi32>,
    %get3A_576 = vector.shape_cast %get3A_575 : vector<1x16xi32> to vector<16xi32>
    %add3A_577 = arith.constant 224 : i32
    %add3A_578 = vector.broadcast %add3A_577 : i32 to vector<16xi32>
    %add3A_579 = arith.addi %iota3A_331, %add3A_578 : vector<16xi32>
    %jit3A_580 = arith.constant 200 : i32
    %eq3A_581 = arith.constant 0 : i32
    %eq3A_582 = arith.cmpi eq, %jit3A_580, %eq3A_581 : i32
    %jit3A_583 = arith.constant 1 : i32
    %select_n3A_584 = arith.select %eq3A_582, %jit3A_583, %jit3A_580 : i32
    %rem3A_585 = vector.broadcast %select_n3A_584 : i32 to vector<16xi32>
    %rem3A_586 = arith.remsi %add3A_579, %rem3A_585 : vector<16xi32>
    %ne3A_587 = arith.constant 0 : i32
    %ne3A_588 = vector.broadcast %ne3A_587 : i32 to vector<16xi32>
    %ne3A_589 = arith.cmpi ne, %rem3A_586, %ne3A_588 : vector<16xi32>
    %lt3A_590 = arith.constant 0 : i32
    %lt3A_591 = vector.broadcast %lt3A_590 : i32 to vector<16xi32>
    %lt3A_592 = arith.cmpi slt, %rem3A_586, %lt3A_591 : vector<16xi32>
    %lt3A_593 = arith.constant 0 : i32
    %lt3A_594 = arith.cmpi slt, %select_n3A_584, %lt3A_593 : i32
    %ne3A_595 = vector.broadcast %lt3A_594 : i1 to vector<16xi1>
    %ne3A_596 = vector.broadcast %ne3A_595 : vector<16xi1> to vector<16xi1>
    %ne3A_597 = arith.xori %lt3A_592, %ne3A_596 : vector<16xi1>
    %and3A_598 = arith.andi %ne3A_597, %ne3A_589 : vector<16xi1>
    %add3A_599 = vector.broadcast %select_n3A_584 : i32 to vector<16xi32>
    %add3A_600 = arith.addi %rem3A_586, %add3A_599 : vector<16xi32>
    %select_n3A_601 = arith.select %and3A_598, %add3A_600, %rem3A_586 : vector<16xi1>, vector<16xi32>
    %mul3A_602 = arith.constant 4 : i32
    %mul3A_603 = vector.broadcast %mul3A_602 : i32 to vector<16xi32>
    %mul3A_604 = arith.muli %mul3A_603, %select_n3A_601 : vector<16xi32>
    %add3A_605 = arith.addi %get3A_576, %mul3A_604 : vector<16xi32>
    %swap3A_606 = arith.constant 1 : i32
    %swap3A_607 = arith.index_cast %swap3A_606 : i32 to index
    %swap3A_608 = arith.constant 96 : index
    %swap3A_609 = tpu.vector_load %arg5[%swap3A_607, %swap3A_608] {strides = array<i32>} : memref<200x128xi32, #tpu.memory_space<vmem>>, vector<1x16xi32>,
    %swap3A_610 = vector.shape_cast %swap3A_609 : vector<1x16xi32> to vector<16xi32>
    %swap3A_611 = vector.shape_cast %add3A_605 : vector<16xi32> to vector<1x16xi32>
    tpu.vector_store %arg5[%swap3A_607, %swap3A_608], %swap3A_611 {strides = array<i32>} : memref<200x128xi32, #tpu.memory_space<vmem>>, vector<1x16xi32>,
    %get3A_612 = arith.constant 1 : i32
    %get3A_613 = arith.index_cast %get3A_612 : i32 to index
    %get3A_614 = arith.constant 112 : index
    %get3A_615 = tpu.vector_load %arg5[%get3A_613, %get3A_614] {strides = array<i32>} : memref<200x128xi32, #tpu.memory_space<vmem>>, vector<1x16xi32>,
    %get3A_616 = vector.shape_cast %get3A_615 : vector<1x16xi32> to vector<16xi32>
    %add3A_617 = arith.constant 240 : i32
    %add3A_618 = vector.broadcast %add3A_617 : i32 to vector<16xi32>
    %add3A_619 = arith.addi %iota3A_331, %add3A_618 : vector<16xi32>
    %jit3A_620 = arith.constant 200 : i32
    %eq3A_621 = arith.constant 0 : i32
    %eq3A_622 = arith.cmpi eq, %jit3A_620, %eq3A_621 : i32
    %jit3A_623 = arith.constant 1 : i32
    %select_n3A_624 = arith.select %eq3A_622, %jit3A_623, %jit3A_620 : i32
    %rem3A_625 = vector.broadcast %select_n3A_624 : i32 to vector<16xi32>
    %rem3A_626 = arith.remsi %add3A_619, %rem3A_625 : vector<16xi32>
    %ne3A_627 = arith.constant 0 : i32
    %ne3A_628 = vector.broadcast %ne3A_627 : i32 to vector<16xi32>
    %ne3A_629 = arith.cmpi ne, %rem3A_626, %ne3A_628 : vector<16xi32>
    %lt3A_630 = arith.constant 0 : i32
    %lt3A_631 = vector.broadcast %lt3A_630 : i32 to vector<16xi32>
    %lt3A_632 = arith.cmpi slt, %rem3A_626, %lt3A_631 : vector<16xi32>
    %lt3A_633 = arith.constant 0 : i32
    %lt3A_634 = arith.cmpi slt, %select_n3A_624, %lt3A_633 : i32
    %ne3A_635 = vector.broadcast %lt3A_634 : i1 to vector<16xi1>
    %ne3A_636 = vector.broadcast %ne3A_635 : vector<16xi1> to vector<16xi1>
    %ne3A_637 = arith.xori %lt3A_632, %ne3A_636 : vector<16xi1>
    %and3A_638 = arith.andi %ne3A_637, %ne3A_629 : vector<16xi1>
    %add3A_639 = vector.broadcast %select_n3A_624 : i32 to vector<16xi32>
    %add3A_640 = arith.addi %rem3A_626, %add3A_639 : vector<16xi32>
    %select_n3A_641 = arith.select %and3A_638, %add3A_640, %rem3A_626 : vector<16xi1>, vector<16xi32>
    %mul3A_642 = arith.constant 4 : i32
    %mul3A_643 = vector.broadcast %mul3A_642 : i32 to vector<16xi32>
    %mul3A_644 = arith.muli %mul3A_643, %select_n3A_641 : vector<16xi32>
    %add3A_645 = arith.addi %get3A_616, %mul3A_644 : vector<16xi32>
    %swap3A_646 = arith.constant 1 : i32
    %swap3A_647 = arith.index_cast %swap3A_646 : i32 to index
    %swap3A_648 = arith.constant 112 : index
    %swap3A_649 = tpu.vector_load %arg5[%swap3A_647, %swap3A_648] {strides = array<i32>} : memref<200x128xi32, #tpu.memory_space<vmem>>, vector<1x16xi32>,
    %swap3A_650 = vector.shape_cast %swap3A_649 : vector<1x16xi32> to vector<16xi32>
    %swap3A_651 = vector.shape_cast %add3A_645 : vector<16xi32> to vector<1x16xi32>
    tpu.vector_store %arg5[%swap3A_647, %swap3A_648], %swap3A_651 {strides = array<i32>} : memref<200x128xi32, #tpu.memory_space<vmem>>, vector<1x16xi32>,
    %iota3A_652 = tpu.iota {dimensions = array<i32: 0>} : vector<16xi32>
    %get3A_653 = arith.constant 2 : i32
    %get3A_654 = arith.index_cast %get3A_653 : i32 to index
    %get3A_655 = arith.constant 0 : index
    %get3A_656 = tpu.vector_load %arg5[%get3A_654, %get3A_655] {strides = array<i32>} : memref<200x128xi32, #tpu.memory_space<vmem>>, vector<1x16xi32>,
    %get3A_657 = vector.shape_cast %get3A_656 : vector<1x16xi32> to vector<16xi32>
    %add3A_658 = arith.constant 256 : i32
    %add3A_659 = vector.broadcast %add3A_658 : i32 to vector<16xi32>
    %add3A_660 = arith.addi %iota3A_652, %add3A_659 : vector<16xi32>
    %jit3A_661 = arith.constant 200 : i32
    %eq3A_662 = arith.constant 0 : i32
    %eq3A_663 = arith.cmpi eq, %jit3A_661, %eq3A_662 : i32
    %jit3A_664 = arith.constant 1 : i32
    %select_n3A_665 = arith.select %eq3A_663, %jit3A_664, %jit3A_661 : i32
    %rem3A_666 = vector.broadcast %select_n3A_665 : i32 to vector<16xi32>
    %rem3A_667 = arith.remsi %add3A_660, %rem3A_666 : vector<16xi32>
    %ne3A_668 = arith.constant 0 : i32
    %ne3A_669 = vector.broadcast %ne3A_668 : i32 to vector<16xi32>
    %ne3A_670 = arith.cmpi ne, %rem3A_667, %ne3A_669 : vector<16xi32>
    %lt3A_671 = arith.constant 0 : i32
    %lt3A_672 = vector.broadcast %lt3A_671 : i32 to vector<16xi32>
    %lt3A_673 = arith.cmpi slt, %rem3A_667, %lt3A_672 : vector<16xi32>
    %lt3A_674 = arith.constant 0 : i32
    %lt3A_675 = arith.cmpi slt, %select_n3A_665, %lt3A_674 : i32
    %ne3A_676 = vector.broadcast %lt3A_675 : i1 to vector<16xi1>
    %ne3A_677 = vector.broadcast %ne3A_676 : vector<16xi1> to vector<16xi1>
    %ne3A_678 = arith.xori %lt3A_673, %ne3A_677 : vector<16xi1>
    %and3A_679 = arith.andi %ne3A_678, %ne3A_670 : vector<16xi1>
    %add3A_680 = vector.broadcast %select_n3A_665 : i32 to vector<16xi32>
    %add3A_681 = arith.addi %rem3A_667, %add3A_680 : vector<16xi32>
    %select_n3A_682 = arith.select %and3A_679, %add3A_681, %rem3A_667 : vector<16xi1>, vector<16xi32>
    %mul3A_683 = arith.constant 4 : i32
    %mul3A_684 = vector.broadcast %mul3A_683 : i32 to vector<16xi32>
    %mul3A_685 = arith.muli %mul3A_684, %select_n3A_682 : vector<16xi32>
    %add3A_686 = arith.addi %get3A_657, %mul3A_685 : vector<16xi32>
    %swap3A_687 = arith.constant 2 : i32
    %swap3A_688 = arith.index_cast %swap3A_687 : i32 to index
    %swap3A_689 = arith.constant 0 : index
    %swap3A_690 = tpu.vector_load %arg5[%swap3A_688, %swap3A_689] {strides = array<i32>} : memref<200x128xi32, #tpu.memory_space<vmem>>, vector<1x16xi32>,
    %swap3A_691 = vector.shape_cast %swap3A_690 : vector<1x16xi32> to vector<16xi32>
    %swap3A_692 = vector.shape_cast %add3A_686 : vector<16xi32> to vector<1x16xi32>
    tpu.vector_store %arg5[%swap3A_688, %swap3A_689], %swap3A_692 {strides = array<i32>} : memref<200x128xi32, #tpu.memory_space<vmem>>, vector<1x16xi32>,
    %get3A_693 = arith.constant 2 : i32
    %get3A_694 = arith.index_cast %get3A_693 : i32 to index
    %get3A_695 = arith.constant 16 : index
    %get3A_696 = tpu.vector_load %arg5[%get3A_694, %get3A_695] {strides = array<i32>} : memref<200x128xi32, #tpu.memory_space<vmem>>, vector<1x16xi32>,
    %get3A_697 = vector.shape_cast %get3A_696 : vector<1x16xi32> to vector<16xi32>
    %add3A_698 = arith.constant 272 : i32
    %add3A_699 = vector.broadcast %add3A_698 : i32 to vector<16xi32>
    %add3A_700 = arith.addi %iota3A_652, %add3A_699 : vector<16xi32>
    %jit3A_701 = arith.constant 200 : i32
    %eq3A_702 = arith.constant 0 : i32
    %eq3A_703 = arith.cmpi eq, %jit3A_701, %eq3A_702 : i32
    %jit3A_704 = arith.constant 1 : i32
    %select_n3A_705 = arith.select %eq3A_703, %jit3A_704, %jit3A_701 : i32
    %rem3A_706 = vector.broadcast %select_n3A_705 : i32 to vector<16xi32>
    %rem3A_707 = arith.remsi %add3A_700, %rem3A_706 : vector<16xi32>
    %ne3A_708 = arith.constant 0 : i32
    %ne3A_709 = vector.broadcast %ne3A_708 : i32 to vector<16xi32>
    %ne3A_710 = arith.cmpi ne, %rem3A_707, %ne3A_709 : vector<16xi32>
    %lt3A_711 = arith.constant 0 : i32
    %lt3A_712 = vector.broadcast %lt3A_711 : i32 to vector<16xi32>
    %lt3A_713 = arith.cmpi slt, %rem3A_707, %lt3A_712 : vector<16xi32>
    %lt3A_714 = arith.constant 0 : i32
    %lt3A_715 = arith.cmpi slt, %select_n3A_705, %lt3A_714 : i32
    %ne3A_716 = vector.broadcast %lt3A_715 : i1 to vector<16xi1>
    %ne3A_717 = vector.broadcast %ne3A_716 : vector<16xi1> to vector<16xi1>
    %ne3A_718 = arith.xori %lt3A_713, %ne3A_717 : vector<16xi1>
    %and3A_719 = arith.andi %ne3A_718, %ne3A_710 : vector<16xi1>
    %add3A_720 = vector.broadcast %select_n3A_705 : i32 to vector<16xi32>
    %add3A_721 = arith.addi %rem3A_707, %add3A_720 : vector<16xi32>
    %select_n3A_722 = arith.select %and3A_719, %add3A_721, %rem3A_707 : vector<16xi1>, vector<16xi32>
    %mul3A_723 = arith.constant 4 : i32
    %mul3A_724 = vector.broadcast %mul3A_723 : i32 to vector<16xi32>
    %mul3A_725 = arith.muli %mul3A_724, %select_n3A_722 : vector<16xi32>
    %add3A_726 = arith.addi %get3A_697, %mul3A_725 : vector<16xi32>
    %swap3A_727 = arith.constant 2 : i32
    %swap3A_728 = arith.index_cast %swap3A_727 : i32 to index
    %swap3A_729 = arith.constant 16 : index
    %swap3A_730 = tpu.vector_load %arg5[%swap3A_728, %swap3A_729] {strides = array<i32>} : memref<200x128xi32, #tpu.memory_space<vmem>>, vector<1x16xi32>,
    %swap3A_731 = vector.shape_cast %swap3A_730 : vector<1x16xi32> to vector<16xi32>
    %swap3A_732 = vector.shape_cast %add3A_726 : vector<16xi32> to vector<1x16xi32>
    tpu.vector_store %arg5[%swap3A_728, %swap3A_729], %swap3A_732 {strides = array<i32>} : memref<200x128xi32, #tpu.memory_space<vmem>>, vector<1x16xi32>,
    %get3A_733 = arith.constant 2 : i32
    %get3A_734 = arith.index_cast %get3A_733 : i32 to index
    %get3A_735 = arith.constant 32 : index
    %get3A_736 = tpu.vector_load %arg5[%get3A_734, %get3A_735] {strides = array<i32>} : memref<200x128xi32, #tpu.memory_space<vmem>>, vector<1x16xi32>,
    %get3A_737 = vector.shape_cast %get3A_736 : vector<1x16xi32> to vector<16xi32>
    %add3A_738 = arith.constant 288 : i32
    %add3A_739 = vector.broadcast %add3A_738 : i32 to vector<16xi32>
    %add3A_740 = arith.addi %iota3A_652, %add3A_739 : vector<16xi32>
    %jit3A_741 = arith.constant 200 : i32
    %eq3A_742 = arith.constant 0 : i32
    %eq3A_743 = arith.cmpi eq, %jit3A_741, %eq3A_742 : i32
    %jit3A_744 = arith.constant 1 : i32
    %select_n3A_745 = arith.select %eq3A_743, %jit3A_744, %jit3A_741 : i32
    %rem3A_746 = vector.broadcast %select_n3A_745 : i32 to vector<16xi32>
    %rem3A_747 = arith.remsi %add3A_740, %rem3A_746 : vector<16xi32>
    %ne3A_748 = arith.constant 0 : i32
    %ne3A_749 = vector.broadcast %ne3A_748 : i32 to vector<16xi32>
    %ne3A_750 = arith.cmpi ne, %rem3A_747, %ne3A_749 : vector<16xi32>
    %lt3A_751 = arith.constant 0 : i32
    %lt3A_752 = vector.broadcast %lt3A_751 : i32 to vector<16xi32>
    %lt3A_753 = arith.cmpi slt, %rem3A_747, %lt3A_752 : vector<16xi32>
    %lt3A_754 = arith.constant 0 : i32
    %lt3A_755 = arith.cmpi slt, %select_n3A_745, %lt3A_754 : i32
    %ne3A_756 = vector.broadcast %lt3A_755 : i1 to vector<16xi1>
    %ne3A_757 = vector.broadcast %ne3A_756 : vector<16xi1> to vector<16xi1>
    %ne3A_758 = arith.xori %lt3A_753, %ne3A_757 : vector<16xi1>
    %and3A_759 = arith.andi %ne3A_758, %ne3A_750 : vector<16xi1>
    %add3A_760 = vector.broadcast %select_n3A_745 : i32 to vector<16xi32>
    %add3A_761 = arith.addi %rem3A_747, %add3A_760 : vector<16xi32>
    %select_n3A_762 = arith.select %and3A_759, %add3A_761, %rem3A_747 : vector<16xi1>, vector<16xi32>
    %mul3A_763 = arith.constant 4 : i32
    %mul3A_764 = vector.broadcast %mul3A_763 : i32 to vector<16xi32>
    %mul3A_765 = arith.muli %mul3A_764, %select_n3A_762 : vector<16xi32>
    %add3A_766 = arith.addi %get3A_737, %mul3A_765 : vector<16xi32>
    %swap3A_767 = arith.constant 2 : i32
    %swap3A_768 = arith.index_cast %swap3A_767 : i32 to index
    %swap3A_769 = arith.constant 32 : index
    %swap3A_770 = tpu.vector_load %arg5[%swap3A_768, %swap3A_769] {strides = array<i32>} : memref<200x128xi32, #tpu.memory_space<vmem>>, vector<1x16xi32>,
    %swap3A_771 = vector.shape_cast %swap3A_770 : vector<1x16xi32> to vector<16xi32>
    %swap3A_772 = vector.shape_cast %add3A_766 : vector<16xi32> to vector<1x16xi32>
    tpu.vector_store %arg5[%swap3A_768, %swap3A_769], %swap3A_772 {strides = array<i32>} : memref<200x128xi32, #tpu.memory_space<vmem>>, vector<1x16xi32>,
    %get3A_773 = arith.constant 2 : i32
    %get3A_774 = arith.index_cast %get3A_773 : i32 to index
    %get3A_775 = arith.constant 48 : index
    %get3A_776 = tpu.vector_load %arg5[%get3A_774, %get3A_775] {strides = array<i32>} : memref<200x128xi32, #tpu.memory_space<vmem>>, vector<1x16xi32>,
    %get3A_777 = vector.shape_cast %get3A_776 : vector<1x16xi32> to vector<16xi32>
    %add3A_778 = arith.constant 304 : i32
    %add3A_779 = vector.broadcast %add3A_778 : i32 to vector<16xi32>
    %add3A_780 = arith.addi %iota3A_652, %add3A_779 : vector<16xi32>
    %jit3A_781 = arith.constant 200 : i32
    %eq3A_782 = arith.constant 0 : i32
    %eq3A_783 = arith.cmpi eq, %jit3A_781, %eq3A_782 : i32
    %jit3A_784 = arith.constant 1 : i32
    %select_n3A_785 = arith.select %eq3A_783, %jit3A_784, %jit3A_781 : i32
    %rem3A_786 = vector.broadcast %select_n3A_785 : i32 to vector<16xi32>
    %rem3A_787 = arith.remsi %add3A_780, %rem3A_786 : vector<16xi32>
    %ne3A_788 = arith.constant 0 : i32
    %ne3A_789 = vector.broadcast %ne3A_788 : i32 to vector<16xi32>
    %ne3A_790 = arith.cmpi ne, %rem3A_787, %ne3A_789 : vector<16xi32>
    %lt3A_791 = arith.constant 0 : i32
    %lt3A_792 = vector.broadcast %lt3A_791 : i32 to vector<16xi32>
    %lt3A_793 = arith.cmpi slt, %rem3A_787, %lt3A_792 : vector<16xi32>
    %lt3A_794 = arith.constant 0 : i32
    %lt3A_795 = arith.cmpi slt, %select_n3A_785, %lt3A_794 : i32
    %ne3A_796 = vector.broadcast %lt3A_795 : i1 to vector<16xi1>
    %ne3A_797 = vector.broadcast %ne3A_796 : vector<16xi1> to vector<16xi1>
    %ne3A_798 = arith.xori %lt3A_793, %ne3A_797 : vector<16xi1>
    %and3A_799 = arith.andi %ne3A_798, %ne3A_790 : vector<16xi1>
    %add3A_800 = vector.broadcast %select_n3A_785 : i32 to vector<16xi32>
    %add3A_801 = arith.addi %rem3A_787, %add3A_800 : vector<16xi32>
    %select_n3A_802 = arith.select %and3A_799, %add3A_801, %rem3A_787 : vector<16xi1>, vector<16xi32>
    %mul3A_803 = arith.constant 4 : i32
    %mul3A_804 = vector.broadcast %mul3A_803 : i32 to vector<16xi32>
    %mul3A_805 = arith.muli %mul3A_804, %select_n3A_802 : vector<16xi32>
    %add3A_806 = arith.addi %get3A_777, %mul3A_805 : vector<16xi32>
    %swap3A_807 = arith.constant 2 : i32
    %swap3A_808 = arith.index_cast %swap3A_807 : i32 to index
    %swap3A_809 = arith.constant 48 : index
    %swap3A_810 = tpu.vector_load %arg5[%swap3A_808, %swap3A_809] {strides = array<i32>} : memref<200x128xi32, #tpu.memory_space<vmem>>, vector<1x16xi32>,
    %swap3A_811 = vector.shape_cast %swap3A_810 : vector<1x16xi32> to vector<16xi32>
    %swap3A_812 = vector.shape_cast %add3A_806 : vector<16xi32> to vector<1x16xi32>
    tpu.vector_store %arg5[%swap3A_808, %swap3A_809], %swap3A_812 {strides = array<i32>} : memref<200x128xi32, #tpu.memory_space<vmem>>, vector<1x16xi32>,
    %get3A_813 = arith.constant 2 : i32
    %get3A_814 = arith.index_cast %get3A_813 : i32 to index
    %get3A_815 = arith.constant 64 : index
    %get3A_816 = tpu.vector_load %arg5[%get3A_814, %get3A_815] {strides = array<i32>} : memref<200x128xi32, #tpu.memory_space<vmem>>, vector<1x16xi32>,
    %get3A_817 = vector.shape_cast %get3A_816 : vector<1x16xi32> to vector<16xi32>
    %add3A_818 = arith.constant 320 : i32
    %add3A_819 = vector.broadcast %add3A_818 : i32 to vector<16xi32>
    %add3A_820 = arith.addi %iota3A_652, %add3A_819 : vector<16xi32>
    %jit3A_821 = arith.constant 200 : i32
    %eq3A_822 = arith.constant 0 : i32
    %eq3A_823 = arith.cmpi eq, %jit3A_821, %eq3A_822 : i32
    %jit3A_824 = arith.constant 1 : i32
    %select_n3A_825 = arith.select %eq3A_823, %jit3A_824, %jit3A_821 : i32
    %rem3A_826 = vector.broadcast %select_n3A_825 : i32 to vector<16xi32>
    %rem3A_827 = arith.remsi %add3A_820, %rem3A_826 : vector<16xi32>
    %ne3A_828 = arith.constant 0 : i32
    %ne3A_829 = vector.broadcast %ne3A_828 : i32 to vector<16xi32>
    %ne3A_830 = arith.cmpi ne, %rem3A_827, %ne3A_829 : vector<16xi32>
    %lt3A_831 = arith.constant 0 : i32
    %lt3A_832 = vector.broadcast %lt3A_831 : i32 to vector<16xi32>
    %lt3A_833 = arith.cmpi slt, %rem3A_827, %lt3A_832 : vector<16xi32>
    %lt3A_834 = arith.constant 0 : i32
    %lt3A_835 = arith.cmpi slt, %select_n3A_825, %lt3A_834 : i32
    %ne3A_836 = vector.broadcast %lt3A_835 : i1 to vector<16xi1>
    %ne3A_837 = vector.broadcast %ne3A_836 : vector<16xi1> to vector<16xi1>
    %ne3A_838 = arith.xori %lt3A_833, %ne3A_837 : vector<16xi1>
    %and3A_839 = arith.andi %ne3A_838, %ne3A_830 : vector<16xi1>
    %add3A_840 = vector.broadcast %select_n3A_825 : i32 to vector<16xi32>
    %add3A_841 = arith.addi %rem3A_827, %add3A_840 : vector<16xi32>
    %select_n3A_842 = arith.select %and3A_839, %add3A_841, %rem3A_827 : vector<16xi1>, vector<16xi32>
    %mul3A_843 = arith.constant 4 : i32
    %mul3A_844 = vector.broadcast %mul3A_843 : i32 to vector<16xi32>
    %mul3A_845 = arith.muli %mul3A_844, %select_n3A_842 : vector<16xi32>
    %add3A_846 = arith.addi %get3A_817, %mul3A_845 : vector<16xi32>
    %swap3A_847 = arith.constant 2 : i32
    %swap3A_848 = arith.index_cast %swap3A_847 : i32 to index
    %swap3A_849 = arith.constant 64 : index
    %swap3A_850 = tpu.vector_load %arg5[%swap3A_848, %swap3A_849] {strides = array<i32>} : memref<200x128xi32, #tpu.memory_space<vmem>>, vector<1x16xi32>,
    %swap3A_851 = vector.shape_cast %swap3A_850 : vector<1x16xi32> to vector<16xi32>
    %swap3A_852 = vector.shape_cast %add3A_846 : vector<16xi32> to vector<1x16xi32>
    tpu.vector_store %arg5[%swap3A_848, %swap3A_849], %swap3A_852 {strides = array<i32>} : memref<200x128xi32, #tpu.memory_space<vmem>>, vector<1x16xi32>,
    %get3A_853 = arith.constant 2 : i32
    %get3A_854 = arith.index_cast %get3A_853 : i32 to index
    %get3A_855 = arith.constant 80 : index
    %get3A_856 = tpu.vector_load %arg5[%get3A_854, %get3A_855] {strides = array<i32>} : memref<200x128xi32, #tpu.memory_space<vmem>>, vector<1x16xi32>,
    %get3A_857 = vector.shape_cast %get3A_856 : vector<1x16xi32> to vector<16xi32>
    %add3A_858 = arith.constant 336 : i32
    %add3A_859 = vector.broadcast %add3A_858 : i32 to vector<16xi32>
    %add3A_860 = arith.addi %iota3A_652, %add3A_859 : vector<16xi32>
    %jit3A_861 = arith.constant 200 : i32
    %eq3A_862 = arith.constant 0 : i32
    %eq3A_863 = arith.cmpi eq, %jit3A_861, %eq3A_862 : i32
    %jit3A_864 = arith.constant 1 : i32
    %select_n3A_865 = arith.select %eq3A_863, %jit3A_864, %jit3A_861 : i32
    %rem3A_866 = vector.broadcast %select_n3A_865 : i32 to vector<16xi32>
    %rem3A_867 = arith.remsi %add3A_860, %rem3A_866 : vector<16xi32>
    %ne3A_868 = arith.constant 0 : i32
    %ne3A_869 = vector.broadcast %ne3A_868 : i32 to vector<16xi32>
    %ne3A_870 = arith.cmpi ne, %rem3A_867, %ne3A_869 : vector<16xi32>
    %lt3A_871 = arith.constant 0 : i32
    %lt3A_872 = vector.broadcast %lt3A_871 : i32 to vector<16xi32>
    %lt3A_873 = arith.cmpi slt, %rem3A_867, %lt3A_872 : vector<16xi32>
    %lt3A_874 = arith.constant 0 : i32
    %lt3A_875 = arith.cmpi slt, %select_n3A_865, %lt3A_874 : i32
    %ne3A_876 = vector.broadcast %lt3A_875 : i1 to vector<16xi1>
    %ne3A_877 = vector.broadcast %ne3A_876 : vector<16xi1> to vector<16xi1>
    %ne3A_878 = arith.xori %lt3A_873, %ne3A_877 : vector<16xi1>
    %and3A_879 = arith.andi %ne3A_878, %ne3A_870 : vector<16xi1>
    %add3A_880 = vector.broadcast %select_n3A_865 : i32 to vector<16xi32>
    %add3A_881 = arith.addi %rem3A_867, %add3A_880 : vector<16xi32>
    %select_n3A_882 = arith.select %and3A_879, %add3A_881, %rem3A_867 : vector<16xi1>, vector<16xi32>
    %mul3A_883 = arith.constant 4 : i32
    %mul3A_884 = vector.broadcast %mul3A_883 : i32 to vector<16xi32>
    %mul3A_885 = arith.muli %mul3A_884, %select_n3A_882 : vector<16xi32>
    %add3A_886 = arith.addi %get3A_857, %mul3A_885 : vector<16xi32>
    %swap3A_887 = arith.constant 2 : i32
    %swap3A_888 = arith.index_cast %swap3A_887 : i32 to index
    %swap3A_889 = arith.constant 80 : index
    %swap3A_890 = tpu.vector_load %arg5[%swap3A_888, %swap3A_889] {strides = array<i32>} : memref<200x128xi32, #tpu.memory_space<vmem>>, vector<1x16xi32>,
    %swap3A_891 = vector.shape_cast %swap3A_890 : vector<1x16xi32> to vector<16xi32>
    %swap3A_892 = vector.shape_cast %add3A_886 : vector<16xi32> to vector<1x16xi32>
    tpu.vector_store %arg5[%swap3A_888, %swap3A_889], %swap3A_892 {strides = array<i32>} : memref<200x128xi32, #tpu.memory_space<vmem>>, vector<1x16xi32>,
    %get3A_893 = arith.constant 2 : i32
    %get3A_894 = arith.index_cast %get3A_893 : i32 to index
    %get3A_895 = arith.constant 96 : index
    %get3A_896 = tpu.vector_load %arg5[%get3A_894, %get3A_895] {strides = array<i32>} : memref<200x128xi32, #tpu.memory_space<vmem>>, vector<1x16xi32>,
    %get3A_897 = vector.shape_cast %get3A_896 : vector<1x16xi32> to vector<16xi32>
    %add3A_898 = arith.constant 352 : i32
    %add3A_899 = vector.broadcast %add3A_898 : i32 to vector<16xi32>
    %add3A_900 = arith.addi %iota3A_652, %add3A_899 : vector<16xi32>
    %jit3A_901 = arith.constant 200 : i32
    %eq3A_902 = arith.constant 0 : i32
    %eq3A_903 = arith.cmpi eq, %jit3A_901, %eq3A_902 : i32
    %jit3A_904 = arith.constant 1 : i32
    %select_n3A_905 = arith.select %eq3A_903, %jit3A_904, %jit3A_901 : i32
    %rem3A_906 = vector.broadcast %select_n3A_905 : i32 to vector<16xi32>
    %rem3A_907 = arith.remsi %add3A_900, %rem3A_906 : vector<16xi32>
    %ne3A_908 = arith.constant 0 : i32
    %ne3A_909 = vector.broadcast %ne3A_908 : i32 to vector<16xi32>
    %ne3A_910 = arith.cmpi ne, %rem3A_907, %ne3A_909 : vector<16xi32>
    %lt3A_911 = arith.constant 0 : i32
    %lt3A_912 = vector.broadcast %lt3A_911 : i32 to vector<16xi32>
    %lt3A_913 = arith.cmpi slt, %rem3A_907, %lt3A_912 : vector<16xi32>
    %lt3A_914 = arith.constant 0 : i32
    %lt3A_915 = arith.cmpi slt, %select_n3A_905, %lt3A_914 : i32
    %ne3A_916 = vector.broadcast %lt3A_915 : i1 to vector<16xi1>
    %ne3A_917 = vector.broadcast %ne3A_916 : vector<16xi1> to vector<16xi1>
    %ne3A_918 = arith.xori %lt3A_913, %ne3A_917 : vector<16xi1>
    %and3A_919 = arith.andi %ne3A_918, %ne3A_910 : vector<16xi1>
    %add3A_920 = vector.broadcast %select_n3A_905 : i32 to vector<16xi32>
    %add3A_921 = arith.addi %rem3A_907, %add3A_920 : vector<16xi32>
    %select_n3A_922 = arith.select %and3A_919, %add3A_921, %rem3A_907 : vector<16xi1>, vector<16xi32>
    %mul3A_923 = arith.constant 4 : i32
    %mul3A_924 = vector.broadcast %mul3A_923 : i32 to vector<16xi32>
    %mul3A_925 = arith.muli %mul3A_924, %select_n3A_922 : vector<16xi32>
    %add3A_926 = arith.addi %get3A_897, %mul3A_925 : vector<16xi32>
    %swap3A_927 = arith.constant 2 : i32
    %swap3A_928 = arith.index_cast %swap3A_927 : i32 to index
    %swap3A_929 = arith.constant 96 : index
    %swap3A_930 = tpu.vector_load %arg5[%swap3A_928, %swap3A_929] {strides = array<i32>} : memref<200x128xi32, #tpu.memory_space<vmem>>, vector<1x16xi32>,
    %swap3A_931 = vector.shape_cast %swap3A_930 : vector<1x16xi32> to vector<16xi32>
    %swap3A_932 = vector.shape_cast %add3A_926 : vector<16xi32> to vector<1x16xi32>
    tpu.vector_store %arg5[%swap3A_928, %swap3A_929], %swap3A_932 {strides = array<i32>} : memref<200x128xi32, #tpu.memory_space<vmem>>, vector<1x16xi32>,
    %get3A_933 = arith.constant 2 : i32
    %get3A_934 = arith.index_cast %get3A_933 : i32 to index
    %get3A_935 = arith.constant 112 : index
    %get3A_936 = tpu.vector_load %arg5[%get3A_934, %get3A_935] {strides = array<i32>} : memref<200x128xi32, #tpu.memory_space<vmem>>, vector<1x16xi32>,
    %get3A_937 = vector.shape_cast %get3A_936 : vector<1x16xi32> to vector<16xi32>
    %add3A_938 = arith.constant 368 : i32
    %add3A_939 = vector.broadcast %add3A_938 : i32 to vector<16xi32>
    %add3A_940 = arith.addi %iota3A_652, %add3A_939 : vector<16xi32>
    %jit3A_941 = arith.constant 200 : i32
    %eq3A_942 = arith.constant 0 : i32
    %eq3A_943 = arith.cmpi eq, %jit3A_941, %eq3A_942 : i32
    %jit3A_944 = arith.constant 1 : i32
    %select_n3A_945 = arith.select %eq3A_943, %jit3A_944, %jit3A_941 : i32
    %rem3A_946 = vector.broadcast %select_n3A_945 : i32 to vector<16xi32>
    %rem3A_947 = arith.remsi %add3A_940, %rem3A_946 : vector<16xi32>
    %ne3A_948 = arith.constant 0 : i32
    %ne3A_949 = vector.broadcast %ne3A_948 : i32 to vector<16xi32>
    %ne3A_950 = arith.cmpi ne, %rem3A_947, %ne3A_949 : vector<16xi32>
    %lt3A_951 = arith.constant 0 : i32
    %lt3A_952 = vector.broadcast %lt3A_951 : i32 to vector<16xi32>
    %lt3A_953 = arith.cmpi slt, %rem3A_947, %lt3A_952 : vector<16xi32>
    %lt3A_954 = arith.constant 0 : i32
    %lt3A_955 = arith.cmpi slt, %select_n3A_945, %lt3A_954 : i32
    %ne3A_956 = vector.broadcast %lt3A_955 : i1 to vector<16xi1>
    %ne3A_957 = vector.broadcast %ne3A_956 : vector<16xi1> to vector<16xi1>
    %ne3A_958 = arith.xori %lt3A_953, %ne3A_957 : vector<16xi1>
    %and3A_959 = arith.andi %ne3A_958, %ne3A_950 : vector<16xi1>
    %add3A_960 = vector.broadcast %select_n3A_945 : i32 to vector<16xi32>
    %add3A_961 = arith.addi %rem3A_947, %add3A_960 : vector<16xi32>
    %select_n3A_962 = arith.select %and3A_959, %add3A_961, %rem3A_947 : vector<16xi1>, vector<16xi32>
    %mul3A_963 = arith.constant 4 : i32
    %mul3A_964 = vector.broadcast %mul3A_963 : i32 to vector<16xi32>
    %mul3A_965 = arith.muli %mul3A_964, %select_n3A_962 : vector<16xi32>
    %add3A_966 = arith.addi %get3A_937, %mul3A_965 : vector<16xi32>
    %swap3A_967 = arith.constant 2 : i32
    %swap3A_968 = arith.index_cast %swap3A_967 : i32 to index
    %swap3A_969 = arith.constant 112 : index
    %swap3A_970 = tpu.vector_load %arg5[%swap3A_968, %swap3A_969] {strides = array<i32>} : memref<200x128xi32, #tpu.memory_space<vmem>>, vector<1x16xi32>,
    %swap3A_971 = vector.shape_cast %swap3A_970 : vector<1x16xi32> to vector<16xi32>
    %swap3A_972 = vector.shape_cast %add3A_966 : vector<16xi32> to vector<1x16xi32>
    tpu.vector_store %arg5[%swap3A_968, %swap3A_969], %swap3A_972 {strides = array<i32>} : memref<200x128xi32, #tpu.memory_space<vmem>>, vector<1x16xi32>,
    %iota3A_973 = tpu.iota {dimensions = array<i32: 0>} : vector<16xi32>
    %get3A_974 = arith.constant 3 : i32
    %get3A_975 = arith.index_cast %get3A_974 : i32 to index
    %get3A_976 = arith.constant 0 : index
    %get3A_977 = tpu.vector_load %arg5[%get3A_975, %get3A_976] {strides = array<i32>} : memref<200x128xi32, #tpu.memory_space<vmem>>, vector<1x16xi32>,
    %get3A_978 = vector.shape_cast %get3A_977 : vector<1x16xi32> to vector<16xi32>
    %add3A_979 = arith.constant 384 : i32
    %add3A_980 = vector.broadcast %add3A_979 : i32 to vector<16xi32>
    %add3A_981 = arith.addi %iota3A_973, %add3A_980 : vector<16xi32>
    %jit3A_982 = arith.constant 200 : i32
    %eq3A_983 = arith.constant 0 : i32
    %eq3A_984 = arith.cmpi eq, %jit3A_982, %eq3A_983 : i32
    %jit3A_985 = arith.constant 1 : i32
    %select_n3A_986 = arith.select %eq3A_984, %jit3A_985, %jit3A_982 : i32
    %rem3A_987 = vector.broadcast %select_n3A_986 : i32 to vector<16xi32>
    %rem3A_988 = arith.remsi %add3A_981, %rem3A_987 : vector<16xi32>
    %ne3A_989 = arith.constant 0 : i32
    %ne3A_990 = vector.broadcast %ne3A_989 : i32 to vector<16xi32>
    %ne3A_991 = arith.cmpi ne, %rem3A_988, %ne3A_990 : vector<16xi32>
    %lt3A_992 = arith.constant 0 : i32
    %lt3A_993 = vector.broadcast %lt3A_992 : i32 to vector<16xi32>
    %lt3A_994 = arith.cmpi slt, %rem3A_988, %lt3A_993 : vector<16xi32>
    %lt3A_995 = arith.constant 0 : i32
    %lt3A_996 = arith.cmpi slt, %select_n3A_986, %lt3A_995 : i32
    %ne3A_997 = vector.broadcast %lt3A_996 : i1 to vector<16xi1>
    %ne3A_998 = vector.broadcast %ne3A_997 : vector<16xi1> to vector<16xi1>
    %ne3A_999 = arith.xori %lt3A_994, %ne3A_998 : vector<16xi1>
    %and3A_1000 = arith.andi %ne3A_999, %ne3A_991 : vector<16xi1>
    %add3A_1001 = vector.broadcast %select_n3A_986 : i32 to vector<16xi32>
    %add3A_1002 = arith.addi %rem3A_988, %add3A_1001 : vector<16xi32>
    %select_n3A_1003 = arith.select %and3A_1000, %add3A_1002, %rem3A_988 : vector<16xi1>, vector<16xi32>
    %mul3A_1004 = arith.constant 4 : i32
    %mul3A_1005 = vector.broadcast %mul3A_1004 : i32 to vector<16xi32>
    %mul3A_1006 = arith.muli %mul3A_1005, %select_n3A_1003 : vector<16xi32>
    %add3A_1007 = arith.addi %get3A_978, %mul3A_1006 : vector<16xi32>
    %swap3A_1008 = arith.constant 3 : i32
    %swap3A_1009 = arith.index_cast %swap3A_1008 : i32 to index
    %swap3A_1010 = arith.constant 0 : index
    %swap3A_1011 = tpu.vector_load %arg5[%swap3A_1009, %swap3A_1010] {strides = array<i32>} : memref<200x128xi32, #tpu.memory_space<vmem>>, vector<1x16xi32>,
    %swap3A_1012 = vector.shape_cast %swap3A_1011 : vector<1x16xi32> to vector<16xi32>
    %swap3A_1013 = vector.shape_cast %add3A_1007 : vector<16xi32> to vector<1x16xi32>
    tpu.vector_store %arg5[%swap3A_1009, %swap3A_1010], %swap3A_1013 {strides = array<i32>} : memref<200x128xi32, #tpu.memory_space<vmem>>, vector<1x16xi32>,
    %get3A_1014 = arith.constant 3 : i32
    %get3A_1015 = arith.index_cast %get3A_1014 : i32 to index
    %get3A_1016 = arith.constant 16 : index
    %get3A_1017 = tpu.vector_load %arg5[%get3A_1015, %get3A_1016] {strides = array<i32>} : memref<200x128xi32, #tpu.memory_space<vmem>>, vector<1x16xi32>,
    %get3A_1018 = vector.shape_cast %get3A_1017 : vector<1x16xi32> to vector<16xi32>
    %add3A_1019 = arith.constant 400 : i32
    %add3A_1020 = vector.broadcast %add3A_1019 : i32 to vector<16xi32>
    %add3A_1021 = arith.addi %iota3A_973, %add3A_1020 : vector<16xi32>
    %jit3A_1022 = arith.constant 200 : i32
    %eq3A_1023 = arith.constant 0 : i32
    %eq3A_1024 = arith.cmpi eq, %jit3A_1022, %eq3A_1023 : i32
    %jit3A_1025 = arith.constant 1 : i32
    %select_n3A_1026 = arith.select %eq3A_1024, %jit3A_1025, %jit3A_1022 : i32
    %rem3A_1027 = vector.broadcast %select_n3A_1026 : i32 to vector<16xi32>
    %rem3A_1028 = arith.remsi %add3A_1021, %rem3A_1027 : vector<16xi32>
    %ne3A_1029 = arith.constant 0 : i32
    %ne3A_1030 = vector.broadcast %ne3A_1029 : i32 to vector<16xi32>
    %ne3A_1031 = arith.cmpi ne, %rem3A_1028, %ne3A_1030 : vector<16xi32>
    %lt3A_1032 = arith.constant 0 : i32
    %lt3A_1033 = vector.broadcast %lt3A_1032 : i32 to vector<16xi32>
    %lt3A_1034 = arith.cmpi slt, %rem3A_1028, %lt3A_1033 : vector<16xi32>
    %lt3A_1035 = arith.constant 0 : i32
    %lt3A_1036 = arith.cmpi slt, %select_n3A_1026, %lt3A_1035 : i32
    %ne3A_1037 = vector.broadcast %lt3A_1036 : i1 to vector<16xi1>
    %ne3A_1038 = vector.broadcast %ne3A_1037 : vector<16xi1> to vector<16xi1>
    %ne3A_1039 = arith.xori %lt3A_1034, %ne3A_1038 : vector<16xi1>
    %and3A_1040 = arith.andi %ne3A_1039, %ne3A_1031 : vector<16xi1>
    %add3A_1041 = vector.broadcast %select_n3A_1026 : i32 to vector<16xi32>
    %add3A_1042 = arith.addi %rem3A_1028, %add3A_1041 : vector<16xi32>
    %select_n3A_1043 = arith.select %and3A_1040, %add3A_1042, %rem3A_1028 : vector<16xi1>, vector<16xi32>
    %mul3A_1044 = arith.constant 4 : i32
    %mul3A_1045 = vector.broadcast %mul3A_1044 : i32 to vector<16xi32>
    %mul3A_1046 = arith.muli %mul3A_1045, %select_n3A_1043 : vector<16xi32>
    %add3A_1047 = arith.addi %get3A_1018, %mul3A_1046 : vector<16xi32>
    %swap3A_1048 = arith.constant 3 : i32
    %swap3A_1049 = arith.index_cast %swap3A_1048 : i32 to index
    %swap3A_1050 = arith.constant 16 : index
    %swap3A_1051 = tpu.vector_load %arg5[%swap3A_1049, %swap3A_1050] {strides = array<i32>} : memref<200x128xi32, #tpu.memory_space<vmem>>, vector<1x16xi32>,
    %swap3A_1052 = vector.shape_cast %swap3A_1051 : vector<1x16xi32> to vector<16xi32>
    %swap3A_1053 = vector.shape_cast %add3A_1047 : vector<16xi32> to vector<1x16xi32>
    tpu.vector_store %arg5[%swap3A_1049, %swap3A_1050], %swap3A_1053 {strides = array<i32>} : memref<200x128xi32, #tpu.memory_space<vmem>>, vector<1x16xi32>,
    %get3A_1054 = arith.constant 3 : i32
    %get3A_1055 = arith.index_cast %get3A_1054 : i32 to index
    %get3A_1056 = arith.constant 32 : index
    %get3A_1057 = tpu.vector_load %arg5[%get3A_1055, %get3A_1056] {strides = array<i32>} : memref<200x128xi32, #tpu.memory_space<vmem>>, vector<1x16xi32>,
    %get3A_1058 = vector.shape_cast %get3A_1057 : vector<1x16xi32> to vector<16xi32>
    %add3A_1059 = arith.constant 416 : i32
    %add3A_1060 = vector.broadcast %add3A_1059 : i32 to vector<16xi32>
    %add3A_1061 = arith.addi %iota3A_973, %add3A_1060 : vector<16xi32>
    %jit3A_1062 = arith.constant 200 : i32
    %eq3A_1063 = arith.constant 0 : i32
    %eq3A_1064 = arith.cmpi eq, %jit3A_1062, %eq3A_1063 : i32
    %jit3A_1065 = arith.constant 1 : i32
    %select_n3A_1066 = arith.select %eq3A_1064, %jit3A_1065, %jit3A_1062 : i32
    %rem3A_1067 = vector.broadcast %select_n3A_1066 : i32 to vector<16xi32>
    %rem3A_1068 = arith.remsi %add3A_1061, %rem3A_1067 : vector<16xi32>
    %ne3A_1069 = arith.constant 0 : i32
    %ne3A_1070 = vector.broadcast %ne3A_1069 : i32 to vector<16xi32>
    %ne3A_1071 = arith.cmpi ne, %rem3A_1068, %ne3A_1070 : vector<16xi32>
    %lt3A_1072 = arith.constant 0 : i32
    %lt3A_1073 = vector.broadcast %lt3A_1072 : i32 to vector<16xi32>
    %lt3A_1074 = arith.cmpi slt, %rem3A_1068, %lt3A_1073 : vector<16xi32>
    %lt3A_1075 = arith.constant 0 : i32
    %lt3A_1076 = arith.cmpi slt, %select_n3A_1066, %lt3A_1075 : i32
    %ne3A_1077 = vector.broadcast %lt3A_1076 : i1 to vector<16xi1>
    %ne3A_1078 = vector.broadcast %ne3A_1077 : vector<16xi1> to vector<16xi1>
    %ne3A_1079 = arith.xori %lt3A_1074, %ne3A_1078 : vector<16xi1>
    %and3A_1080 = arith.andi %ne3A_1079, %ne3A_1071 : vector<16xi1>
    %add3A_1081 = vector.broadcast %select_n3A_1066 : i32 to vector<16xi32>
    %add3A_1082 = arith.addi %rem3A_1068, %add3A_1081 : vector<16xi32>
    %select_n3A_1083 = arith.select %and3A_1080, %add3A_1082, %rem3A_1068 : vector<16xi1>, vector<16xi32>
    %mul3A_1084 = arith.constant 4 : i32
    %mul3A_1085 = vector.broadcast %mul3A_1084 : i32 to vector<16xi32>
    %mul3A_1086 = arith.muli %mul3A_1085, %select_n3A_1083 : vector<16xi32>
    %add3A_1087 = arith.addi %get3A_1058, %mul3A_1086 : vector<16xi32>
    %swap3A_1088 = arith.constant 3 : i32
    %swap3A_1089 = arith.index_cast %swap3A_1088 : i32 to index
    %swap3A_1090 = arith.constant 32 : index
    %swap3A_1091 = tpu.vector_load %arg5[%swap3A_1089, %swap3A_1090] {strides = array<i32>} : memref<200x128xi32, #tpu.memory_space<vmem>>, vector<1x16xi32>,
    %swap3A_1092 = vector.shape_cast %swap3A_1091 : vector<1x16xi32> to vector<16xi32>
    %swap3A_1093 = vector.shape_cast %add3A_1087 : vector<16xi32> to vector<1x16xi32>
    tpu.vector_store %arg5[%swap3A_1089, %swap3A_1090], %swap3A_1093 {strides = array<i32>} : memref<200x128xi32, #tpu.memory_space<vmem>>, vector<1x16xi32>,
    %get3A_1094 = arith.constant 3 : i32
    %get3A_1095 = arith.index_cast %get3A_1094 : i32 to index
    %get3A_1096 = arith.constant 48 : index
    %get3A_1097 = tpu.vector_load %arg5[%get3A_1095, %get3A_1096] {strides = array<i32>} : memref<200x128xi32, #tpu.memory_space<vmem>>, vector<1x16xi32>,
    %get3A_1098 = vector.shape_cast %get3A_1097 : vector<1x16xi32> to vector<16xi32>
    %add3A_1099 = arith.constant 432 : i32
    %add3A_1100 = vector.broadcast %add3A_1099 : i32 to vector<16xi32>
    %add3A_1101 = arith.addi %iota3A_973, %add3A_1100 : vector<16xi32>
    %jit3A_1102 = arith.constant 200 : i32
    %eq3A_1103 = arith.constant 0 : i32
    %eq3A_1104 = arith.cmpi eq, %jit3A_1102, %eq3A_1103 : i32
    %jit3A_1105 = arith.constant 1 : i32
    %select_n3A_1106 = arith.select %eq3A_1104, %jit3A_1105, %jit3A_1102 : i32
    %rem3A_1107 = vector.broadcast %select_n3A_1106 : i32 to vector<16xi32>
    %rem3A_1108 = arith.remsi %add3A_1101, %rem3A_1107 : vector<16xi32>
    %ne3A_1109 = arith.constant 0 : i32
    %ne3A_1110 = vector.broadcast %ne3A_1109 : i32 to vector<16xi32>
    %ne3A_1111 = arith.cmpi ne, %rem3A_1108, %ne3A_1110 : vector<16xi32>
    %lt3A_1112 = arith.constant 0 : i32
    %lt3A_1113 = vector.broadcast %lt3A_1112 : i32 to vector<16xi32>
    %lt3A_1114 = arith.cmpi slt, %rem3A_1108, %lt3A_1113 : vector<16xi32>
    %lt3A_1115 = arith.constant 0 : i32
    %lt3A_1116 = arith.cmpi slt, %select_n3A_1106, %lt3A_1115 : i32
    %ne3A_1117 = vector.broadcast %lt3A_1116 : i1 to vector<16xi1>
    %ne3A_1118 = vector.broadcast %ne3A_1117 : vector<16xi1> to vector<16xi1>
    %ne3A_1119 = arith.xori %lt3A_1114, %ne3A_1118 : vector<16xi1>
    %and3A_1120 = arith.andi %ne3A_1119, %ne3A_1111 : vector<16xi1>
    %add3A_1121 = vector.broadcast %select_n3A_1106 : i32 to vector<16xi32>
    %add3A_1122 = arith.addi %rem3A_1108, %add3A_1121 : vector<16xi32>
    %select_n3A_1123 = arith.select %and3A_1120, %add3A_1122, %rem3A_1108 : vector<16xi1>, vector<16xi32>
    %mul3A_1124 = arith.constant 4 : i32
    %mul3A_1125 = vector.broadcast %mul3A_1124 : i32 to vector<16xi32>
    %mul3A_1126 = arith.muli %mul3A_1125, %select_n3A_1123 : vector<16xi32>
    %add3A_1127 = arith.addi %get3A_1098, %mul3A_1126 : vector<16xi32>
    %swap3A_1128 = arith.constant 3 : i32
    %swap3A_1129 = arith.index_cast %swap3A_1128 : i32 to index
    %swap3A_1130 = arith.constant 48 : index
    %swap3A_1131 = tpu.vector_load %arg5[%swap3A_1129, %swap3A_1130] {strides = array<i32>} : memref<200x128xi32, #tpu.memory_space<vmem>>, vector<1x16xi32>,
    %swap3A_1132 = vector.shape_cast %swap3A_1131 : vector<1x16xi32> to vector<16xi32>
    %swap3A_1133 = vector.shape_cast %add3A_1127 : vector<16xi32> to vector<1x16xi32>
    tpu.vector_store %arg5[%swap3A_1129, %swap3A_1130], %swap3A_1133 {strides = array<i32>} : memref<200x128xi32, #tpu.memory_space<vmem>>, vector<1x16xi32>,
    %get3A_1134 = arith.constant 3 : i32
    %get3A_1135 = arith.index_cast %get3A_1134 : i32 to index
    %get3A_1136 = arith.constant 64 : index
    %get3A_1137 = tpu.vector_load %arg5[%get3A_1135, %get3A_1136] {strides = array<i32>} : memref<200x128xi32, #tpu.memory_space<vmem>>, vector<1x16xi32>,
    %get3A_1138 = vector.shape_cast %get3A_1137 : vector<1x16xi32> to vector<16xi32>
    %add3A_1139 = arith.constant 448 : i32
    %add3A_1140 = vector.broadcast %add3A_1139 : i32 to vector<16xi32>
    %add3A_1141 = arith.addi %iota3A_973, %add3A_1140 : vector<16xi32>
    %jit3A_1142 = arith.constant 200 : i32
    %eq3A_1143 = arith.constant 0 : i32
    %eq3A_1144 = arith.cmpi eq, %jit3A_1142, %eq3A_1143 : i32
    %jit3A_1145 = arith.constant 1 : i32
    %select_n3A_1146 = arith.select %eq3A_1144, %jit3A_1145, %jit3A_1142 : i32
    %rem3A_1147 = vector.broadcast %select_n3A_1146 : i32 to vector<16xi32>
    %rem3A_1148 = arith.remsi %add3A_1141, %rem3A_1147 : vector<16xi32>
    %ne3A_1149 = arith.constant 0 : i32
    %ne3A_1150 = vector.broadcast %ne3A_1149 : i32 to vector<16xi32>
    %ne3A_1151 = arith.cmpi ne, %rem3A_1148, %ne3A_1150 : vector<16xi32>
    %lt3A_1152 = arith.constant 0 : i32
    %lt3A_1153 = vector.broadcast %lt3A_1152 : i32 to vector<16xi32>
    %lt3A_1154 = arith.cmpi slt, %rem3A_1148, %lt3A_1153 : vector<16xi32>
    %lt3A_1155 = arith.constant 0 : i32
    %lt3A_1156 = arith.cmpi slt, %select_n3A_1146, %lt3A_1155 : i32
    %ne3A_1157 = vector.broadcast %lt3A_1156 : i1 to vector<16xi1>
    %ne3A_1158 = vector.broadcast %ne3A_1157 : vector<16xi1> to vector<16xi1>
    %ne3A_1159 = arith.xori %lt3A_1154, %ne3A_1158 : vector<16xi1>
    %and3A_1160 = arith.andi %ne3A_1159, %ne3A_1151 : vector<16xi1>
    %add3A_1161 = vector.broadcast %select_n3A_1146 : i32 to vector<16xi32>
    %add3A_1162 = arith.addi %rem3A_1148, %add3A_1161 : vector<16xi32>
    %select_n3A_1163 = arith.select %and3A_1160, %add3A_1162, %rem3A_1148 : vector<16xi1>, vector<16xi32>
    %mul3A_1164 = arith.constant 4 : i32
    %mul3A_1165 = vector.broadcast %mul3A_1164 : i32 to vector<16xi32>
    %mul3A_1166 = arith.muli %mul3A_1165, %select_n3A_1163 : vector<16xi32>
    %add3A_1167 = arith.addi %get3A_1138, %mul3A_1166 : vector<16xi32>
    %swap3A_1168 = arith.constant 3 : i32
    %swap3A_1169 = arith.index_cast %swap3A_1168 : i32 to index
    %swap3A_1170 = arith.constant 64 : index
    %swap3A_1171 = tpu.vector_load %arg5[%swap3A_1169, %swap3A_1170] {strides = array<i32>} : memref<200x128xi32, #tpu.memory_space<vmem>>, vector<1x16xi32>,
    %swap3A_1172 = vector.shape_cast %swap3A_1171 : vector<1x16xi32> to vector<16xi32>
    %swap3A_1173 = vector.shape_cast %add3A_1167 : vector<16xi32> to vector<1x16xi32>
    tpu.vector_store %arg5[%swap3A_1169, %swap3A_1170], %swap3A_1173 {strides = array<i32>} : memref<200x128xi32, #tpu.memory_space<vmem>>, vector<1x16xi32>,
    %get3A_1174 = arith.constant 3 : i32
    %get3A_1175 = arith.index_cast %get3A_1174 : i32 to index
    %get3A_1176 = arith.constant 80 : index
    %get3A_1177 = tpu.vector_load %arg5[%get3A_1175, %get3A_1176] {strides = array<i32>} : memref<200x128xi32, #tpu.memory_space<vmem>>, vector<1x16xi32>,
    %get3A_1178 = vector.shape_cast %get3A_1177 : vector<1x16xi32> to vector<16xi32>
    %add3A_1179 = arith.constant 464 : i32
    %add3A_1180 = vector.broadcast %add3A_1179 : i32 to vector<16xi32>
    %add3A_1181 = arith.addi %iota3A_973, %add3A_1180 : vector<16xi32>
    %jit3A_1182 = arith.constant 200 : i32
    %eq3A_1183 = arith.constant 0 : i32
    %eq3A_1184 = arith.cmpi eq, %jit3A_1182, %eq3A_1183 : i32
    %jit3A_1185 = arith.constant 1 : i32
    %select_n3A_1186 = arith.select %eq3A_1184, %jit3A_1185, %jit3A_1182 : i32
    %rem3A_1187 = vector.broadcast %select_n3A_1186 : i32 to vector<16xi32>
    %rem3A_1188 = arith.remsi %add3A_1181, %rem3A_1187 : vector<16xi32>
    %ne3A_1189 = arith.constant 0 : i32
    %ne3A_1190 = vector.broadcast %ne3A_1189 : i32 to vector<16xi32>
    %ne3A_1191 = arith.cmpi ne, %rem3A_1188, %ne3A_1190 : vector<16xi32>
    %lt3A_1192 = arith.constant 0 : i32
    %lt3A_1193 = vector.broadcast %lt3A_1192 : i32 to vector<16xi32>
    %lt3A_1194 = arith.cmpi slt, %rem3A_1188, %lt3A_1193 : vector<16xi32>
    %lt3A_1195 = arith.constant 0 : i32
    %lt3A_1196 = arith.cmpi slt, %select_n3A_1186, %lt3A_1195 : i32
    %ne3A_1197 = vector.broadcast %lt3A_1196 : i1 to vector<16xi1>
    %ne3A_1198 = vector.broadcast %ne3A_1197 : vector<16xi1> to vector<16xi1>
    %ne3A_1199 = arith.xori %lt3A_1194, %ne3A_1198 : vector<16xi1>
    %and3A_1200 = arith.andi %ne3A_1199, %ne3A_1191 : vector<16xi1>
    %add3A_1201 = vector.broadcast %select_n3A_1186 : i32 to vector<16xi32>
    %add3A_1202 = arith.addi %rem3A_1188, %add3A_1201 : vector<16xi32>
    %select_n3A_1203 = arith.select %and3A_1200, %add3A_1202, %rem3A_1188 : vector<16xi1>, vector<16xi32>
    %mul3A_1204 = arith.constant 4 : i32
    %mul3A_1205 = vector.broadcast %mul3A_1204 : i32 to vector<16xi32>
    %mul3A_1206 = arith.muli %mul3A_1205, %select_n3A_1203 : vector<16xi32>
    %add3A_1207 = arith.addi %get3A_1178, %mul3A_1206 : vector<16xi32>
    %swap3A_1208 = arith.constant 3 : i32
    %swap3A_1209 = arith.index_cast %swap3A_1208 : i32 to index
    %swap3A_1210 = arith.constant 80 : index
    %swap3A_1211 = tpu.vector_load %arg5[%swap3A_1209, %swap3A_1210] {strides = array<i32>} : memref<200x128xi32, #tpu.memory_space<vmem>>, vector<1x16xi32>,
    %swap3A_1212 = vector.shape_cast %swap3A_1211 : vector<1x16xi32> to vector<16xi32>
    %swap3A_1213 = vector.shape_cast %add3A_1207 : vector<16xi32> to vector<1x16xi32>
    tpu.vector_store %arg5[%swap3A_1209, %swap3A_1210], %swap3A_1213 {strides = array<i32>} : memref<200x128xi32, #tpu.memory_space<vmem>>, vector<1x16xi32>,
    %get3A_1214 = arith.constant 3 : i32
    %get3A_1215 = arith.index_cast %get3A_1214 : i32 to index
    %get3A_1216 = arith.constant 96 : index
    %get3A_1217 = tpu.vector_load %arg5[%get3A_1215, %get3A_1216] {strides = array<i32>} : memref<200x128xi32, #tpu.memory_space<vmem>>, vector<1x16xi32>,
    %get3A_1218 = vector.shape_cast %get3A_1217 : vector<1x16xi32> to vector<16xi32>
    %add3A_1219 = arith.constant 480 : i32
    %add3A_1220 = vector.broadcast %add3A_1219 : i32 to vector<16xi32>
    %add3A_1221 = arith.addi %iota3A_973, %add3A_1220 : vector<16xi32>
    %jit3A_1222 = arith.constant 200 : i32
    %eq3A_1223 = arith.constant 0 : i32
    %eq3A_1224 = arith.cmpi eq, %jit3A_1222, %eq3A_1223 : i32
    %jit3A_1225 = arith.constant 1 : i32
    %select_n3A_1226 = arith.select %eq3A_1224, %jit3A_1225, %jit3A_1222 : i32
    %rem3A_1227 = vector.broadcast %select_n3A_1226 : i32 to vector<16xi32>
    %rem3A_1228 = arith.remsi %add3A_1221, %rem3A_1227 : vector<16xi32>
    %ne3A_1229 = arith.constant 0 : i32
    %ne3A_1230 = vector.broadcast %ne3A_1229 : i32 to vector<16xi32>
    %ne3A_1231 = arith.cmpi ne, %rem3A_1228, %ne3A_1230 : vector<16xi32>
    %lt3A_1232 = arith.constant 0 : i32
    %lt3A_1233 = vector.broadcast %lt3A_1232 : i32 to vector<16xi32>
    %lt3A_1234 = arith.cmpi slt, %rem3A_1228, %lt3A_1233 : vector<16xi32>
    %lt3A_1235 = arith.constant 0 : i32
    %lt3A_1236 = arith.cmpi slt, %select_n3A_1226, %lt3A_1235 : i32
    %ne3A_1237 = vector.broadcast %lt3A_1236 : i1 to vector<16xi1>
    %ne3A_1238 = vector.broadcast %ne3A_1237 : vector<16xi1> to vector<16xi1>
    %ne3A_1239 = arith.xori %lt3A_1234, %ne3A_1238 : vector<16xi1>
    %and3A_1240 = arith.andi %ne3A_1239, %ne3A_1231 : vector<16xi1>
    %add3A_1241 = vector.broadcast %select_n3A_1226 : i32 to vector<16xi32>
    %add3A_1242 = arith.addi %rem3A_1228, %add3A_1241 : vector<16xi32>
    %select_n3A_1243 = arith.select %and3A_1240, %add3A_1242, %rem3A_1228 : vector<16xi1>, vector<16xi32>
    %mul3A_1244 = arith.constant 4 : i32
    %mul3A_1245 = vector.broadcast %mul3A_1244 : i32 to vector<16xi32>
    %mul3A_1246 = arith.muli %mul3A_1245, %select_n3A_1243 : vector<16xi32>
    %add3A_1247 = arith.addi %get3A_1218, %mul3A_1246 : vector<16xi32>
    %swap3A_1248 = arith.constant 3 : i32
    %swap3A_1249 = arith.index_cast %swap3A_1248 : i32 to index
    %swap3A_1250 = arith.constant 96 : index
    %swap3A_1251 = tpu.vector_load %arg5[%swap3A_1249, %swap3A_1250] {strides = array<i32>} : memref<200x128xi32, #tpu.memory_space<vmem>>, vector<1x16xi32>,
    %swap3A_1252 = vector.shape_cast %swap3A_1251 : vector<1x16xi32> to vector<16xi32>
    %swap3A_1253 = vector.shape_cast %add3A_1247 : vector<16xi32> to vector<1x16xi32>
    tpu.vector_store %arg5[%swap3A_1249, %swap3A_1250], %swap3A_1253 {strides = array<i32>} : memref<200x128xi32, #tpu.memory_space<vmem>>, vector<1x16xi32>,
    %get3A_1254 = arith.constant 3 : i32
    %get3A_1255 = arith.index_cast %get3A_1254 : i32 to index
    %get3A_1256 = arith.constant 112 : index
    %get3A_1257 = tpu.vector_load %arg5[%get3A_1255, %get3A_1256] {strides = array<i32>} : memref<200x128xi32, #tpu.memory_space<vmem>>, vector<1x16xi32>,
    %get3A_1258 = vector.shape_cast %get3A_1257 : vector<1x16xi32> to vector<16xi32>
    %add3A_1259 = arith.constant 496 : i32
    %add3A_1260 = vector.broadcast %add3A_1259 : i32 to vector<16xi32>
    %add3A_1261 = arith.addi %iota3A_973, %add3A_1260 : vector<16xi32>
    %jit3A_1262 = arith.constant 200 : i32
    %eq3A_1263 = arith.constant 0 : i32
    %eq3A_1264 = arith.cmpi eq, %jit3A_1262, %eq3A_1263 : i32
    %jit3A_1265 = arith.constant 1 : i32
    %select_n3A_1266 = arith.select %eq3A_1264, %jit3A_1265, %jit3A_1262 : i32
    %rem3A_1267 = vector.broadcast %select_n3A_1266 : i32 to vector<16xi32>
    %rem3A_1268 = arith.remsi %add3A_1261, %rem3A_1267 : vector<16xi32>
    %ne3A_1269 = arith.constant 0 : i32
    %ne3A_1270 = vector.broadcast %ne3A_1269 : i32 to vector<16xi32>
    %ne3A_1271 = arith.cmpi ne, %rem3A_1268, %ne3A_1270 : vector<16xi32>
    %lt3A_1272 = arith.constant 0 : i32
    %lt3A_1273 = vector.broadcast %lt3A_1272 : i32 to vector<16xi32>
    %lt3A_1274 = arith.cmpi slt, %rem3A_1268, %lt3A_1273 : vector<16xi32>
    %lt3A_1275 = arith.constant 0 : i32
    %lt3A_1276 = arith.cmpi slt, %select_n3A_1266, %lt3A_1275 : i32
    %ne3A_1277 = vector.broadcast %lt3A_1276 : i1 to vector<16xi1>
    %ne3A_1278 = vector.broadcast %ne3A_1277 : vector<16xi1> to vector<16xi1>
    %ne3A_1279 = arith.xori %lt3A_1274, %ne3A_1278 : vector<16xi1>
    %and3A_1280 = arith.andi %ne3A_1279, %ne3A_1271 : vector<16xi1>
    %add3A_1281 = vector.broadcast %select_n3A_1266 : i32 to vector<16xi32>
    %add3A_1282 = arith.addi %rem3A_1268, %add3A_1281 : vector<16xi32>
    %select_n3A_1283 = arith.select %and3A_1280, %add3A_1282, %rem3A_1268 : vector<16xi1>, vector<16xi32>
    %mul3A_1284 = arith.constant 4 : i32
    %mul3A_1285 = vector.broadcast %mul3A_1284 : i32 to vector<16xi32>
    %mul3A_1286 = arith.muli %mul3A_1285, %select_n3A_1283 : vector<16xi32>
    %add3A_1287 = arith.addi %get3A_1258, %mul3A_1286 : vector<16xi32>
    %swap3A_1288 = arith.constant 3 : i32
    %swap3A_1289 = arith.index_cast %swap3A_1288 : i32 to index
    %swap3A_1290 = arith.constant 112 : index
    %swap3A_1291 = tpu.vector_load %arg5[%swap3A_1289, %swap3A_1290] {strides = array<i32>} : memref<200x128xi32, #tpu.memory_space<vmem>>, vector<1x16xi32>,
    %swap3A_1292 = vector.shape_cast %swap3A_1291 : vector<1x16xi32> to vector<16xi32>
    %swap3A_1293 = vector.shape_cast %add3A_1287 : vector<16xi32> to vector<1x16xi32>
    tpu.vector_store %arg5[%swap3A_1289, %swap3A_1290], %swap3A_1293 {strides = array<i32>} : memref<200x128xi32, #tpu.memory_space<vmem>>, vector<1x16xi32>,
    %dma_start3A_1294 = arith.constant 0 : i32
    %dma_start3A_1295 = arith.constant 0 : i32
    %dma_start3A_1296 = tpu.memref_slice %arg5[%dma_start3A_1294, %dma_start3A_1295] : memref<200x128xi32, #tpu.memory_space<vmem>> -> memref<1x128xi32, #tpu.memory_space<vmem>>
    %dma_start3A_1297 = tpu.memref_squeeze %dma_start3A_1296 : memref<1x128xi32, #tpu.memory_space<vmem>> -> memref<128xi32, #tpu.memory_space<vmem>>
    %dma_start3A_1298 = arith.constant 0 : i32
    %dma_start3A_1299 = arith.constant 0 : i32
    %dma_start3A_1300 = tpu.memref_slice %arg2[%dma_start3A_1298, %dma_start3A_1299] : memref<800x128xf32, #tpu.memory_space<hbm>> -> memref<800x128xf32, #tpu.memory_space<hbm>>
    tpu.enqueue_indirect_dma source(%dma_start3A_1300 : memref<800x128xf32, #tpu.memory_space<hbm>>) target(%arg6 : memref<128x128xf32, #tpu.memory_space<vmem>>) offsets(%dma_start3A_1297 : memref<128xi32, #tpu.memory_space<vmem>>) semaphore(%arg13 : memref<!tpu.dma_semaphore, #tpu.memory_space<semaphore_mem>>)
    %dma_start3A_1301 = arith.constant 1 : i32
    %dma_start3A_1302 = arith.constant 0 : i32
    %dma_start3A_1303 = tpu.memref_slice %arg5[%dma_start3A_1301, %dma_start3A_1302] : memref<200x128xi32, #tpu.memory_space<vmem>> -> memref<1x128xi32, #tpu.memory_space<vmem>>
    %dma_start3A_1304 = tpu.memref_squeeze %dma_start3A_1303 : memref<1x128xi32, #tpu.memory_space<vmem>> -> memref<128xi32, #tpu.memory_space<vmem>>
    %dma_start3A_1305 = arith.constant 0 : i32
    %dma_start3A_1306 = arith.constant 0 : i32
    %dma_start3A_1307 = tpu.memref_slice %arg2[%dma_start3A_1305, %dma_start3A_1306] : memref<800x128xf32, #tpu.memory_space<hbm>> -> memref<800x128xf32, #tpu.memory_space<hbm>>
    tpu.enqueue_indirect_dma source(%dma_start3A_1307 : memref<800x128xf32, #tpu.memory_space<hbm>>) target(%arg7 : memref<128x128xf32, #tpu.memory_space<vmem>>) offsets(%dma_start3A_1304 : memref<128xi32, #tpu.memory_space<vmem>>) semaphore(%arg14 : memref<!tpu.dma_semaphore, #tpu.memory_space<semaphore_mem>>)
    %dma_start3A_1308 = arith.constant 2 : i32
    %dma_start3A_1309 = arith.constant 0 : i32
    %dma_start3A_1310 = tpu.memref_slice %arg5[%dma_start3A_1308, %dma_start3A_1309] : memref<200x128xi32, #tpu.memory_space<vmem>> -> memref<1x128xi32, #tpu.memory_space<vmem>>
    %dma_start3A_1311 = tpu.memref_squeeze %dma_start3A_1310 : memref<1x128xi32, #tpu.memory_space<vmem>> -> memref<128xi32, #tpu.memory_space<vmem>>
    %dma_start3A_1312 = arith.constant 0 : i32
    %dma_start3A_1313 = arith.constant 0 : i32
    %dma_start3A_1314 = tpu.memref_slice %arg2[%dma_start3A_1312, %dma_start3A_1313] : memref<800x128xf32, #tpu.memory_space<hbm>> -> memref<800x128xf32, #tpu.memory_space<hbm>>
    tpu.enqueue_indirect_dma source(%dma_start3A_1314 : memref<800x128xf32, #tpu.memory_space<hbm>>) target(%arg8 : memref<128x128xf32, #tpu.memory_space<vmem>>) offsets(%dma_start3A_1311 : memref<128xi32, #tpu.memory_space<vmem>>) semaphore(%arg15 : memref<!tpu.dma_semaphore, #tpu.memory_space<semaphore_mem>>)
    %scan3A = arith.constant 0 : i32
    %scan3A_1315 = arith.constant 0 : i32
    %scan3A_1316 = arith.constant 33 : i32
    %scan3A_1317 = arith.addi %scan3A_1315, %scan3A_1316 : i32
    %scan3A_1318 = arith.constant 1 : i32
    scf.for %scan3A_1376 = %scan3A_1315 to %scan3A_1317 step %scan3A_1318  : i32 {
      %mul3A_1377 = arith.constant 6 : i32
      %mul3A_1378 = arith.muli %mul3A_1377, %scan3A_1376 : i32
      %add3A_1379 = arith.constant 0 : i32
      %add3A_1380 = arith.addi %mul3A_1378, %add3A_1379 : i32
      %gt3A = arith.constant 0 : i32
      %gt3A_1381 = arith.cmpi sgt, %scan3A_1376, %gt3A : i32
      %convert_element_type3A_1382 = arith.extui %gt3A_1381 : i1 to i32
      %cond3A_1383 = arith.constant 0 : i32
      %cond3A_1384 = arith.cmpi ne, %convert_element_type3A_1382, %cond3A_1383 : i32
      scf.if %cond3A_1384 {
        %sub3A_2906 = arith.constant 3 : i32
        %sub3A_2907 = arith.subi %add3A_1380, %sub3A_2906 : i32
        %mul3A_2908 = arith.constant 128 : i32
        %mul3A_2909 = arith.muli %sub3A_2907, %mul3A_2908 : i32
        %add3A_2910 = arith.addi %mul3A_2, %mul3A_2909 : i32
        %dma_wait3A_2911 = arith.constant 0 : i32
        %dma_wait3A_2912 = tpu.memref_slice %arg4[%add3A_2910, %dma_wait3A_2911] : memref<819200x128xf32, #tpu.memory_space<hbm>> -> memref<128x128xf32, #tpu.memory_space<hbm>>
        %dma_wait3A_2913 = arith.constant 0 : i32
        %dma_wait3A_2914 = tpu.memref_slice %arg4[%add3A_2910, %dma_wait3A_2913] : memref<819200x128xf32, #tpu.memory_space<hbm>> -> memref<128x128xf32, #tpu.memory_space<hbm>>
        tpu.wait_dma2 semaphore(%arg22 : memref<!tpu.dma_semaphore, #tpu.memory_space<semaphore_mem>>) src(%arg9 : memref<128x128xf32, #tpu.memory_space<vmem>>) dst(%dma_wait3A_2914 : memref<128x128xf32, #tpu.memory_space<hbm>>)
      } else {
      }
      %add3A_1385 = arith.constant 3 : i32
      %add3A_1386 = arith.addi %add3A_1380, %add3A_1385 : i32
      %dma_start3A_1387 = arith.constant 0 : i32
      %dma_start3A_1388 = tpu.memref_slice %arg5[%add3A_1386, %dma_start3A_1387] : memref<200x128xi32, #tpu.memory_space<vmem>> -> memref<1x128xi32, #tpu.memory_space<vmem>>
      %dma_start3A_1389 = tpu.memref_squeeze %dma_start3A_1388 : memref<1x128xi32, #tpu.memory_space<vmem>> -> memref<128xi32, #tpu.memory_space<vmem>>
      %dma_start3A_1390 = arith.constant 0 : i32
      %dma_start3A_1391 = arith.constant 0 : i32
      %dma_start3A_1392 = tpu.memref_slice %arg2[%dma_start3A_1390, %dma_start3A_1391] : memref<800x128xf32, #tpu.memory_space<hbm>> -> memref<800x128xf32, #tpu.memory_space<hbm>>
      tpu.enqueue_indirect_dma source(%dma_start3A_1392 : memref<800x128xf32, #tpu.memory_space<hbm>>) target(%arg9 : memref<128x128xf32, #tpu.memory_space<vmem>>) offsets(%dma_start3A_1389 : memref<128xi32, #tpu.memory_space<vmem>>) semaphore(%arg16 : memref<!tpu.dma_semaphore, #tpu.memory_space<semaphore_mem>>)
      %add3A_1393 = arith.constant 3 : i32
      %add3A_1394 = arith.addi %add3A_1380, %add3A_1393 : i32
      %add3A_1395 = arith.constant 1 : i32
      %add3A_1396 = arith.addi %add3A_1394, %add3A_1395 : i32
      %iota3A_1397 = tpu.iota {dimensions = array<i32: 0>} : vector<16xi32>
      %get3A_1398 = arith.index_cast %add3A_1396 : i32 to index
      %get3A_1399 = arith.constant 0 : index
      %get3A_1400 = tpu.vector_load %arg5[%get3A_1398, %get3A_1399] {strides = array<i32>} : memref<200x128xi32, #tpu.memory_space<vmem>>, vector<1x16xi32>,
      %get3A_1401 = vector.shape_cast %get3A_1400 : vector<1x16xi32> to vector<16xi32>
      %mul3A_1402 = arith.constant 128 : i32
      %mul3A_1403 = arith.muli %add3A_1396, %mul3A_1402 : i32
      %add3A_1404 = arith.constant 0 : i32
      %add3A_1405 = arith.addi %mul3A_1403, %add3A_1404 : i32
      %add3A_1406 = vector.broadcast %add3A_1405 : i32 to vector<16xi32>
      %add3A_1407 = arith.addi %iota3A_1397, %add3A_1406 : vector<16xi32>
      %jit3A_1408 = arith.constant 200 : i32
      %eq3A_1409 = arith.constant 0 : i32
      %eq3A_1410 = arith.cmpi eq, %jit3A_1408, %eq3A_1409 : i32
      %jit3A_1411 = arith.constant 1 : i32
      %select_n3A_1412 = arith.select %eq3A_1410, %jit3A_1411, %jit3A_1408 : i32
      %rem3A_1413 = vector.broadcast %select_n3A_1412 : i32 to vector<16xi32>
      %rem3A_1414 = arith.remsi %add3A_1407, %rem3A_1413 : vector<16xi32>
      %ne3A_1415 = arith.constant 0 : i32
      %ne3A_1416 = vector.broadcast %ne3A_1415 : i32 to vector<16xi32>
      %ne3A_1417 = arith.cmpi ne, %rem3A_1414, %ne3A_1416 : vector<16xi32>
      %lt3A_1418 = arith.constant 0 : i32
      %lt3A_1419 = vector.broadcast %lt3A_1418 : i32 to vector<16xi32>
      %lt3A_1420 = arith.cmpi slt, %rem3A_1414, %lt3A_1419 : vector<16xi32>
      %lt3A_1421 = arith.constant 0 : i32
      %lt3A_1422 = arith.cmpi slt, %select_n3A_1412, %lt3A_1421 : i32
      %ne3A_1423 = vector.broadcast %lt3A_1422 : i1 to vector<16xi1>
      %ne3A_1424 = vector.broadcast %ne3A_1423 : vector<16xi1> to vector<16xi1>
      %ne3A_1425 = arith.xori %lt3A_1420, %ne3A_1424 : vector<16xi1>
      %and3A_1426 = arith.andi %ne3A_1425, %ne3A_1417 : vector<16xi1>
      %add3A_1427 = vector.broadcast %select_n3A_1412 : i32 to vector<16xi32>
      %add3A_1428 = arith.addi %rem3A_1414, %add3A_1427 : vector<16xi32>
      %select_n3A_1429 = arith.select %and3A_1426, %add3A_1428, %rem3A_1414 : vector<16xi1>, vector<16xi32>
      %mul3A_1430 = arith.constant 4 : i32
      %mul3A_1431 = vector.broadcast %mul3A_1430 : i32 to vector<16xi32>
      %mul3A_1432 = arith.muli %mul3A_1431, %select_n3A_1429 : vector<16xi32>
      %add3A_1433 = arith.addi %get3A_1401, %mul3A_1432 : vector<16xi32>
      %swap3A_1434 = arith.index_cast %add3A_1396 : i32 to index
      %swap3A_1435 = arith.constant 0 : index
      %swap3A_1436 = tpu.vector_load %arg5[%swap3A_1434, %swap3A_1435] {strides = array<i32>} : memref<200x128xi32, #tpu.memory_space<vmem>>, vector<1x16xi32>,
      %swap3A_1437 = vector.shape_cast %swap3A_1436 : vector<1x16xi32> to vector<16xi32>
      %swap3A_1438 = vector.shape_cast %add3A_1433 : vector<16xi32> to vector<1x16xi32>
      tpu.vector_store %arg5[%swap3A_1434, %swap3A_1435], %swap3A_1438 {strides = array<i32>} : memref<200x128xi32, #tpu.memory_space<vmem>>, vector<1x16xi32>,
      %get3A_1439 = arith.index_cast %add3A_1396 : i32 to index
      %get3A_1440 = arith.constant 16 : index
      %get3A_1441 = tpu.vector_load %arg5[%get3A_1439, %get3A_1440] {strides = array<i32>} : memref<200x128xi32, #tpu.memory_space<vmem>>, vector<1x16xi32>,
      %get3A_1442 = vector.shape_cast %get3A_1441 : vector<1x16xi32> to vector<16xi32>
      %mul3A_1443 = arith.constant 128 : i32
      %mul3A_1444 = arith.muli %add3A_1396, %mul3A_1443 : i32
      %add3A_1445 = arith.constant 16 : i32
      %add3A_1446 = arith.addi %mul3A_1444, %add3A_1445 : i32
      %add3A_1447 = vector.broadcast %add3A_1446 : i32 to vector<16xi32>
      %add3A_1448 = arith.addi %iota3A_1397, %add3A_1447 : vector<16xi32>
      %jit3A_1449 = arith.constant 200 : i32
      %eq3A_1450 = arith.constant 0 : i32
      %eq3A_1451 = arith.cmpi eq, %jit3A_1449, %eq3A_1450 : i32
      %jit3A_1452 = arith.constant 1 : i32
      %select_n3A_1453 = arith.select %eq3A_1451, %jit3A_1452, %jit3A_1449 : i32
      %rem3A_1454 = vector.broadcast %select_n3A_1453 : i32 to vector<16xi32>
      %rem3A_1455 = arith.remsi %add3A_1448, %rem3A_1454 : vector<16xi32>
      %ne3A_1456 = arith.constant 0 : i32
      %ne3A_1457 = vector.broadcast %ne3A_1456 : i32 to vector<16xi32>
      %ne3A_1458 = arith.cmpi ne, %rem3A_1455, %ne3A_1457 : vector<16xi32>
      %lt3A_1459 = arith.constant 0 : i32
      %lt3A_1460 = vector.broadcast %lt3A_1459 : i32 to vector<16xi32>
      %lt3A_1461 = arith.cmpi slt, %rem3A_1455, %lt3A_1460 : vector<16xi32>
      %lt3A_1462 = arith.constant 0 : i32
      %lt3A_1463 = arith.cmpi slt, %select_n3A_1453, %lt3A_1462 : i32
      %ne3A_1464 = vector.broadcast %lt3A_1463 : i1 to vector<16xi1>
      %ne3A_1465 = vector.broadcast %ne3A_1464 : vector<16xi1> to vector<16xi1>
      %ne3A_1466 = arith.xori %lt3A_1461, %ne3A_1465 : vector<16xi1>
      %and3A_1467 = arith.andi %ne3A_1466, %ne3A_1458 : vector<16xi1>
      %add3A_1468 = vector.broadcast %select_n3A_1453 : i32 to vector<16xi32>
      %add3A_1469 = arith.addi %rem3A_1455, %add3A_1468 : vector<16xi32>
      %select_n3A_1470 = arith.select %and3A_1467, %add3A_1469, %rem3A_1455 : vector<16xi1>, vector<16xi32>
      %mul3A_1471 = arith.constant 4 : i32
      %mul3A_1472 = vector.broadcast %mul3A_1471 : i32 to vector<16xi32>
      %mul3A_1473 = arith.muli %mul3A_1472, %select_n3A_1470 : vector<16xi32>
      %add3A_1474 = arith.addi %get3A_1442, %mul3A_1473 : vector<16xi32>
      %swap3A_1475 = arith.index_cast %add3A_1396 : i32 to index
      %swap3A_1476 = arith.constant 16 : index
      %swap3A_1477 = tpu.vector_load %arg5[%swap3A_1475, %swap3A_1476] {strides = array<i32>} : memref<200x128xi32, #tpu.memory_space<vmem>>, vector<1x16xi32>,
      %swap3A_1478 = vector.shape_cast %swap3A_1477 : vector<1x16xi32> to vector<16xi32>
      %swap3A_1479 = vector.shape_cast %add3A_1474 : vector<16xi32> to vector<1x16xi32>
      tpu.vector_store %arg5[%swap3A_1475, %swap3A_1476], %swap3A_1479 {strides = array<i32>} : memref<200x128xi32, #tpu.memory_space<vmem>>, vector<1x16xi32>,
      %get3A_1480 = arith.index_cast %add3A_1396 : i32 to index
      %get3A_1481 = arith.constant 32 : index
      %get3A_1482 = tpu.vector_load %arg5[%get3A_1480, %get3A_1481] {strides = array<i32>} : memref<200x128xi32, #tpu.memory_space<vmem>>, vector<1x16xi32>,
      %get3A_1483 = vector.shape_cast %get3A_1482 : vector<1x16xi32> to vector<16xi32>
      %mul3A_1484 = arith.constant 128 : i32
      %mul3A_1485 = arith.muli %add3A_1396, %mul3A_1484 : i32
      %add3A_1486 = arith.constant 32 : i32
      %add3A_1487 = arith.addi %mul3A_1485, %add3A_1486 : i32
      %add3A_1488 = vector.broadcast %add3A_1487 : i32 to vector<16xi32>
      %add3A_1489 = arith.addi %iota3A_1397, %add3A_1488 : vector<16xi32>
      %jit3A_1490 = arith.constant 200 : i32
      %eq3A_1491 = arith.constant 0 : i32
      %eq3A_1492 = arith.cmpi eq, %jit3A_1490, %eq3A_1491 : i32
      %jit3A_1493 = arith.constant 1 : i32
      %select_n3A_1494 = arith.select %eq3A_1492, %jit3A_1493, %jit3A_1490 : i32
      %rem3A_1495 = vector.broadcast %select_n3A_1494 : i32 to vector<16xi32>
      %rem3A_1496 = arith.remsi %add3A_1489, %rem3A_1495 : vector<16xi32>
      %ne3A_1497 = arith.constant 0 : i32
      %ne3A_1498 = vector.broadcast %ne3A_1497 : i32 to vector<16xi32>
      %ne3A_1499 = arith.cmpi ne, %rem3A_1496, %ne3A_1498 : vector<16xi32>
      %lt3A_1500 = arith.constant 0 : i32
      %lt3A_1501 = vector.broadcast %lt3A_1500 : i32 to vector<16xi32>
      %lt3A_1502 = arith.cmpi slt, %rem3A_1496, %lt3A_1501 : vector<16xi32>
      %lt3A_1503 = arith.constant 0 : i32
      %lt3A_1504 = arith.cmpi slt, %select_n3A_1494, %lt3A_1503 : i32
      %ne3A_1505 = vector.broadcast %lt3A_1504 : i1 to vector<16xi1>
      %ne3A_1506 = vector.broadcast %ne3A_1505 : vector<16xi1> to vector<16xi1>
      %ne3A_1507 = arith.xori %lt3A_1502, %ne3A_1506 : vector<16xi1>
      %and3A_1508 = arith.andi %ne3A_1507, %ne3A_1499 : vector<16xi1>
      %add3A_1509 = vector.broadcast %select_n3A_1494 : i32 to vector<16xi32>
      %add3A_1510 = arith.addi %rem3A_1496, %add3A_1509 : vector<16xi32>
      %select_n3A_1511 = arith.select %and3A_1508, %add3A_1510, %rem3A_1496 : vector<16xi1>, vector<16xi32>
      %mul3A_1512 = arith.constant 4 : i32
      %mul3A_1513 = vector.broadcast %mul3A_1512 : i32 to vector<16xi32>
      %mul3A_1514 = arith.muli %mul3A_1513, %select_n3A_1511 : vector<16xi32>
      %add3A_1515 = arith.addi %get3A_1483, %mul3A_1514 : vector<16xi32>
      %swap3A_1516 = arith.index_cast %add3A_1396 : i32 to index
      %swap3A_1517 = arith.constant 32 : index
      %swap3A_1518 = tpu.vector_load %arg5[%swap3A_1516, %swap3A_1517] {strides = array<i32>} : memref<200x128xi32, #tpu.memory_space<vmem>>, vector<1x16xi32>,
      %swap3A_1519 = vector.shape_cast %swap3A_1518 : vector<1x16xi32> to vector<16xi32>
      %swap3A_1520 = vector.shape_cast %add3A_1515 : vector<16xi32> to vector<1x16xi32>
      tpu.vector_store %arg5[%swap3A_1516, %swap3A_1517], %swap3A_1520 {strides = array<i32>} : memref<200x128xi32, #tpu.memory_space<vmem>>, vector<1x16xi32>,
      %get3A_1521 = arith.index_cast %add3A_1396 : i32 to index
      %get3A_1522 = arith.constant 48 : index
      %get3A_1523 = tpu.vector_load %arg5[%get3A_1521, %get3A_1522] {strides = array<i32>} : memref<200x128xi32, #tpu.memory_space<vmem>>, vector<1x16xi32>,
      %get3A_1524 = vector.shape_cast %get3A_1523 : vector<1x16xi32> to vector<16xi32>
      %mul3A_1525 = arith.constant 128 : i32
      %mul3A_1526 = arith.muli %add3A_1396, %mul3A_1525 : i32
      %add3A_1527 = arith.constant 48 : i32
      %add3A_1528 = arith.addi %mul3A_1526, %add3A_1527 : i32
      %add3A_1529 = vector.broadcast %add3A_1528 : i32 to vector<16xi32>
      %add3A_1530 = arith.addi %iota3A_1397, %add3A_1529 : vector<16xi32>
      %jit3A_1531 = arith.constant 200 : i32
      %eq3A_1532 = arith.constant 0 : i32
      %eq3A_1533 = arith.cmpi eq, %jit3A_1531, %eq3A_1532 : i32
      %jit3A_1534 = arith.constant 1 : i32
      %select_n3A_1535 = arith.select %eq3A_1533, %jit3A_1534, %jit3A_1531 : i32
      %rem3A_1536 = vector.broadcast %select_n3A_1535 : i32 to vector<16xi32>
      %rem3A_1537 = arith.remsi %add3A_1530, %rem3A_1536 : vector<16xi32>
      %ne3A_1538 = arith.constant 0 : i32
      %ne3A_1539 = vector.broadcast %ne3A_1538 : i32 to vector<16xi32>
      %ne3A_1540 = arith.cmpi ne, %rem3A_1537, %ne3A_1539 : vector<16xi32>
      %lt3A_1541 = arith.constant 0 : i32
      %lt3A_1542 = vector.broadcast %lt3A_1541 : i32 to vector<16xi32>
      %lt3A_1543 = arith.cmpi slt, %rem3A_1537, %lt3A_1542 : vector<16xi32>
      %lt3A_1544 = arith.constant 0 : i32
      %lt3A_1545 = arith.cmpi slt, %select_n3A_1535, %lt3A_1544 : i32
      %ne3A_1546 = vector.broadcast %lt3A_1545 : i1 to vector<16xi1>
      %ne3A_1547 = vector.broadcast %ne3A_1546 : vector<16xi1> to vector<16xi1>
      %ne3A_1548 = arith.xori %lt3A_1543, %ne3A_1547 : vector<16xi1>
      %and3A_1549 = arith.andi %ne3A_1548, %ne3A_1540 : vector<16xi1>
      %add3A_1550 = vector.broadcast %select_n3A_1535 : i32 to vector<16xi32>
      %add3A_1551 = arith.addi %rem3A_1537, %add3A_1550 : vector<16xi32>
      %select_n3A_1552 = arith.select %and3A_1549, %add3A_1551, %rem3A_1537 : vector<16xi1>, vector<16xi32>
      %mul3A_1553 = arith.constant 4 : i32
      %mul3A_1554 = vector.broadcast %mul3A_1553 : i32 to vector<16xi32>
      %mul3A_1555 = arith.muli %mul3A_1554, %select_n3A_1552 : vector<16xi32>
      %add3A_1556 = arith.addi %get3A_1524, %mul3A_1555 : vector<16xi32>
      %swap3A_1557 = arith.index_cast %add3A_1396 : i32 to index
      %swap3A_1558 = arith.constant 48 : index
      %swap3A_1559 = tpu.vector_load %arg5[%swap3A_1557, %swap3A_1558] {strides = array<i32>} : memref<200x128xi32, #tpu.memory_space<vmem>>, vector<1x16xi32>,
      %swap3A_1560 = vector.shape_cast %swap3A_1559 : vector<1x16xi32> to vector<16xi32>
      %swap3A_1561 = vector.shape_cast %add3A_1556 : vector<16xi32> to vector<1x16xi32>
      tpu.vector_store %arg5[%swap3A_1557, %swap3A_1558], %swap3A_1561 {strides = array<i32>} : memref<200x128xi32, #tpu.memory_space<vmem>>, vector<1x16xi32>,
      %get3A_1562 = arith.index_cast %add3A_1396 : i32 to index
      %get3A_1563 = arith.constant 64 : index
      %get3A_1564 = tpu.vector_load %arg5[%get3A_1562, %get3A_1563] {strides = array<i32>} : memref<200x128xi32, #tpu.memory_space<vmem>>, vector<1x16xi32>,
      %get3A_1565 = vector.shape_cast %get3A_1564 : vector<1x16xi32> to vector<16xi32>
      %mul3A_1566 = arith.constant 128 : i32
      %mul3A_1567 = arith.muli %add3A_1396, %mul3A_1566 : i32
      %add3A_1568 = arith.constant 64 : i32
      %add3A_1569 = arith.addi %mul3A_1567, %add3A_1568 : i32
      %add3A_1570 = vector.broadcast %add3A_1569 : i32 to vector<16xi32>
      %add3A_1571 = arith.addi %iota3A_1397, %add3A_1570 : vector<16xi32>
      %jit3A_1572 = arith.constant 200 : i32
      %eq3A_1573 = arith.constant 0 : i32
      %eq3A_1574 = arith.cmpi eq, %jit3A_1572, %eq3A_1573 : i32
      %jit3A_1575 = arith.constant 1 : i32
      %select_n3A_1576 = arith.select %eq3A_1574, %jit3A_1575, %jit3A_1572 : i32
      %rem3A_1577 = vector.broadcast %select_n3A_1576 : i32 to vector<16xi32>
      %rem3A_1578 = arith.remsi %add3A_1571, %rem3A_1577 : vector<16xi32>
      %ne3A_1579 = arith.constant 0 : i32
      %ne3A_1580 = vector.broadcast %ne3A_1579 : i32 to vector<16xi32>
      %ne3A_1581 = arith.cmpi ne, %rem3A_1578, %ne3A_1580 : vector<16xi32>
      %lt3A_1582 = arith.constant 0 : i32
      %lt3A_1583 = vector.broadcast %lt3A_1582 : i32 to vector<16xi32>
      %lt3A_1584 = arith.cmpi slt, %rem3A_1578, %lt3A_1583 : vector<16xi32>
      %lt3A_1585 = arith.constant 0 : i32
      %lt3A_1586 = arith.cmpi slt, %select_n3A_1576, %lt3A_1585 : i32
      %ne3A_1587 = vector.broadcast %lt3A_1586 : i1 to vector<16xi1>
      %ne3A_1588 = vector.broadcast %ne3A_1587 : vector<16xi1> to vector<16xi1>
      %ne3A_1589 = arith.xori %lt3A_1584, %ne3A_1588 : vector<16xi1>
      %and3A_1590 = arith.andi %ne3A_1589, %ne3A_1581 : vector<16xi1>
      %add3A_1591 = vector.broadcast %select_n3A_1576 : i32 to vector<16xi32>
      %add3A_1592 = arith.addi %rem3A_1578, %add3A_1591 : vector<16xi32>
      %select_n3A_1593 = arith.select %and3A_1590, %add3A_1592, %rem3A_1578 : vector<16xi1>, vector<16xi32>
      %mul3A_1594 = arith.constant 4 : i32
      %mul3A_1595 = vector.broadcast %mul3A_1594 : i32 to vector<16xi32>
      %mul3A_1596 = arith.muli %mul3A_1595, %select_n3A_1593 : vector<16xi32>
      %add3A_1597 = arith.addi %get3A_1565, %mul3A_1596 : vector<16xi32>
      %swap3A_1598 = arith.index_cast %add3A_1396 : i32 to index
      %swap3A_1599 = arith.constant 64 : index
      %swap3A_1600 = tpu.vector_load %arg5[%swap3A_1598, %swap3A_1599] {strides = array<i32>} : memref<200x128xi32, #tpu.memory_space<vmem>>, vector<1x16xi32>,
      %swap3A_1601 = vector.shape_cast %swap3A_1600 : vector<1x16xi32> to vector<16xi32>
      %swap3A_1602 = vector.shape_cast %add3A_1597 : vector<16xi32> to vector<1x16xi32>
      tpu.vector_store %arg5[%swap3A_1598, %swap3A_1599], %swap3A_1602 {strides = array<i32>} : memref<200x128xi32, #tpu.memory_space<vmem>>, vector<1x16xi32>,
      %get3A_1603 = arith.index_cast %add3A_1396 : i32 to index
      %get3A_1604 = arith.constant 80 : index
      %get3A_1605 = tpu.vector_load %arg5[%get3A_1603, %get3A_1604] {strides = array<i32>} : memref<200x128xi32, #tpu.memory_space<vmem>>, vector<1x16xi32>,
      %get3A_1606 = vector.shape_cast %get3A_1605 : vector<1x16xi32> to vector<16xi32>
      %mul3A_1607 = arith.constant 128 : i32
      %mul3A_1608 = arith.muli %add3A_1396, %mul3A_1607 : i32
      %add3A_1609 = arith.constant 80 : i32
      %add3A_1610 = arith.addi %mul3A_1608, %add3A_1609 : i32
      %add3A_1611 = vector.broadcast %add3A_1610 : i32 to vector<16xi32>
      %add3A_1612 = arith.addi %iota3A_1397, %add3A_1611 : vector<16xi32>
      %jit3A_1613 = arith.constant 200 : i32
      %eq3A_1614 = arith.constant 0 : i32
      %eq3A_1615 = arith.cmpi eq, %jit3A_1613, %eq3A_1614 : i32
      %jit3A_1616 = arith.constant 1 : i32
      %select_n3A_1617 = arith.select %eq3A_1615, %jit3A_1616, %jit3A_1613 : i32
      %rem3A_1618 = vector.broadcast %select_n3A_1617 : i32 to vector<16xi32>
      %rem3A_1619 = arith.remsi %add3A_1612, %rem3A_1618 : vector<16xi32>
      %ne3A_1620 = arith.constant 0 : i32
      %ne3A_1621 = vector.broadcast %ne3A_1620 : i32 to vector<16xi32>
      %ne3A_1622 = arith.cmpi ne, %rem3A_1619, %ne3A_1621 : vector<16xi32>
      %lt3A_1623 = arith.constant 0 : i32
      %lt3A_1624 = vector.broadcast %lt3A_1623 : i32 to vector<16xi32>
      %lt3A_1625 = arith.cmpi slt, %rem3A_1619, %lt3A_1624 : vector<16xi32>
      %lt3A_1626 = arith.constant 0 : i32
      %lt3A_1627 = arith.cmpi slt, %select_n3A_1617, %lt3A_1626 : i32
      %ne3A_1628 = vector.broadcast %lt3A_1627 : i1 to vector<16xi1>
      %ne3A_1629 = vector.broadcast %ne3A_1628 : vector<16xi1> to vector<16xi1>
      %ne3A_1630 = arith.xori %lt3A_1625, %ne3A_1629 : vector<16xi1>
      %and3A_1631 = arith.andi %ne3A_1630, %ne3A_1622 : vector<16xi1>
      %add3A_1632 = vector.broadcast %select_n3A_1617 : i32 to vector<16xi32>
      %add3A_1633 = arith.addi %rem3A_1619, %add3A_1632 : vector<16xi32>
      %select_n3A_1634 = arith.select %and3A_1631, %add3A_1633, %rem3A_1619 : vector<16xi1>, vector<16xi32>
      %mul3A_1635 = arith.constant 4 : i32
      %mul3A_1636 = vector.broadcast %mul3A_1635 : i32 to vector<16xi32>
      %mul3A_1637 = arith.muli %mul3A_1636, %select_n3A_1634 : vector<16xi32>
      %add3A_1638 = arith.addi %get3A_1606, %mul3A_1637 : vector<16xi32>
      %swap3A_1639 = arith.index_cast %add3A_1396 : i32 to index
      %swap3A_1640 = arith.constant 80 : index
      %swap3A_1641 = tpu.vector_load %arg5[%swap3A_1639, %swap3A_1640] {strides = array<i32>} : memref<200x128xi32, #tpu.memory_space<vmem>>, vector<1x16xi32>,
      %swap3A_1642 = vector.shape_cast %swap3A_1641 : vector<1x16xi32> to vector<16xi32>
      %swap3A_1643 = vector.shape_cast %add3A_1638 : vector<16xi32> to vector<1x16xi32>
      tpu.vector_store %arg5[%swap3A_1639, %swap3A_1640], %swap3A_1643 {strides = array<i32>} : memref<200x128xi32, #tpu.memory_space<vmem>>, vector<1x16xi32>,
      %get3A_1644 = arith.index_cast %add3A_1396 : i32 to index
      %get3A_1645 = arith.constant 96 : index
      %get3A_1646 = tpu.vector_load %arg5[%get3A_1644, %get3A_1645] {strides = array<i32>} : memref<200x128xi32, #tpu.memory_space<vmem>>, vector<1x16xi32>,
      %get3A_1647 = vector.shape_cast %get3A_1646 : vector<1x16xi32> to vector<16xi32>
      %mul3A_1648 = arith.constant 128 : i32
      %mul3A_1649 = arith.muli %add3A_1396, %mul3A_1648 : i32
      %add3A_1650 = arith.constant 96 : i32
      %add3A_1651 = arith.addi %mul3A_1649, %add3A_1650 : i32
      %add3A_1652 = vector.broadcast %add3A_1651 : i32 to vector<16xi32>
      %add3A_1653 = arith.addi %iota3A_1397, %add3A_1652 : vector<16xi32>
      %jit3A_1654 = arith.constant 200 : i32
      %eq3A_1655 = arith.constant 0 : i32
      %eq3A_1656 = arith.cmpi eq, %jit3A_1654, %eq3A_1655 : i32
      %jit3A_1657 = arith.constant 1 : i32
      %select_n3A_1658 = arith.select %eq3A_1656, %jit3A_1657, %jit3A_1654 : i32
      %rem3A_1659 = vector.broadcast %select_n3A_1658 : i32 to vector<16xi32>
      %rem3A_1660 = arith.remsi %add3A_1653, %rem3A_1659 : vector<16xi32>
      %ne3A_1661 = arith.constant 0 : i32
      %ne3A_1662 = vector.broadcast %ne3A_1661 : i32 to vector<16xi32>
      %ne3A_1663 = arith.cmpi ne, %rem3A_1660, %ne3A_1662 : vector<16xi32>
      %lt3A_1664 = arith.constant 0 : i32
      %lt3A_1665 = vector.broadcast %lt3A_1664 : i32 to vector<16xi32>
      %lt3A_1666 = arith.cmpi slt, %rem3A_1660, %lt3A_1665 : vector<16xi32>
      %lt3A_1667 = arith.constant 0 : i32
      %lt3A_1668 = arith.cmpi slt, %select_n3A_1658, %lt3A_1667 : i32
      %ne3A_1669 = vector.broadcast %lt3A_1668 : i1 to vector<16xi1>
      %ne3A_1670 = vector.broadcast %ne3A_1669 : vector<16xi1> to vector<16xi1>
      %ne3A_1671 = arith.xori %lt3A_1666, %ne3A_1670 : vector<16xi1>
      %and3A_1672 = arith.andi %ne3A_1671, %ne3A_1663 : vector<16xi1>
      %add3A_1673 = vector.broadcast %select_n3A_1658 : i32 to vector<16xi32>
      %add3A_1674 = arith.addi %rem3A_1660, %add3A_1673 : vector<16xi32>
      %select_n3A_1675 = arith.select %and3A_1672, %add3A_1674, %rem3A_1660 : vector<16xi1>, vector<16xi32>
      %mul3A_1676 = arith.constant 4 : i32
      %mul3A_1677 = vector.broadcast %mul3A_1676 : i32 to vector<16xi32>
      %mul3A_1678 = arith.muli %mul3A_1677, %select_n3A_1675 : vector<16xi32>
      %add3A_1679 = arith.addi %get3A_1647, %mul3A_1678 : vector<16xi32>
      %swap3A_1680 = arith.index_cast %add3A_1396 : i32 to index
      %swap3A_1681 = arith.constant 96 : index
      %swap3A_1682 = tpu.vector_load %arg5[%swap3A_1680, %swap3A_1681] {strides = array<i32>} : memref<200x128xi32, #tpu.memory_space<vmem>>, vector<1x16xi32>,
      %swap3A_1683 = vector.shape_cast %swap3A_1682 : vector<1x16xi32> to vector<16xi32>
      %swap3A_1684 = vector.shape_cast %add3A_1679 : vector<16xi32> to vector<1x16xi32>
      tpu.vector_store %arg5[%swap3A_1680, %swap3A_1681], %swap3A_1684 {strides = array<i32>} : memref<200x128xi32, #tpu.memory_space<vmem>>, vector<1x16xi32>,
      %get3A_1685 = arith.index_cast %add3A_1396 : i32 to index
      %get3A_1686 = arith.constant 112 : index
      %get3A_1687 = tpu.vector_load %arg5[%get3A_1685, %get3A_1686] {strides = array<i32>} : memref<200x128xi32, #tpu.memory_space<vmem>>, vector<1x16xi32>,
      %get3A_1688 = vector.shape_cast %get3A_1687 : vector<1x16xi32> to vector<16xi32>
      %mul3A_1689 = arith.constant 128 : i32
      %mul3A_1690 = arith.muli %add3A_1396, %mul3A_1689 : i32
      %add3A_1691 = arith.constant 112 : i32
      %add3A_1692 = arith.addi %mul3A_1690, %add3A_1691 : i32
      %add3A_1693 = vector.broadcast %add3A_1692 : i32 to vector<16xi32>
      %add3A_1694 = arith.addi %iota3A_1397, %add3A_1693 : vector<16xi32>
      %jit3A_1695 = arith.constant 200 : i32
      %eq3A_1696 = arith.constant 0 : i32
      %eq3A_1697 = arith.cmpi eq, %jit3A_1695, %eq3A_1696 : i32
      %jit3A_1698 = arith.constant 1 : i32
      %select_n3A_1699 = arith.select %eq3A_1697, %jit3A_1698, %jit3A_1695 : i32
      %rem3A_1700 = vector.broadcast %select_n3A_1699 : i32 to vector<16xi32>
      %rem3A_1701 = arith.remsi %add3A_1694, %rem3A_1700 : vector<16xi32>
      %ne3A_1702 = arith.constant 0 : i32
      %ne3A_1703 = vector.broadcast %ne3A_1702 : i32 to vector<16xi32>
      %ne3A_1704 = arith.cmpi ne, %rem3A_1701, %ne3A_1703 : vector<16xi32>
      %lt3A_1705 = arith.constant 0 : i32
      %lt3A_1706 = vector.broadcast %lt3A_1705 : i32 to vector<16xi32>
      %lt3A_1707 = arith.cmpi slt, %rem3A_1701, %lt3A_1706 : vector<16xi32>
      %lt3A_1708 = arith.constant 0 : i32
      %lt3A_1709 = arith.cmpi slt, %select_n3A_1699, %lt3A_1708 : i32
      %ne3A_1710 = vector.broadcast %lt3A_1709 : i1 to vector<16xi1>
      %ne3A_1711 = vector.broadcast %ne3A_1710 : vector<16xi1> to vector<16xi1>
      %ne3A_1712 = arith.xori %lt3A_1707, %ne3A_1711 : vector<16xi1>
      %and3A_1713 = arith.andi %ne3A_1712, %ne3A_1704 : vector<16xi1>
      %add3A_1714 = vector.broadcast %select_n3A_1699 : i32 to vector<16xi32>
      %add3A_1715 = arith.addi %rem3A_1701, %add3A_1714 : vector<16xi32>
      %select_n3A_1716 = arith.select %and3A_1713, %add3A_1715, %rem3A_1701 : vector<16xi1>, vector<16xi32>
      %mul3A_1717 = arith.constant 4 : i32
      %mul3A_1718 = vector.broadcast %mul3A_1717 : i32 to vector<16xi32>
      %mul3A_1719 = arith.muli %mul3A_1718, %select_n3A_1716 : vector<16xi32>
      %add3A_1720 = arith.addi %get3A_1688, %mul3A_1719 : vector<16xi32>
      %swap3A_1721 = arith.index_cast %add3A_1396 : i32 to index
      %swap3A_1722 = arith.constant 112 : index
      %swap3A_1723 = tpu.vector_load %arg5[%swap3A_1721, %swap3A_1722] {strides = array<i32>} : memref<200x128xi32, #tpu.memory_space<vmem>>, vector<1x16xi32>,
      %swap3A_1724 = vector.shape_cast %swap3A_1723 : vector<1x16xi32> to vector<16xi32>
      %swap3A_1725 = vector.shape_cast %add3A_1720 : vector<16xi32> to vector<1x16xi32>
      tpu.vector_store %arg5[%swap3A_1721, %swap3A_1722], %swap3A_1725 {strides = array<i32>} : memref<200x128xi32, #tpu.memory_space<vmem>>, vector<1x16xi32>,
      %dma_wait3A_1726 = arith.constant 0 : i32
      %dma_wait3A_1727 = tpu.memref_slice %arg5[%add3A_1380, %dma_wait3A_1726] : memref<200x128xi32, #tpu.memory_space<vmem>> -> memref<1x128xi32, #tpu.memory_space<vmem>>
      %dma_wait3A_1728 = tpu.memref_squeeze %dma_wait3A_1727 : memref<1x128xi32, #tpu.memory_space<vmem>> -> memref<128xi32, #tpu.memory_space<vmem>>
      %dma_wait3A_1729 = arith.constant 0 : i32
      %dma_wait3A_1730 = arith.constant 0 : i32
      %dma_wait3A_1731 = tpu.memref_slice %arg2[%dma_wait3A_1729, %dma_wait3A_1730] : memref<800x128xf32, #tpu.memory_space<hbm>> -> memref<800x128xf32, #tpu.memory_space<hbm>>
      tpu.wait_indirect_dma semaphore(%arg13 : memref<!tpu.dma_semaphore, #tpu.memory_space<semaphore_mem>>) src(%dma_wait3A_1731 : memref<800x128xf32, #tpu.memory_space<hbm>>) dst(%arg6 : memref<128x128xf32, #tpu.memory_space<vmem>>)
      %mul3A_1732 = arith.constant 128 : i32
      %mul3A_1733 = arith.muli %add3A_1380, %mul3A_1732 : i32
      %add3A_1734 = arith.addi %mul3A_2, %mul3A_1733 : i32
      %dma_start3A_1735 = arith.constant 0 : i32
      %dma_start3A_1736 = tpu.memref_slice %arg4[%add3A_1734, %dma_start3A_1735] : memref<819200x128xf32, #tpu.memory_space<hbm>> -> memref<128x128xf32, #tpu.memory_space<hbm>>
      %dma_start3A_1737 = arith.constant 0 : i32
      %dma_start3A_1738 = tpu.memref_slice %arg4[%add3A_1734, %dma_start3A_1737] : memref<819200x128xf32, #tpu.memory_space<hbm>> -> memref<128x128xf32, #tpu.memory_space<hbm>>
      tpu.enqueue_dma source(%arg6 : memref<128x128xf32, #tpu.memory_space<vmem>>) target(%dma_start3A_1738 : memref<128x128xf32, #tpu.memory_space<hbm>>) target_semaphore(%arg19 : memref<!tpu.dma_semaphore, #tpu.memory_space<semaphore_mem>>)
      %mul3A_1739 = arith.constant 6 : i32
      %mul3A_1740 = arith.muli %mul3A_1739, %scan3A_1376 : i32
      %add3A_1741 = arith.constant 1 : i32
      %add3A_1742 = arith.addi %mul3A_1740, %add3A_1741 : i32
      %gt3A_1743 = arith.constant 0 : i32
      %gt3A_1744 = arith.cmpi sgt, %scan3A_1376, %gt3A_1743 : i32
      %convert_element_type3A_1745 = arith.extui %gt3A_1744 : i1 to i32
      %cond3A_1746 = arith.constant 0 : i32
      %cond3A_1747 = arith.cmpi ne, %convert_element_type3A_1745, %cond3A_1746 : i32
      scf.if %cond3A_1747 {
        %sub3A_2906 = arith.constant 3 : i32
        %sub3A_2907 = arith.subi %add3A_1742, %sub3A_2906 : i32
        %mul3A_2908 = arith.constant 128 : i32
        %mul3A_2909 = arith.muli %sub3A_2907, %mul3A_2908 : i32
        %add3A_2910 = arith.addi %mul3A_2, %mul3A_2909 : i32
        %dma_wait3A_2911 = arith.constant 0 : i32
        %dma_wait3A_2912 = tpu.memref_slice %arg4[%add3A_2910, %dma_wait3A_2911] : memref<819200x128xf32, #tpu.memory_space<hbm>> -> memref<128x128xf32, #tpu.memory_space<hbm>>
        %dma_wait3A_2913 = arith.constant 0 : i32
        %dma_wait3A_2914 = tpu.memref_slice %arg4[%add3A_2910, %dma_wait3A_2913] : memref<819200x128xf32, #tpu.memory_space<hbm>> -> memref<128x128xf32, #tpu.memory_space<hbm>>
        tpu.wait_dma2 semaphore(%arg23 : memref<!tpu.dma_semaphore, #tpu.memory_space<semaphore_mem>>) src(%arg10 : memref<128x128xf32, #tpu.memory_space<vmem>>) dst(%dma_wait3A_2914 : memref<128x128xf32, #tpu.memory_space<hbm>>)
      } else {
      }
      %add3A_1748 = arith.constant 3 : i32
      %add3A_1749 = arith.addi %add3A_1742, %add3A_1748 : i32
      %dma_start3A_1750 = arith.constant 0 : i32
      %dma_start3A_1751 = tpu.memref_slice %arg5[%add3A_1749, %dma_start3A_1750] : memref<200x128xi32, #tpu.memory_space<vmem>> -> memref<1x128xi32, #tpu.memory_space<vmem>>
      %dma_start3A_1752 = tpu.memref_squeeze %dma_start3A_1751 : memref<1x128xi32, #tpu.memory_space<vmem>> -> memref<128xi32, #tpu.memory_space<vmem>>
      %dma_start3A_1753 = arith.constant 0 : i32
      %dma_start3A_1754 = arith.constant 0 : i32
      %dma_start3A_1755 = tpu.memref_slice %arg2[%dma_start3A_1753, %dma_start3A_1754] : memref<800x128xf32, #tpu.memory_space<hbm>> -> memref<800x128xf32, #tpu.memory_space<hbm>>
      tpu.enqueue_indirect_dma source(%dma_start3A_1755 : memref<800x128xf32, #tpu.memory_space<hbm>>) target(%arg10 : memref<128x128xf32, #tpu.memory_space<vmem>>) offsets(%dma_start3A_1752 : memref<128xi32, #tpu.memory_space<vmem>>) semaphore(%arg17 : memref<!tpu.dma_semaphore, #tpu.memory_space<semaphore_mem>>)
      %add3A_1756 = arith.constant 3 : i32
      %add3A_1757 = arith.addi %add3A_1742, %add3A_1756 : i32
      %add3A_1758 = arith.constant 1 : i32
      %add3A_1759 = arith.addi %add3A_1757, %add3A_1758 : i32
      %iota3A_1760 = tpu.iota {dimensions = array<i32: 0>} : vector<16xi32>
      %get3A_1761 = arith.index_cast %add3A_1759 : i32 to index
      %get3A_1762 = arith.constant 0 : index
      %get3A_1763 = tpu.vector_load %arg5[%get3A_1761, %get3A_1762] {strides = array<i32>} : memref<200x128xi32, #tpu.memory_space<vmem>>, vector<1x16xi32>,
      %get3A_1764 = vector.shape_cast %get3A_1763 : vector<1x16xi32> to vector<16xi32>
      %mul3A_1765 = arith.constant 128 : i32
      %mul3A_1766 = arith.muli %add3A_1759, %mul3A_1765 : i32
      %add3A_1767 = arith.constant 0 : i32
      %add3A_1768 = arith.addi %mul3A_1766, %add3A_1767 : i32
      %add3A_1769 = vector.broadcast %add3A_1768 : i32 to vector<16xi32>
      %add3A_1770 = arith.addi %iota3A_1760, %add3A_1769 : vector<16xi32>
      %jit3A_1771 = arith.constant 200 : i32
      %eq3A_1772 = arith.constant 0 : i32
      %eq3A_1773 = arith.cmpi eq, %jit3A_1771, %eq3A_1772 : i32
      %jit3A_1774 = arith.constant 1 : i32
      %select_n3A_1775 = arith.select %eq3A_1773, %jit3A_1774, %jit3A_1771 : i32
      %rem3A_1776 = vector.broadcast %select_n3A_1775 : i32 to vector<16xi32>
      %rem3A_1777 = arith.remsi %add3A_1770, %rem3A_1776 : vector<16xi32>
      %ne3A_1778 = arith.constant 0 : i32
      %ne3A_1779 = vector.broadcast %ne3A_1778 : i32 to vector<16xi32>
      %ne3A_1780 = arith.cmpi ne, %rem3A_1777, %ne3A_1779 : vector<16xi32>
      %lt3A_1781 = arith.constant 0 : i32
      %lt3A_1782 = vector.broadcast %lt3A_1781 : i32 to vector<16xi32>
      %lt3A_1783 = arith.cmpi slt, %rem3A_1777, %lt3A_1782 : vector<16xi32>
      %lt3A_1784 = arith.constant 0 : i32
      %lt3A_1785 = arith.cmpi slt, %select_n3A_1775, %lt3A_1784 : i32
      %ne3A_1786 = vector.broadcast %lt3A_1785 : i1 to vector<16xi1>
      %ne3A_1787 = vector.broadcast %ne3A_1786 : vector<16xi1> to vector<16xi1>
      %ne3A_1788 = arith.xori %lt3A_1783, %ne3A_1787 : vector<16xi1>
      %and3A_1789 = arith.andi %ne3A_1788, %ne3A_1780 : vector<16xi1>
      %add3A_1790 = vector.broadcast %select_n3A_1775 : i32 to vector<16xi32>
      %add3A_1791 = arith.addi %rem3A_1777, %add3A_1790 : vector<16xi32>
      %select_n3A_1792 = arith.select %and3A_1789, %add3A_1791, %rem3A_1777 : vector<16xi1>, vector<16xi32>
      %mul3A_1793 = arith.constant 4 : i32
      %mul3A_1794 = vector.broadcast %mul3A_1793 : i32 to vector<16xi32>
      %mul3A_1795 = arith.muli %mul3A_1794, %select_n3A_1792 : vector<16xi32>
      %add3A_1796 = arith.addi %get3A_1764, %mul3A_1795 : vector<16xi32>
      %swap3A_1797 = arith.index_cast %add3A_1759 : i32 to index
      %swap3A_1798 = arith.constant 0 : index
      %swap3A_1799 = tpu.vector_load %arg5[%swap3A_1797, %swap3A_1798] {strides = array<i32>} : memref<200x128xi32, #tpu.memory_space<vmem>>, vector<1x16xi32>,
      %swap3A_1800 = vector.shape_cast %swap3A_1799 : vector<1x16xi32> to vector<16xi32>
      %swap3A_1801 = vector.shape_cast %add3A_1796 : vector<16xi32> to vector<1x16xi32>
      tpu.vector_store %arg5[%swap3A_1797, %swap3A_1798], %swap3A_1801 {strides = array<i32>} : memref<200x128xi32, #tpu.memory_space<vmem>>, vector<1x16xi32>,
      %get3A_1802 = arith.index_cast %add3A_1759 : i32 to index
      %get3A_1803 = arith.constant 16 : index
      %get3A_1804 = tpu.vector_load %arg5[%get3A_1802, %get3A_1803] {strides = array<i32>} : memref<200x128xi32, #tpu.memory_space<vmem>>, vector<1x16xi32>,
      %get3A_1805 = vector.shape_cast %get3A_1804 : vector<1x16xi32> to vector<16xi32>
      %mul3A_1806 = arith.constant 128 : i32
      %mul3A_1807 = arith.muli %add3A_1759, %mul3A_1806 : i32
      %add3A_1808 = arith.constant 16 : i32
      %add3A_1809 = arith.addi %mul3A_1807, %add3A_1808 : i32
      %add3A_1810 = vector.broadcast %add3A_1809 : i32 to vector<16xi32>
      %add3A_1811 = arith.addi %iota3A_1760, %add3A_1810 : vector<16xi32>
      %jit3A_1812 = arith.constant 200 : i32
      %eq3A_1813 = arith.constant 0 : i32
      %eq3A_1814 = arith.cmpi eq, %jit3A_1812, %eq3A_1813 : i32
      %jit3A_1815 = arith.constant 1 : i32
      %select_n3A_1816 = arith.select %eq3A_1814, %jit3A_1815, %jit3A_1812 : i32
      %rem3A_1817 = vector.broadcast %select_n3A_1816 : i32 to vector<16xi32>
      %rem3A_1818 = arith.remsi %add3A_1811, %rem3A_1817 : vector<16xi32>
      %ne3A_1819 = arith.constant 0 : i32
      %ne3A_1820 = vector.broadcast %ne3A_1819 : i32 to vector<16xi32>
      %ne3A_1821 = arith.cmpi ne, %rem3A_1818, %ne3A_1820 : vector<16xi32>
      %lt3A_1822 = arith.constant 0 : i32
      %lt3A_1823 = vector.broadcast %lt3A_1822 : i32 to vector<16xi32>
      %lt3A_1824 = arith.cmpi slt, %rem3A_1818, %lt3A_1823 : vector<16xi32>
      %lt3A_1825 = arith.constant 0 : i32
      %lt3A_1826 = arith.cmpi slt, %select_n3A_1816, %lt3A_1825 : i32
      %ne3A_1827 = vector.broadcast %lt3A_1826 : i1 to vector<16xi1>
      %ne3A_1828 = vector.broadcast %ne3A_1827 : vector<16xi1> to vector<16xi1>
      %ne3A_1829 = arith.xori %lt3A_1824, %ne3A_1828 : vector<16xi1>
      %and3A_1830 = arith.andi %ne3A_1829, %ne3A_1821 : vector<16xi1>
      %add3A_1831 = vector.broadcast %select_n3A_1816 : i32 to vector<16xi32>
      %add3A_1832 = arith.addi %rem3A_1818, %add3A_1831 : vector<16xi32>
      %select_n3A_1833 = arith.select %and3A_1830, %add3A_1832, %rem3A_1818 : vector<16xi1>, vector<16xi32>
      %mul3A_1834 = arith.constant 4 : i32
      %mul3A_1835 = vector.broadcast %mul3A_1834 : i32 to vector<16xi32>
      %mul3A_1836 = arith.muli %mul3A_1835, %select_n3A_1833 : vector<16xi32>
      %add3A_1837 = arith.addi %get3A_1805, %mul3A_1836 : vector<16xi32>
      %swap3A_1838 = arith.index_cast %add3A_1759 : i32 to index
      %swap3A_1839 = arith.constant 16 : index
      %swap3A_1840 = tpu.vector_load %arg5[%swap3A_1838, %swap3A_1839] {strides = array<i32>} : memref<200x128xi32, #tpu.memory_space<vmem>>, vector<1x16xi32>,
      %swap3A_1841 = vector.shape_cast %swap3A_1840 : vector<1x16xi32> to vector<16xi32>
      %swap3A_1842 = vector.shape_cast %add3A_1837 : vector<16xi32> to vector<1x16xi32>
      tpu.vector_store %arg5[%swap3A_1838, %swap3A_1839], %swap3A_1842 {strides = array<i32>} : memref<200x128xi32, #tpu.memory_space<vmem>>, vector<1x16xi32>,
      %get3A_1843 = arith.index_cast %add3A_1759 : i32 to index
      %get3A_1844 = arith.constant 32 : index
      %get3A_1845 = tpu.vector_load %arg5[%get3A_1843, %get3A_1844] {strides = array<i32>} : memref<200x128xi32, #tpu.memory_space<vmem>>, vector<1x16xi32>,
      %get3A_1846 = vector.shape_cast %get3A_1845 : vector<1x16xi32> to vector<16xi32>
      %mul3A_1847 = arith.constant 128 : i32
      %mul3A_1848 = arith.muli %add3A_1759, %mul3A_1847 : i32
      %add3A_1849 = arith.constant 32 : i32
      %add3A_1850 = arith.addi %mul3A_1848, %add3A_1849 : i32
      %add3A_1851 = vector.broadcast %add3A_1850 : i32 to vector<16xi32>
      %add3A_1852 = arith.addi %iota3A_1760, %add3A_1851 : vector<16xi32>
      %jit3A_1853 = arith.constant 200 : i32
      %eq3A_1854 = arith.constant 0 : i32
      %eq3A_1855 = arith.cmpi eq, %jit3A_1853, %eq3A_1854 : i32
      %jit3A_1856 = arith.constant 1 : i32
      %select_n3A_1857 = arith.select %eq3A_1855, %jit3A_1856, %jit3A_1853 : i32
      %rem3A_1858 = vector.broadcast %select_n3A_1857 : i32 to vector<16xi32>
      %rem3A_1859 = arith.remsi %add3A_1852, %rem3A_1858 : vector<16xi32>
      %ne3A_1860 = arith.constant 0 : i32
      %ne3A_1861 = vector.broadcast %ne3A_1860 : i32 to vector<16xi32>
      %ne3A_1862 = arith.cmpi ne, %rem3A_1859, %ne3A_1861 : vector<16xi32>
      %lt3A_1863 = arith.constant 0 : i32
      %lt3A_1864 = vector.broadcast %lt3A_1863 : i32 to vector<16xi32>
      %lt3A_1865 = arith.cmpi slt, %rem3A_1859, %lt3A_1864 : vector<16xi32>
      %lt3A_1866 = arith.constant 0 : i32
      %lt3A_1867 = arith.cmpi slt, %select_n3A_1857, %lt3A_1866 : i32
      %ne3A_1868 = vector.broadcast %lt3A_1867 : i1 to vector<16xi1>
      %ne3A_1869 = vector.broadcast %ne3A_1868 : vector<16xi1> to vector<16xi1>
      %ne3A_1870 = arith.xori %lt3A_1865, %ne3A_1869 : vector<16xi1>
      %and3A_1871 = arith.andi %ne3A_1870, %ne3A_1862 : vector<16xi1>
      %add3A_1872 = vector.broadcast %select_n3A_1857 : i32 to vector<16xi32>
      %add3A_1873 = arith.addi %rem3A_1859, %add3A_1872 : vector<16xi32>
      %select_n3A_1874 = arith.select %and3A_1871, %add3A_1873, %rem3A_1859 : vector<16xi1>, vector<16xi32>
      %mul3A_1875 = arith.constant 4 : i32
      %mul3A_1876 = vector.broadcast %mul3A_1875 : i32 to vector<16xi32>
      %mul3A_1877 = arith.muli %mul3A_1876, %select_n3A_1874 : vector<16xi32>
      %add3A_1878 = arith.addi %get3A_1846, %mul3A_1877 : vector<16xi32>
      %swap3A_1879 = arith.index_cast %add3A_1759 : i32 to index
      %swap3A_1880 = arith.constant 32 : index
      %swap3A_1881 = tpu.vector_load %arg5[%swap3A_1879, %swap3A_1880] {strides = array<i32>} : memref<200x128xi32, #tpu.memory_space<vmem>>, vector<1x16xi32>,
      %swap3A_1882 = vector.shape_cast %swap3A_1881 : vector<1x16xi32> to vector<16xi32>
      %swap3A_1883 = vector.shape_cast %add3A_1878 : vector<16xi32> to vector<1x16xi32>
      tpu.vector_store %arg5[%swap3A_1879, %swap3A_1880], %swap3A_1883 {strides = array<i32>} : memref<200x128xi32, #tpu.memory_space<vmem>>, vector<1x16xi32>,
      %get3A_1884 = arith.index_cast %add3A_1759 : i32 to index
      %get3A_1885 = arith.constant 48 : index
      %get3A_1886 = tpu.vector_load %arg5[%get3A_1884, %get3A_1885] {strides = array<i32>} : memref<200x128xi32, #tpu.memory_space<vmem>>, vector<1x16xi32>,
      %get3A_1887 = vector.shape_cast %get3A_1886 : vector<1x16xi32> to vector<16xi32>
      %mul3A_1888 = arith.constant 128 : i32
      %mul3A_1889 = arith.muli %add3A_1759, %mul3A_1888 : i32
      %add3A_1890 = arith.constant 48 : i32
      %add3A_1891 = arith.addi %mul3A_1889, %add3A_1890 : i32
      %add3A_1892 = vector.broadcast %add3A_1891 : i32 to vector<16xi32>
      %add3A_1893 = arith.addi %iota3A_1760, %add3A_1892 : vector<16xi32>
      %jit3A_1894 = arith.constant 200 : i32
      %eq3A_1895 = arith.constant 0 : i32
      %eq3A_1896 = arith.cmpi eq, %jit3A_1894, %eq3A_1895 : i32
      %jit3A_1897 = arith.constant 1 : i32
      %select_n3A_1898 = arith.select %eq3A_1896, %jit3A_1897, %jit3A_1894 : i32
      %rem3A_1899 = vector.broadcast %select_n3A_1898 : i32 to vector<16xi32>
      %rem3A_1900 = arith.remsi %add3A_1893, %rem3A_1899 : vector<16xi32>
      %ne3A_1901 = arith.constant 0 : i32
      %ne3A_1902 = vector.broadcast %ne3A_1901 : i32 to vector<16xi32>
      %ne3A_1903 = arith.cmpi ne, %rem3A_1900, %ne3A_1902 : vector<16xi32>
      %lt3A_1904 = arith.constant 0 : i32
      %lt3A_1905 = vector.broadcast %lt3A_1904 : i32 to vector<16xi32>
      %lt3A_1906 = arith.cmpi slt, %rem3A_1900, %lt3A_1905 : vector<16xi32>
      %lt3A_1907 = arith.constant 0 : i32
      %lt3A_1908 = arith.cmpi slt, %select_n3A_1898, %lt3A_1907 : i32
      %ne3A_1909 = vector.broadcast %lt3A_1908 : i1 to vector<16xi1>
      %ne3A_1910 = vector.broadcast %ne3A_1909 : vector<16xi1> to vector<16xi1>
      %ne3A_1911 = arith.xori %lt3A_1906, %ne3A_1910 : vector<16xi1>
      %and3A_1912 = arith.andi %ne3A_1911, %ne3A_1903 : vector<16xi1>
      %add3A_1913 = vector.broadcast %select_n3A_1898 : i32 to vector<16xi32>
      %add3A_1914 = arith.addi %rem3A_1900, %add3A_1913 : vector<16xi32>
      %select_n3A_1915 = arith.select %and3A_1912, %add3A_1914, %rem3A_1900 : vector<16xi1>, vector<16xi32>
      %mul3A_1916 = arith.constant 4 : i32
      %mul3A_1917 = vector.broadcast %mul3A_1916 : i32 to vector<16xi32>
      %mul3A_1918 = arith.muli %mul3A_1917, %select_n3A_1915 : vector<16xi32>
      %add3A_1919 = arith.addi %get3A_1887, %mul3A_1918 : vector<16xi32>
      %swap3A_1920 = arith.index_cast %add3A_1759 : i32 to index
      %swap3A_1921 = arith.constant 48 : index
      %swap3A_1922 = tpu.vector_load %arg5[%swap3A_1920, %swap3A_1921] {strides = array<i32>} : memref<200x128xi32, #tpu.memory_space<vmem>>, vector<1x16xi32>,
      %swap3A_1923 = vector.shape_cast %swap3A_1922 : vector<1x16xi32> to vector<16xi32>
      %swap3A_1924 = vector.shape_cast %add3A_1919 : vector<16xi32> to vector<1x16xi32>
      tpu.vector_store %arg5[%swap3A_1920, %swap3A_1921], %swap3A_1924 {strides = array<i32>} : memref<200x128xi32, #tpu.memory_space<vmem>>, vector<1x16xi32>,
      %get3A_1925 = arith.index_cast %add3A_1759 : i32 to index
      %get3A_1926 = arith.constant 64 : index
      %get3A_1927 = tpu.vector_load %arg5[%get3A_1925, %get3A_1926] {strides = array<i32>} : memref<200x128xi32, #tpu.memory_space<vmem>>, vector<1x16xi32>,
      %get3A_1928 = vector.shape_cast %get3A_1927 : vector<1x16xi32> to vector<16xi32>
      %mul3A_1929 = arith.constant 128 : i32
      %mul3A_1930 = arith.muli %add3A_1759, %mul3A_1929 : i32
      %add3A_1931 = arith.constant 64 : i32
      %add3A_1932 = arith.addi %mul3A_1930, %add3A_1931 : i32
      %add3A_1933 = vector.broadcast %add3A_1932 : i32 to vector<16xi32>
      %add3A_1934 = arith.addi %iota3A_1760, %add3A_1933 : vector<16xi32>
      %jit3A_1935 = arith.constant 200 : i32
      %eq3A_1936 = arith.constant 0 : i32
      %eq3A_1937 = arith.cmpi eq, %jit3A_1935, %eq3A_1936 : i32
      %jit3A_1938 = arith.constant 1 : i32
      %select_n3A_1939 = arith.select %eq3A_1937, %jit3A_1938, %jit3A_1935 : i32
      %rem3A_1940 = vector.broadcast %select_n3A_1939 : i32 to vector<16xi32>
      %rem3A_1941 = arith.remsi %add3A_1934, %rem3A_1940 : vector<16xi32>
      %ne3A_1942 = arith.constant 0 : i32
      %ne3A_1943 = vector.broadcast %ne3A_1942 : i32 to vector<16xi32>
      %ne3A_1944 = arith.cmpi ne, %rem3A_1941, %ne3A_1943 : vector<16xi32>
      %lt3A_1945 = arith.constant 0 : i32
      %lt3A_1946 = vector.broadcast %lt3A_1945 : i32 to vector<16xi32>
      %lt3A_1947 = arith.cmpi slt, %rem3A_1941, %lt3A_1946 : vector<16xi32>
      %lt3A_1948 = arith.constant 0 : i32
      %lt3A_1949 = arith.cmpi slt, %select_n3A_1939, %lt3A_1948 : i32
      %ne3A_1950 = vector.broadcast %lt3A_1949 : i1 to vector<16xi1>
      %ne3A_1951 = vector.broadcast %ne3A_1950 : vector<16xi1> to vector<16xi1>
      %ne3A_1952 = arith.xori %lt3A_1947, %ne3A_1951 : vector<16xi1>
      %and3A_1953 = arith.andi %ne3A_1952, %ne3A_1944 : vector<16xi1>
      %add3A_1954 = vector.broadcast %select_n3A_1939 : i32 to vector<16xi32>
      %add3A_1955 = arith.addi %rem3A_1941, %add3A_1954 : vector<16xi32>
      %select_n3A_1956 = arith.select %and3A_1953, %add3A_1955, %rem3A_1941 : vector<16xi1>, vector<16xi32>
      %mul3A_1957 = arith.constant 4 : i32
      %mul3A_1958 = vector.broadcast %mul3A_1957 : i32 to vector<16xi32>
      %mul3A_1959 = arith.muli %mul3A_1958, %select_n3A_1956 : vector<16xi32>
      %add3A_1960 = arith.addi %get3A_1928, %mul3A_1959 : vector<16xi32>
      %swap3A_1961 = arith.index_cast %add3A_1759 : i32 to index
      %swap3A_1962 = arith.constant 64 : index
      %swap3A_1963 = tpu.vector_load %arg5[%swap3A_1961, %swap3A_1962] {strides = array<i32>} : memref<200x128xi32, #tpu.memory_space<vmem>>, vector<1x16xi32>,
      %swap3A_1964 = vector.shape_cast %swap3A_1963 : vector<1x16xi32> to vector<16xi32>
      %swap3A_1965 = vector.shape_cast %add3A_1960 : vector<16xi32> to vector<1x16xi32>
      tpu.vector_store %arg5[%swap3A_1961, %swap3A_1962], %swap3A_1965 {strides = array<i32>} : memref<200x128xi32, #tpu.memory_space<vmem>>, vector<1x16xi32>,
      %get3A_1966 = arith.index_cast %add3A_1759 : i32 to index
      %get3A_1967 = arith.constant 80 : index
      %get3A_1968 = tpu.vector_load %arg5[%get3A_1966, %get3A_1967] {strides = array<i32>} : memref<200x128xi32, #tpu.memory_space<vmem>>, vector<1x16xi32>,
      %get3A_1969 = vector.shape_cast %get3A_1968 : vector<1x16xi32> to vector<16xi32>
      %mul3A_1970 = arith.constant 128 : i32
      %mul3A_1971 = arith.muli %add3A_1759, %mul3A_1970 : i32
      %add3A_1972 = arith.constant 80 : i32
      %add3A_1973 = arith.addi %mul3A_1971, %add3A_1972 : i32
      %add3A_1974 = vector.broadcast %add3A_1973 : i32 to vector<16xi32>
      %add3A_1975 = arith.addi %iota3A_1760, %add3A_1974 : vector<16xi32>
      %jit3A_1976 = arith.constant 200 : i32
      %eq3A_1977 = arith.constant 0 : i32
      %eq3A_1978 = arith.cmpi eq, %jit3A_1976, %eq3A_1977 : i32
      %jit3A_1979 = arith.constant 1 : i32
      %select_n3A_1980 = arith.select %eq3A_1978, %jit3A_1979, %jit3A_1976 : i32
      %rem3A_1981 = vector.broadcast %select_n3A_1980 : i32 to vector<16xi32>
      %rem3A_1982 = arith.remsi %add3A_1975, %rem3A_1981 : vector<16xi32>
      %ne3A_1983 = arith.constant 0 : i32
      %ne3A_1984 = vector.broadcast %ne3A_1983 : i32 to vector<16xi32>
      %ne3A_1985 = arith.cmpi ne, %rem3A_1982, %ne3A_1984 : vector<16xi32>
      %lt3A_1986 = arith.constant 0 : i32
      %lt3A_1987 = vector.broadcast %lt3A_1986 : i32 to vector<16xi32>
      %lt3A_1988 = arith.cmpi slt, %rem3A_1982, %lt3A_1987 : vector<16xi32>
      %lt3A_1989 = arith.constant 0 : i32
      %lt3A_1990 = arith.cmpi slt, %select_n3A_1980, %lt3A_1989 : i32
      %ne3A_1991 = vector.broadcast %lt3A_1990 : i1 to vector<16xi1>
      %ne3A_1992 = vector.broadcast %ne3A_1991 : vector<16xi1> to vector<16xi1>
      %ne3A_1993 = arith.xori %lt3A_1988, %ne3A_1992 : vector<16xi1>
      %and3A_1994 = arith.andi %ne3A_1993, %ne3A_1985 : vector<16xi1>
      %add3A_1995 = vector.broadcast %select_n3A_1980 : i32 to vector<16xi32>
      %add3A_1996 = arith.addi %rem3A_1982, %add3A_1995 : vector<16xi32>
      %select_n3A_1997 = arith.select %and3A_1994, %add3A_1996, %rem3A_1982 : vector<16xi1>, vector<16xi32>
      %mul3A_1998 = arith.constant 4 : i32
      %mul3A_1999 = vector.broadcast %mul3A_1998 : i32 to vector<16xi32>
      %mul3A_2000 = arith.muli %mul3A_1999, %select_n3A_1997 : vector<16xi32>
      %add3A_2001 = arith.addi %get3A_1969, %mul3A_2000 : vector<16xi32>
      %swap3A_2002 = arith.index_cast %add3A_1759 : i32 to index
      %swap3A_2003 = arith.constant 80 : index
      %swap3A_2004 = tpu.vector_load %arg5[%swap3A_2002, %swap3A_2003] {strides = array<i32>} : memref<200x128xi32, #tpu.memory_space<vmem>>, vector<1x16xi32>,
      %swap3A_2005 = vector.shape_cast %swap3A_2004 : vector<1x16xi32> to vector<16xi32>
      %swap3A_2006 = vector.shape_cast %add3A_2001 : vector<16xi32> to vector<1x16xi32>
      tpu.vector_store %arg5[%swap3A_2002, %swap3A_2003], %swap3A_2006 {strides = array<i32>} : memref<200x128xi32, #tpu.memory_space<vmem>>, vector<1x16xi32>,
      %get3A_2007 = arith.index_cast %add3A_1759 : i32 to index
      %get3A_2008 = arith.constant 96 : index
      %get3A_2009 = tpu.vector_load %arg5[%get3A_2007, %get3A_2008] {strides = array<i32>} : memref<200x128xi32, #tpu.memory_space<vmem>>, vector<1x16xi32>,
      %get3A_2010 = vector.shape_cast %get3A_2009 : vector<1x16xi32> to vector<16xi32>
      %mul3A_2011 = arith.constant 128 : i32
      %mul3A_2012 = arith.muli %add3A_1759, %mul3A_2011 : i32
      %add3A_2013 = arith.constant 96 : i32
      %add3A_2014 = arith.addi %mul3A_2012, %add3A_2013 : i32
      %add3A_2015 = vector.broadcast %add3A_2014 : i32 to vector<16xi32>
      %add3A_2016 = arith.addi %iota3A_1760, %add3A_2015 : vector<16xi32>
      %jit3A_2017 = arith.constant 200 : i32
      %eq3A_2018 = arith.constant 0 : i32
      %eq3A_2019 = arith.cmpi eq, %jit3A_2017, %eq3A_2018 : i32
      %jit3A_2020 = arith.constant 1 : i32
      %select_n3A_2021 = arith.select %eq3A_2019, %jit3A_2020, %jit3A_2017 : i32
      %rem3A_2022 = vector.broadcast %select_n3A_2021 : i32 to vector<16xi32>
      %rem3A_2023 = arith.remsi %add3A_2016, %rem3A_2022 : vector<16xi32>
      %ne3A_2024 = arith.constant 0 : i32
      %ne3A_2025 = vector.broadcast %ne3A_2024 : i32 to vector<16xi32>
      %ne3A_2026 = arith.cmpi ne, %rem3A_2023, %ne3A_2025 : vector<16xi32>
      %lt3A_2027 = arith.constant 0 : i32
      %lt3A_2028 = vector.broadcast %lt3A_2027 : i32 to vector<16xi32>
      %lt3A_2029 = arith.cmpi slt, %rem3A_2023, %lt3A_2028 : vector<16xi32>
      %lt3A_2030 = arith.constant 0 : i32
      %lt3A_2031 = arith.cmpi slt, %select_n3A_2021, %lt3A_2030 : i32
      %ne3A_2032 = vector.broadcast %lt3A_2031 : i1 to vector<16xi1>
      %ne3A_2033 = vector.broadcast %ne3A_2032 : vector<16xi1> to vector<16xi1>
      %ne3A_2034 = arith.xori %lt3A_2029, %ne3A_2033 : vector<16xi1>
      %and3A_2035 = arith.andi %ne3A_2034, %ne3A_2026 : vector<16xi1>
      %add3A_2036 = vector.broadcast %select_n3A_2021 : i32 to vector<16xi32>
      %add3A_2037 = arith.addi %rem3A_2023, %add3A_2036 : vector<16xi32>
      %select_n3A_2038 = arith.select %and3A_2035, %add3A_2037, %rem3A_2023 : vector<16xi1>, vector<16xi32>
      %mul3A_2039 = arith.constant 4 : i32
      %mul3A_2040 = vector.broadcast %mul3A_2039 : i32 to vector<16xi32>
      %mul3A_2041 = arith.muli %mul3A_2040, %select_n3A_2038 : vector<16xi32>
      %add3A_2042 = arith.addi %get3A_2010, %mul3A_2041 : vector<16xi32>
      %swap3A_2043 = arith.index_cast %add3A_1759 : i32 to index
      %swap3A_2044 = arith.constant 96 : index
      %swap3A_2045 = tpu.vector_load %arg5[%swap3A_2043, %swap3A_2044] {strides = array<i32>} : memref<200x128xi32, #tpu.memory_space<vmem>>, vector<1x16xi32>,
      %swap3A_2046 = vector.shape_cast %swap3A_2045 : vector<1x16xi32> to vector<16xi32>
      %swap3A_2047 = vector.shape_cast %add3A_2042 : vector<16xi32> to vector<1x16xi32>
      tpu.vector_store %arg5[%swap3A_2043, %swap3A_2044], %swap3A_2047 {strides = array<i32>} : memref<200x128xi32, #tpu.memory_space<vmem>>, vector<1x16xi32>,
      %get3A_2048 = arith.index_cast %add3A_1759 : i32 to index
      %get3A_2049 = arith.constant 112 : index
      %get3A_2050 = tpu.vector_load %arg5[%get3A_2048, %get3A_2049] {strides = array<i32>} : memref<200x128xi32, #tpu.memory_space<vmem>>, vector<1x16xi32>,
      %get3A_2051 = vector.shape_cast %get3A_2050 : vector<1x16xi32> to vector<16xi32>
      %mul3A_2052 = arith.constant 128 : i32
      %mul3A_2053 = arith.muli %add3A_1759, %mul3A_2052 : i32
      %add3A_2054 = arith.constant 112 : i32
      %add3A_2055 = arith.addi %mul3A_2053, %add3A_2054 : i32
      %add3A_2056 = vector.broadcast %add3A_2055 : i32 to vector<16xi32>
      %add3A_2057 = arith.addi %iota3A_1760, %add3A_2056 : vector<16xi32>
      %jit3A_2058 = arith.constant 200 : i32
      %eq3A_2059 = arith.constant 0 : i32
      %eq3A_2060 = arith.cmpi eq, %jit3A_2058, %eq3A_2059 : i32
      %jit3A_2061 = arith.constant 1 : i32
      %select_n3A_2062 = arith.select %eq3A_2060, %jit3A_2061, %jit3A_2058 : i32
      %rem3A_2063 = vector.broadcast %select_n3A_2062 : i32 to vector<16xi32>
      %rem3A_2064 = arith.remsi %add3A_2057, %rem3A_2063 : vector<16xi32>
      %ne3A_2065 = arith.constant 0 : i32
      %ne3A_2066 = vector.broadcast %ne3A_2065 : i32 to vector<16xi32>
      %ne3A_2067 = arith.cmpi ne, %rem3A_2064, %ne3A_2066 : vector<16xi32>
      %lt3A_2068 = arith.constant 0 : i32
      %lt3A_2069 = vector.broadcast %lt3A_2068 : i32 to vector<16xi32>
      %lt3A_2070 = arith.cmpi slt, %rem3A_2064, %lt3A_2069 : vector<16xi32>
      %lt3A_2071 = arith.constant 0 : i32
      %lt3A_2072 = arith.cmpi slt, %select_n3A_2062, %lt3A_2071 : i32
      %ne3A_2073 = vector.broadcast %lt3A_2072 : i1 to vector<16xi1>
      %ne3A_2074 = vector.broadcast %ne3A_2073 : vector<16xi1> to vector<16xi1>
      %ne3A_2075 = arith.xori %lt3A_2070, %ne3A_2074 : vector<16xi1>
      %and3A_2076 = arith.andi %ne3A_2075, %ne3A_2067 : vector<16xi1>
      %add3A_2077 = vector.broadcast %select_n3A_2062 : i32 to vector<16xi32>
      %add3A_2078 = arith.addi %rem3A_2064, %add3A_2077 : vector<16xi32>
      %select_n3A_2079 = arith.select %and3A_2076, %add3A_2078, %rem3A_2064 : vector<16xi1>, vector<16xi32>
      %mul3A_2080 = arith.constant 4 : i32
      %mul3A_2081 = vector.broadcast %mul3A_2080 : i32 to vector<16xi32>
      %mul3A_2082 = arith.muli %mul3A_2081, %select_n3A_2079 : vector<16xi32>
      %add3A_2083 = arith.addi %get3A_2051, %mul3A_2082 : vector<16xi32>
      %swap3A_2084 = arith.index_cast %add3A_1759 : i32 to index
      %swap3A_2085 = arith.constant 112 : index
      %swap3A_2086 = tpu.vector_load %arg5[%swap3A_2084, %swap3A_2085] {strides = array<i32>} : memref<200x128xi32, #tpu.memory_space<vmem>>, vector<1x16xi32>,
      %swap3A_2087 = vector.shape_cast %swap3A_2086 : vector<1x16xi32> to vector<16xi32>
      %swap3A_2088 = vector.shape_cast %add3A_2083 : vector<16xi32> to vector<1x16xi32>
      tpu.vector_store %arg5[%swap3A_2084, %swap3A_2085], %swap3A_2088 {strides = array<i32>} : memref<200x128xi32, #tpu.memory_space<vmem>>, vector<1x16xi32>,
      %dma_wait3A_2089 = arith.constant 0 : i32
      %dma_wait3A_2090 = tpu.memref_slice %arg5[%add3A_1742, %dma_wait3A_2089] : memref<200x128xi32, #tpu.memory_space<vmem>> -> memref<1x128xi32, #tpu.memory_space<vmem>>
      %dma_wait3A_2091 = tpu.memref_squeeze %dma_wait3A_2090 : memref<1x128xi32, #tpu.memory_space<vmem>> -> memref<128xi32, #tpu.memory_space<vmem>>
      %dma_wait3A_2092 = arith.constant 0 : i32
      %dma_wait3A_2093 = arith.constant 0 : i32
      %dma_wait3A_2094 = tpu.memref_slice %arg2[%dma_wait3A_2092, %dma_wait3A_2093] : memref<800x128xf32, #tpu.memory_space<hbm>> -> memref<800x128xf32, #tpu.memory_space<hbm>>
      tpu.wait_indirect_dma semaphore(%arg14 : memref<!tpu.dma_semaphore, #tpu.memory_space<semaphore_mem>>) src(%dma_wait3A_2094 : memref<800x128xf32, #tpu.memory_space<hbm>>) dst(%arg7 : memref<128x128xf32, #tpu.memory_space<vmem>>)
      %mul3A_2095 = arith.constant 128 : i32
      %mul3A_2096 = arith.muli %add3A_1742, %mul3A_2095 : i32
      %add3A_2097 = arith.addi %mul3A_2, %mul3A_2096 : i32
      %dma_start3A_2098 = arith.constant 0 : i32
      %dma_start3A_2099 = tpu.memref_slice %arg4[%add3A_2097, %dma_start3A_2098] : memref<819200x128xf32, #tpu.memory_space<hbm>> -> memref<128x128xf32, #tpu.memory_space<hbm>>
      %dma_start3A_2100 = arith.constant 0 : i32
      %dma_start3A_2101 = tpu.memref_slice %arg4[%add3A_2097, %dma_start3A_2100] : memref<819200x128xf32, #tpu.memory_space<hbm>> -> memref<128x128xf32, #tpu.memory_space<hbm>>
      tpu.enqueue_dma source(%arg7 : memref<128x128xf32, #tpu.memory_space<vmem>>) target(%dma_start3A_2101 : memref<128x128xf32, #tpu.memory_space<hbm>>) target_semaphore(%arg20 : memref<!tpu.dma_semaphore, #tpu.memory_space<semaphore_mem>>)
      %mul3A_2102 = arith.constant 6 : i32
      %mul3A_2103 = arith.muli %mul3A_2102, %scan3A_1376 : i32
      %add3A_2104 = arith.constant 2 : i32
      %add3A_2105 = arith.addi %mul3A_2103, %add3A_2104 : i32
      %gt3A_2106 = arith.constant 0 : i32
      %gt3A_2107 = arith.cmpi sgt, %scan3A_1376, %gt3A_2106 : i32
      %convert_element_type3A_2108 = arith.extui %gt3A_2107 : i1 to i32
      %cond3A_2109 = arith.constant 0 : i32
      %cond3A_2110 = arith.cmpi ne, %convert_element_type3A_2108, %cond3A_2109 : i32
      scf.if %cond3A_2110 {
        %sub3A_2906 = arith.constant 3 : i32
        %sub3A_2907 = arith.subi %add3A_2105, %sub3A_2906 : i32
        %mul3A_2908 = arith.constant 128 : i32
        %mul3A_2909 = arith.muli %sub3A_2907, %mul3A_2908 : i32
        %add3A_2910 = arith.addi %mul3A_2, %mul3A_2909 : i32
        %dma_wait3A_2911 = arith.constant 0 : i32
        %dma_wait3A_2912 = tpu.memref_slice %arg4[%add3A_2910, %dma_wait3A_2911] : memref<819200x128xf32, #tpu.memory_space<hbm>> -> memref<128x128xf32, #tpu.memory_space<hbm>>
        %dma_wait3A_2913 = arith.constant 0 : i32
        %dma_wait3A_2914 = tpu.memref_slice %arg4[%add3A_2910, %dma_wait3A_2913] : memref<819200x128xf32, #tpu.memory_space<hbm>> -> memref<128x128xf32, #tpu.memory_space<hbm>>
        tpu.wait_dma2 semaphore(%arg24 : memref<!tpu.dma_semaphore, #tpu.memory_space<semaphore_mem>>) src(%arg11 : memref<128x128xf32, #tpu.memory_space<vmem>>) dst(%dma_wait3A_2914 : memref<128x128xf32, #tpu.memory_space<hbm>>)
      } else {
      }
      %add3A_2111 = arith.constant 3 : i32
      %add3A_2112 = arith.addi %add3A_2105, %add3A_2111 : i32
      %dma_start3A_2113 = arith.constant 0 : i32
      %dma_start3A_2114 = tpu.memref_slice %arg5[%add3A_2112, %dma_start3A_2113] : memref<200x128xi32, #tpu.memory_space<vmem>> -> memref<1x128xi32, #tpu.memory_space<vmem>>
      %dma_start3A_2115 = tpu.memref_squeeze %dma_start3A_2114 : memref<1x128xi32, #tpu.memory_space<vmem>> -> memref<128xi32, #tpu.memory_space<vmem>>
      %dma_start3A_2116 = arith.constant 0 : i32
      %dma_start3A_2117 = arith.constant 0 : i32
      %dma_start3A_2118 = tpu.memref_slice %arg2[%dma_start3A_2116, %dma_start3A_2117] : memref<800x128xf32, #tpu.memory_space<hbm>> -> memref<800x128xf32, #tpu.memory_space<hbm>>
      tpu.enqueue_indirect_dma source(%dma_start3A_2118 : memref<800x128xf32, #tpu.memory_space<hbm>>) target(%arg11 : memref<128x128xf32, #tpu.memory_space<vmem>>) offsets(%dma_start3A_2115 : memref<128xi32, #tpu.memory_space<vmem>>) semaphore(%arg18 : memref<!tpu.dma_semaphore, #tpu.memory_space<semaphore_mem>>)
      %add3A_2119 = arith.constant 3 : i32
      %add3A_2120 = arith.addi %add3A_2105, %add3A_2119 : i32
      %add3A_2121 = arith.constant 1 : i32
      %add3A_2122 = arith.addi %add3A_2120, %add3A_2121 : i32
      %iota3A_2123 = tpu.iota {dimensions = array<i32: 0>} : vector<16xi32>
      %get3A_2124 = arith.index_cast %add3A_2122 : i32 to index
      %get3A_2125 = arith.constant 0 : index
      %get3A_2126 = tpu.vector_load %arg5[%get3A_2124, %get3A_2125] {strides = array<i32>} : memref<200x128xi32, #tpu.memory_space<vmem>>, vector<1x16xi32>,
      %get3A_2127 = vector.shape_cast %get3A_2126 : vector<1x16xi32> to vector<16xi32>
      %mul3A_2128 = arith.constant 128 : i32
      %mul3A_2129 = arith.muli %add3A_2122, %mul3A_2128 : i32
      %add3A_2130 = arith.constant 0 : i32
      %add3A_2131 = arith.addi %mul3A_2129, %add3A_2130 : i32
      %add3A_2132 = vector.broadcast %add3A_2131 : i32 to vector<16xi32>
      %add3A_2133 = arith.addi %iota3A_2123, %add3A_2132 : vector<16xi32>
      %jit3A_2134 = arith.constant 200 : i32
      %eq3A_2135 = arith.constant 0 : i32
      %eq3A_2136 = arith.cmpi eq, %jit3A_2134, %eq3A_2135 : i32
      %jit3A_2137 = arith.constant 1 : i32
      %select_n3A_2138 = arith.select %eq3A_2136, %jit3A_2137, %jit3A_2134 : i32
      %rem3A_2139 = vector.broadcast %select_n3A_2138 : i32 to vector<16xi32>
      %rem3A_2140 = arith.remsi %add3A_2133, %rem3A_2139 : vector<16xi32>
      %ne3A_2141 = arith.constant 0 : i32
      %ne3A_2142 = vector.broadcast %ne3A_2141 : i32 to vector<16xi32>
      %ne3A_2143 = arith.cmpi ne, %rem3A_2140, %ne3A_2142 : vector<16xi32>
      %lt3A_2144 = arith.constant 0 : i32
      %lt3A_2145 = vector.broadcast %lt3A_2144 : i32 to vector<16xi32>
      %lt3A_2146 = arith.cmpi slt, %rem3A_2140, %lt3A_2145 : vector<16xi32>
      %lt3A_2147 = arith.constant 0 : i32
      %lt3A_2148 = arith.cmpi slt, %select_n3A_2138, %lt3A_2147 : i32
      %ne3A_2149 = vector.broadcast %lt3A_2148 : i1 to vector<16xi1>
      %ne3A_2150 = vector.broadcast %ne3A_2149 : vector<16xi1> to vector<16xi1>
      %ne3A_2151 = arith.xori %lt3A_2146, %ne3A_2150 : vector<16xi1>
      %and3A_2152 = arith.andi %ne3A_2151, %ne3A_2143 : vector<16xi1>
      %add3A_2153 = vector.broadcast %select_n3A_2138 : i32 to vector<16xi32>
      %add3A_2154 = arith.addi %rem3A_2140, %add3A_2153 : vector<16xi32>
      %select_n3A_2155 = arith.select %and3A_2152, %add3A_2154, %rem3A_2140 : vector<16xi1>, vector<16xi32>
      %mul3A_2156 = arith.constant 4 : i32
      %mul3A_2157 = vector.broadcast %mul3A_2156 : i32 to vector<16xi32>
      %mul3A_2158 = arith.muli %mul3A_2157, %select_n3A_2155 : vector<16xi32>
      %add3A_2159 = arith.addi %get3A_2127, %mul3A_2158 : vector<16xi32>
      %swap3A_2160 = arith.index_cast %add3A_2122 : i32 to index
      %swap3A_2161 = arith.constant 0 : index
      %swap3A_2162 = tpu.vector_load %arg5[%swap3A_2160, %swap3A_2161] {strides = array<i32>} : memref<200x128xi32, #tpu.memory_space<vmem>>, vector<1x16xi32>,
      %swap3A_2163 = vector.shape_cast %swap3A_2162 : vector<1x16xi32> to vector<16xi32>
      %swap3A_2164 = vector.shape_cast %add3A_2159 : vector<16xi32> to vector<1x16xi32>
      tpu.vector_store %arg5[%swap3A_2160, %swap3A_2161], %swap3A_2164 {strides = array<i32>} : memref<200x128xi32, #tpu.memory_space<vmem>>, vector<1x16xi32>,
      %get3A_2165 = arith.index_cast %add3A_2122 : i32 to index
      %get3A_2166 = arith.constant 16 : index
      %get3A_2167 = tpu.vector_load %arg5[%get3A_2165, %get3A_2166] {strides = array<i32>} : memref<200x128xi32, #tpu.memory_space<vmem>>, vector<1x16xi32>,
      %get3A_2168 = vector.shape_cast %get3A_2167 : vector<1x16xi32> to vector<16xi32>
      %mul3A_2169 = arith.constant 128 : i32
      %mul3A_2170 = arith.muli %add3A_2122, %mul3A_2169 : i32
      %add3A_2171 = arith.constant 16 : i32
      %add3A_2172 = arith.addi %mul3A_2170, %add3A_2171 : i32
      %add3A_2173 = vector.broadcast %add3A_2172 : i32 to vector<16xi32>
      %add3A_2174 = arith.addi %iota3A_2123, %add3A_2173 : vector<16xi32>
      %jit3A_2175 = arith.constant 200 : i32
      %eq3A_2176 = arith.constant 0 : i32
      %eq3A_2177 = arith.cmpi eq, %jit3A_2175, %eq3A_2176 : i32
      %jit3A_2178 = arith.constant 1 : i32
      %select_n3A_2179 = arith.select %eq3A_2177, %jit3A_2178, %jit3A_2175 : i32
      %rem3A_2180 = vector.broadcast %select_n3A_2179 : i32 to vector<16xi32>
      %rem3A_2181 = arith.remsi %add3A_2174, %rem3A_2180 : vector<16xi32>
      %ne3A_2182 = arith.constant 0 : i32
      %ne3A_2183 = vector.broadcast %ne3A_2182 : i32 to vector<16xi32>
      %ne3A_2184 = arith.cmpi ne, %rem3A_2181, %ne3A_2183 : vector<16xi32>
      %lt3A_2185 = arith.constant 0 : i32
      %lt3A_2186 = vector.broadcast %lt3A_2185 : i32 to vector<16xi32>
      %lt3A_2187 = arith.cmpi slt, %rem3A_2181, %lt3A_2186 : vector<16xi32>
      %lt3A_2188 = arith.constant 0 : i32
      %lt3A_2189 = arith.cmpi slt, %select_n3A_2179, %lt3A_2188 : i32
      %ne3A_2190 = vector.broadcast %lt3A_2189 : i1 to vector<16xi1>
      %ne3A_2191 = vector.broadcast %ne3A_2190 : vector<16xi1> to vector<16xi1>
      %ne3A_2192 = arith.xori %lt3A_2187, %ne3A_2191 : vector<16xi1>
      %and3A_2193 = arith.andi %ne3A_2192, %ne3A_2184 : vector<16xi1>
      %add3A_2194 = vector.broadcast %select_n3A_2179 : i32 to vector<16xi32>
      %add3A_2195 = arith.addi %rem3A_2181, %add3A_2194 : vector<16xi32>
      %select_n3A_2196 = arith.select %and3A_2193, %add3A_2195, %rem3A_2181 : vector<16xi1>, vector<16xi32>
      %mul3A_2197 = arith.constant 4 : i32
      %mul3A_2198 = vector.broadcast %mul3A_2197 : i32 to vector<16xi32>
      %mul3A_2199 = arith.muli %mul3A_2198, %select_n3A_2196 : vector<16xi32>
      %add3A_2200 = arith.addi %get3A_2168, %mul3A_2199 : vector<16xi32>
      %swap3A_2201 = arith.index_cast %add3A_2122 : i32 to index
      %swap3A_2202 = arith.constant 16 : index
      %swap3A_2203 = tpu.vector_load %arg5[%swap3A_2201, %swap3A_2202] {strides = array<i32>} : memref<200x128xi32, #tpu.memory_space<vmem>>, vector<1x16xi32>,
      %swap3A_2204 = vector.shape_cast %swap3A_2203 : vector<1x16xi32> to vector<16xi32>
      %swap3A_2205 = vector.shape_cast %add3A_2200 : vector<16xi32> to vector<1x16xi32>
      tpu.vector_store %arg5[%swap3A_2201, %swap3A_2202], %swap3A_2205 {strides = array<i32>} : memref<200x128xi32, #tpu.memory_space<vmem>>, vector<1x16xi32>,
      %get3A_2206 = arith.index_cast %add3A_2122 : i32 to index
      %get3A_2207 = arith.constant 32 : index
      %get3A_2208 = tpu.vector_load %arg5[%get3A_2206, %get3A_2207] {strides = array<i32>} : memref<200x128xi32, #tpu.memory_space<vmem>>, vector<1x16xi32>,
      %get3A_2209 = vector.shape_cast %get3A_2208 : vector<1x16xi32> to vector<16xi32>
      %mul3A_2210 = arith.constant 128 : i32
      %mul3A_2211 = arith.muli %add3A_2122, %mul3A_2210 : i32
      %add3A_2212 = arith.constant 32 : i32
      %add3A_2213 = arith.addi %mul3A_2211, %add3A_2212 : i32
      %add3A_2214 = vector.broadcast %add3A_2213 : i32 to vector<16xi32>
      %add3A_2215 = arith.addi %iota3A_2123, %add3A_2214 : vector<16xi32>
      %jit3A_2216 = arith.constant 200 : i32
      %eq3A_2217 = arith.constant 0 : i32
      %eq3A_2218 = arith.cmpi eq, %jit3A_2216, %eq3A_2217 : i32
      %jit3A_2219 = arith.constant 1 : i32
      %select_n3A_2220 = arith.select %eq3A_2218, %jit3A_2219, %jit3A_2216 : i32
      %rem3A_2221 = vector.broadcast %select_n3A_2220 : i32 to vector<16xi32>
      %rem3A_2222 = arith.remsi %add3A_2215, %rem3A_2221 : vector<16xi32>
      %ne3A_2223 = arith.constant 0 : i32
      %ne3A_2224 = vector.broadcast %ne3A_2223 : i32 to vector<16xi32>
      %ne3A_2225 = arith.cmpi ne, %rem3A_2222, %ne3A_2224 : vector<16xi32>
      %lt3A_2226 = arith.constant 0 : i32
      %lt3A_2227 = vector.broadcast %lt3A_2226 : i32 to vector<16xi32>
      %lt3A_2228 = arith.cmpi slt, %rem3A_2222, %lt3A_2227 : vector<16xi32>
      %lt3A_2229 = arith.constant 0 : i32
      %lt3A_2230 = arith.cmpi slt, %select_n3A_2220, %lt3A_2229 : i32
      %ne3A_2231 = vector.broadcast %lt3A_2230 : i1 to vector<16xi1>
      %ne3A_2232 = vector.broadcast %ne3A_2231 : vector<16xi1> to vector<16xi1>
      %ne3A_2233 = arith.xori %lt3A_2228, %ne3A_2232 : vector<16xi1>
      %and3A_2234 = arith.andi %ne3A_2233, %ne3A_2225 : vector<16xi1>
      %add3A_2235 = vector.broadcast %select_n3A_2220 : i32 to vector<16xi32>
      %add3A_2236 = arith.addi %rem3A_2222, %add3A_2235 : vector<16xi32>
      %select_n3A_2237 = arith.select %and3A_2234, %add3A_2236, %rem3A_2222 : vector<16xi1>, vector<16xi32>
      %mul3A_2238 = arith.constant 4 : i32
      %mul3A_2239 = vector.broadcast %mul3A_2238 : i32 to vector<16xi32>
      %mul3A_2240 = arith.muli %mul3A_2239, %select_n3A_2237 : vector<16xi32>
      %add3A_2241 = arith.addi %get3A_2209, %mul3A_2240 : vector<16xi32>
      %swap3A_2242 = arith.index_cast %add3A_2122 : i32 to index
      %swap3A_2243 = arith.constant 32 : index
      %swap3A_2244 = tpu.vector_load %arg5[%swap3A_2242, %swap3A_2243] {strides = array<i32>} : memref<200x128xi32, #tpu.memory_space<vmem>>, vector<1x16xi32>,
      %swap3A_2245 = vector.shape_cast %swap3A_2244 : vector<1x16xi32> to vector<16xi32>
      %swap3A_2246 = vector.shape_cast %add3A_2241 : vector<16xi32> to vector<1x16xi32>
      tpu.vector_store %arg5[%swap3A_2242, %swap3A_2243], %swap3A_2246 {strides = array<i32>} : memref<200x128xi32, #tpu.memory_space<vmem>>, vector<1x16xi32>,
      %get3A_2247 = arith.index_cast %add3A_2122 : i32 to index
      %get3A_2248 = arith.constant 48 : index
      %get3A_2249 = tpu.vector_load %arg5[%get3A_2247, %get3A_2248] {strides = array<i32>} : memref<200x128xi32, #tpu.memory_space<vmem>>, vector<1x16xi32>,
      %get3A_2250 = vector.shape_cast %get3A_2249 : vector<1x16xi32> to vector<16xi32>
      %mul3A_2251 = arith.constant 128 : i32
      %mul3A_2252 = arith.muli %add3A_2122, %mul3A_2251 : i32
      %add3A_2253 = arith.constant 48 : i32
      %add3A_2254 = arith.addi %mul3A_2252, %add3A_2253 : i32
      %add3A_2255 = vector.broadcast %add3A_2254 : i32 to vector<16xi32>
      %add3A_2256 = arith.addi %iota3A_2123, %add3A_2255 : vector<16xi32>
      %jit3A_2257 = arith.constant 200 : i32
      %eq3A_2258 = arith.constant 0 : i32
      %eq3A_2259 = arith.cmpi eq, %jit3A_2257, %eq3A_2258 : i32
      %jit3A_2260 = arith.constant 1 : i32
      %select_n3A_2261 = arith.select %eq3A_2259, %jit3A_2260, %jit3A_2257 : i32
      %rem3A_2262 = vector.broadcast %select_n3A_2261 : i32 to vector<16xi32>
      %rem3A_2263 = arith.remsi %add3A_2256, %rem3A_2262 : vector<16xi32>
      %ne3A_2264 = arith.constant 0 : i32
      %ne3A_2265 = vector.broadcast %ne3A_2264 : i32 to vector<16xi32>
      %ne3A_2266 = arith.cmpi ne, %rem3A_2263, %ne3A_2265 : vector<16xi32>
      %lt3A_2267 = arith.constant 0 : i32
      %lt3A_2268 = vector.broadcast %lt3A_2267 : i32 to vector<16xi32>
      %lt3A_2269 = arith.cmpi slt, %rem3A_2263, %lt3A_2268 : vector<16xi32>
      %lt3A_2270 = arith.constant 0 : i32
      %lt3A_2271 = arith.cmpi slt, %select_n3A_2261, %lt3A_2270 : i32
      %ne3A_2272 = vector.broadcast %lt3A_2271 : i1 to vector<16xi1>
      %ne3A_2273 = vector.broadcast %ne3A_2272 : vector<16xi1> to vector<16xi1>
      %ne3A_2274 = arith.xori %lt3A_2269, %ne3A_2273 : vector<16xi1>
      %and3A_2275 = arith.andi %ne3A_2274, %ne3A_2266 : vector<16xi1>
      %add3A_2276 = vector.broadcast %select_n3A_2261 : i32 to vector<16xi32>
      %add3A_2277 = arith.addi %rem3A_2263, %add3A_2276 : vector<16xi32>
      %select_n3A_2278 = arith.select %and3A_2275, %add3A_2277, %rem3A_2263 : vector<16xi1>, vector<16xi32>
      %mul3A_2279 = arith.constant 4 : i32
      %mul3A_2280 = vector.broadcast %mul3A_2279 : i32 to vector<16xi32>
      %mul3A_2281 = arith.muli %mul3A_2280, %select_n3A_2278 : vector<16xi32>
      %add3A_2282 = arith.addi %get3A_2250, %mul3A_2281 : vector<16xi32>
      %swap3A_2283 = arith.index_cast %add3A_2122 : i32 to index
      %swap3A_2284 = arith.constant 48 : index
      %swap3A_2285 = tpu.vector_load %arg5[%swap3A_2283, %swap3A_2284] {strides = array<i32>} : memref<200x128xi32, #tpu.memory_space<vmem>>, vector<1x16xi32>,
      %swap3A_2286 = vector.shape_cast %swap3A_2285 : vector<1x16xi32> to vector<16xi32>
      %swap3A_2287 = vector.shape_cast %add3A_2282 : vector<16xi32> to vector<1x16xi32>
      tpu.vector_store %arg5[%swap3A_2283, %swap3A_2284], %swap3A_2287 {strides = array<i32>} : memref<200x128xi32, #tpu.memory_space<vmem>>, vector<1x16xi32>,
      %get3A_2288 = arith.index_cast %add3A_2122 : i32 to index
      %get3A_2289 = arith.constant 64 : index
      %get3A_2290 = tpu.vector_load %arg5[%get3A_2288, %get3A_2289] {strides = array<i32>} : memref<200x128xi32, #tpu.memory_space<vmem>>, vector<1x16xi32>,
      %get3A_2291 = vector.shape_cast %get3A_2290 : vector<1x16xi32> to vector<16xi32>
      %mul3A_2292 = arith.constant 128 : i32
      %mul3A_2293 = arith.muli %add3A_2122, %mul3A_2292 : i32
      %add3A_2294 = arith.constant 64 : i32
      %add3A_2295 = arith.addi %mul3A_2293, %add3A_2294 : i32
      %add3A_2296 = vector.broadcast %add3A_2295 : i32 to vector<16xi32>
      %add3A_2297 = arith.addi %iota3A_2123, %add3A_2296 : vector<16xi32>
      %jit3A_2298 = arith.constant 200 : i32
      %eq3A_2299 = arith.constant 0 : i32
      %eq3A_2300 = arith.cmpi eq, %jit3A_2298, %eq3A_2299 : i32
      %jit3A_2301 = arith.constant 1 : i32
      %select_n3A_2302 = arith.select %eq3A_2300, %jit3A_2301, %jit3A_2298 : i32
      %rem3A_2303 = vector.broadcast %select_n3A_2302 : i32 to vector<16xi32>
      %rem3A_2304 = arith.remsi %add3A_2297, %rem3A_2303 : vector<16xi32>
      %ne3A_2305 = arith.constant 0 : i32
      %ne3A_2306 = vector.broadcast %ne3A_2305 : i32 to vector<16xi32>
      %ne3A_2307 = arith.cmpi ne, %rem3A_2304, %ne3A_2306 : vector<16xi32>
      %lt3A_2308 = arith.constant 0 : i32
      %lt3A_2309 = vector.broadcast %lt3A_2308 : i32 to vector<16xi32>
      %lt3A_2310 = arith.cmpi slt, %rem3A_2304, %lt3A_2309 : vector<16xi32>
      %lt3A_2311 = arith.constant 0 : i32
      %lt3A_2312 = arith.cmpi slt, %select_n3A_2302, %lt3A_2311 : i32
      %ne3A_2313 = vector.broadcast %lt3A_2312 : i1 to vector<16xi1>
      %ne3A_2314 = vector.broadcast %ne3A_2313 : vector<16xi1> to vector<16xi1>
      %ne3A_2315 = arith.xori %lt3A_2310, %ne3A_2314 : vector<16xi1>
      %and3A_2316 = arith.andi %ne3A_2315, %ne3A_2307 : vector<16xi1>
      %add3A_2317 = vector.broadcast %select_n3A_2302 : i32 to vector<16xi32>
      %add3A_2318 = arith.addi %rem3A_2304, %add3A_2317 : vector<16xi32>
      %select_n3A_2319 = arith.select %and3A_2316, %add3A_2318, %rem3A_2304 : vector<16xi1>, vector<16xi32>
      %mul3A_2320 = arith.constant 4 : i32
      %mul3A_2321 = vector.broadcast %mul3A_2320 : i32 to vector<16xi32>
      %mul3A_2322 = arith.muli %mul3A_2321, %select_n3A_2319 : vector<16xi32>
      %add3A_2323 = arith.addi %get3A_2291, %mul3A_2322 : vector<16xi32>
      %swap3A_2324 = arith.index_cast %add3A_2122 : i32 to index
      %swap3A_2325 = arith.constant 64 : index
      %swap3A_2326 = tpu.vector_load %arg5[%swap3A_2324, %swap3A_2325] {strides = array<i32>} : memref<200x128xi32, #tpu.memory_space<vmem>>, vector<1x16xi32>,
      %swap3A_2327 = vector.shape_cast %swap3A_2326 : vector<1x16xi32> to vector<16xi32>
      %swap3A_2328 = vector.shape_cast %add3A_2323 : vector<16xi32> to vector<1x16xi32>
      tpu.vector_store %arg5[%swap3A_2324, %swap3A_2325], %swap3A_2328 {strides = array<i32>} : memref<200x128xi32, #tpu.memory_space<vmem>>, vector<1x16xi32>,
      %get3A_2329 = arith.index_cast %add3A_2122 : i32 to index
      %get3A_2330 = arith.constant 80 : index
      %get3A_2331 = tpu.vector_load %arg5[%get3A_2329, %get3A_2330] {strides = array<i32>} : memref<200x128xi32, #tpu.memory_space<vmem>>, vector<1x16xi32>,
      %get3A_2332 = vector.shape_cast %get3A_2331 : vector<1x16xi32> to vector<16xi32>
      %mul3A_2333 = arith.constant 128 : i32
      %mul3A_2334 = arith.muli %add3A_2122, %mul3A_2333 : i32
      %add3A_2335 = arith.constant 80 : i32
      %add3A_2336 = arith.addi %mul3A_2334, %add3A_2335 : i32
      %add3A_2337 = vector.broadcast %add3A_2336 : i32 to vector<16xi32>
      %add3A_2338 = arith.addi %iota3A_2123, %add3A_2337 : vector<16xi32>
      %jit3A_2339 = arith.constant 200 : i32
      %eq3A_2340 = arith.constant 0 : i32
      %eq3A_2341 = arith.cmpi eq, %jit3A_2339, %eq3A_2340 : i32
      %jit3A_2342 = arith.constant 1 : i32
      %select_n3A_2343 = arith.select %eq3A_2341, %jit3A_2342, %jit3A_2339 : i32
      %rem3A_2344 = vector.broadcast %select_n3A_2343 : i32 to vector<16xi32>
      %rem3A_2345 = arith.remsi %add3A_2338, %rem3A_2344 : vector<16xi32>
      %ne3A_2346 = arith.constant 0 : i32
      %ne3A_2347 = vector.broadcast %ne3A_2346 : i32 to vector<16xi32>
      %ne3A_2348 = arith.cmpi ne, %rem3A_2345, %ne3A_2347 : vector<16xi32>
      %lt3A_2349 = arith.constant 0 : i32
      %lt3A_2350 = vector.broadcast %lt3A_2349 : i32 to vector<16xi32>
      %lt3A_2351 = arith.cmpi slt, %rem3A_2345, %lt3A_2350 : vector<16xi32>
      %lt3A_2352 = arith.constant 0 : i32
      %lt3A_2353 = arith.cmpi slt, %select_n3A_2343, %lt3A_2352 : i32
      %ne3A_2354 = vector.broadcast %lt3A_2353 : i1 to vector<16xi1>
      %ne3A_2355 = vector.broadcast %ne3A_2354 : vector<16xi1> to vector<16xi1>
      %ne3A_2356 = arith.xori %lt3A_2351, %ne3A_2355 : vector<16xi1>
      %and3A_2357 = arith.andi %ne3A_2356, %ne3A_2348 : vector<16xi1>
      %add3A_2358 = vector.broadcast %select_n3A_2343 : i32 to vector<16xi32>
      %add3A_2359 = arith.addi %rem3A_2345, %add3A_2358 : vector<16xi32>
      %select_n3A_2360 = arith.select %and3A_2357, %add3A_2359, %rem3A_2345 : vector<16xi1>, vector<16xi32>
      %mul3A_2361 = arith.constant 4 : i32
      %mul3A_2362 = vector.broadcast %mul3A_2361 : i32 to vector<16xi32>
      %mul3A_2363 = arith.muli %mul3A_2362, %select_n3A_2360 : vector<16xi32>
      %add3A_2364 = arith.addi %get3A_2332, %mul3A_2363 : vector<16xi32>
      %swap3A_2365 = arith.index_cast %add3A_2122 : i32 to index
      %swap3A_2366 = arith.constant 80 : index
      %swap3A_2367 = tpu.vector_load %arg5[%swap3A_2365, %swap3A_2366] {strides = array<i32>} : memref<200x128xi32, #tpu.memory_space<vmem>>, vector<1x16xi32>,
      %swap3A_2368 = vector.shape_cast %swap3A_2367 : vector<1x16xi32> to vector<16xi32>
      %swap3A_2369 = vector.shape_cast %add3A_2364 : vector<16xi32> to vector<1x16xi32>
      tpu.vector_store %arg5[%swap3A_2365, %swap3A_2366], %swap3A_2369 {strides = array<i32>} : memref<200x128xi32, #tpu.memory_space<vmem>>, vector<1x16xi32>,
      %get3A_2370 = arith.index_cast %add3A_2122 : i32 to index
      %get3A_2371 = arith.constant 96 : index
      %get3A_2372 = tpu.vector_load %arg5[%get3A_2370, %get3A_2371] {strides = array<i32>} : memref<200x128xi32, #tpu.memory_space<vmem>>, vector<1x16xi32>,
      %get3A_2373 = vector.shape_cast %get3A_2372 : vector<1x16xi32> to vector<16xi32>
      %mul3A_2374 = arith.constant 128 : i32
      %mul3A_2375 = arith.muli %add3A_2122, %mul3A_2374 : i32
      %add3A_2376 = arith.constant 96 : i32
      %add3A_2377 = arith.addi %mul3A_2375, %add3A_2376 : i32
      %add3A_2378 = vector.broadcast %add3A_2377 : i32 to vector<16xi32>
      %add3A_2379 = arith.addi %iota3A_2123, %add3A_2378 : vector<16xi32>
      %jit3A_2380 = arith.constant 200 : i32
      %eq3A_2381 = arith.constant 0 : i32
      %eq3A_2382 = arith.cmpi eq, %jit3A_2380, %eq3A_2381 : i32
      %jit3A_2383 = arith.constant 1 : i32
      %select_n3A_2384 = arith.select %eq3A_2382, %jit3A_2383, %jit3A_2380 : i32
      %rem3A_2385 = vector.broadcast %select_n3A_2384 : i32 to vector<16xi32>
      %rem3A_2386 = arith.remsi %add3A_2379, %rem3A_2385 : vector<16xi32>
      %ne3A_2387 = arith.constant 0 : i32
      %ne3A_2388 = vector.broadcast %ne3A_2387 : i32 to vector<16xi32>
      %ne3A_2389 = arith.cmpi ne, %rem3A_2386, %ne3A_2388 : vector<16xi32>
      %lt3A_2390 = arith.constant 0 : i32
      %lt3A_2391 = vector.broadcast %lt3A_2390 : i32 to vector<16xi32>
      %lt3A_2392 = arith.cmpi slt, %rem3A_2386, %lt3A_2391 : vector<16xi32>
      %lt3A_2393 = arith.constant 0 : i32
      %lt3A_2394 = arith.cmpi slt, %select_n3A_2384, %lt3A_2393 : i32
      %ne3A_2395 = vector.broadcast %lt3A_2394 : i1 to vector<16xi1>
      %ne3A_2396 = vector.broadcast %ne3A_2395 : vector<16xi1> to vector<16xi1>
      %ne3A_2397 = arith.xori %lt3A_2392, %ne3A_2396 : vector<16xi1>
      %and3A_2398 = arith.andi %ne3A_2397, %ne3A_2389 : vector<16xi1>
      %add3A_2399 = vector.broadcast %select_n3A_2384 : i32 to vector<16xi32>
      %add3A_2400 = arith.addi %rem3A_2386, %add3A_2399 : vector<16xi32>
      %select_n3A_2401 = arith.select %and3A_2398, %add3A_2400, %rem3A_2386 : vector<16xi1>, vector<16xi32>
      %mul3A_2402 = arith.constant 4 : i32
      %mul3A_2403 = vector.broadcast %mul3A_2402 : i32 to vector<16xi32>
      %mul3A_2404 = arith.muli %mul3A_2403, %select_n3A_2401 : vector<16xi32>
      %add3A_2405 = arith.addi %get3A_2373, %mul3A_2404 : vector<16xi32>
      %swap3A_2406 = arith.index_cast %add3A_2122 : i32 to index
      %swap3A_2407 = arith.constant 96 : index
      %swap3A_2408 = tpu.vector_load %arg5[%swap3A_2406, %swap3A_2407] {strides = array<i32>} : memref<200x128xi32, #tpu.memory_space<vmem>>, vector<1x16xi32>,
      %swap3A_2409 = vector.shape_cast %swap3A_2408 : vector<1x16xi32> to vector<16xi32>
      %swap3A_2410 = vector.shape_cast %add3A_2405 : vector<16xi32> to vector<1x16xi32>
      tpu.vector_store %arg5[%swap3A_2406, %swap3A_2407], %swap3A_2410 {strides = array<i32>} : memref<200x128xi32, #tpu.memory_space<vmem>>, vector<1x16xi32>,
      %get3A_2411 = arith.index_cast %add3A_2122 : i32 to index
      %get3A_2412 = arith.constant 112 : index
      %get3A_2413 = tpu.vector_load %arg5[%get3A_2411, %get3A_2412] {strides = array<i32>} : memref<200x128xi32, #tpu.memory_space<vmem>>, vector<1x16xi32>,
      %get3A_2414 = vector.shape_cast %get3A_2413 : vector<1x16xi32> to vector<16xi32>
      %mul3A_2415 = arith.constant 128 : i32
      %mul3A_2416 = arith.muli %add3A_2122, %mul3A_2415 : i32
      %add3A_2417 = arith.constant 112 : i32
      %add3A_2418 = arith.addi %mul3A_2416, %add3A_2417 : i32
      %add3A_2419 = vector.broadcast %add3A_2418 : i32 to vector<16xi32>
      %add3A_2420 = arith.addi %iota3A_2123, %add3A_2419 : vector<16xi32>
      %jit3A_2421 = arith.constant 200 : i32
      %eq3A_2422 = arith.constant 0 : i32
      %eq3A_2423 = arith.cmpi eq, %jit3A_2421, %eq3A_2422 : i32
      %jit3A_2424 = arith.constant 1 : i32
      %select_n3A_2425 = arith.select %eq3A_2423, %jit3A_2424, %jit3A_2421 : i32
      %rem3A_2426 = vector.broadcast %select_n3A_2425 : i32 to vector<16xi32>
      %rem3A_2427 = arith.remsi %add3A_2420, %rem3A_2426 : vector<16xi32>
      %ne3A_2428 = arith.constant 0 : i32
      %ne3A_2429 = vector.broadcast %ne3A_2428 : i32 to vector<16xi32>
      %ne3A_2430 = arith.cmpi ne, %rem3A_2427, %ne3A_2429 : vector<16xi32>
      %lt3A_2431 = arith.constant 0 : i32
      %lt3A_2432 = vector.broadcast %lt3A_2431 : i32 to vector<16xi32>
      %lt3A_2433 = arith.cmpi slt, %rem3A_2427, %lt3A_2432 : vector<16xi32>
      %lt3A_2434 = arith.constant 0 : i32
      %lt3A_2435 = arith.cmpi slt, %select_n3A_2425, %lt3A_2434 : i32
      %ne3A_2436 = vector.broadcast %lt3A_2435 : i1 to vector<16xi1>
      %ne3A_2437 = vector.broadcast %ne3A_2436 : vector<16xi1> to vector<16xi1>
      %ne3A_2438 = arith.xori %lt3A_2433, %ne3A_2437 : vector<16xi1>
      %and3A_2439 = arith.andi %ne3A_2438, %ne3A_2430 : vector<16xi1>
      %add3A_2440 = vector.broadcast %select_n3A_2425 : i32 to vector<16xi32>
      %add3A_2441 = arith.addi %rem3A_2427, %add3A_2440 : vector<16xi32>
      %select_n3A_2442 = arith.select %and3A_2439, %add3A_2441, %rem3A_2427 : vector<16xi1>, vector<16xi32>
      %mul3A_2443 = arith.constant 4 : i32
      %mul3A_2444 = vector.broadcast %mul3A_2443 : i32 to vector<16xi32>
      %mul3A_2445 = arith.muli %mul3A_2444, %select_n3A_2442 : vector<16xi32>
      %add3A_2446 = arith.addi %get3A_2414, %mul3A_2445 : vector<16xi32>
      %swap3A_2447 = arith.index_cast %add3A_2122 : i32 to index
      %swap3A_2448 = arith.constant 112 : index
      %swap3A_2449 = tpu.vector_load %arg5[%swap3A_2447, %swap3A_2448] {strides = array<i32>} : memref<200x128xi32, #tpu.memory_space<vmem>>, vector<1x16xi32>,
      %swap3A_2450 = vector.shape_cast %swap3A_2449 : vector<1x16xi32> to vector<16xi32>
      %swap3A_2451 = vector.shape_cast %add3A_2446 : vector<16xi32> to vector<1x16xi32>
      tpu.vector_store %arg5[%swap3A_2447, %swap3A_2448], %swap3A_2451 {strides = array<i32>} : memref<200x128xi32, #tpu.memory_space<vmem>>, vector<1x16xi32>,
      %dma_wait3A_2452 = arith.constant 0 : i32
      %dma_wait3A_2453 = tpu.memref_slice %arg5[%add3A_2105, %dma_wait3A_2452] : memref<200x128xi32, #tpu.memory_space<vmem>> -> memref<1x128xi32, #tpu.memory_space<vmem>>
      %dma_wait3A_2454 = tpu.memref_squeeze %dma_wait3A_2453 : memref<1x128xi32, #tpu.memory_space<vmem>> -> memref<128xi32, #tpu.memory_space<vmem>>
      %dma_wait3A_2455 = arith.constant 0 : i32
      %dma_wait3A_2456 = arith.constant 0 : i32
      %dma_wait3A_2457 = tpu.memref_slice %arg2[%dma_wait3A_2455, %dma_wait3A_2456] : memref<800x128xf32, #tpu.memory_space<hbm>> -> memref<800x128xf32, #tpu.memory_space<hbm>>
      tpu.wait_indirect_dma semaphore(%arg15 : memref<!tpu.dma_semaphore, #tpu.memory_space<semaphore_mem>>) src(%dma_wait3A_2457 : memref<800x128xf32, #tpu.memory_space<hbm>>) dst(%arg8 : memref<128x128xf32, #tpu.memory_space<vmem>>)
      %mul3A_2458 = arith.constant 128 : i32
      %mul3A_2459 = arith.muli %add3A_2105, %mul3A_2458 : i32
      %add3A_2460 = arith.addi %mul3A_2, %mul3A_2459 : i32
      %dma_start3A_2461 = arith.constant 0 : i32
      %dma_start3A_2462 = tpu.memref_slice %arg4[%add3A_2460, %dma_start3A_2461] : memref<819200x128xf32, #tpu.memory_space<hbm>> -> memref<128x128xf32, #tpu.memory_space<hbm>>
      %dma_start3A_2463 = arith.constant 0 : i32
      %dma_start3A_2464 = tpu.memref_slice %arg4[%add3A_2460, %dma_start3A_2463] : memref<819200x128xf32, #tpu.memory_space<hbm>> -> memref<128x128xf32, #tpu.memory_space<hbm>>
      tpu.enqueue_dma source(%arg8 : memref<128x128xf32, #tpu.memory_space<vmem>>) target(%dma_start3A_2464 : memref<128x128xf32, #tpu.memory_space<hbm>>) target_semaphore(%arg21 : memref<!tpu.dma_semaphore, #tpu.memory_space<semaphore_mem>>)
      %mul3A_2465 = arith.constant 6 : i32
      %mul3A_2466 = arith.muli %mul3A_2465, %scan3A_1376 : i32
      %add3A_2467 = arith.constant 3 : i32
      %add3A_2468 = arith.addi %mul3A_2466, %add3A_2467 : i32
      %sub3A = arith.constant 3 : i32
      %sub3A_2469 = arith.subi %add3A_2468, %sub3A : i32
      %mul3A_2470 = arith.constant 128 : i32
      %mul3A_2471 = arith.muli %sub3A_2469, %mul3A_2470 : i32
      %add3A_2472 = arith.addi %mul3A_2, %mul3A_2471 : i32
      %dma_wait3A_2473 = arith.constant 0 : i32
      %dma_wait3A_2474 = tpu.memref_slice %arg4[%add3A_2472, %dma_wait3A_2473] : memref<819200x128xf32, #tpu.memory_space<hbm>> -> memref<128x128xf32, #tpu.memory_space<hbm>>
      %dma_wait3A_2475 = arith.constant 0 : i32
      %dma_wait3A_2476 = tpu.memref_slice %arg4[%add3A_2472, %dma_wait3A_2475] : memref<819200x128xf32, #tpu.memory_space<hbm>> -> memref<128x128xf32, #tpu.memory_space<hbm>>
      tpu.wait_dma2 semaphore(%arg19 : memref<!tpu.dma_semaphore, #tpu.memory_space<semaphore_mem>>) src(%arg6 : memref<128x128xf32, #tpu.memory_space<vmem>>) dst(%dma_wait3A_2476 : memref<128x128xf32, #tpu.memory_space<hbm>>)
      %add3A_2477 = arith.constant 3 : i32
      %add3A_2478 = arith.addi %add3A_2468, %add3A_2477 : i32
      %dma_start3A_2479 = arith.constant 0 : i32
      %dma_start3A_2480 = tpu.memref_slice %arg5[%add3A_2478, %dma_start3A_2479] : memref<200x128xi32, #tpu.memory_space<vmem>> -> memref<1x128xi32, #tpu.memory_space<vmem>>
      %dma_start3A_2481 = tpu.memref_squeeze %dma_start3A_2480 : memref<1x128xi32, #tpu.memory_space<vmem>> -> memref<128xi32, #tpu.memory_space<vmem>>
      %dma_start3A_2482 = arith.constant 0 : i32
      %dma_start3A_2483 = arith.constant 0 : i32
      %dma_start3A_2484 = tpu.memref_slice %arg2[%dma_start3A_2482, %dma_start3A_2483] : memref<800x128xf32, #tpu.memory_space<hbm>> -> memref<800x128xf32, #tpu.memory_space<hbm>>
      tpu.enqueue_indirect_dma source(%dma_start3A_2484 : memref<800x128xf32, #tpu.memory_space<hbm>>) target(%arg6 : memref<128x128xf32, #tpu.memory_space<vmem>>) offsets(%dma_start3A_2481 : memref<128xi32, #tpu.memory_space<vmem>>) semaphore(%arg13 : memref<!tpu.dma_semaphore, #tpu.memory_space<semaphore_mem>>)
      %add3A_2485 = arith.constant 3 : i32
      %add3A_2486 = arith.addi %add3A_2468, %add3A_2485 : i32
      %add3A_2487 = arith.constant 1 : i32
      %add3A_2488 = arith.addi %add3A_2486, %add3A_2487 : i32
      %iota3A_2489 = tpu.iota {dimensions = array<i32: 0>} : vector<16xi32>
      %get3A_2490 = arith.index_cast %add3A_2488 : i32 to index
      %get3A_2491 = arith.constant 0 : index
      %get3A_2492 = tpu.vector_load %arg5[%get3A_2490, %get3A_2491] {strides = array<i32>} : memref<200x128xi32, #tpu.memory_space<vmem>>, vector<1x16xi32>,
      %get3A_2493 = vector.shape_cast %get3A_2492 : vector<1x16xi32> to vector<16xi32>
      %mul3A_2494 = arith.constant 128 : i32
      %mul3A_2495 = arith.muli %add3A_2488, %mul3A_2494 : i32
      %add3A_2496 = arith.constant 0 : i32
      %add3A_2497 = arith.addi %mul3A_2495, %add3A_2496 : i32
      %add3A_2498 = vector.broadcast %add3A_2497 : i32 to vector<16xi32>
      %add3A_2499 = arith.addi %iota3A_2489, %add3A_2498 : vector<16xi32>
      %jit3A_2500 = arith.constant 200 : i32
      %eq3A_2501 = arith.constant 0 : i32
      %eq3A_2502 = arith.cmpi eq, %jit3A_2500, %eq3A_2501 : i32
      %jit3A_2503 = arith.constant 1 : i32
      %select_n3A_2504 = arith.select %eq3A_2502, %jit3A_2503, %jit3A_2500 : i32
      %rem3A_2505 = vector.broadcast %select_n3A_2504 : i32 to vector<16xi32>
      %rem3A_2506 = arith.remsi %add3A_2499, %rem3A_2505 : vector<16xi32>
      %ne3A_2507 = arith.constant 0 : i32
      %ne3A_2508 = vector.broadcast %ne3A_2507 : i32 to vector<16xi32>
      %ne3A_2509 = arith.cmpi ne, %rem3A_2506, %ne3A_2508 : vector<16xi32>
      %lt3A_2510 = arith.constant 0 : i32
      %lt3A_2511 = vector.broadcast %lt3A_2510 : i32 to vector<16xi32>
      %lt3A_2512 = arith.cmpi slt, %rem3A_2506, %lt3A_2511 : vector<16xi32>
      %lt3A_2513 = arith.constant 0 : i32
      %lt3A_2514 = arith.cmpi slt, %select_n3A_2504, %lt3A_2513 : i32
      %ne3A_2515 = vector.broadcast %lt3A_2514 : i1 to vector<16xi1>
      %ne3A_2516 = vector.broadcast %ne3A_2515 : vector<16xi1> to vector<16xi1>
      %ne3A_2517 = arith.xori %lt3A_2512, %ne3A_2516 : vector<16xi1>
      %and3A_2518 = arith.andi %ne3A_2517, %ne3A_2509 : vector<16xi1>
      %add3A_2519 = vector.broadcast %select_n3A_2504 : i32 to vector<16xi32>
      %add3A_2520 = arith.addi %rem3A_2506, %add3A_2519 : vector<16xi32>
      %select_n3A_2521 = arith.select %and3A_2518, %add3A_2520, %rem3A_2506 : vector<16xi1>, vector<16xi32>
      %mul3A_2522 = arith.constant 4 : i32
      %mul3A_2523 = vector.broadcast %mul3A_2522 : i32 to vector<16xi32>
      %mul3A_2524 = arith.muli %mul3A_2523, %select_n3A_2521 : vector<16xi32>
      %add3A_2525 = arith.addi %get3A_2493, %mul3A_2524 : vector<16xi32>
      %swap3A_2526 = arith.index_cast %add3A_2488 : i32 to index
      %swap3A_2527 = arith.constant 0 : index
      %swap3A_2528 = tpu.vector_load %arg5[%swap3A_2526, %swap3A_2527] {strides = array<i32>} : memref<200x128xi32, #tpu.memory_space<vmem>>, vector<1x16xi32>,
      %swap3A_2529 = vector.shape_cast %swap3A_2528 : vector<1x16xi32> to vector<16xi32>
      %swap3A_2530 = vector.shape_cast %add3A_2525 : vector<16xi32> to vector<1x16xi32>
      tpu.vector_store %arg5[%swap3A_2526, %swap3A_2527], %swap3A_2530 {strides = array<i32>} : memref<200x128xi32, #tpu.memory_space<vmem>>, vector<1x16xi32>,
      %get3A_2531 = arith.index_cast %add3A_2488 : i32 to index
      %get3A_2532 = arith.constant 16 : index
      %get3A_2533 = tpu.vector_load %arg5[%get3A_2531, %get3A_2532] {strides = array<i32>} : memref<200x128xi32, #tpu.memory_space<vmem>>, vector<1x16xi32>,
      %get3A_2534 = vector.shape_cast %get3A_2533 : vector<1x16xi32> to vector<16xi32>
      %mul3A_2535 = arith.constant 128 : i32
      %mul3A_2536 = arith.muli %add3A_2488, %mul3A_2535 : i32
      %add3A_2537 = arith.constant 16 : i32
      %add3A_2538 = arith.addi %mul3A_2536, %add3A_2537 : i32
      %add3A_2539 = vector.broadcast %add3A_2538 : i32 to vector<16xi32>
      %add3A_2540 = arith.addi %iota3A_2489, %add3A_2539 : vector<16xi32>
      %jit3A_2541 = arith.constant 200 : i32
      %eq3A_2542 = arith.constant 0 : i32
      %eq3A_2543 = arith.cmpi eq, %jit3A_2541, %eq3A_2542 : i32
      %jit3A_2544 = arith.constant 1 : i32
      %select_n3A_2545 = arith.select %eq3A_2543, %jit3A_2544, %jit3A_2541 : i32
      %rem3A_2546 = vector.broadcast %select_n3A_2545 : i32 to vector<16xi32>
      %rem3A_2547 = arith.remsi %add3A_2540, %rem3A_2546 : vector<16xi32>
      %ne3A_2548 = arith.constant 0 : i32
      %ne3A_2549 = vector.broadcast %ne3A_2548 : i32 to vector<16xi32>
      %ne3A_2550 = arith.cmpi ne, %rem3A_2547, %ne3A_2549 : vector<16xi32>
      %lt3A_2551 = arith.constant 0 : i32
      %lt3A_2552 = vector.broadcast %lt3A_2551 : i32 to vector<16xi32>
      %lt3A_2553 = arith.cmpi slt, %rem3A_2547, %lt3A_2552 : vector<16xi32>
      %lt3A_2554 = arith.constant 0 : i32
      %lt3A_2555 = arith.cmpi slt, %select_n3A_2545, %lt3A_2554 : i32
      %ne3A_2556 = vector.broadcast %lt3A_2555 : i1 to vector<16xi1>
      %ne3A_2557 = vector.broadcast %ne3A_2556 : vector<16xi1> to vector<16xi1>
      %ne3A_2558 = arith.xori %lt3A_2553, %ne3A_2557 : vector<16xi1>
      %and3A_2559 = arith.andi %ne3A_2558, %ne3A_2550 : vector<16xi1>
      %add3A_2560 = vector.broadcast %select_n3A_2545 : i32 to vector<16xi32>
      %add3A_2561 = arith.addi %rem3A_2547, %add3A_2560 : vector<16xi32>
      %select_n3A_2562 = arith.select %and3A_2559, %add3A_2561, %rem3A_2547 : vector<16xi1>, vector<16xi32>
      %mul3A_2563 = arith.constant 4 : i32
      %mul3A_2564 = vector.broadcast %mul3A_2563 : i32 to vector<16xi32>
      %mul3A_2565 = arith.muli %mul3A_2564, %select_n3A_2562 : vector<16xi32>
      %add3A_2566 = arith.addi %get3A_2534, %mul3A_2565 : vector<16xi32>
      %swap3A_2567 = arith.index_cast %add3A_2488 : i32 to index
      %swap3A_2568 = arith.constant 16 : index
      %swap3A_2569 = tpu.vector_load %arg5[%swap3A_2567, %swap3A_2568] {strides = array<i32>} : memref<200x128xi32, #tpu.memory_space<vmem>>, vector<1x16xi32>,
      %swap3A_2570 = vector.shape_cast %swap3A_2569 : vector<1x16xi32> to vector<16xi32>
      %swap3A_2571 = vector.shape_cast %add3A_2566 : vector<16xi32> to vector<1x16xi32>
      tpu.vector_store %arg5[%swap3A_2567, %swap3A_2568], %swap3A_2571 {strides = array<i32>} : memref<200x128xi32, #tpu.memory_space<vmem>>, vector<1x16xi32>,
      %get3A_2572 = arith.index_cast %add3A_2488 : i32 to index
      %get3A_2573 = arith.constant 32 : index
      %get3A_2574 = tpu.vector_load %arg5[%get3A_2572, %get3A_2573] {strides = array<i32>} : memref<200x128xi32, #tpu.memory_space<vmem>>, vector<1x16xi32>,
      %get3A_2575 = vector.shape_cast %get3A_2574 : vector<1x16xi32> to vector<16xi32>
      %mul3A_2576 = arith.constant 128 : i32
      %mul3A_2577 = arith.muli %add3A_2488, %mul3A_2576 : i32
      %add3A_2578 = arith.constant 32 : i32
      %add3A_2579 = arith.addi %mul3A_2577, %add3A_2578 : i32
      %add3A_2580 = vector.broadcast %add3A_2579 : i32 to vector<16xi32>
      %add3A_2581 = arith.addi %iota3A_2489, %add3A_2580 : vector<16xi32>
      %jit3A_2582 = arith.constant 200 : i32
      %eq3A_2583 = arith.constant 0 : i32
      %eq3A_2584 = arith.cmpi eq, %jit3A_2582, %eq3A_2583 : i32
      %jit3A_2585 = arith.constant 1 : i32
      %select_n3A_2586 = arith.select %eq3A_2584, %jit3A_2585, %jit3A_2582 : i32
      %rem3A_2587 = vector.broadcast %select_n3A_2586 : i32 to vector<16xi32>
      %rem3A_2588 = arith.remsi %add3A_2581, %rem3A_2587 : vector<16xi32>
      %ne3A_2589 = arith.constant 0 : i32
      %ne3A_2590 = vector.broadcast %ne3A_2589 : i32 to vector<16xi32>
      %ne3A_2591 = arith.cmpi ne, %rem3A_2588, %ne3A_2590 : vector<16xi32>
      %lt3A_2592 = arith.constant 0 : i32
      %lt3A_2593 = vector.broadcast %lt3A_2592 : i32 to vector<16xi32>
      %lt3A_2594 = arith.cmpi slt, %rem3A_2588, %lt3A_2593 : vector<16xi32>
      %lt3A_2595 = arith.constant 0 : i32
      %lt3A_2596 = arith.cmpi slt, %select_n3A_2586, %lt3A_2595 : i32
      %ne3A_2597 = vector.broadcast %lt3A_2596 : i1 to vector<16xi1>
      %ne3A_2598 = vector.broadcast %ne3A_2597 : vector<16xi1> to vector<16xi1>
      %ne3A_2599 = arith.xori %lt3A_2594, %ne3A_2598 : vector<16xi1>
      %and3A_2600 = arith.andi %ne3A_2599, %ne3A_2591 : vector<16xi1>
      %add3A_2601 = vector.broadcast %select_n3A_2586 : i32 to vector<16xi32>
      %add3A_2602 = arith.addi %rem3A_2588, %add3A_2601 : vector<16xi32>
      %select_n3A_2603 = arith.select %and3A_2600, %add3A_2602, %rem3A_2588 : vector<16xi1>, vector<16xi32>
      %mul3A_2604 = arith.constant 4 : i32
      %mul3A_2605 = vector.broadcast %mul3A_2604 : i32 to vector<16xi32>
      %mul3A_2606 = arith.muli %mul3A_2605, %select_n3A_2603 : vector<16xi32>
      %add3A_2607 = arith.addi %get3A_2575, %mul3A_2606 : vector<16xi32>
      %swap3A_2608 = arith.index_cast %add3A_2488 : i32 to index
      %swap3A_2609 = arith.constant 32 : index
      %swap3A_2610 = tpu.vector_load %arg5[%swap3A_2608, %swap3A_2609] {strides = array<i32>} : memref<200x128xi32, #tpu.memory_space<vmem>>, vector<1x16xi32>,
      %swap3A_2611 = vector.shape_cast %swap3A_2610 : vector<1x16xi32> to vector<16xi32>
      %swap3A_2612 = vector.shape_cast %add3A_2607 : vector<16xi32> to vector<1x16xi32>
      tpu.vector_store %arg5[%swap3A_2608, %swap3A_2609], %swap3A_2612 {strides = array<i32>} : memref<200x128xi32, #tpu.memory_space<vmem>>, vector<1x16xi32>,
      %get3A_2613 = arith.index_cast %add3A_2488 : i32 to index
      %get3A_2614 = arith.constant 48 : index
      %get3A_2615 = tpu.vector_load %arg5[%get3A_2613, %get3A_2614] {strides = array<i32>} : memref<200x128xi32, #tpu.memory_space<vmem>>, vector<1x16xi32>,
      %get3A_2616 = vector.shape_cast %get3A_2615 : vector<1x16xi32> to vector<16xi32>
      %mul3A_2617 = arith.constant 128 : i32
      %mul3A_2618 = arith.muli %add3A_2488, %mul3A_2617 : i32
      %add3A_2619 = arith.constant 48 : i32
      %add3A_2620 = arith.addi %mul3A_2618, %add3A_2619 : i32
      %add3A_2621 = vector.broadcast %add3A_2620 : i32 to vector<16xi32>
      %add3A_2622 = arith.addi %iota3A_2489, %add3A_2621 : vector<16xi32>
      %jit3A_2623 = arith.constant 200 : i32
      %eq3A_2624 = arith.constant 0 : i32
      %eq3A_2625 = arith.cmpi eq, %jit3A_2623, %eq3A_2624 : i32
      %jit3A_2626 = arith.constant 1 : i32
      %select_n3A_2627 = arith.select %eq3A_2625, %jit3A_2626, %jit3A_2623 : i32
      %rem3A_2628 = vector.broadcast %select_n3A_2627 : i32 to vector<16xi32>
      %rem3A_2629 = arith.remsi %add3A_2622, %rem3A_2628 : vector<16xi32>
      %ne3A_2630 = arith.constant 0 : i32
      %ne3A_2631 = vector.broadcast %ne3A_2630 : i32 to vector<16xi32>
      %ne3A_2632 = arith.cmpi ne, %rem3A_2629, %ne3A_2631 : vector<16xi32>
      %lt3A_2633 = arith.constant 0 : i32
      %lt3A_2634 = vector.broadcast %lt3A_2633 : i32 to vector<16xi32>
      %lt3A_2635 = arith.cmpi slt, %rem3A_2629, %lt3A_2634 : vector<16xi32>
      %lt3A_2636 = arith.constant 0 : i32
      %lt3A_2637 = arith.cmpi slt, %select_n3A_2627, %lt3A_2636 : i32
      %ne3A_2638 = vector.broadcast %lt3A_2637 : i1 to vector<16xi1>
      %ne3A_2639 = vector.broadcast %ne3A_2638 : vector<16xi1> to vector<16xi1>
      %ne3A_2640 = arith.xori %lt3A_2635, %ne3A_2639 : vector<16xi1>
      %and3A_2641 = arith.andi %ne3A_2640, %ne3A_2632 : vector<16xi1>
      %add3A_2642 = vector.broadcast %select_n3A_2627 : i32 to vector<16xi32>
      %add3A_2643 = arith.addi %rem3A_2629, %add3A_2642 : vector<16xi32>
      %select_n3A_2644 = arith.select %and3A_2641, %add3A_2643, %rem3A_2629 : vector<16xi1>, vector<16xi32>
      %mul3A_2645 = arith.constant 4 : i32
      %mul3A_2646 = vector.broadcast %mul3A_2645 : i32 to vector<16xi32>
      %mul3A_2647 = arith.muli %mul3A_2646, %select_n3A_2644 : vector<16xi32>
      %add3A_2648 = arith.addi %get3A_2616, %mul3A_2647 : vector<16xi32>
      %swap3A_2649 = arith.index_cast %add3A_2488 : i32 to index
      %swap3A_2650 = arith.constant 48 : index
      %swap3A_2651 = tpu.vector_load %arg5[%swap3A_2649, %swap3A_2650] {strides = array<i32>} : memref<200x128xi32, #tpu.memory_space<vmem>>, vector<1x16xi32>,
      %swap3A_2652 = vector.shape_cast %swap3A_2651 : vector<1x16xi32> to vector<16xi32>
      %swap3A_2653 = vector.shape_cast %add3A_2648 : vector<16xi32> to vector<1x16xi32>
      tpu.vector_store %arg5[%swap3A_2649, %swap3A_2650], %swap3A_2653 {strides = array<i32>} : memref<200x128xi32, #tpu.memory_space<vmem>>, vector<1x16xi32>,
      %get3A_2654 = arith.index_cast %add3A_2488 : i32 to index
      %get3A_2655 = arith.constant 64 : index
      %get3A_2656 = tpu.vector_load %arg5[%get3A_2654, %get3A_2655] {strides = array<i32>} : memref<200x128xi32, #tpu.memory_space<vmem>>, vector<1x16xi32>,
      %get3A_2657 = vector.shape_cast %get3A_2656 : vector<1x16xi32> to vector<16xi32>
      %mul3A_2658 = arith.constant 128 : i32
      %mul3A_2659 = arith.muli %add3A_2488, %mul3A_2658 : i32
      %add3A_2660 = arith.constant 64 : i32
      %add3A_2661 = arith.addi %mul3A_2659, %add3A_2660 : i32
      %add3A_2662 = vector.broadcast %add3A_2661 : i32 to vector<16xi32>
      %add3A_2663 = arith.addi %iota3A_2489, %add3A_2662 : vector<16xi32>
      %jit3A_2664 = arith.constant 200 : i32
      %eq3A_2665 = arith.constant 0 : i32
      %eq3A_2666 = arith.cmpi eq, %jit3A_2664, %eq3A_2665 : i32
      %jit3A_2667 = arith.constant 1 : i32
      %select_n3A_2668 = arith.select %eq3A_2666, %jit3A_2667, %jit3A_2664 : i32
      %rem3A_2669 = vector.broadcast %select_n3A_2668 : i32 to vector<16xi32>
      %rem3A_2670 = arith.remsi %add3A_2663, %rem3A_2669 : vector<16xi32>
      %ne3A_2671 = arith.constant 0 : i32
      %ne3A_2672 = vector.broadcast %ne3A_2671 : i32 to vector<16xi32>
      %ne3A_2673 = arith.cmpi ne, %rem3A_2670, %ne3A_2672 : vector<16xi32>
      %lt3A_2674 = arith.constant 0 : i32
      %lt3A_2675 = vector.broadcast %lt3A_2674 : i32 to vector<16xi32>
      %lt3A_2676 = arith.cmpi slt, %rem3A_2670, %lt3A_2675 : vector<16xi32>
      %lt3A_2677 = arith.constant 0 : i32
      %lt3A_2678 = arith.cmpi slt, %select_n3A_2668, %lt3A_2677 : i32
      %ne3A_2679 = vector.broadcast %lt3A_2678 : i1 to vector<16xi1>
      %ne3A_2680 = vector.broadcast %ne3A_2679 : vector<16xi1> to vector<16xi1>
      %ne3A_2681 = arith.xori %lt3A_2676, %ne3A_2680 : vector<16xi1>
      %and3A_2682 = arith.andi %ne3A_2681, %ne3A_2673 : vector<16xi1>
      %add3A_2683 = vector.broadcast %select_n3A_2668 : i32 to vector<16xi32>
      %add3A_2684 = arith.addi %rem3A_2670, %add3A_2683 : vector<16xi32>
      %select_n3A_2685 = arith.select %and3A_2682, %add3A_2684, %rem3A_2670 : vector<16xi1>, vector<16xi32>
      %mul3A_2686 = arith.constant 4 : i32
      %mul3A_2687 = vector.broadcast %mul3A_2686 : i32 to vector<16xi32>
      %mul3A_2688 = arith.muli %mul3A_2687, %select_n3A_2685 : vector<16xi32>
      %add3A_2689 = arith.addi %get3A_2657, %mul3A_2688 : vector<16xi32>
      %swap3A_2690 = arith.index_cast %add3A_2488 : i32 to index
      %swap3A_2691 = arith.constant 64 : index
      %swap3A_2692 = tpu.vector_load %arg5[%swap3A_2690, %swap3A_2691] {strides = array<i32>} : memref<200x128xi32, #tpu.memory_space<vmem>>, vector<1x16xi32>,
      %swap3A_2693 = vector.shape_cast %swap3A_2692 : vector<1x16xi32> to vector<16xi32>
      %swap3A_2694 = vector.shape_cast %add3A_2689 : vector<16xi32> to vector<1x16xi32>
      tpu.vector_store %arg5[%swap3A_2690, %swap3A_2691], %swap3A_2694 {strides = array<i32>} : memref<200x128xi32, #tpu.memory_space<vmem>>, vector<1x16xi32>,
      %get3A_2695 = arith.index_cast %add3A_2488 : i32 to index
      %get3A_2696 = arith.constant 80 : index
      %get3A_2697 = tpu.vector_load %arg5[%get3A_2695, %get3A_2696] {strides = array<i32>} : memref<200x128xi32, #tpu.memory_space<vmem>>, vector<1x16xi32>,
      %get3A_2698 = vector.shape_cast %get3A_2697 : vector<1x16xi32> to vector<16xi32>
      %mul3A_2699 = arith.constant 128 : i32
      %mul3A_2700 = arith.muli %add3A_2488, %mul3A_2699 : i32
      %add3A_2701 = arith.constant 80 : i32
      %add3A_2702 = arith.addi %mul3A_2700, %add3A_2701 : i32
      %add3A_2703 = vector.broadcast %add3A_2702 : i32 to vector<16xi32>
      %add3A_2704 = arith.addi %iota3A_2489, %add3A_2703 : vector<16xi32>
      %jit3A_2705 = arith.constant 200 : i32
      %eq3A_2706 = arith.constant 0 : i32
      %eq3A_2707 = arith.cmpi eq, %jit3A_2705, %eq3A_2706 : i32
      %jit3A_2708 = arith.constant 1 : i32
      %select_n3A_2709 = arith.select %eq3A_2707, %jit3A_2708, %jit3A_2705 : i32
      %rem3A_2710 = vector.broadcast %select_n3A_2709 : i32 to vector<16xi32>
      %rem3A_2711 = arith.remsi %add3A_2704, %rem3A_2710 : vector<16xi32>
      %ne3A_2712 = arith.constant 0 : i32
      %ne3A_2713 = vector.broadcast %ne3A_2712 : i32 to vector<16xi32>
      %ne3A_2714 = arith.cmpi ne, %rem3A_2711, %ne3A_2713 : vector<16xi32>
      %lt3A_2715 = arith.constant 0 : i32
      %lt3A_2716 = vector.broadcast %lt3A_2715 : i32 to vector<16xi32>
      %lt3A_2717 = arith.cmpi slt, %rem3A_2711, %lt3A_2716 : vector<16xi32>
      %lt3A_2718 = arith.constant 0 : i32
      %lt3A_2719 = arith.cmpi slt, %select_n3A_2709, %lt3A_2718 : i32
      %ne3A_2720 = vector.broadcast %lt3A_2719 : i1 to vector<16xi1>
      %ne3A_2721 = vector.broadcast %ne3A_2720 : vector<16xi1> to vector<16xi1>
      %ne3A_2722 = arith.xori %lt3A_2717, %ne3A_2721 : vector<16xi1>
      %and3A_2723 = arith.andi %ne3A_2722, %ne3A_2714 : vector<16xi1>
      %add3A_2724 = vector.broadcast %select_n3A_2709 : i32 to vector<16xi32>
      %add3A_2725 = arith.addi %rem3A_2711, %add3A_2724 : vector<16xi32>
      %select_n3A_2726 = arith.select %and3A_2723, %add3A_2725, %rem3A_2711 : vector<16xi1>, vector<16xi32>
      %mul3A_2727 = arith.constant 4 : i32
      %mul3A_2728 = vector.broadcast %mul3A_2727 : i32 to vector<16xi32>
      %mul3A_2729 = arith.muli %mul3A_2728, %select_n3A_2726 : vector<16xi32>
      %add3A_2730 = arith.addi %get3A_2698, %mul3A_2729 : vector<16xi32>
      %swap3A_2731 = arith.index_cast %add3A_2488 : i32 to index
      %swap3A_2732 = arith.constant 80 : index
      %swap3A_2733 = tpu.vector_load %arg5[%swap3A_2731, %swap3A_2732] {strides = array<i32>} : memref<200x128xi32, #tpu.memory_space<vmem>>, vector<1x16xi32>,
      %swap3A_2734 = vector.shape_cast %swap3A_2733 : vector<1x16xi32> to vector<16xi32>
      %swap3A_2735 = vector.shape_cast %add3A_2730 : vector<16xi32> to vector<1x16xi32>
      tpu.vector_store %arg5[%swap3A_2731, %swap3A_2732], %swap3A_2735 {strides = array<i32>} : memref<200x128xi32, #tpu.memory_space<vmem>>, vector<1x16xi32>,
      %get3A_2736 = arith.index_cast %add3A_2488 : i32 to index
      %get3A_2737 = arith.constant 96 : index
      %get3A_2738 = tpu.vector_load %arg5[%get3A_2736, %get3A_2737] {strides = array<i32>} : memref<200x128xi32, #tpu.memory_space<vmem>>, vector<1x16xi32>,
      %get3A_2739 = vector.shape_cast %get3A_2738 : vector<1x16xi32> to vector<16xi32>
      %mul3A_2740 = arith.constant 128 : i32
      %mul3A_2741 = arith.muli %add3A_2488, %mul3A_2740 : i32
      %add3A_2742 = arith.constant 96 : i32
      %add3A_2743 = arith.addi %mul3A_2741, %add3A_2742 : i32
      %add3A_2744 = vector.broadcast %add3A_2743 : i32 to vector<16xi32>
      %add3A_2745 = arith.addi %iota3A_2489, %add3A_2744 : vector<16xi32>
      %jit3A_2746 = arith.constant 200 : i32
      %eq3A_2747 = arith.constant 0 : i32
      %eq3A_2748 = arith.cmpi eq, %jit3A_2746, %eq3A_2747 : i32
      %jit3A_2749 = arith.constant 1 : i32
      %select_n3A_2750 = arith.select %eq3A_2748, %jit3A_2749, %jit3A_2746 : i32
      %rem3A_2751 = vector.broadcast %select_n3A_2750 : i32 to vector<16xi32>
      %rem3A_2752 = arith.remsi %add3A_2745, %rem3A_2751 : vector<16xi32>
      %ne3A_2753 = arith.constant 0 : i32
      %ne3A_2754 = vector.broadcast %ne3A_2753 : i32 to vector<16xi32>
      %ne3A_2755 = arith.cmpi ne, %rem3A_2752, %ne3A_2754 : vector<16xi32>
      %lt3A_2756 = arith.constant 0 : i32
      %lt3A_2757 = vector.broadcast %lt3A_2756 : i32 to vector<16xi32>
      %lt3A_2758 = arith.cmpi slt, %rem3A_2752, %lt3A_2757 : vector<16xi32>
      %lt3A_2759 = arith.constant 0 : i32
      %lt3A_2760 = arith.cmpi slt, %select_n3A_2750, %lt3A_2759 : i32
      %ne3A_2761 = vector.broadcast %lt3A_2760 : i1 to vector<16xi1>
      %ne3A_2762 = vector.broadcast %ne3A_2761 : vector<16xi1> to vector<16xi1>
      %ne3A_2763 = arith.xori %lt3A_2758, %ne3A_2762 : vector<16xi1>
      %and3A_2764 = arith.andi %ne3A_2763, %ne3A_2755 : vector<16xi1>
      %add3A_2765 = vector.broadcast %select_n3A_2750 : i32 to vector<16xi32>
      %add3A_2766 = arith.addi %rem3A_2752, %add3A_2765 : vector<16xi32>
      %select_n3A_2767 = arith.select %and3A_2764, %add3A_2766, %rem3A_2752 : vector<16xi1>, vector<16xi32>
      %mul3A_2768 = arith.constant 4 : i32
      %mul3A_2769 = vector.broadcast %mul3A_2768 : i32 to vector<16xi32>
      %mul3A_2770 = arith.muli %mul3A_2769, %select_n3A_2767 : vector<16xi32>
      %add3A_2771 = arith.addi %get3A_2739, %mul3A_2770 : vector<16xi32>
      %swap3A_2772 = arith.index_cast %add3A_2488 : i32 to index
      %swap3A_2773 = arith.constant 96 : index
      %swap3A_2774 = tpu.vector_load %arg5[%swap3A_2772, %swap3A_2773] {strides = array<i32>} : memref<200x128xi32, #tpu.memory_space<vmem>>, vector<1x16xi32>,
      %swap3A_2775 = vector.shape_cast %swap3A_2774 : vector<1x16xi32> to vector<16xi32>
      %swap3A_2776 = vector.shape_cast %add3A_2771 : vector<16xi32> to vector<1x16xi32>
      tpu.vector_store %arg5[%swap3A_2772, %swap3A_2773], %swap3A_2776 {strides = array<i32>} : memref<200x128xi32, #tpu.memory_space<vmem>>, vector<1x16xi32>,
      %get3A_2777 = arith.index_cast %add3A_2488 : i32 to index
      %get3A_2778 = arith.constant 112 : index
      %get3A_2779 = tpu.vector_load %arg5[%get3A_2777, %get3A_2778] {strides = array<i32>} : memref<200x128xi32, #tpu.memory_space<vmem>>, vector<1x16xi32>,
      %get3A_2780 = vector.shape_cast %get3A_2779 : vector<1x16xi32> to vector<16xi32>
      %mul3A_2781 = arith.constant 128 : i32
      %mul3A_2782 = arith.muli %add3A_2488, %mul3A_2781 : i32
      %add3A_2783 = arith.constant 112 : i32
      %add3A_2784 = arith.addi %mul3A_2782, %add3A_2783 : i32
      %add3A_2785 = vector.broadcast %add3A_2784 : i32 to vector<16xi32>
      %add3A_2786 = arith.addi %iota3A_2489, %add3A_2785 : vector<16xi32>
      %jit3A_2787 = arith.constant 200 : i32
      %eq3A_2788 = arith.constant 0 : i32
      %eq3A_2789 = arith.cmpi eq, %jit3A_2787, %eq3A_2788 : i32
      %jit3A_2790 = arith.constant 1 : i32
      %select_n3A_2791 = arith.select %eq3A_2789, %jit3A_2790, %jit3A_2787 : i32
      %rem3A_2792 = vector.broadcast %select_n3A_2791 : i32 to vector<16xi32>
      %rem3A_2793 = arith.remsi %add3A_2786, %rem3A_2792 : vector<16xi32>
      %ne3A_2794 = arith.constant 0 : i32
      %ne3A_2795 = vector.broadcast %ne3A_2794 : i32 to vector<16xi32>
      %ne3A_2796 = arith.cmpi ne, %rem3A_2793, %ne3A_2795 : vector<16xi32>
      %lt3A_2797 = arith.constant 0 : i32
      %lt3A_2798 = vector.broadcast %lt3A_2797 : i32 to vector<16xi32>
      %lt3A_2799 = arith.cmpi slt, %rem3A_2793, %lt3A_2798 : vector<16xi32>
      %lt3A_2800 = arith.constant 0 : i32
      %lt3A_2801 = arith.cmpi slt, %select_n3A_2791, %lt3A_2800 : i32
      %ne3A_2802 = vector.broadcast %lt3A_2801 : i1 to vector<16xi1>
      %ne3A_2803 = vector.broadcast %ne3A_2802 : vector<16xi1> to vector<16xi1>
      %ne3A_2804 = arith.xori %lt3A_2799, %ne3A_2803 : vector<16xi1>
      %and3A_2805 = arith.andi %ne3A_2804, %ne3A_2796 : vector<16xi1>
      %add3A_2806 = vector.broadcast %select_n3A_2791 : i32 to vector<16xi32>
      %add3A_2807 = arith.addi %rem3A_2793, %add3A_2806 : vector<16xi32>
      %select_n3A_2808 = arith.select %and3A_2805, %add3A_2807, %rem3A_2793 : vector<16xi1>, vector<16xi32>
      %mul3A_2809 = arith.constant 4 : i32
      %mul3A_2810 = vector.broadcast %mul3A_2809 : i32 to vector<16xi32>
      %mul3A_2811 = arith.muli %mul3A_2810, %select_n3A_2808 : vector<16xi32>
      %add3A_2812 = arith.addi %get3A_2780, %mul3A_2811 : vector<16xi32>
      %swap3A_2813 = arith.index_cast %add3A_2488 : i32 to index
      %swap3A_2814 = arith.constant 112 : index
      %swap3A_2815 = tpu.vector_load %arg5[%swap3A_2813, %swap3A_2814] {strides = array<i32>} : memref<200x128xi32, #tpu.memory_space<vmem>>, vector<1x16xi32>,
      %swap3A_2816 = vector.shape_cast %swap3A_2815 : vector<1x16xi32> to vector<16xi32>
      %swap3A_2817 = vector.shape_cast %add3A_2812 : vector<16xi32> to vector<1x16xi32>
      tpu.vector_store %arg5[%swap3A_2813, %swap3A_2814], %swap3A_2817 {strides = array<i32>} : memref<200x128xi32, #tpu.memory_space<vmem>>, vector<1x16xi32>,
      %dma_wait3A_2818 = arith.constant 0 : i32
      %dma_wait3A_2819 = tpu.memref_slice %arg5[%add3A_2468, %dma_wait3A_2818] : memref<200x128xi32, #tpu.memory_space<vmem>> -> memref<1x128xi32, #tpu.memory_space<vmem>>
      %dma_wait3A_2820 = tpu.memref_squeeze %dma_wait3A_2819 : memref<1x128xi32, #tpu.memory_space<vmem>> -> memref<128xi32, #tpu.memory_space<vmem>>
      %dma_wait3A_2821 = arith.constant 0 : i32
      %dma_wait3A_2822 = arith.constant 0 : i32
      %dma_wait3A_2823 = tpu.memref_slice %arg2[%dma_wait3A_2821, %dma_wait3A_2822] : memref<800x128xf32, #tpu.memory_space<hbm>> -> memref<800x128xf32, #tpu.memory_space<hbm>>
      tpu.wait_indirect_dma semaphore(%arg16 : memref<!tpu.dma_semaphore, #tpu.memory_space<semaphore_mem>>) src(%dma_wait3A_2823 : memref<800x128xf32, #tpu.memory_space<hbm>>) dst(%arg9 : memref<128x128xf32, #tpu.memory_space<vmem>>)
      %mul3A_2824 = arith.constant 128 : i32
      %mul3A_2825 = arith.muli %add3A_2468, %mul3A_2824 : i32
      %add3A_2826 = arith.addi %mul3A_2, %mul3A_2825 : i32
      %dma_start3A_2827 = arith.constant 0 : i32
      %dma_start3A_2828 = tpu.memref_slice %arg4[%add3A_2826, %dma_start3A_2827] : memref<819200x128xf32, #tpu.memory_space<hbm>> -> memref<128x128xf32, #tpu.memory_space<hbm>>
      %dma_start3A_2829 = arith.constant 0 : i32
      %dma_start3A_2830 = tpu.memref_slice %arg4[%add3A_2826, %dma_start3A_2829] : memref<819200x128xf32, #tpu.memory_space<hbm>> -> memref<128x128xf32, #tpu.memory_space<hbm>>
      tpu.enqueue_dma source(%arg9 : memref<128x128xf32, #tpu.memory_space<vmem>>) target(%dma_start3A_2830 : memref<128x128xf32, #tpu.memory_space<hbm>>) target_semaphore(%arg22 : memref<!tpu.dma_semaphore, #tpu.memory_space<semaphore_mem>>)
      %mul3A_2831 = arith.constant 6 : i32
      %mul3A_2832 = arith.muli %mul3A_2831, %scan3A_1376 : i32
      %add3A_2833 = arith.constant 4 : i32
      %add3A_2834 = arith.addi %mul3A_2832, %add3A_2833 : i32
      %sub3A_2835 = arith.constant 3 : i32
      %sub3A_2836 = arith.subi %add3A_2834, %sub3A_2835 : i32
      %mul3A_2837 = arith.constant 128 : i32
      %mul3A_2838 = arith.muli %sub3A_2836, %mul3A_2837 : i32
      %add3A_2839 = arith.addi %mul3A_2, %mul3A_2838 : i32
      %dma_wait3A_2840 = arith.constant 0 : i32
      %dma_wait3A_2841 = tpu.memref_slice %arg4[%add3A_2839, %dma_wait3A_2840] : memref<819200x128xf32, #tpu.memory_space<hbm>> -> memref<128x128xf32, #tpu.memory_space<hbm>>
      %dma_wait3A_2842 = arith.constant 0 : i32
      %dma_wait3A_2843 = tpu.memref_slice %arg4[%add3A_2839, %dma_wait3A_2842] : memref<819200x128xf32, #tpu.memory_space<hbm>> -> memref<128x128xf32, #tpu.memory_space<hbm>>
      tpu.wait_dma2 semaphore(%arg20 : memref<!tpu.dma_semaphore, #tpu.memory_space<semaphore_mem>>) src(%arg7 : memref<128x128xf32, #tpu.memory_space<vmem>>) dst(%dma_wait3A_2843 : memref<128x128xf32, #tpu.memory_space<hbm>>)
      %add3A_2844 = arith.constant 3 : i32
      %add3A_2845 = arith.addi %add3A_2834, %add3A_2844 : i32
      %dma_start3A_2846 = arith.constant 0 : i32
      %dma_start3A_2847 = tpu.memref_slice %arg5[%add3A_2845, %dma_start3A_2846] : memref<200x128xi32, #tpu.memory_space<vmem>> -> memref<1x128xi32, #tpu.memory_space<vmem>>
      %dma_start3A_2848 = tpu.memref_squeeze %dma_start3A_2847 : memref<1x128xi32, #tpu.memory_space<vmem>> -> memref<128xi32, #tpu.memory_space<vmem>>
      %dma_start3A_2849 = arith.constant 0 : i32
      %dma_start3A_2850 = arith.constant 0 : i32
      %dma_start3A_2851 = tpu.memref_slice %arg2[%dma_start3A_2849, %dma_start3A_2850] : memref<800x128xf32, #tpu.memory_space<hbm>> -> memref<800x128xf32, #tpu.memory_space<hbm>>
      tpu.enqueue_indirect_dma source(%dma_start3A_2851 : memref<800x128xf32, #tpu.memory_space<hbm>>) target(%arg7 : memref<128x128xf32, #tpu.memory_space<vmem>>) offsets(%dma_start3A_2848 : memref<128xi32, #tpu.memory_space<vmem>>) semaphore(%arg14 : memref<!tpu.dma_semaphore, #tpu.memory_space<semaphore_mem>>)
      %lt3A_2852 = arith.constant 32 : i32
      %lt3A_2853 = arith.cmpi slt, %scan3A_1376, %lt3A_2852 : i32
      %convert_element_type3A_2854 = arith.extui %lt3A_2853 : i1 to i32
      %cond3A_2855 = arith.constant 0 : i32
      %cond3A_2856 = arith.cmpi ne, %convert_element_type3A_2854, %cond3A_2855 : i32
      scf.if %cond3A_2856 {
        %add3A_2906 = arith.constant 3 : i32
        %add3A_2907 = arith.addi %add3A_2834, %add3A_2906 : i32
        %add3A_2908 = arith.constant 1 : i32
        %add3A_2909 = arith.addi %add3A_2907, %add3A_2908 : i32
        %iota3A_2910 = tpu.iota {dimensions = array<i32: 0>} : vector<16xi32>
        %get3A_2911 = arith.index_cast %add3A_2909 : i32 to index
        %get3A_2912 = arith.constant 0 : index
        %get3A_2913 = tpu.vector_load %arg5[%get3A_2911, %get3A_2912] {strides = array<i32>} : memref<200x128xi32, #tpu.memory_space<vmem>>, vector<1x16xi32>,
        %get3A_2914 = vector.shape_cast %get3A_2913 : vector<1x16xi32> to vector<16xi32>
        %mul3A_2915 = arith.constant 128 : i32
        %mul3A_2916 = arith.muli %add3A_2909, %mul3A_2915 : i32
        %add3A_2917 = arith.constant 0 : i32
        %add3A_2918 = arith.addi %mul3A_2916, %add3A_2917 : i32
        %add3A_2919 = vector.broadcast %add3A_2918 : i32 to vector<16xi32>
        %add3A_2920 = arith.addi %iota3A_2910, %add3A_2919 : vector<16xi32>
        %jit3A_2921 = arith.constant 200 : i32
        %eq3A_2922 = arith.constant 0 : i32
        %eq3A_2923 = arith.cmpi eq, %jit3A_2921, %eq3A_2922 : i32
        %jit3A_2924 = arith.constant 1 : i32
        %select_n3A_2925 = arith.select %eq3A_2923, %jit3A_2924, %jit3A_2921 : i32
        %rem3A_2926 = vector.broadcast %select_n3A_2925 : i32 to vector<16xi32>
        %rem3A_2927 = arith.remsi %add3A_2920, %rem3A_2926 : vector<16xi32>
        %ne3A_2928 = arith.constant 0 : i32
        %ne3A_2929 = vector.broadcast %ne3A_2928 : i32 to vector<16xi32>
        %ne3A_2930 = arith.cmpi ne, %rem3A_2927, %ne3A_2929 : vector<16xi32>
        %lt3A_2931 = arith.constant 0 : i32
        %lt3A_2932 = vector.broadcast %lt3A_2931 : i32 to vector<16xi32>
        %lt3A_2933 = arith.cmpi slt, %rem3A_2927, %lt3A_2932 : vector<16xi32>
        %lt3A_2934 = arith.constant 0 : i32
        %lt3A_2935 = arith.cmpi slt, %select_n3A_2925, %lt3A_2934 : i32
        %ne3A_2936 = vector.broadcast %lt3A_2935 : i1 to vector<16xi1>
        %ne3A_2937 = vector.broadcast %ne3A_2936 : vector<16xi1> to vector<16xi1>
        %ne3A_2938 = arith.xori %lt3A_2933, %ne3A_2937 : vector<16xi1>
        %and3A_2939 = arith.andi %ne3A_2938, %ne3A_2930 : vector<16xi1>
        %add3A_2940 = vector.broadcast %select_n3A_2925 : i32 to vector<16xi32>
        %add3A_2941 = arith.addi %rem3A_2927, %add3A_2940 : vector<16xi32>
        %select_n3A_2942 = arith.select %and3A_2939, %add3A_2941, %rem3A_2927 : vector<16xi1>, vector<16xi32>
        %mul3A_2943 = arith.constant 4 : i32
        %mul3A_2944 = vector.broadcast %mul3A_2943 : i32 to vector<16xi32>
        %mul3A_2945 = arith.muli %mul3A_2944, %select_n3A_2942 : vector<16xi32>
        %add3A_2946 = arith.addi %get3A_2914, %mul3A_2945 : vector<16xi32>
        %swap3A_2947 = arith.index_cast %add3A_2909 : i32 to index
        %swap3A_2948 = arith.constant 0 : index
        %swap3A_2949 = tpu.vector_load %arg5[%swap3A_2947, %swap3A_2948] {strides = array<i32>} : memref<200x128xi32, #tpu.memory_space<vmem>>, vector<1x16xi32>,
        %swap3A_2950 = vector.shape_cast %swap3A_2949 : vector<1x16xi32> to vector<16xi32>
        %swap3A_2951 = vector.shape_cast %add3A_2946 : vector<16xi32> to vector<1x16xi32>
        tpu.vector_store %arg5[%swap3A_2947, %swap3A_2948], %swap3A_2951 {strides = array<i32>} : memref<200x128xi32, #tpu.memory_space<vmem>>, vector<1x16xi32>,
        %get3A_2952 = arith.index_cast %add3A_2909 : i32 to index
        %get3A_2953 = arith.constant 16 : index
        %get3A_2954 = tpu.vector_load %arg5[%get3A_2952, %get3A_2953] {strides = array<i32>} : memref<200x128xi32, #tpu.memory_space<vmem>>, vector<1x16xi32>,
        %get3A_2955 = vector.shape_cast %get3A_2954 : vector<1x16xi32> to vector<16xi32>
        %mul3A_2956 = arith.constant 128 : i32
        %mul3A_2957 = arith.muli %add3A_2909, %mul3A_2956 : i32
        %add3A_2958 = arith.constant 16 : i32
        %add3A_2959 = arith.addi %mul3A_2957, %add3A_2958 : i32
        %add3A_2960 = vector.broadcast %add3A_2959 : i32 to vector<16xi32>
        %add3A_2961 = arith.addi %iota3A_2910, %add3A_2960 : vector<16xi32>
        %jit3A_2962 = arith.constant 200 : i32
        %eq3A_2963 = arith.constant 0 : i32
        %eq3A_2964 = arith.cmpi eq, %jit3A_2962, %eq3A_2963 : i32
        %jit3A_2965 = arith.constant 1 : i32
        %select_n3A_2966 = arith.select %eq3A_2964, %jit3A_2965, %jit3A_2962 : i32
        %rem3A_2967 = vector.broadcast %select_n3A_2966 : i32 to vector<16xi32>
        %rem3A_2968 = arith.remsi %add3A_2961, %rem3A_2967 : vector<16xi32>
        %ne3A_2969 = arith.constant 0 : i32
        %ne3A_2970 = vector.broadcast %ne3A_2969 : i32 to vector<16xi32>
        %ne3A_2971 = arith.cmpi ne, %rem3A_2968, %ne3A_2970 : vector<16xi32>
        %lt3A_2972 = arith.constant 0 : i32
        %lt3A_2973 = vector.broadcast %lt3A_2972 : i32 to vector<16xi32>
        %lt3A_2974 = arith.cmpi slt, %rem3A_2968, %lt3A_2973 : vector<16xi32>
        %lt3A_2975 = arith.constant 0 : i32
        %lt3A_2976 = arith.cmpi slt, %select_n3A_2966, %lt3A_2975 : i32
        %ne3A_2977 = vector.broadcast %lt3A_2976 : i1 to vector<16xi1>
        %ne3A_2978 = vector.broadcast %ne3A_2977 : vector<16xi1> to vector<16xi1>
        %ne3A_2979 = arith.xori %lt3A_2974, %ne3A_2978 : vector<16xi1>
        %and3A_2980 = arith.andi %ne3A_2979, %ne3A_2971 : vector<16xi1>
        %add3A_2981 = vector.broadcast %select_n3A_2966 : i32 to vector<16xi32>
        %add3A_2982 = arith.addi %rem3A_2968, %add3A_2981 : vector<16xi32>
        %select_n3A_2983 = arith.select %and3A_2980, %add3A_2982, %rem3A_2968 : vector<16xi1>, vector<16xi32>
        %mul3A_2984 = arith.constant 4 : i32
        %mul3A_2985 = vector.broadcast %mul3A_2984 : i32 to vector<16xi32>
        %mul3A_2986 = arith.muli %mul3A_2985, %select_n3A_2983 : vector<16xi32>
        %add3A_2987 = arith.addi %get3A_2955, %mul3A_2986 : vector<16xi32>
        %swap3A_2988 = arith.index_cast %add3A_2909 : i32 to index
        %swap3A_2989 = arith.constant 16 : index
        %swap3A_2990 = tpu.vector_load %arg5[%swap3A_2988, %swap3A_2989] {strides = array<i32>} : memref<200x128xi32, #tpu.memory_space<vmem>>, vector<1x16xi32>,
        %swap3A_2991 = vector.shape_cast %swap3A_2990 : vector<1x16xi32> to vector<16xi32>
        %swap3A_2992 = vector.shape_cast %add3A_2987 : vector<16xi32> to vector<1x16xi32>
        tpu.vector_store %arg5[%swap3A_2988, %swap3A_2989], %swap3A_2992 {strides = array<i32>} : memref<200x128xi32, #tpu.memory_space<vmem>>, vector<1x16xi32>,
        %get3A_2993 = arith.index_cast %add3A_2909 : i32 to index
        %get3A_2994 = arith.constant 32 : index
        %get3A_2995 = tpu.vector_load %arg5[%get3A_2993, %get3A_2994] {strides = array<i32>} : memref<200x128xi32, #tpu.memory_space<vmem>>, vector<1x16xi32>,
        %get3A_2996 = vector.shape_cast %get3A_2995 : vector<1x16xi32> to vector<16xi32>
        %mul3A_2997 = arith.constant 128 : i32
        %mul3A_2998 = arith.muli %add3A_2909, %mul3A_2997 : i32
        %add3A_2999 = arith.constant 32 : i32
        %add3A_3000 = arith.addi %mul3A_2998, %add3A_2999 : i32
        %add3A_3001 = vector.broadcast %add3A_3000 : i32 to vector<16xi32>
        %add3A_3002 = arith.addi %iota3A_2910, %add3A_3001 : vector<16xi32>
        %jit3A_3003 = arith.constant 200 : i32
        %eq3A_3004 = arith.constant 0 : i32
        %eq3A_3005 = arith.cmpi eq, %jit3A_3003, %eq3A_3004 : i32
        %jit3A_3006 = arith.constant 1 : i32
        %select_n3A_3007 = arith.select %eq3A_3005, %jit3A_3006, %jit3A_3003 : i32
        %rem3A_3008 = vector.broadcast %select_n3A_3007 : i32 to vector<16xi32>
        %rem3A_3009 = arith.remsi %add3A_3002, %rem3A_3008 : vector<16xi32>
        %ne3A_3010 = arith.constant 0 : i32
        %ne3A_3011 = vector.broadcast %ne3A_3010 : i32 to vector<16xi32>
        %ne3A_3012 = arith.cmpi ne, %rem3A_3009, %ne3A_3011 : vector<16xi32>
        %lt3A_3013 = arith.constant 0 : i32
        %lt3A_3014 = vector.broadcast %lt3A_3013 : i32 to vector<16xi32>
        %lt3A_3015 = arith.cmpi slt, %rem3A_3009, %lt3A_3014 : vector<16xi32>
        %lt3A_3016 = arith.constant 0 : i32
        %lt3A_3017 = arith.cmpi slt, %select_n3A_3007, %lt3A_3016 : i32
        %ne3A_3018 = vector.broadcast %lt3A_3017 : i1 to vector<16xi1>
        %ne3A_3019 = vector.broadcast %ne3A_3018 : vector<16xi1> to vector<16xi1>
        %ne3A_3020 = arith.xori %lt3A_3015, %ne3A_3019 : vector<16xi1>
        %and3A_3021 = arith.andi %ne3A_3020, %ne3A_3012 : vector<16xi1>
        %add3A_3022 = vector.broadcast %select_n3A_3007 : i32 to vector<16xi32>
        %add3A_3023 = arith.addi %rem3A_3009, %add3A_3022 : vector<16xi32>
        %select_n3A_3024 = arith.select %and3A_3021, %add3A_3023, %rem3A_3009 : vector<16xi1>, vector<16xi32>
        %mul3A_3025 = arith.constant 4 : i32
        %mul3A_3026 = vector.broadcast %mul3A_3025 : i32 to vector<16xi32>
        %mul3A_3027 = arith.muli %mul3A_3026, %select_n3A_3024 : vector<16xi32>
        %add3A_3028 = arith.addi %get3A_2996, %mul3A_3027 : vector<16xi32>
        %swap3A_3029 = arith.index_cast %add3A_2909 : i32 to index
        %swap3A_3030 = arith.constant 32 : index
        %swap3A_3031 = tpu.vector_load %arg5[%swap3A_3029, %swap3A_3030] {strides = array<i32>} : memref<200x128xi32, #tpu.memory_space<vmem>>, vector<1x16xi32>,
        %swap3A_3032 = vector.shape_cast %swap3A_3031 : vector<1x16xi32> to vector<16xi32>
        %swap3A_3033 = vector.shape_cast %add3A_3028 : vector<16xi32> to vector<1x16xi32>
        tpu.vector_store %arg5[%swap3A_3029, %swap3A_3030], %swap3A_3033 {strides = array<i32>} : memref<200x128xi32, #tpu.memory_space<vmem>>, vector<1x16xi32>,
        %get3A_3034 = arith.index_cast %add3A_2909 : i32 to index
        %get3A_3035 = arith.constant 48 : index
        %get3A_3036 = tpu.vector_load %arg5[%get3A_3034, %get3A_3035] {strides = array<i32>} : memref<200x128xi32, #tpu.memory_space<vmem>>, vector<1x16xi32>,
        %get3A_3037 = vector.shape_cast %get3A_3036 : vector<1x16xi32> to vector<16xi32>
        %mul3A_3038 = arith.constant 128 : i32
        %mul3A_3039 = arith.muli %add3A_2909, %mul3A_3038 : i32
        %add3A_3040 = arith.constant 48 : i32
        %add3A_3041 = arith.addi %mul3A_3039, %add3A_3040 : i32
        %add3A_3042 = vector.broadcast %add3A_3041 : i32 to vector<16xi32>
        %add3A_3043 = arith.addi %iota3A_2910, %add3A_3042 : vector<16xi32>
        %jit3A_3044 = arith.constant 200 : i32
        %eq3A_3045 = arith.constant 0 : i32
        %eq3A_3046 = arith.cmpi eq, %jit3A_3044, %eq3A_3045 : i32
        %jit3A_3047 = arith.constant 1 : i32
        %select_n3A_3048 = arith.select %eq3A_3046, %jit3A_3047, %jit3A_3044 : i32
        %rem3A_3049 = vector.broadcast %select_n3A_3048 : i32 to vector<16xi32>
        %rem3A_3050 = arith.remsi %add3A_3043, %rem3A_3049 : vector<16xi32>
        %ne3A_3051 = arith.constant 0 : i32
        %ne3A_3052 = vector.broadcast %ne3A_3051 : i32 to vector<16xi32>
        %ne3A_3053 = arith.cmpi ne, %rem3A_3050, %ne3A_3052 : vector<16xi32>
        %lt3A_3054 = arith.constant 0 : i32
        %lt3A_3055 = vector.broadcast %lt3A_3054 : i32 to vector<16xi32>
        %lt3A_3056 = arith.cmpi slt, %rem3A_3050, %lt3A_3055 : vector<16xi32>
        %lt3A_3057 = arith.constant 0 : i32
        %lt3A_3058 = arith.cmpi slt, %select_n3A_3048, %lt3A_3057 : i32
        %ne3A_3059 = vector.broadcast %lt3A_3058 : i1 to vector<16xi1>
        %ne3A_3060 = vector.broadcast %ne3A_3059 : vector<16xi1> to vector<16xi1>
        %ne3A_3061 = arith.xori %lt3A_3056, %ne3A_3060 : vector<16xi1>
        %and3A_3062 = arith.andi %ne3A_3061, %ne3A_3053 : vector<16xi1>
        %add3A_3063 = vector.broadcast %select_n3A_3048 : i32 to vector<16xi32>
        %add3A_3064 = arith.addi %rem3A_3050, %add3A_3063 : vector<16xi32>
        %select_n3A_3065 = arith.select %and3A_3062, %add3A_3064, %rem3A_3050 : vector<16xi1>, vector<16xi32>
        %mul3A_3066 = arith.constant 4 : i32
        %mul3A_3067 = vector.broadcast %mul3A_3066 : i32 to vector<16xi32>
        %mul3A_3068 = arith.muli %mul3A_3067, %select_n3A_3065 : vector<16xi32>
        %add3A_3069 = arith.addi %get3A_3037, %mul3A_3068 : vector<16xi32>
        %swap3A_3070 = arith.index_cast %add3A_2909 : i32 to index
        %swap3A_3071 = arith.constant 48 : index
        %swap3A_3072 = tpu.vector_load %arg5[%swap3A_3070, %swap3A_3071] {strides = array<i32>} : memref<200x128xi32, #tpu.memory_space<vmem>>, vector<1x16xi32>,
        %swap3A_3073 = vector.shape_cast %swap3A_3072 : vector<1x16xi32> to vector<16xi32>
        %swap3A_3074 = vector.shape_cast %add3A_3069 : vector<16xi32> to vector<1x16xi32>
        tpu.vector_store %arg5[%swap3A_3070, %swap3A_3071], %swap3A_3074 {strides = array<i32>} : memref<200x128xi32, #tpu.memory_space<vmem>>, vector<1x16xi32>,
        %get3A_3075 = arith.index_cast %add3A_2909 : i32 to index
        %get3A_3076 = arith.constant 64 : index
        %get3A_3077 = tpu.vector_load %arg5[%get3A_3075, %get3A_3076] {strides = array<i32>} : memref<200x128xi32, #tpu.memory_space<vmem>>, vector<1x16xi32>,
        %get3A_3078 = vector.shape_cast %get3A_3077 : vector<1x16xi32> to vector<16xi32>
        %mul3A_3079 = arith.constant 128 : i32
        %mul3A_3080 = arith.muli %add3A_2909, %mul3A_3079 : i32
        %add3A_3081 = arith.constant 64 : i32
        %add3A_3082 = arith.addi %mul3A_3080, %add3A_3081 : i32
        %add3A_3083 = vector.broadcast %add3A_3082 : i32 to vector<16xi32>
        %add3A_3084 = arith.addi %iota3A_2910, %add3A_3083 : vector<16xi32>
        %jit3A_3085 = arith.constant 200 : i32
        %eq3A_3086 = arith.constant 0 : i32
        %eq3A_3087 = arith.cmpi eq, %jit3A_3085, %eq3A_3086 : i32
        %jit3A_3088 = arith.constant 1 : i32
        %select_n3A_3089 = arith.select %eq3A_3087, %jit3A_3088, %jit3A_3085 : i32
        %rem3A_3090 = vector.broadcast %select_n3A_3089 : i32 to vector<16xi32>
        %rem3A_3091 = arith.remsi %add3A_3084, %rem3A_3090 : vector<16xi32>
        %ne3A_3092 = arith.constant 0 : i32
        %ne3A_3093 = vector.broadcast %ne3A_3092 : i32 to vector<16xi32>
        %ne3A_3094 = arith.cmpi ne, %rem3A_3091, %ne3A_3093 : vector<16xi32>
        %lt3A_3095 = arith.constant 0 : i32
        %lt3A_3096 = vector.broadcast %lt3A_3095 : i32 to vector<16xi32>
        %lt3A_3097 = arith.cmpi slt, %rem3A_3091, %lt3A_3096 : vector<16xi32>
        %lt3A_3098 = arith.constant 0 : i32
        %lt3A_3099 = arith.cmpi slt, %select_n3A_3089, %lt3A_3098 : i32
        %ne3A_3100 = vector.broadcast %lt3A_3099 : i1 to vector<16xi1>
        %ne3A_3101 = vector.broadcast %ne3A_3100 : vector<16xi1> to vector<16xi1>
        %ne3A_3102 = arith.xori %lt3A_3097, %ne3A_3101 : vector<16xi1>
        %and3A_3103 = arith.andi %ne3A_3102, %ne3A_3094 : vector<16xi1>
        %add3A_3104 = vector.broadcast %select_n3A_3089 : i32 to vector<16xi32>
        %add3A_3105 = arith.addi %rem3A_3091, %add3A_3104 : vector<16xi32>
        %select_n3A_3106 = arith.select %and3A_3103, %add3A_3105, %rem3A_3091 : vector<16xi1>, vector<16xi32>
        %mul3A_3107 = arith.constant 4 : i32
        %mul3A_3108 = vector.broadcast %mul3A_3107 : i32 to vector<16xi32>
        %mul3A_3109 = arith.muli %mul3A_3108, %select_n3A_3106 : vector<16xi32>
        %add3A_3110 = arith.addi %get3A_3078, %mul3A_3109 : vector<16xi32>
        %swap3A_3111 = arith.index_cast %add3A_2909 : i32 to index
        %swap3A_3112 = arith.constant 64 : index
        %swap3A_3113 = tpu.vector_load %arg5[%swap3A_3111, %swap3A_3112] {strides = array<i32>} : memref<200x128xi32, #tpu.memory_space<vmem>>, vector<1x16xi32>,
        %swap3A_3114 = vector.shape_cast %swap3A_3113 : vector<1x16xi32> to vector<16xi32>
        %swap3A_3115 = vector.shape_cast %add3A_3110 : vector<16xi32> to vector<1x16xi32>
        tpu.vector_store %arg5[%swap3A_3111, %swap3A_3112], %swap3A_3115 {strides = array<i32>} : memref<200x128xi32, #tpu.memory_space<vmem>>, vector<1x16xi32>,
        %get3A_3116 = arith.index_cast %add3A_2909 : i32 to index
        %get3A_3117 = arith.constant 80 : index
        %get3A_3118 = tpu.vector_load %arg5[%get3A_3116, %get3A_3117] {strides = array<i32>} : memref<200x128xi32, #tpu.memory_space<vmem>>, vector<1x16xi32>,
        %get3A_3119 = vector.shape_cast %get3A_3118 : vector<1x16xi32> to vector<16xi32>
        %mul3A_3120 = arith.constant 128 : i32
        %mul3A_3121 = arith.muli %add3A_2909, %mul3A_3120 : i32
        %add3A_3122 = arith.constant 80 : i32
        %add3A_3123 = arith.addi %mul3A_3121, %add3A_3122 : i32
        %add3A_3124 = vector.broadcast %add3A_3123 : i32 to vector<16xi32>
        %add3A_3125 = arith.addi %iota3A_2910, %add3A_3124 : vector<16xi32>
        %jit3A_3126 = arith.constant 200 : i32
        %eq3A_3127 = arith.constant 0 : i32
        %eq3A_3128 = arith.cmpi eq, %jit3A_3126, %eq3A_3127 : i32
        %jit3A_3129 = arith.constant 1 : i32
        %select_n3A_3130 = arith.select %eq3A_3128, %jit3A_3129, %jit3A_3126 : i32
        %rem3A_3131 = vector.broadcast %select_n3A_3130 : i32 to vector<16xi32>
        %rem3A_3132 = arith.remsi %add3A_3125, %rem3A_3131 : vector<16xi32>
        %ne3A_3133 = arith.constant 0 : i32
        %ne3A_3134 = vector.broadcast %ne3A_3133 : i32 to vector<16xi32>
        %ne3A_3135 = arith.cmpi ne, %rem3A_3132, %ne3A_3134 : vector<16xi32>
        %lt3A_3136 = arith.constant 0 : i32
        %lt3A_3137 = vector.broadcast %lt3A_3136 : i32 to vector<16xi32>
        %lt3A_3138 = arith.cmpi slt, %rem3A_3132, %lt3A_3137 : vector<16xi32>
        %lt3A_3139 = arith.constant 0 : i32
        %lt3A_3140 = arith.cmpi slt, %select_n3A_3130, %lt3A_3139 : i32
        %ne3A_3141 = vector.broadcast %lt3A_3140 : i1 to vector<16xi1>
        %ne3A_3142 = vector.broadcast %ne3A_3141 : vector<16xi1> to vector<16xi1>
        %ne3A_3143 = arith.xori %lt3A_3138, %ne3A_3142 : vector<16xi1>
        %and3A_3144 = arith.andi %ne3A_3143, %ne3A_3135 : vector<16xi1>
        %add3A_3145 = vector.broadcast %select_n3A_3130 : i32 to vector<16xi32>
        %add3A_3146 = arith.addi %rem3A_3132, %add3A_3145 : vector<16xi32>
        %select_n3A_3147 = arith.select %and3A_3144, %add3A_3146, %rem3A_3132 : vector<16xi1>, vector<16xi32>
        %mul3A_3148 = arith.constant 4 : i32
        %mul3A_3149 = vector.broadcast %mul3A_3148 : i32 to vector<16xi32>
        %mul3A_3150 = arith.muli %mul3A_3149, %select_n3A_3147 : vector<16xi32>
        %add3A_3151 = arith.addi %get3A_3119, %mul3A_3150 : vector<16xi32>
        %swap3A_3152 = arith.index_cast %add3A_2909 : i32 to index
        %swap3A_3153 = arith.constant 80 : index
        %swap3A_3154 = tpu.vector_load %arg5[%swap3A_3152, %swap3A_3153] {strides = array<i32>} : memref<200x128xi32, #tpu.memory_space<vmem>>, vector<1x16xi32>,
        %swap3A_3155 = vector.shape_cast %swap3A_3154 : vector<1x16xi32> to vector<16xi32>
        %swap3A_3156 = vector.shape_cast %add3A_3151 : vector<16xi32> to vector<1x16xi32>
        tpu.vector_store %arg5[%swap3A_3152, %swap3A_3153], %swap3A_3156 {strides = array<i32>} : memref<200x128xi32, #tpu.memory_space<vmem>>, vector<1x16xi32>,
        %get3A_3157 = arith.index_cast %add3A_2909 : i32 to index
        %get3A_3158 = arith.constant 96 : index
        %get3A_3159 = tpu.vector_load %arg5[%get3A_3157, %get3A_3158] {strides = array<i32>} : memref<200x128xi32, #tpu.memory_space<vmem>>, vector<1x16xi32>,
        %get3A_3160 = vector.shape_cast %get3A_3159 : vector<1x16xi32> to vector<16xi32>
        %mul3A_3161 = arith.constant 128 : i32
        %mul3A_3162 = arith.muli %add3A_2909, %mul3A_3161 : i32
        %add3A_3163 = arith.constant 96 : i32
        %add3A_3164 = arith.addi %mul3A_3162, %add3A_3163 : i32
        %add3A_3165 = vector.broadcast %add3A_3164 : i32 to vector<16xi32>
        %add3A_3166 = arith.addi %iota3A_2910, %add3A_3165 : vector<16xi32>
        %jit3A_3167 = arith.constant 200 : i32
        %eq3A_3168 = arith.constant 0 : i32
        %eq3A_3169 = arith.cmpi eq, %jit3A_3167, %eq3A_3168 : i32
        %jit3A_3170 = arith.constant 1 : i32
        %select_n3A_3171 = arith.select %eq3A_3169, %jit3A_3170, %jit3A_3167 : i32
        %rem3A_3172 = vector.broadcast %select_n3A_3171 : i32 to vector<16xi32>
        %rem3A_3173 = arith.remsi %add3A_3166, %rem3A_3172 : vector<16xi32>
        %ne3A_3174 = arith.constant 0 : i32
        %ne3A_3175 = vector.broadcast %ne3A_3174 : i32 to vector<16xi32>
        %ne3A_3176 = arith.cmpi ne, %rem3A_3173, %ne3A_3175 : vector<16xi32>
        %lt3A_3177 = arith.constant 0 : i32
        %lt3A_3178 = vector.broadcast %lt3A_3177 : i32 to vector<16xi32>
        %lt3A_3179 = arith.cmpi slt, %rem3A_3173, %lt3A_3178 : vector<16xi32>
        %lt3A_3180 = arith.constant 0 : i32
        %lt3A_3181 = arith.cmpi slt, %select_n3A_3171, %lt3A_3180 : i32
        %ne3A_3182 = vector.broadcast %lt3A_3181 : i1 to vector<16xi1>
        %ne3A_3183 = vector.broadcast %ne3A_3182 : vector<16xi1> to vector<16xi1>
        %ne3A_3184 = arith.xori %lt3A_3179, %ne3A_3183 : vector<16xi1>
        %and3A_3185 = arith.andi %ne3A_3184, %ne3A_3176 : vector<16xi1>
        %add3A_3186 = vector.broadcast %select_n3A_3171 : i32 to vector<16xi32>
        %add3A_3187 = arith.addi %rem3A_3173, %add3A_3186 : vector<16xi32>
        %select_n3A_3188 = arith.select %and3A_3185, %add3A_3187, %rem3A_3173 : vector<16xi1>, vector<16xi32>
        %mul3A_3189 = arith.constant 4 : i32
        %mul3A_3190 = vector.broadcast %mul3A_3189 : i32 to vector<16xi32>
        %mul3A_3191 = arith.muli %mul3A_3190, %select_n3A_3188 : vector<16xi32>
        %add3A_3192 = arith.addi %get3A_3160, %mul3A_3191 : vector<16xi32>
        %swap3A_3193 = arith.index_cast %add3A_2909 : i32 to index
        %swap3A_3194 = arith.constant 96 : index
        %swap3A_3195 = tpu.vector_load %arg5[%swap3A_3193, %swap3A_3194] {strides = array<i32>} : memref<200x128xi32, #tpu.memory_space<vmem>>, vector<1x16xi32>,
        %swap3A_3196 = vector.shape_cast %swap3A_3195 : vector<1x16xi32> to vector<16xi32>
        %swap3A_3197 = vector.shape_cast %add3A_3192 : vector<16xi32> to vector<1x16xi32>
        tpu.vector_store %arg5[%swap3A_3193, %swap3A_3194], %swap3A_3197 {strides = array<i32>} : memref<200x128xi32, #tpu.memory_space<vmem>>, vector<1x16xi32>,
        %get3A_3198 = arith.index_cast %add3A_2909 : i32 to index
        %get3A_3199 = arith.constant 112 : index
        %get3A_3200 = tpu.vector_load %arg5[%get3A_3198, %get3A_3199] {strides = array<i32>} : memref<200x128xi32, #tpu.memory_space<vmem>>, vector<1x16xi32>,
        %get3A_3201 = vector.shape_cast %get3A_3200 : vector<1x16xi32> to vector<16xi32>
        %mul3A_3202 = arith.constant 128 : i32
        %mul3A_3203 = arith.muli %add3A_2909, %mul3A_3202 : i32
        %add3A_3204 = arith.constant 112 : i32
        %add3A_3205 = arith.addi %mul3A_3203, %add3A_3204 : i32
        %add3A_3206 = vector.broadcast %add3A_3205 : i32 to vector<16xi32>
        %add3A_3207 = arith.addi %iota3A_2910, %add3A_3206 : vector<16xi32>
        %jit3A_3208 = arith.constant 200 : i32
        %eq3A_3209 = arith.constant 0 : i32
        %eq3A_3210 = arith.cmpi eq, %jit3A_3208, %eq3A_3209 : i32
        %jit3A_3211 = arith.constant 1 : i32
        %select_n3A_3212 = arith.select %eq3A_3210, %jit3A_3211, %jit3A_3208 : i32
        %rem3A_3213 = vector.broadcast %select_n3A_3212 : i32 to vector<16xi32>
        %rem3A_3214 = arith.remsi %add3A_3207, %rem3A_3213 : vector<16xi32>
        %ne3A_3215 = arith.constant 0 : i32
        %ne3A_3216 = vector.broadcast %ne3A_3215 : i32 to vector<16xi32>
        %ne3A_3217 = arith.cmpi ne, %rem3A_3214, %ne3A_3216 : vector<16xi32>
        %lt3A_3218 = arith.constant 0 : i32
        %lt3A_3219 = vector.broadcast %lt3A_3218 : i32 to vector<16xi32>
        %lt3A_3220 = arith.cmpi slt, %rem3A_3214, %lt3A_3219 : vector<16xi32>
        %lt3A_3221 = arith.constant 0 : i32
        %lt3A_3222 = arith.cmpi slt, %select_n3A_3212, %lt3A_3221 : i32
        %ne3A_3223 = vector.broadcast %lt3A_3222 : i1 to vector<16xi1>
        %ne3A_3224 = vector.broadcast %ne3A_3223 : vector<16xi1> to vector<16xi1>
        %ne3A_3225 = arith.xori %lt3A_3220, %ne3A_3224 : vector<16xi1>
        %and3A_3226 = arith.andi %ne3A_3225, %ne3A_3217 : vector<16xi1>
        %add3A_3227 = vector.broadcast %select_n3A_3212 : i32 to vector<16xi32>
        %add3A_3228 = arith.addi %rem3A_3214, %add3A_3227 : vector<16xi32>
        %select_n3A_3229 = arith.select %and3A_3226, %add3A_3228, %rem3A_3214 : vector<16xi1>, vector<16xi32>
        %mul3A_3230 = arith.constant 4 : i32
        %mul3A_3231 = vector.broadcast %mul3A_3230 : i32 to vector<16xi32>
        %mul3A_3232 = arith.muli %mul3A_3231, %select_n3A_3229 : vector<16xi32>
        %add3A_3233 = arith.addi %get3A_3201, %mul3A_3232 : vector<16xi32>
        %swap3A_3234 = arith.index_cast %add3A_2909 : i32 to index
        %swap3A_3235 = arith.constant 112 : index
        %swap3A_3236 = tpu.vector_load %arg5[%swap3A_3234, %swap3A_3235] {strides = array<i32>} : memref<200x128xi32, #tpu.memory_space<vmem>>, vector<1x16xi32>,
        %swap3A_3237 = vector.shape_cast %swap3A_3236 : vector<1x16xi32> to vector<16xi32>
        %swap3A_3238 = vector.shape_cast %add3A_3233 : vector<16xi32> to vector<1x16xi32>
        tpu.vector_store %arg5[%swap3A_3234, %swap3A_3235], %swap3A_3238 {strides = array<i32>} : memref<200x128xi32, #tpu.memory_space<vmem>>, vector<1x16xi32>,
      } else {
      }
      %dma_wait3A_2857 = arith.constant 0 : i32
      %dma_wait3A_2858 = tpu.memref_slice %arg5[%add3A_2834, %dma_wait3A_2857] : memref<200x128xi32, #tpu.memory_space<vmem>> -> memref<1x128xi32, #tpu.memory_space<vmem>>
      %dma_wait3A_2859 = tpu.memref_squeeze %dma_wait3A_2858 : memref<1x128xi32, #tpu.memory_space<vmem>> -> memref<128xi32, #tpu.memory_space<vmem>>
      %dma_wait3A_2860 = arith.constant 0 : i32
      %dma_wait3A_2861 = arith.constant 0 : i32
      %dma_wait3A_2862 = tpu.memref_slice %arg2[%dma_wait3A_2860, %dma_wait3A_2861] : memref<800x128xf32, #tpu.memory_space<hbm>> -> memref<800x128xf32, #tpu.memory_space<hbm>>
      tpu.wait_indirect_dma semaphore(%arg17 : memref<!tpu.dma_semaphore, #tpu.memory_space<semaphore_mem>>) src(%dma_wait3A_2862 : memref<800x128xf32, #tpu.memory_space<hbm>>) dst(%arg10 : memref<128x128xf32, #tpu.memory_space<vmem>>)
      %mul3A_2863 = arith.constant 128 : i32
      %mul3A_2864 = arith.muli %add3A_2834, %mul3A_2863 : i32
      %add3A_2865 = arith.addi %mul3A_2, %mul3A_2864 : i32
      %dma_start3A_2866 = arith.constant 0 : i32
      %dma_start3A_2867 = tpu.memref_slice %arg4[%add3A_2865, %dma_start3A_2866] : memref<819200x128xf32, #tpu.memory_space<hbm>> -> memref<128x128xf32, #tpu.memory_space<hbm>>
      %dma_start3A_2868 = arith.constant 0 : i32
      %dma_start3A_2869 = tpu.memref_slice %arg4[%add3A_2865, %dma_start3A_2868] : memref<819200x128xf32, #tpu.memory_space<hbm>> -> memref<128x128xf32, #tpu.memory_space<hbm>>
      tpu.enqueue_dma source(%arg10 : memref<128x128xf32, #tpu.memory_space<vmem>>) target(%dma_start3A_2869 : memref<128x128xf32, #tpu.memory_space<hbm>>) target_semaphore(%arg23 : memref<!tpu.dma_semaphore, #tpu.memory_space<semaphore_mem>>)
      %mul3A_2870 = arith.constant 6 : i32
      %mul3A_2871 = arith.muli %mul3A_2870, %scan3A_1376 : i32
      %add3A_2872 = arith.constant 5 : i32
      %add3A_2873 = arith.addi %mul3A_2871, %add3A_2872 : i32
      %sub3A_2874 = arith.constant 3 : i32
      %sub3A_2875 = arith.subi %add3A_2873, %sub3A_2874 : i32
      %mul3A_2876 = arith.constant 128 : i32
      %mul3A_2877 = arith.muli %sub3A_2875, %mul3A_2876 : i32
      %add3A_2878 = arith.addi %mul3A_2, %mul3A_2877 : i32
      %dma_wait3A_2879 = arith.constant 0 : i32
      %dma_wait3A_2880 = tpu.memref_slice %arg4[%add3A_2878, %dma_wait3A_2879] : memref<819200x128xf32, #tpu.memory_space<hbm>> -> memref<128x128xf32, #tpu.memory_space<hbm>>
      %dma_wait3A_2881 = arith.constant 0 : i32
      %dma_wait3A_2882 = tpu.memref_slice %arg4[%add3A_2878, %dma_wait3A_2881] : memref<819200x128xf32, #tpu.memory_space<hbm>> -> memref<128x128xf32, #tpu.memory_space<hbm>>
      tpu.wait_dma2 semaphore(%arg21 : memref<!tpu.dma_semaphore, #tpu.memory_space<semaphore_mem>>) src(%arg8 : memref<128x128xf32, #tpu.memory_space<vmem>>) dst(%dma_wait3A_2882 : memref<128x128xf32, #tpu.memory_space<hbm>>)
      %lt3A_2883 = arith.constant 32 : i32
      %lt3A_2884 = arith.cmpi slt, %scan3A_1376, %lt3A_2883 : i32
      %convert_element_type3A_2885 = arith.extui %lt3A_2884 : i1 to i32
      %cond3A_2886 = arith.constant 0 : i32
      %cond3A_2887 = arith.cmpi ne, %convert_element_type3A_2885, %cond3A_2886 : i32
      scf.if %cond3A_2887 {
        %add3A_2906 = arith.constant 3 : i32
        %add3A_2907 = arith.addi %add3A_2873, %add3A_2906 : i32
        %dma_start3A_2908 = arith.constant 0 : i32
        %dma_start3A_2909 = tpu.memref_slice %arg5[%add3A_2907, %dma_start3A_2908] : memref<200x128xi32, #tpu.memory_space<vmem>> -> memref<1x128xi32, #tpu.memory_space<vmem>>
        %dma_start3A_2910 = tpu.memref_squeeze %dma_start3A_2909 : memref<1x128xi32, #tpu.memory_space<vmem>> -> memref<128xi32, #tpu.memory_space<vmem>>
        %dma_start3A_2911 = arith.constant 0 : i32
        %dma_start3A_2912 = arith.constant 0 : i32
        %dma_start3A_2913 = tpu.memref_slice %arg2[%dma_start3A_2911, %dma_start3A_2912] : memref<800x128xf32, #tpu.memory_space<hbm>> -> memref<800x128xf32, #tpu.memory_space<hbm>>
        tpu.enqueue_indirect_dma source(%dma_start3A_2913 : memref<800x128xf32, #tpu.memory_space<hbm>>) target(%arg8 : memref<128x128xf32, #tpu.memory_space<vmem>>) offsets(%dma_start3A_2910 : memref<128xi32, #tpu.memory_space<vmem>>) semaphore(%arg15 : memref<!tpu.dma_semaphore, #tpu.memory_space<semaphore_mem>>)
      } else {
      }
      %lt3A_2888 = arith.constant 32 : i32
      %lt3A_2889 = arith.cmpi slt, %scan3A_1376, %lt3A_2888 : i32
      %convert_element_type3A_2890 = arith.extui %lt3A_2889 : i1 to i32
      %cond3A_2891 = arith.constant 0 : i32
      %cond3A_2892 = arith.cmpi ne, %convert_element_type3A_2890, %cond3A_2891 : i32
      scf.if %cond3A_2892 {
        %add3A_2906 = arith.constant 3 : i32
        %add3A_2907 = arith.addi %add3A_2873, %add3A_2906 : i32
        %add3A_2908 = arith.constant 1 : i32
        %add3A_2909 = arith.addi %add3A_2907, %add3A_2908 : i32
        %iota3A_2910 = tpu.iota {dimensions = array<i32: 0>} : vector<16xi32>
        %get3A_2911 = arith.index_cast %add3A_2909 : i32 to index
        %get3A_2912 = arith.constant 0 : index
        %get3A_2913 = tpu.vector_load %arg5[%get3A_2911, %get3A_2912] {strides = array<i32>} : memref<200x128xi32, #tpu.memory_space<vmem>>, vector<1x16xi32>,
        %get3A_2914 = vector.shape_cast %get3A_2913 : vector<1x16xi32> to vector<16xi32>
        %mul3A_2915 = arith.constant 128 : i32
        %mul3A_2916 = arith.muli %add3A_2909, %mul3A_2915 : i32
        %add3A_2917 = arith.constant 0 : i32
        %add3A_2918 = arith.addi %mul3A_2916, %add3A_2917 : i32
        %add3A_2919 = vector.broadcast %add3A_2918 : i32 to vector<16xi32>
        %add3A_2920 = arith.addi %iota3A_2910, %add3A_2919 : vector<16xi32>
        %jit3A_2921 = arith.constant 200 : i32
        %eq3A_2922 = arith.constant 0 : i32
        %eq3A_2923 = arith.cmpi eq, %jit3A_2921, %eq3A_2922 : i32
        %jit3A_2924 = arith.constant 1 : i32
        %select_n3A_2925 = arith.select %eq3A_2923, %jit3A_2924, %jit3A_2921 : i32
        %rem3A_2926 = vector.broadcast %select_n3A_2925 : i32 to vector<16xi32>
        %rem3A_2927 = arith.remsi %add3A_2920, %rem3A_2926 : vector<16xi32>
        %ne3A_2928 = arith.constant 0 : i32
        %ne3A_2929 = vector.broadcast %ne3A_2928 : i32 to vector<16xi32>
        %ne3A_2930 = arith.cmpi ne, %rem3A_2927, %ne3A_2929 : vector<16xi32>
        %lt3A_2931 = arith.constant 0 : i32
        %lt3A_2932 = vector.broadcast %lt3A_2931 : i32 to vector<16xi32>
        %lt3A_2933 = arith.cmpi slt, %rem3A_2927, %lt3A_2932 : vector<16xi32>
        %lt3A_2934 = arith.constant 0 : i32
        %lt3A_2935 = arith.cmpi slt, %select_n3A_2925, %lt3A_2934 : i32
        %ne3A_2936 = vector.broadcast %lt3A_2935 : i1 to vector<16xi1>
        %ne3A_2937 = vector.broadcast %ne3A_2936 : vector<16xi1> to vector<16xi1>
        %ne3A_2938 = arith.xori %lt3A_2933, %ne3A_2937 : vector<16xi1>
        %and3A_2939 = arith.andi %ne3A_2938, %ne3A_2930 : vector<16xi1>
        %add3A_2940 = vector.broadcast %select_n3A_2925 : i32 to vector<16xi32>
        %add3A_2941 = arith.addi %rem3A_2927, %add3A_2940 : vector<16xi32>
        %select_n3A_2942 = arith.select %and3A_2939, %add3A_2941, %rem3A_2927 : vector<16xi1>, vector<16xi32>
        %mul3A_2943 = arith.constant 4 : i32
        %mul3A_2944 = vector.broadcast %mul3A_2943 : i32 to vector<16xi32>
        %mul3A_2945 = arith.muli %mul3A_2944, %select_n3A_2942 : vector<16xi32>
        %add3A_2946 = arith.addi %get3A_2914, %mul3A_2945 : vector<16xi32>
        %swap3A_2947 = arith.index_cast %add3A_2909 : i32 to index
        %swap3A_2948 = arith.constant 0 : index
        %swap3A_2949 = tpu.vector_load %arg5[%swap3A_2947, %swap3A_2948] {strides = array<i32>} : memref<200x128xi32, #tpu.memory_space<vmem>>, vector<1x16xi32>,
        %swap3A_2950 = vector.shape_cast %swap3A_2949 : vector<1x16xi32> to vector<16xi32>
        %swap3A_2951 = vector.shape_cast %add3A_2946 : vector<16xi32> to vector<1x16xi32>
        tpu.vector_store %arg5[%swap3A_2947, %swap3A_2948], %swap3A_2951 {strides = array<i32>} : memref<200x128xi32, #tpu.memory_space<vmem>>, vector<1x16xi32>,
        %get3A_2952 = arith.index_cast %add3A_2909 : i32 to index
        %get3A_2953 = arith.constant 16 : index
        %get3A_2954 = tpu.vector_load %arg5[%get3A_2952, %get3A_2953] {strides = array<i32>} : memref<200x128xi32, #tpu.memory_space<vmem>>, vector<1x16xi32>,
        %get3A_2955 = vector.shape_cast %get3A_2954 : vector<1x16xi32> to vector<16xi32>
        %mul3A_2956 = arith.constant 128 : i32
        %mul3A_2957 = arith.muli %add3A_2909, %mul3A_2956 : i32
        %add3A_2958 = arith.constant 16 : i32
        %add3A_2959 = arith.addi %mul3A_2957, %add3A_2958 : i32
        %add3A_2960 = vector.broadcast %add3A_2959 : i32 to vector<16xi32>
        %add3A_2961 = arith.addi %iota3A_2910, %add3A_2960 : vector<16xi32>
        %jit3A_2962 = arith.constant 200 : i32
        %eq3A_2963 = arith.constant 0 : i32
        %eq3A_2964 = arith.cmpi eq, %jit3A_2962, %eq3A_2963 : i32
        %jit3A_2965 = arith.constant 1 : i32
        %select_n3A_2966 = arith.select %eq3A_2964, %jit3A_2965, %jit3A_2962 : i32
        %rem3A_2967 = vector.broadcast %select_n3A_2966 : i32 to vector<16xi32>
        %rem3A_2968 = arith.remsi %add3A_2961, %rem3A_2967 : vector<16xi32>
        %ne3A_2969 = arith.constant 0 : i32
        %ne3A_2970 = vector.broadcast %ne3A_2969 : i32 to vector<16xi32>
        %ne3A_2971 = arith.cmpi ne, %rem3A_2968, %ne3A_2970 : vector<16xi32>
        %lt3A_2972 = arith.constant 0 : i32
        %lt3A_2973 = vector.broadcast %lt3A_2972 : i32 to vector<16xi32>
        %lt3A_2974 = arith.cmpi slt, %rem3A_2968, %lt3A_2973 : vector<16xi32>
        %lt3A_2975 = arith.constant 0 : i32
        %lt3A_2976 = arith.cmpi slt, %select_n3A_2966, %lt3A_2975 : i32
        %ne3A_2977 = vector.broadcast %lt3A_2976 : i1 to vector<16xi1>
        %ne3A_2978 = vector.broadcast %ne3A_2977 : vector<16xi1> to vector<16xi1>
        %ne3A_2979 = arith.xori %lt3A_2974, %ne3A_2978 : vector<16xi1>
        %and3A_2980 = arith.andi %ne3A_2979, %ne3A_2971 : vector<16xi1>
        %add3A_2981 = vector.broadcast %select_n3A_2966 : i32 to vector<16xi32>
        %add3A_2982 = arith.addi %rem3A_2968, %add3A_2981 : vector<16xi32>
        %select_n3A_2983 = arith.select %and3A_2980, %add3A_2982, %rem3A_2968 : vector<16xi1>, vector<16xi32>
        %mul3A_2984 = arith.constant 4 : i32
        %mul3A_2985 = vector.broadcast %mul3A_2984 : i32 to vector<16xi32>
        %mul3A_2986 = arith.muli %mul3A_2985, %select_n3A_2983 : vector<16xi32>
        %add3A_2987 = arith.addi %get3A_2955, %mul3A_2986 : vector<16xi32>
        %swap3A_2988 = arith.index_cast %add3A_2909 : i32 to index
        %swap3A_2989 = arith.constant 16 : index
        %swap3A_2990 = tpu.vector_load %arg5[%swap3A_2988, %swap3A_2989] {strides = array<i32>} : memref<200x128xi32, #tpu.memory_space<vmem>>, vector<1x16xi32>,
        %swap3A_2991 = vector.shape_cast %swap3A_2990 : vector<1x16xi32> to vector<16xi32>
        %swap3A_2992 = vector.shape_cast %add3A_2987 : vector<16xi32> to vector<1x16xi32>
        tpu.vector_store %arg5[%swap3A_2988, %swap3A_2989], %swap3A_2992 {strides = array<i32>} : memref<200x128xi32, #tpu.memory_space<vmem>>, vector<1x16xi32>,
        %get3A_2993 = arith.index_cast %add3A_2909 : i32 to index
        %get3A_2994 = arith.constant 32 : index
        %get3A_2995 = tpu.vector_load %arg5[%get3A_2993, %get3A_2994] {strides = array<i32>} : memref<200x128xi32, #tpu.memory_space<vmem>>, vector<1x16xi32>,
        %get3A_2996 = vector.shape_cast %get3A_2995 : vector<1x16xi32> to vector<16xi32>
        %mul3A_2997 = arith.constant 128 : i32
        %mul3A_2998 = arith.muli %add3A_2909, %mul3A_2997 : i32
        %add3A_2999 = arith.constant 32 : i32
        %add3A_3000 = arith.addi %mul3A_2998, %add3A_2999 : i32
        %add3A_3001 = vector.broadcast %add3A_3000 : i32 to vector<16xi32>
        %add3A_3002 = arith.addi %iota3A_2910, %add3A_3001 : vector<16xi32>
        %jit3A_3003 = arith.constant 200 : i32
        %eq3A_3004 = arith.constant 0 : i32
        %eq3A_3005 = arith.cmpi eq, %jit3A_3003, %eq3A_3004 : i32
        %jit3A_3006 = arith.constant 1 : i32
        %select_n3A_3007 = arith.select %eq3A_3005, %jit3A_3006, %jit3A_3003 : i32
        %rem3A_3008 = vector.broadcast %select_n3A_3007 : i32 to vector<16xi32>
        %rem3A_3009 = arith.remsi %add3A_3002, %rem3A_3008 : vector<16xi32>
        %ne3A_3010 = arith.constant 0 : i32
        %ne3A_3011 = vector.broadcast %ne3A_3010 : i32 to vector<16xi32>
        %ne3A_3012 = arith.cmpi ne, %rem3A_3009, %ne3A_3011 : vector<16xi32>
        %lt3A_3013 = arith.constant 0 : i32
        %lt3A_3014 = vector.broadcast %lt3A_3013 : i32 to vector<16xi32>
        %lt3A_3015 = arith.cmpi slt, %rem3A_3009, %lt3A_3014 : vector<16xi32>
        %lt3A_3016 = arith.constant 0 : i32
        %lt3A_3017 = arith.cmpi slt, %select_n3A_3007, %lt3A_3016 : i32
        %ne3A_3018 = vector.broadcast %lt3A_3017 : i1 to vector<16xi1>
        %ne3A_3019 = vector.broadcast %ne3A_3018 : vector<16xi1> to vector<16xi1>
        %ne3A_3020 = arith.xori %lt3A_3015, %ne3A_3019 : vector<16xi1>
        %and3A_3021 = arith.andi %ne3A_3020, %ne3A_3012 : vector<16xi1>
        %add3A_3022 = vector.broadcast %select_n3A_3007 : i32 to vector<16xi32>
        %add3A_3023 = arith.addi %rem3A_3009, %add3A_3022 : vector<16xi32>
        %select_n3A_3024 = arith.select %and3A_3021, %add3A_3023, %rem3A_3009 : vector<16xi1>, vector<16xi32>
        %mul3A_3025 = arith.constant 4 : i32
        %mul3A_3026 = vector.broadcast %mul3A_3025 : i32 to vector<16xi32>
        %mul3A_3027 = arith.muli %mul3A_3026, %select_n3A_3024 : vector<16xi32>
        %add3A_3028 = arith.addi %get3A_2996, %mul3A_3027 : vector<16xi32>
        %swap3A_3029 = arith.index_cast %add3A_2909 : i32 to index
        %swap3A_3030 = arith.constant 32 : index
        %swap3A_3031 = tpu.vector_load %arg5[%swap3A_3029, %swap3A_3030] {strides = array<i32>} : memref<200x128xi32, #tpu.memory_space<vmem>>, vector<1x16xi32>,
        %swap3A_3032 = vector.shape_cast %swap3A_3031 : vector<1x16xi32> to vector<16xi32>
        %swap3A_3033 = vector.shape_cast %add3A_3028 : vector<16xi32> to vector<1x16xi32>
        tpu.vector_store %arg5[%swap3A_3029, %swap3A_3030], %swap3A_3033 {strides = array<i32>} : memref<200x128xi32, #tpu.memory_space<vmem>>, vector<1x16xi32>,
        %get3A_3034 = arith.index_cast %add3A_2909 : i32 to index
        %get3A_3035 = arith.constant 48 : index
        %get3A_3036 = tpu.vector_load %arg5[%get3A_3034, %get3A_3035] {strides = array<i32>} : memref<200x128xi32, #tpu.memory_space<vmem>>, vector<1x16xi32>,
        %get3A_3037 = vector.shape_cast %get3A_3036 : vector<1x16xi32> to vector<16xi32>
        %mul3A_3038 = arith.constant 128 : i32
        %mul3A_3039 = arith.muli %add3A_2909, %mul3A_3038 : i32
        %add3A_3040 = arith.constant 48 : i32
        %add3A_3041 = arith.addi %mul3A_3039, %add3A_3040 : i32
        %add3A_3042 = vector.broadcast %add3A_3041 : i32 to vector<16xi32>
        %add3A_3043 = arith.addi %iota3A_2910, %add3A_3042 : vector<16xi32>
        %jit3A_3044 = arith.constant 200 : i32
        %eq3A_3045 = arith.constant 0 : i32
        %eq3A_3046 = arith.cmpi eq, %jit3A_3044, %eq3A_3045 : i32
        %jit3A_3047 = arith.constant 1 : i32
        %select_n3A_3048 = arith.select %eq3A_3046, %jit3A_3047, %jit3A_3044 : i32
        %rem3A_3049 = vector.broadcast %select_n3A_3048 : i32 to vector<16xi32>
        %rem3A_3050 = arith.remsi %add3A_3043, %rem3A_3049 : vector<16xi32>
        %ne3A_3051 = arith.constant 0 : i32
        %ne3A_3052 = vector.broadcast %ne3A_3051 : i32 to vector<16xi32>
        %ne3A_3053 = arith.cmpi ne, %rem3A_3050, %ne3A_3052 : vector<16xi32>
        %lt3A_3054 = arith.constant 0 : i32
        %lt3A_3055 = vector.broadcast %lt3A_3054 : i32 to vector<16xi32>
        %lt3A_3056 = arith.cmpi slt, %rem3A_3050, %lt3A_3055 : vector<16xi32>
        %lt3A_3057 = arith.constant 0 : i32
        %lt3A_3058 = arith.cmpi slt, %select_n3A_3048, %lt3A_3057 : i32
        %ne3A_3059 = vector.broadcast %lt3A_3058 : i1 to vector<16xi1>
        %ne3A_3060 = vector.broadcast %ne3A_3059 : vector<16xi1> to vector<16xi1>
        %ne3A_3061 = arith.xori %lt3A_3056, %ne3A_3060 : vector<16xi1>
        %and3A_3062 = arith.andi %ne3A_3061, %ne3A_3053 : vector<16xi1>
        %add3A_3063 = vector.broadcast %select_n3A_3048 : i32 to vector<16xi32>
        %add3A_3064 = arith.addi %rem3A_3050, %add3A_3063 : vector<16xi32>
        %select_n3A_3065 = arith.select %and3A_3062, %add3A_3064, %rem3A_3050 : vector<16xi1>, vector<16xi32>
        %mul3A_3066 = arith.constant 4 : i32
        %mul3A_3067 = vector.broadcast %mul3A_3066 : i32 to vector<16xi32>
        %mul3A_3068 = arith.muli %mul3A_3067, %select_n3A_3065 : vector<16xi32>
        %add3A_3069 = arith.addi %get3A_3037, %mul3A_3068 : vector<16xi32>
        %swap3A_3070 = arith.index_cast %add3A_2909 : i32 to index
        %swap3A_3071 = arith.constant 48 : index
        %swap3A_3072 = tpu.vector_load %arg5[%swap3A_3070, %swap3A_3071] {strides = array<i32>} : memref<200x128xi32, #tpu.memory_space<vmem>>, vector<1x16xi32>,
        %swap3A_3073 = vector.shape_cast %swap3A_3072 : vector<1x16xi32> to vector<16xi32>
        %swap3A_3074 = vector.shape_cast %add3A_3069 : vector<16xi32> to vector<1x16xi32>
        tpu.vector_store %arg5[%swap3A_3070, %swap3A_3071], %swap3A_3074 {strides = array<i32>} : memref<200x128xi32, #tpu.memory_space<vmem>>, vector<1x16xi32>,
        %get3A_3075 = arith.index_cast %add3A_2909 : i32 to index
        %get3A_3076 = arith.constant 64 : index
        %get3A_3077 = tpu.vector_load %arg5[%get3A_3075, %get3A_3076] {strides = array<i32>} : memref<200x128xi32, #tpu.memory_space<vmem>>, vector<1x16xi32>,
        %get3A_3078 = vector.shape_cast %get3A_3077 : vector<1x16xi32> to vector<16xi32>
        %mul3A_3079 = arith.constant 128 : i32
        %mul3A_3080 = arith.muli %add3A_2909, %mul3A_3079 : i32
        %add3A_3081 = arith.constant 64 : i32
        %add3A_3082 = arith.addi %mul3A_3080, %add3A_3081 : i32
        %add3A_3083 = vector.broadcast %add3A_3082 : i32 to vector<16xi32>
        %add3A_3084 = arith.addi %iota3A_2910, %add3A_3083 : vector<16xi32>
        %jit3A_3085 = arith.constant 200 : i32
        %eq3A_3086 = arith.constant 0 : i32
        %eq3A_3087 = arith.cmpi eq, %jit3A_3085, %eq3A_3086 : i32
        %jit3A_3088 = arith.constant 1 : i32
        %select_n3A_3089 = arith.select %eq3A_3087, %jit3A_3088, %jit3A_3085 : i32
        %rem3A_3090 = vector.broadcast %select_n3A_3089 : i32 to vector<16xi32>
        %rem3A_3091 = arith.remsi %add3A_3084, %rem3A_3090 : vector<16xi32>
        %ne3A_3092 = arith.constant 0 : i32
        %ne3A_3093 = vector.broadcast %ne3A_3092 : i32 to vector<16xi32>
        %ne3A_3094 = arith.cmpi ne, %rem3A_3091, %ne3A_3093 : vector<16xi32>
        %lt3A_3095 = arith.constant 0 : i32
        %lt3A_3096 = vector.broadcast %lt3A_3095 : i32 to vector<16xi32>
        %lt3A_3097 = arith.cmpi slt, %rem3A_3091, %lt3A_3096 : vector<16xi32>
        %lt3A_3098 = arith.constant 0 : i32
        %lt3A_3099 = arith.cmpi slt, %select_n3A_3089, %lt3A_3098 : i32
        %ne3A_3100 = vector.broadcast %lt3A_3099 : i1 to vector<16xi1>
        %ne3A_3101 = vector.broadcast %ne3A_3100 : vector<16xi1> to vector<16xi1>
        %ne3A_3102 = arith.xori %lt3A_3097, %ne3A_3101 : vector<16xi1>
        %and3A_3103 = arith.andi %ne3A_3102, %ne3A_3094 : vector<16xi1>
        %add3A_3104 = vector.broadcast %select_n3A_3089 : i32 to vector<16xi32>
        %add3A_3105 = arith.addi %rem3A_3091, %add3A_3104 : vector<16xi32>
        %select_n3A_3106 = arith.select %and3A_3103, %add3A_3105, %rem3A_3091 : vector<16xi1>, vector<16xi32>
        %mul3A_3107 = arith.constant 4 : i32
        %mul3A_3108 = vector.broadcast %mul3A_3107 : i32 to vector<16xi32>
        %mul3A_3109 = arith.muli %mul3A_3108, %select_n3A_3106 : vector<16xi32>
        %add3A_3110 = arith.addi %get3A_3078, %mul3A_3109 : vector<16xi32>
        %swap3A_3111 = arith.index_cast %add3A_2909 : i32 to index
        %swap3A_3112 = arith.constant 64 : index
        %swap3A_3113 = tpu.vector_load %arg5[%swap3A_3111, %swap3A_3112] {strides = array<i32>} : memref<200x128xi32, #tpu.memory_space<vmem>>, vector<1x16xi32>,
        %swap3A_3114 = vector.shape_cast %swap3A_3113 : vector<1x16xi32> to vector<16xi32>
        %swap3A_3115 = vector.shape_cast %add3A_3110 : vector<16xi32> to vector<1x16xi32>
        tpu.vector_store %arg5[%swap3A_3111, %swap3A_3112], %swap3A_3115 {strides = array<i32>} : memref<200x128xi32, #tpu.memory_space<vmem>>, vector<1x16xi32>,
        %get3A_3116 = arith.index_cast %add3A_2909 : i32 to index
        %get3A_3117 = arith.constant 80 : index
        %get3A_3118 = tpu.vector_load %arg5[%get3A_3116, %get3A_3117] {strides = array<i32>} : memref<200x128xi32, #tpu.memory_space<vmem>>, vector<1x16xi32>,
        %get3A_3119 = vector.shape_cast %get3A_3118 : vector<1x16xi32> to vector<16xi32>
        %mul3A_3120 = arith.constant 128 : i32
        %mul3A_3121 = arith.muli %add3A_2909, %mul3A_3120 : i32
        %add3A_3122 = arith.constant 80 : i32
        %add3A_3123 = arith.addi %mul3A_3121, %add3A_3122 : i32
        %add3A_3124 = vector.broadcast %add3A_3123 : i32 to vector<16xi32>
        %add3A_3125 = arith.addi %iota3A_2910, %add3A_3124 : vector<16xi32>
        %jit3A_3126 = arith.constant 200 : i32
        %eq3A_3127 = arith.constant 0 : i32
        %eq3A_3128 = arith.cmpi eq, %jit3A_3126, %eq3A_3127 : i32
        %jit3A_3129 = arith.constant 1 : i32
        %select_n3A_3130 = arith.select %eq3A_3128, %jit3A_3129, %jit3A_3126 : i32
        %rem3A_3131 = vector.broadcast %select_n3A_3130 : i32 to vector<16xi32>
        %rem3A_3132 = arith.remsi %add3A_3125, %rem3A_3131 : vector<16xi32>
        %ne3A_3133 = arith.constant 0 : i32
        %ne3A_3134 = vector.broadcast %ne3A_3133 : i32 to vector<16xi32>
        %ne3A_3135 = arith.cmpi ne, %rem3A_3132, %ne3A_3134 : vector<16xi32>
        %lt3A_3136 = arith.constant 0 : i32
        %lt3A_3137 = vector.broadcast %lt3A_3136 : i32 to vector<16xi32>
        %lt3A_3138 = arith.cmpi slt, %rem3A_3132, %lt3A_3137 : vector<16xi32>
        %lt3A_3139 = arith.constant 0 : i32
        %lt3A_3140 = arith.cmpi slt, %select_n3A_3130, %lt3A_3139 : i32
        %ne3A_3141 = vector.broadcast %lt3A_3140 : i1 to vector<16xi1>
        %ne3A_3142 = vector.broadcast %ne3A_3141 : vector<16xi1> to vector<16xi1>
        %ne3A_3143 = arith.xori %lt3A_3138, %ne3A_3142 : vector<16xi1>
        %and3A_3144 = arith.andi %ne3A_3143, %ne3A_3135 : vector<16xi1>
        %add3A_3145 = vector.broadcast %select_n3A_3130 : i32 to vector<16xi32>
        %add3A_3146 = arith.addi %rem3A_3132, %add3A_3145 : vector<16xi32>
        %select_n3A_3147 = arith.select %and3A_3144, %add3A_3146, %rem3A_3132 : vector<16xi1>, vector<16xi32>
        %mul3A_3148 = arith.constant 4 : i32
        %mul3A_3149 = vector.broadcast %mul3A_3148 : i32 to vector<16xi32>
        %mul3A_3150 = arith.muli %mul3A_3149, %select_n3A_3147 : vector<16xi32>
        %add3A_3151 = arith.addi %get3A_3119, %mul3A_3150 : vector<16xi32>
        %swap3A_3152 = arith.index_cast %add3A_2909 : i32 to index
        %swap3A_3153 = arith.constant 80 : index
        %swap3A_3154 = tpu.vector_load %arg5[%swap3A_3152, %swap3A_3153] {strides = array<i32>} : memref<200x128xi32, #tpu.memory_space<vmem>>, vector<1x16xi32>,
        %swap3A_3155 = vector.shape_cast %swap3A_3154 : vector<1x16xi32> to vector<16xi32>
        %swap3A_3156 = vector.shape_cast %add3A_3151 : vector<16xi32> to vector<1x16xi32>
        tpu.vector_store %arg5[%swap3A_3152, %swap3A_3153], %swap3A_3156 {strides = array<i32>} : memref<200x128xi32, #tpu.memory_space<vmem>>, vector<1x16xi32>,
        %get3A_3157 = arith.index_cast %add3A_2909 : i32 to index
        %get3A_3158 = arith.constant 96 : index
        %get3A_3159 = tpu.vector_load %arg5[%get3A_3157, %get3A_3158] {strides = array<i32>} : memref<200x128xi32, #tpu.memory_space<vmem>>, vector<1x16xi32>,
        %get3A_3160 = vector.shape_cast %get3A_3159 : vector<1x16xi32> to vector<16xi32>
        %mul3A_3161 = arith.constant 128 : i32
        %mul3A_3162 = arith.muli %add3A_2909, %mul3A_3161 : i32
        %add3A_3163 = arith.constant 96 : i32
        %add3A_3164 = arith.addi %mul3A_3162, %add3A_3163 : i32
        %add3A_3165 = vector.broadcast %add3A_3164 : i32 to vector<16xi32>
        %add3A_3166 = arith.addi %iota3A_2910, %add3A_3165 : vector<16xi32>
        %jit3A_3167 = arith.constant 200 : i32
        %eq3A_3168 = arith.constant 0 : i32
        %eq3A_3169 = arith.cmpi eq, %jit3A_3167, %eq3A_3168 : i32
        %jit3A_3170 = arith.constant 1 : i32
        %select_n3A_3171 = arith.select %eq3A_3169, %jit3A_3170, %jit3A_3167 : i32
        %rem3A_3172 = vector.broadcast %select_n3A_3171 : i32 to vector<16xi32>
        %rem3A_3173 = arith.remsi %add3A_3166, %rem3A_3172 : vector<16xi32>
        %ne3A_3174 = arith.constant 0 : i32
        %ne3A_3175 = vector.broadcast %ne3A_3174 : i32 to vector<16xi32>
        %ne3A_3176 = arith.cmpi ne, %rem3A_3173, %ne3A_3175 : vector<16xi32>
        %lt3A_3177 = arith.constant 0 : i32
        %lt3A_3178 = vector.broadcast %lt3A_3177 : i32 to vector<16xi32>
        %lt3A_3179 = arith.cmpi slt, %rem3A_3173, %lt3A_3178 : vector<16xi32>
        %lt3A_3180 = arith.constant 0 : i32
        %lt3A_3181 = arith.cmpi slt, %select_n3A_3171, %lt3A_3180 : i32
        %ne3A_3182 = vector.broadcast %lt3A_3181 : i1 to vector<16xi1>
        %ne3A_3183 = vector.broadcast %ne3A_3182 : vector<16xi1> to vector<16xi1>
        %ne3A_3184 = arith.xori %lt3A_3179, %ne3A_3183 : vector<16xi1>
        %and3A_3185 = arith.andi %ne3A_3184, %ne3A_3176 : vector<16xi1>
        %add3A_3186 = vector.broadcast %select_n3A_3171 : i32 to vector<16xi32>
        %add3A_3187 = arith.addi %rem3A_3173, %add3A_3186 : vector<16xi32>
        %select_n3A_3188 = arith.select %and3A_3185, %add3A_3187, %rem3A_3173 : vector<16xi1>, vector<16xi32>
        %mul3A_3189 = arith.constant 4 : i32
        %mul3A_3190 = vector.broadcast %mul3A_3189 : i32 to vector<16xi32>
        %mul3A_3191 = arith.muli %mul3A_3190, %select_n3A_3188 : vector<16xi32>
        %add3A_3192 = arith.addi %get3A_3160, %mul3A_3191 : vector<16xi32>
        %swap3A_3193 = arith.index_cast %add3A_2909 : i32 to index
        %swap3A_3194 = arith.constant 96 : index
        %swap3A_3195 = tpu.vector_load %arg5[%swap3A_3193, %swap3A_3194] {strides = array<i32>} : memref<200x128xi32, #tpu.memory_space<vmem>>, vector<1x16xi32>,
        %swap3A_3196 = vector.shape_cast %swap3A_3195 : vector<1x16xi32> to vector<16xi32>
        %swap3A_3197 = vector.shape_cast %add3A_3192 : vector<16xi32> to vector<1x16xi32>
        tpu.vector_store %arg5[%swap3A_3193, %swap3A_3194], %swap3A_3197 {strides = array<i32>} : memref<200x128xi32, #tpu.memory_space<vmem>>, vector<1x16xi32>,
        %get3A_3198 = arith.index_cast %add3A_2909 : i32 to index
        %get3A_3199 = arith.constant 112 : index
        %get3A_3200 = tpu.vector_load %arg5[%get3A_3198, %get3A_3199] {strides = array<i32>} : memref<200x128xi32, #tpu.memory_space<vmem>>, vector<1x16xi32>,
        %get3A_3201 = vector.shape_cast %get3A_3200 : vector<1x16xi32> to vector<16xi32>
        %mul3A_3202 = arith.constant 128 : i32
        %mul3A_3203 = arith.muli %add3A_2909, %mul3A_3202 : i32
        %add3A_3204 = arith.constant 112 : i32
        %add3A_3205 = arith.addi %mul3A_3203, %add3A_3204 : i32
        %add3A_3206 = vector.broadcast %add3A_3205 : i32 to vector<16xi32>
        %add3A_3207 = arith.addi %iota3A_2910, %add3A_3206 : vector<16xi32>
        %jit3A_3208 = arith.constant 200 : i32
        %eq3A_3209 = arith.constant 0 : i32
        %eq3A_3210 = arith.cmpi eq, %jit3A_3208, %eq3A_3209 : i32
        %jit3A_3211 = arith.constant 1 : i32
        %select_n3A_3212 = arith.select %eq3A_3210, %jit3A_3211, %jit3A_3208 : i32
        %rem3A_3213 = vector.broadcast %select_n3A_3212 : i32 to vector<16xi32>
        %rem3A_3214 = arith.remsi %add3A_3207, %rem3A_3213 : vector<16xi32>
        %ne3A_3215 = arith.constant 0 : i32
        %ne3A_3216 = vector.broadcast %ne3A_3215 : i32 to vector<16xi32>
        %ne3A_3217 = arith.cmpi ne, %rem3A_3214, %ne3A_3216 : vector<16xi32>
        %lt3A_3218 = arith.constant 0 : i32
        %lt3A_3219 = vector.broadcast %lt3A_3218 : i32 to vector<16xi32>
        %lt3A_3220 = arith.cmpi slt, %rem3A_3214, %lt3A_3219 : vector<16xi32>
        %lt3A_3221 = arith.constant 0 : i32
        %lt3A_3222 = arith.cmpi slt, %select_n3A_3212, %lt3A_3221 : i32
        %ne3A_3223 = vector.broadcast %lt3A_3222 : i1 to vector<16xi1>
        %ne3A_3224 = vector.broadcast %ne3A_3223 : vector<16xi1> to vector<16xi1>
        %ne3A_3225 = arith.xori %lt3A_3220, %ne3A_3224 : vector<16xi1>
        %and3A_3226 = arith.andi %ne3A_3225, %ne3A_3217 : vector<16xi1>
        %add3A_3227 = vector.broadcast %select_n3A_3212 : i32 to vector<16xi32>
        %add3A_3228 = arith.addi %rem3A_3214, %add3A_3227 : vector<16xi32>
        %select_n3A_3229 = arith.select %and3A_3226, %add3A_3228, %rem3A_3214 : vector<16xi1>, vector<16xi32>
        %mul3A_3230 = arith.constant 4 : i32
        %mul3A_3231 = vector.broadcast %mul3A_3230 : i32 to vector<16xi32>
        %mul3A_3232 = arith.muli %mul3A_3231, %select_n3A_3229 : vector<16xi32>
        %add3A_3233 = arith.addi %get3A_3201, %mul3A_3232 : vector<16xi32>
        %swap3A_3234 = arith.index_cast %add3A_2909 : i32 to index
        %swap3A_3235 = arith.constant 112 : index
        %swap3A_3236 = tpu.vector_load %arg5[%swap3A_3234, %swap3A_3235] {strides = array<i32>} : memref<200x128xi32, #tpu.memory_space<vmem>>, vector<1x16xi32>,
        %swap3A_3237 = vector.shape_cast %swap3A_3236 : vector<1x16xi32> to vector<16xi32>
        %swap3A_3238 = vector.shape_cast %add3A_3233 : vector<16xi32> to vector<1x16xi32>
        tpu.vector_store %arg5[%swap3A_3234, %swap3A_3235], %swap3A_3238 {strides = array<i32>} : memref<200x128xi32, #tpu.memory_space<vmem>>, vector<1x16xi32>,
      } else {
      }
      %dma_wait3A_2893 = arith.constant 0 : i32
      %dma_wait3A_2894 = tpu.memref_slice %arg5[%add3A_2873, %dma_wait3A_2893] : memref<200x128xi32, #tpu.memory_space<vmem>> -> memref<1x128xi32, #tpu.memory_space<vmem>>
      %dma_wait3A_2895 = tpu.memref_squeeze %dma_wait3A_2894 : memref<1x128xi32, #tpu.memory_space<vmem>> -> memref<128xi32, #tpu.memory_space<vmem>>
      %dma_wait3A_2896 = arith.constant 0 : i32
      %dma_wait3A_2897 = arith.constant 0 : i32
      %dma_wait3A_2898 = tpu.memref_slice %arg2[%dma_wait3A_2896, %dma_wait3A_2897] : memref<800x128xf32, #tpu.memory_space<hbm>> -> memref<800x128xf32, #tpu.memory_space<hbm>>
      tpu.wait_indirect_dma semaphore(%arg18 : memref<!tpu.dma_semaphore, #tpu.memory_space<semaphore_mem>>) src(%dma_wait3A_2898 : memref<800x128xf32, #tpu.memory_space<hbm>>) dst(%arg11 : memref<128x128xf32, #tpu.memory_space<vmem>>)
      %mul3A_2899 = arith.constant 128 : i32
      %mul3A_2900 = arith.muli %add3A_2873, %mul3A_2899 : i32
      %add3A_2901 = arith.addi %mul3A_2, %mul3A_2900 : i32
      %dma_start3A_2902 = arith.constant 0 : i32
      %dma_start3A_2903 = tpu.memref_slice %arg4[%add3A_2901, %dma_start3A_2902] : memref<819200x128xf32, #tpu.memory_space<hbm>> -> memref<128x128xf32, #tpu.memory_space<hbm>>
      %dma_start3A_2904 = arith.constant 0 : i32
      %dma_start3A_2905 = tpu.memref_slice %arg4[%add3A_2901, %dma_start3A_2904] : memref<819200x128xf32, #tpu.memory_space<hbm>> -> memref<128x128xf32, #tpu.memory_space<hbm>>
      tpu.enqueue_dma source(%arg11 : memref<128x128xf32, #tpu.memory_space<vmem>>) target(%dma_start3A_2905 : memref<128x128xf32, #tpu.memory_space<hbm>>) target_semaphore(%arg24 : memref<!tpu.dma_semaphore, #tpu.memory_space<semaphore_mem>>)
    }
    %scan3A_1319 = arith.constant 33 : i32
    %add3A_1320 = arith.constant 24960 : i32
    %add3A_1321 = arith.addi %mul3A_2, %add3A_1320 : i32
    %dma_wait3A_1322 = arith.constant 0 : i32
    %dma_wait3A_1323 = tpu.memref_slice %arg4[%add3A_1321, %dma_wait3A_1322] : memref<819200x128xf32, #tpu.memory_space<hbm>> -> memref<128x128xf32, #tpu.memory_space<hbm>>
    %dma_wait3A_1324 = arith.constant 0 : i32
    %dma_wait3A_1325 = tpu.memref_slice %arg4[%add3A_1321, %dma_wait3A_1324] : memref<819200x128xf32, #tpu.memory_space<hbm>> -> memref<128x128xf32, #tpu.memory_space<hbm>>
    tpu.wait_dma2 semaphore(%arg22 : memref<!tpu.dma_semaphore, #tpu.memory_space<semaphore_mem>>) src(%arg9 : memref<128x128xf32, #tpu.memory_space<vmem>>) dst(%dma_wait3A_1325 : memref<128x128xf32, #tpu.memory_space<hbm>>)
    %dma_wait3A_1326 = arith.constant 198 : i32
    %dma_wait3A_1327 = arith.constant 0 : i32
    %dma_wait3A_1328 = tpu.memref_slice %arg5[%dma_wait3A_1326, %dma_wait3A_1327] : memref<200x128xi32, #tpu.memory_space<vmem>> -> memref<1x128xi32, #tpu.memory_space<vmem>>
    %dma_wait3A_1329 = tpu.memref_squeeze %dma_wait3A_1328 : memref<1x128xi32, #tpu.memory_space<vmem>> -> memref<128xi32, #tpu.memory_space<vmem>>
    %dma_wait3A_1330 = arith.constant 0 : i32
    %dma_wait3A_1331 = arith.constant 0 : i32
    %dma_wait3A_1332 = tpu.memref_slice %arg2[%dma_wait3A_1330, %dma_wait3A_1331] : memref<800x128xf32, #tpu.memory_space<hbm>> -> memref<800x128xf32, #tpu.memory_space<hbm>>
    tpu.wait_indirect_dma semaphore(%arg13 : memref<!tpu.dma_semaphore, #tpu.memory_space<semaphore_mem>>) src(%dma_wait3A_1332 : memref<800x128xf32, #tpu.memory_space<hbm>>) dst(%arg6 : memref<128x128xf32, #tpu.memory_space<vmem>>)
    %add3A_1333 = arith.constant 25344 : i32
    %add3A_1334 = arith.addi %mul3A_2, %add3A_1333 : i32
    %dma_start3A_1335 = arith.constant 0 : i32
    %dma_start3A_1336 = tpu.memref_slice %arg4[%add3A_1334, %dma_start3A_1335] : memref<819200x128xf32, #tpu.memory_space<hbm>> -> memref<128x128xf32, #tpu.memory_space<hbm>>
    %dma_start3A_1337 = arith.constant 0 : i32
    %dma_start3A_1338 = tpu.memref_slice %arg4[%add3A_1334, %dma_start3A_1337] : memref<819200x128xf32, #tpu.memory_space<hbm>> -> memref<128x128xf32, #tpu.memory_space<hbm>>
    tpu.enqueue_dma source(%arg6 : memref<128x128xf32, #tpu.memory_space<vmem>>) target(%dma_start3A_1338 : memref<128x128xf32, #tpu.memory_space<hbm>>) target_semaphore(%arg19 : memref<!tpu.dma_semaphore, #tpu.memory_space<semaphore_mem>>)
    %add3A_1339 = arith.constant 25088 : i32
    %add3A_1340 = arith.addi %mul3A_2, %add3A_1339 : i32
    %dma_wait3A_1341 = arith.constant 0 : i32
    %dma_wait3A_1342 = tpu.memref_slice %arg4[%add3A_1340, %dma_wait3A_1341] : memref<819200x128xf32, #tpu.memory_space<hbm>> -> memref<128x128xf32, #tpu.memory_space<hbm>>
    %dma_wait3A_1343 = arith.constant 0 : i32
    %dma_wait3A_1344 = tpu.memref_slice %arg4[%add3A_1340, %dma_wait3A_1343] : memref<819200x128xf32, #tpu.memory_space<hbm>> -> memref<128x128xf32, #tpu.memory_space<hbm>>
    tpu.wait_dma2 semaphore(%arg23 : memref<!tpu.dma_semaphore, #tpu.memory_space<semaphore_mem>>) src(%arg10 : memref<128x128xf32, #tpu.memory_space<vmem>>) dst(%dma_wait3A_1344 : memref<128x128xf32, #tpu.memory_space<hbm>>)
    %dma_wait3A_1345 = arith.constant 199 : i32
    %dma_wait3A_1346 = arith.constant 0 : i32
    %dma_wait3A_1347 = tpu.memref_slice %arg5[%dma_wait3A_1345, %dma_wait3A_1346] : memref<200x128xi32, #tpu.memory_space<vmem>> -> memref<1x128xi32, #tpu.memory_space<vmem>>
    %dma_wait3A_1348 = tpu.memref_squeeze %dma_wait3A_1347 : memref<1x128xi32, #tpu.memory_space<vmem>> -> memref<128xi32, #tpu.memory_space<vmem>>
    %dma_wait3A_1349 = arith.constant 0 : i32
    %dma_wait3A_1350 = arith.constant 0 : i32
    %dma_wait3A_1351 = tpu.memref_slice %arg2[%dma_wait3A_1349, %dma_wait3A_1350] : memref<800x128xf32, #tpu.memory_space<hbm>> -> memref<800x128xf32, #tpu.memory_space<hbm>>
    tpu.wait_indirect_dma semaphore(%arg14 : memref<!tpu.dma_semaphore, #tpu.memory_space<semaphore_mem>>) src(%dma_wait3A_1351 : memref<800x128xf32, #tpu.memory_space<hbm>>) dst(%arg7 : memref<128x128xf32, #tpu.memory_space<vmem>>)
    %add3A_1352 = arith.constant 25472 : i32
    %add3A_1353 = arith.addi %mul3A_2, %add3A_1352 : i32
    %dma_start3A_1354 = arith.constant 0 : i32
    %dma_start3A_1355 = tpu.memref_slice %arg4[%add3A_1353, %dma_start3A_1354] : memref<819200x128xf32, #tpu.memory_space<hbm>> -> memref<128x128xf32, #tpu.memory_space<hbm>>
    %dma_start3A_1356 = arith.constant 0 : i32
    %dma_start3A_1357 = tpu.memref_slice %arg4[%add3A_1353, %dma_start3A_1356] : memref<819200x128xf32, #tpu.memory_space<hbm>> -> memref<128x128xf32, #tpu.memory_space<hbm>>
    tpu.enqueue_dma source(%arg7 : memref<128x128xf32, #tpu.memory_space<vmem>>) target(%dma_start3A_1357 : memref<128x128xf32, #tpu.memory_space<hbm>>) target_semaphore(%arg20 : memref<!tpu.dma_semaphore, #tpu.memory_space<semaphore_mem>>)
    %add3A_1358 = arith.constant 25216 : i32
    %add3A_1359 = arith.addi %mul3A_2, %add3A_1358 : i32
    %dma_wait3A_1360 = arith.constant 0 : i32
    %dma_wait3A_1361 = tpu.memref_slice %arg4[%add3A_1359, %dma_wait3A_1360] : memref<819200x128xf32, #tpu.memory_space<hbm>> -> memref<128x128xf32, #tpu.memory_space<hbm>>
    %dma_wait3A_1362 = arith.constant 0 : i32
    %dma_wait3A_1363 = tpu.memref_slice %arg4[%add3A_1359, %dma_wait3A_1362] : memref<819200x128xf32, #tpu.memory_space<hbm>> -> memref<128x128xf32, #tpu.memory_space<hbm>>
    tpu.wait_dma2 semaphore(%arg24 : memref<!tpu.dma_semaphore, #tpu.memory_space<semaphore_mem>>) src(%arg11 : memref<128x128xf32, #tpu.memory_space<vmem>>) dst(%dma_wait3A_1363 : memref<128x128xf32, #tpu.memory_space<hbm>>)
    %add3A_1364 = arith.constant 25344 : i32
    %add3A_1365 = arith.addi %mul3A_2, %add3A_1364 : i32
    %dma_wait3A_1366 = arith.constant 0 : i32
    %dma_wait3A_1367 = tpu.memref_slice %arg4[%add3A_1365, %dma_wait3A_1366] : memref<819200x128xf32, #tpu.memory_space<hbm>> -> memref<128x128xf32, #tpu.memory_space<hbm>>
    %dma_wait3A_1368 = arith.constant 0 : i32
    %dma_wait3A_1369 = tpu.memref_slice %arg4[%add3A_1365, %dma_wait3A_1368] : memref<819200x128xf32, #tpu.memory_space<hbm>> -> memref<128x128xf32, #tpu.memory_space<hbm>>
    tpu.wait_dma2 semaphore(%arg19 : memref<!tpu.dma_semaphore, #tpu.memory_space<semaphore_mem>>) src(%arg6 : memref<128x128xf32, #tpu.memory_space<vmem>>) dst(%dma_wait3A_1369 : memref<128x128xf32, #tpu.memory_space<hbm>>)
    %add3A_1370 = arith.constant 25472 : i32
    %add3A_1371 = arith.addi %mul3A_2, %add3A_1370 : i32
    %dma_wait3A_1372 = arith.constant 0 : i32
    %dma_wait3A_1373 = tpu.memref_slice %arg4[%add3A_1371, %dma_wait3A_1372] : memref<819200x128xf32, #tpu.memory_space<hbm>> -> memref<128x128xf32, #tpu.memory_space<hbm>>
    %dma_wait3A_1374 = arith.constant 0 : i32
    %dma_wait3A_1375 = tpu.memref_slice %arg4[%add3A_1371, %dma_wait3A_1374] : memref<819200x128xf32, #tpu.memory_space<hbm>> -> memref<128x128xf32, #tpu.memory_space<hbm>>
    tpu.wait_dma2 semaphore(%arg20 : memref<!tpu.dma_semaphore, #tpu.memory_space<semaphore_mem>>) src(%arg7 : memref<128x128xf32, #tpu.memory_space<vmem>>) dst(%dma_wait3A_1375 : memref<128x128xf32, #tpu.memory_space<hbm>>)
    return
  }
}

module attributes {stable_mosaic.version = 14 : i64} {
  func.func @_prep_body(%arg0: memref<4x128xf32, #tpu.memory_space<vmem>>, %arg1: memref<200x128xf32, #tpu.memory_space<vmem>>, %arg2: memref<200x4x128xf32, #tpu.memory_space<vmem>>) attributes {dimension_semantics = [], scalar_prefetch = 0 : i64, scratch_operands = 0 : i64, tpu.core_type = #tpu.core_type<tc>} {
    %get3A = arith.constant 0 : index
    %get3A_0 = arith.constant 0 : index
    %get3A_1 = vector.load %arg1[%get3A, %get3A_0] : memref<200x128xf32, #tpu.memory_space<vmem>>, vector<200x128xf32>
    %get3A_2 = arith.constant 0 : index
    %get3A_3 = arith.constant 0 : index
    %get3A_4 = vector.load %arg0[%get3A_2, %get3A_3] : memref<4x128xf32, #tpu.memory_space<vmem>>, vector<1x128xf32>
    %get3A_5 = vector.shape_cast %get3A_4 : vector<1x128xf32> to vector<128xf32>
    %broadcast_in_dim3A = vector.shape_cast %get3A_5 : vector<128xf32> to vector<1x128xf32>
    %mul3A = arith.constant 11.3137083 : f32
    %mul3A_6 = vector.broadcast %mul3A : f32 to vector<1x128xf32>
    %mul3A_7 = arith.mulf %broadcast_in_dim3A, %mul3A_6 : vector<1x128xf32>
    %add3A = vector.broadcast %mul3A_7 : vector<1x128xf32> to vector<200x128xf32>
    %add3A_8 = arith.addf %get3A_1, %add3A : vector<200x128xf32>
    %swap3A = arith.constant 0 : index
    %swap3A_9 = arith.constant 0 : index
    %swap3A_10 = arith.constant 0 : index
    %swap3A_11 = vector.load %arg2[%swap3A, %swap3A_9, %swap3A_10] : memref<200x4x128xf32, #tpu.memory_space<vmem>>, vector<200x1x128xf32>
    %swap3A_12 = vector.shape_cast %swap3A_11 : vector<200x1x128xf32> to vector<200x128xf32>
    %swap3A_13 = vector.shape_cast %add3A_8 : vector<200x128xf32> to vector<200x1x128xf32>
    tpu.vector_store %arg2[%swap3A, %swap3A_9, %swap3A_10], %swap3A_13 {strides = array<i32>} : memref<200x4x128xf32, #tpu.memory_space<vmem>>, vector<200x1x128xf32>,
    %get3A_14 = arith.constant 1 : index
    %get3A_15 = arith.constant 0 : index
    %get3A_16 = vector.load %arg0[%get3A_14, %get3A_15] : memref<4x128xf32, #tpu.memory_space<vmem>>, vector<1x128xf32>
    %get3A_17 = vector.shape_cast %get3A_16 : vector<1x128xf32> to vector<128xf32>
    %broadcast_in_dim3A_18 = vector.shape_cast %get3A_17 : vector<128xf32> to vector<1x128xf32>
    %mul3A_19 = arith.constant 11.3137083 : f32
    %mul3A_20 = vector.broadcast %mul3A_19 : f32 to vector<1x128xf32>
    %mul3A_21 = arith.mulf %broadcast_in_dim3A_18, %mul3A_20 : vector<1x128xf32>
    %add3A_22 = vector.broadcast %mul3A_21 : vector<1x128xf32> to vector<200x128xf32>
    %add3A_23 = arith.addf %get3A_1, %add3A_22 : vector<200x128xf32>
    %swap3A_24 = arith.constant 0 : index
    %swap3A_25 = arith.constant 1 : index
    %swap3A_26 = arith.constant 0 : index
    %swap3A_27 = vector.load %arg2[%swap3A_24, %swap3A_25, %swap3A_26] : memref<200x4x128xf32, #tpu.memory_space<vmem>>, vector<200x1x128xf32>
    %swap3A_28 = vector.shape_cast %swap3A_27 : vector<200x1x128xf32> to vector<200x128xf32>
    %swap3A_29 = vector.shape_cast %add3A_23 : vector<200x128xf32> to vector<200x1x128xf32>
    tpu.vector_store %arg2[%swap3A_24, %swap3A_25, %swap3A_26], %swap3A_29 {strides = array<i32>} : memref<200x4x128xf32, #tpu.memory_space<vmem>>, vector<200x1x128xf32>,
    %get3A_30 = arith.constant 2 : index
    %get3A_31 = arith.constant 0 : index
    %get3A_32 = vector.load %arg0[%get3A_30, %get3A_31] : memref<4x128xf32, #tpu.memory_space<vmem>>, vector<1x128xf32>
    %get3A_33 = vector.shape_cast %get3A_32 : vector<1x128xf32> to vector<128xf32>
    %broadcast_in_dim3A_34 = vector.shape_cast %get3A_33 : vector<128xf32> to vector<1x128xf32>
    %mul3A_35 = arith.constant 11.3137083 : f32
    %mul3A_36 = vector.broadcast %mul3A_35 : f32 to vector<1x128xf32>
    %mul3A_37 = arith.mulf %broadcast_in_dim3A_34, %mul3A_36 : vector<1x128xf32>
    %add3A_38 = vector.broadcast %mul3A_37 : vector<1x128xf32> to vector<200x128xf32>
    %add3A_39 = arith.addf %get3A_1, %add3A_38 : vector<200x128xf32>
    %swap3A_40 = arith.constant 0 : index
    %swap3A_41 = arith.constant 2 : index
    %swap3A_42 = arith.constant 0 : index
    %swap3A_43 = vector.load %arg2[%swap3A_40, %swap3A_41, %swap3A_42] : memref<200x4x128xf32, #tpu.memory_space<vmem>>, vector<200x1x128xf32>
    %swap3A_44 = vector.shape_cast %swap3A_43 : vector<200x1x128xf32> to vector<200x128xf32>
    %swap3A_45 = vector.shape_cast %add3A_39 : vector<200x128xf32> to vector<200x1x128xf32>
    tpu.vector_store %arg2[%swap3A_40, %swap3A_41, %swap3A_42], %swap3A_45 {strides = array<i32>} : memref<200x4x128xf32, #tpu.memory_space<vmem>>, vector<200x1x128xf32>,
    %get3A_46 = arith.constant 3 : index
    %get3A_47 = arith.constant 0 : index
    %get3A_48 = vector.load %arg0[%get3A_46, %get3A_47] : memref<4x128xf32, #tpu.memory_space<vmem>>, vector<1x128xf32>
    %get3A_49 = vector.shape_cast %get3A_48 : vector<1x128xf32> to vector<128xf32>
    %broadcast_in_dim3A_50 = vector.shape_cast %get3A_49 : vector<128xf32> to vector<1x128xf32>
    %mul3A_51 = arith.constant 11.3137083 : f32
    %mul3A_52 = vector.broadcast %mul3A_51 : f32 to vector<1x128xf32>
    %mul3A_53 = arith.mulf %broadcast_in_dim3A_50, %mul3A_52 : vector<1x128xf32>
    %add3A_54 = vector.broadcast %mul3A_53 : vector<1x128xf32> to vector<200x128xf32>
    %add3A_55 = arith.addf %get3A_1, %add3A_54 : vector<200x128xf32>
    %swap3A_56 = arith.constant 0 : index
    %swap3A_57 = arith.constant 3 : index
    %swap3A_58 = arith.constant 0 : index
    %swap3A_59 = vector.load %arg2[%swap3A_56, %swap3A_57, %swap3A_58] : memref<200x4x128xf32, #tpu.memory_space<vmem>>, vector<200x1x128xf32>
    %swap3A_60 = vector.shape_cast %swap3A_59 : vector<200x1x128xf32> to vector<200x128xf32>
    %swap3A_61 = vector.shape_cast %add3A_55 : vector<200x128xf32> to vector<200x1x128xf32>
    tpu.vector_store %arg2[%swap3A_56, %swap3A_57, %swap3A_58], %swap3A_61 {strides = array<i32>} : memref<200x4x128xf32, #tpu.memory_space<vmem>>, vector<200x1x128xf32>,
    return
  }
}

</mosaic_0001>

<sc_bundles>
// kernel: kernel.4.cloned.1.call-start
scs
__scs_entry_jumppad:
0x0: {  	(pc) =	sbr.rel $0x88, $3  }
0x1: {  	(tag) =	ssettag $0x0;
	lr =	simm.s32 $0x1  }
0x2: {  	[smem:$0x3F9E] =	sst lr;
	_ =	strace $0xD0000000  }
0x3: {  	_ = 	snop  }
0x4: {  	_ = 	snop  }
0x5: {  	_ = 	snop  }
0x6: {  	_ = 	snop  }
0x7: {  	_ = 	snop  }
__scs_overlays_trampoline_lowered:
0x8: {  	[smem:$0x3FAD] =	sst s0  }
0x9: {  	[smem:$0x3FAE] =	sst s1  }
0xa: {  	[smem:$0x3FAF] =	sst s2  }
0xb: {  	[smem:$0x3FB0] =	sst s3  }
0xc: {  	[smem:$0x3FB1] =	sst s4  }
0xd: {  	[smem:$0x3FB2] =	sst s5  }
0xe: {  	[smem:$0x3FB3] =	sst s6  }
0xf: {  	[smem:$0x3FB4] =	sst s7  }
0x10: {  	[smem:$0x3FB5] =	sst s8  }
0x11: {  	[smem:$0x3FB6] =	sst s9;
	s0 =	simm.s32 @!p0 $0x0  }
0x12: {  	s1 =	sld [smem:$0x3F9C];
	s0 =	simm.s32 @p0 $0x1  }
0x13: {  	[smem:$0x3FB7] =	sst s0;
	s0 =	simm.s32 @!p1 $0x0  }
0x14: {  	s2 =	sld [smem:$0x3F9B];
	s0 =	simm.s32 @p1 $0x1  }
0x15: {  	[smem:$0x3FB8] =	sst s0;
	s0 =	simm.s32 @!p2 $0x0  }
0x16: {  	s3 =	sld [smem:$0x3FDB];
	s0 =	simm.s32 @p2 $0x1  }
0x17: {  	s4 =	simm.s32 $0x1BF5;
	[smem:$0x3FBA] =	sst s0  }
0x18: {  	s0 =	sld [smem:$0x3F9D];
	_ =	swait.ge [sflag:s4], $0x0  }
0x19: {  	s7 =	sld [smem:$0x3F9E]  }
0x1a: {  	s8 =	sadd.s32 $0xFFFFE003, lr  }
0x1b: {  	s9 =	sadd.s32 $0xFFFFFEF7, lr;
	s5 =	simm.s32 $0xFFFFFFFF;
	p2 =	slt.u32 s8, $0xFFFFF086  }
0x1c: {  	p1 =	slt.u32 s9, $0xF7A;
	s5 =	simm.s32 @!p2 $0x0  }
0x1d: {  	s5 =	simm.s32 @p1 $0x1;
	p0 =	seq.s32 s7, s2  }
0x1e: {  	s7 =	smul.u32 @!p0 $0xF7A, s2;
	p2 =	seq.s32 @!p0 s5, $0x0  }
0x1f: {  	s9 =	smul.u32 $0xF7A, s1;
	s8 =	simm.s32 @!p0 $0x1BF5;
	p2 =	por !p2, p0  }
0x20: {  	[sflag:s8] =	ssyncset.s32 @!p0 $0xFFFFF086;
	s6 =	sadd.s32 @!p0 s3, s7;
	s7 =	simm.s32 @!p0 $0x108  }
0x21: {  	s3 =	sadd.s32 s3, s9;
	s6 =	sadd.s32 @!p0 $0x88, s6;
	s7 =	simm.s32 @p2 $0x1082  }
0x22: {  	[simem:s7], [sflag:s8] =	dma.local @!p0 [hbm:s6], $0xF7A  }
0x23: {  	s9 =	sor.u32 $0xD0000000, s2;
	s6 =	simm.s32 $0x108;
	_ =	swait.ge @!p0 [sflag:s8], $0x0  }
0x24: {  	s3 =	sadd.s32 $0x88, s3;
	s6 =	simm.s32 @!p1 $0x1082;
	[sflag:s4] =	ssyncset.s32 $0xFFFFF086  }
0x25: {  	[simem:s6], [sflag:s4] =	dma.local [hbm:s3], $0xF7A  }
0x26: {  	[smem:$0x3F9E] =	sst s1;
	(tag) =	ssettag s2;
	_ =	strace s9  }
0x27: {  	s1 =	sld [smem:$0x3FAE]  }
0x28: {  	s2 =	sld [smem:$0x3FAF]  }
0x29: {  	s4 =	sld [smem:$0x3FB1]  }
0x2a: {  	p0 =	seq.s32 s5, $0x0;
	s5 =	sld [smem:$0x3FB2]  }
0x2b: {  	s6 =	sld [smem:$0x3FB3]  }
0x2c: {  	s7 =	sld [smem:$0x3FB4]  }
0x2d: {  	s3 =	simm.s32 $0x108;
	s8 =	sld [smem:$0x3FB5]  }
0x2e: {  	s3 =	simm.s32 @!p0 $0x1082;
	s9 =	sld [smem:$0x3FB6]  }
0x2f: {  	lr =	sadd.s32 s0, s3;
	s0 =	sld [smem:$0x3FAD]  }
0x30: {  	s3 =	sld [smem:$0x3FB0]  }
0x31: {  	[smem:$0x3FB9] =	sst s10  }
0x32: {  	s10 =	sld [smem:$0x3FB7];
	_ =	sdelay $0x3  }
0x33: {  	p0 =	seq.s32 s10, $0x1;
	s10 =	sld [smem:$0x3FB9];
	_ =	sdelay $0x3  }
0x34: {  	[smem:$0x3FB9] =	sst s10  }
0x35: {  	s10 =	sld [smem:$0x3FB8];
	_ =	sdelay $0x3  }
0x36: {  	p1 =	seq.s32 s10, $0x1;
	s10 =	sld [smem:$0x3FB9];
	_ =	sdelay $0x3  }
0x37: {  	[smem:$0x3FB9] =	sst s10  }
0x38: {  	s10 =	sld [smem:$0x3FBA]  }
0x39: {  	_ = 	snop;
	(pc) =	sbr.ind lr, $3  }
0x3a: {  	_ = 	snop  }
0x3b: {  	_ = 	snop  }
0x3c: {  	p2 =	seq.s32 s10, $0x1;
	s10 =	sld [smem:$0x3FB9]  }
0x3d: {  	_ =	shalt  }
0x3e: {  	_ =	shalt  }
0x3f: {  	_ =	shalt  }
0x40: {  	_ =	shalt  }
0x41: {  	_ =	shalt  }
0x42: {  	_ =	shalt  }
0x43: {  	_ =	shalt  }
0x44: {  	_ =	shalt  }
0x45: {  	_ =	shalt  }
0x46: {  	_ =	shalt  }
0x47: {  	_ =	shalt  }
0x48: {  	_ =	shalt  }
0x49: {  	_ =	shalt  }
0x4a: {  	_ =	shalt  }
0x4b: {  	_ =	shalt  }
0x4c: {  	_ =	shalt  }
0x4d: {  	_ =	shalt  }
0x4e: {  	_ =	shalt  }
0x4f: {  	_ =	shalt  }
0x50: {  	_ =	shalt  }
0x51: {  	_ =	shalt  }
0x52: {  	_ =	shalt  }
0x53: {  	_ =	shalt  }
0x54: {  	_ =	shalt  }
0x55: {  	_ =	shalt  }
0x56: {  	_ =	shalt  }
0x57: {  	_ =	shalt  }
0x58: {  	_ =	shalt  }
0x59: {  	_ =	shalt  }
0x5a: {  	_ =	shalt  }
0x5b: {  	_ =	shalt  }
0x5c: {  	_ =	shalt  }
0x5d: {  	_ =	shalt  }
0x5e: {  	_ =	shalt  }
0x5f: {  	_ =	shalt  }
0x60: {  	_ =	shalt  }
0x61: {  	_ =	shalt  }
0x62: {  	_ =	shalt  }
0x63: {  	_ =	shalt  }
0x64: {  	_ =	shalt  }
0x65: {  	_ =	shalt  }
0x66: {  	_ =	shalt  }
0x67: {  	_ =	shalt  }
0x68: {  	_ =	shalt  }
0x69: {  	_ =	shalt  }
0x6a: {  	_ =	shalt  }
0x6b: {  	_ =	shalt  }
0x6c: {  	_ =	shalt  }
0x6d: {  	_ =	shalt  }
0x6e: {  	_ =	shalt  }
0x6f: {  	_ =	shalt  }
0x70: {  	_ =	shalt  }
0x71: {  	_ =	shalt  }
0x72: {  	_ =	shalt  }
0x73: {  	_ =	shalt  }
0x74: {  	_ =	shalt  }
0x75: {  	_ =	shalt  }
0x76: {  	_ =	shalt  }
0x77: {  	_ =	shalt  }
0x78: {  	_ =	shalt  }
0x79: {  	_ =	shalt  }
0x7a: {  	_ =	shalt  }
0x7b: {  	_ =	shalt  }
0x7c: {  	_ =	shalt  }
0x7d: {  	_ =	shalt  }
0x7e: {  	_ =	shalt  }
0x7f: {  	_ =	shalt  }
0x80: {  	_ =	shalt  }
0x81: {  	_ =	shalt  }
0x82: {  	_ =	shalt  }
0x83: {  	_ =	shalt  }
0x84: {  	_ =	shalt  }
0x85: {  	_ =	shalt  }
0x86: {  	_ =	shalt  }
0x87: {  	_ =	shalt  }
.Lfunc_end0:
.L_simem_size_0:
called_computation_lowered:
.L_overlay_start_0:
0x88: {  	s2 =	sld [smem:$0x3FD9]  }
0x89: {  	s3 =	sld [smem:$0x3FFE];
	_ =	sdelay $0x1  }
0x8a: {  	s1 =	srdreg.scid  }
0x8b: {  	s0 =	sand.u32 $0x1, s1  }
0x8c: {  	s17 =	sshll.u32 s0, $0xA;
	s2 =	sadd.s32 s3, s2  }
0x8d: {  	s2 =	sadd.s32 s2, s17  }
0x8e: {  	[smem:$0x3FC5] =	sst s2  }
0x8f: {  	_ = 	snop  }
0x90: {  	s2 =	sld [smem:$0x3FD0];
	(tm) =	ssettm $0x1  }
0x91: {  	s18 =	sld [smem:$0x3FFB];
	_ =	sdelay $0x3  }
0x92: {  	_ =	strace s18  }
0x93: {  	s3 =	sld [smem:$0x3FFC];
	_ =	sdelay $0x3  }
0x94: {  	_ =	strace s3  }
0x95: {  	s3 =	sld [smem:$0x3FFD];
	_ =	sdelay $0x3  }
0x96: {  	_ =	strace s3  }
0x97: {  	_ =	strace $0x8FFFFFFF  }
0x98: {  	s19 =	sld [smem:$0x3FDB];
	_ =	sdelay $0x1  }
0x99: {  	s4 =	simm.s32 $_scs_section_size  }
0x9a: {  	s5 =	simm.s32 $_size__tile_overlayer_lowered;
	s6 =	simm.s32 $_tile_overlayer_lowered  }
0x9b: {  	s22 =	simm.s32 $0x1BFF;
	s21 =	sshll.u32 s6, $0x1;
	s3 =	sadd.s32 s4, s19  }
0x9c: {  	s7 =	simm.s32 $0x0;
	s20 =	sshll.u32 s5, $0x1;
	s5 =	sadd.s32 s21, s3  }
0x9d: {  	[timem:s7], [sflag:s22] =	dma.local [hbm:s5], s20  }
0x9e: {  	_ =	swait.ge [sflag:s22], s20  }
0x9f: {  	s4 =	ssub.s32 $0x0, s20;
	[sflag:s22] =	ssyncset.done $0x0  }
0xa0: {  	[sflag:s22] =	ssyncadd.s32 s4;
	_ =	sdelay $0x1  }
0xa1: {  	s23 =	simm.s32 $0x1B8B  }
0xa2: {  	_ =	swait.ge [sflag:s23], $0x1  }
0xa3: {  	[sflag:s23] =	ssyncset.done $0x0  }
0xa4: {  	s25 =	simm.s32 $0x1B8E;
	s24 =	sld [smem:$0x3FFE];
	[sflag:s23] =	ssyncadd.s32 $0xFFFFFFFF  }
0xa5: {  	s26 =	simm.s32 $execute0_lowered;
	[smem:$0x3FD2] =	sst s25  }
0xa6: {  	s5 =	sshll.u32 s26, $0x1;
	_ =	strace $0x80000046;
	[dreg:$0x1] =	wrdreg $0xFFFFFFFF  }
0xa7: {  	s28 =	simm.s32 $_size_execute0_lowered;
	s3 =	sadd.s32 s3, s5;
	[dreg:$0x0] =	wrdreg $0x0  }
0xa8: {  	s5 =	sshll.u32 s28, $0x1;
	[dreg:$0x2] =	wrdreg s3  }
0xa9: {  	[dreg:$0x3] =	wrdreg s5  }
0xaa: {  	[dreg:$0x4] =	wrdreg $0xC0  }
0xab: {  	_ =	task [dreg:s7], $0x5FFFF  }
0xac: {  	[dreg:$0x1] =	wrdreg $0xFFFFFFFF  }
0xad: {  	[dreg:$0x0] =	wrdreg $0x60  }
0xae: {  	[dreg:$0x2] =	wrdreg s24  }
0xaf: {  	[dreg:$0x3] =	wrdreg s2  }
0xb0: {  	[dreg:$0x4] =	wrdreg $0x1E4000  }
0xb1: {  	[dreg:$0x5] =	wrdreg $0x9  }
0xb2: {  	_ =	task.clear_ibuf [dreg:s7], $0x6FFFF;
	_ =	strace $0x90000046  }
0xb3: {  	s29 =	simm.s32 $0x9;
	_ =	strace $0x80000048  }
0xb4: {  	_ =	swait.ge [sflag:s29], $0x1  }
0xb5: {  	[sflag:s29] =	ssyncadd.s32 $0xFFFFFFFF  }
0xb6: {  	_ =	strace $0x90000048  }
0xb7: {  	_ =	sfence  }
0xb8: {  	s30 =	sld [smem:$0x0];
	_ =	sdelay $0x2  }
0xb9: {  	s31 =	sshll.u32 s1, $0xD;
	s1 =	sshrl.u32 s1, $0x2  }
0xba: {  	s3 =	sand.u32 $0x4000, s31;
	s1 =	sadd.s32 s1, s30  }
0xbb: {  	s0 =	sor.u32 s3, s0;
	s1 =	sshll.u32 s1, $0x11  }
0xbc: {  	s0 =	sor.u32 s1, s0  }
0xbd: {  	s0 =	sadd.s32 $0x8F2B, s0  }
0xbe: {  	[sflag:s0] =	ssyncadd.remote.s32 $0x1  }
0xbf: {  	_ =	sfence.sel $0xFFFF  }
0xc0: {  	[dreg:$0x0] =	wrdreg $0xFFFFFFFF;
	(pc) =	sbr.abs _section_cstart, $3  }
0xc1: {  	[dreg:$0x1] =	wrdreg $0xFFFFFFFF  }
0xc2: {  	_ =	task.clear_ibuf [dreg:s7], $0x2FFFF;
	_ =	strace $0x9FFFFFFF  }
0xc3: {  	(tm) =	ssettm $0x7FFFFFFF  }
tec
execute0_lowered:
.L_overlay_start_1:
0x0: {  	(tag) =	ssettag $0x1  }
0x1: {  	s0 =	rddreg [dreg:$0x0]  }
0x2: {  	s1 =	rddreg [dreg:$0x1]  }
0x3: {  	s4 =	rddreg [dreg:$0x2]  }
0x4: {  	s3 =	srdreg.scid;
	s11 =	stileid.u32  }
0x5: {  	s2 =	simm.s32 $0x0;
	s12 =	simm.s32 $0x80;
	s13 =	simm.s32 $0x6400  }
0x6: {  	s14 =	simm.s32 $0xA400;
	s16 =	simm.s32 $0xE400;
	s17 =	simm.s32 $0x12400  }
0x7: {  	s18 =	simm.s32 $0x1;
	s28 =	simm.s32 $0x9;
	s29 =	simm.s32 $0x6  }
0x8: {  	v0 =	vlaneseq.u32;
	v2 =	vimm.s32 $0xC080400;
	s30 =	simm.s32 $0xA;
	s31 =	simm.s32 $0xB;
	s9 =	smul.u32 $0x500, s11  }
0x9: {  	v3 =	vimm.s32 $0x1C181410;
	vm0 =	vcmask $0x1F10;
	vm9 =	vcmask $0x704;
	s5 =	sand.u32 $0x1, s3;
	s19 =	sshll.u32 s11, $0x1;
	s21 =	smul.u32 $0xA000, s11  }
0xa: {  	vm10 =	vcmask $0xB08;
	vm11 =	vcmask $0xF0C;
	vm12 =	vcmask $0x1310;
	[smem:$0x7FF] =	sst s2;
	s3 =	sadd.s32 $0x19A00, s0;
	s23 =	smul.u32 $0xC8000, s11  }
0xb: {  	v1 =	vmul.u32 $0x4, v0;
	v4 =	vunpack.c.0.s8.s32 v2;
	v3 =	vunpack.c.0.s8.s32 v3;
	p0 =	sgt.u32 s11, $0x9;
	s11 =	simm.s32 $0xD;
	s6 =	sor.u32 s5, s19  }
0xc: {  	vm13 =	vcmask $0x1714;
	vm14 =	vcmask $0x1B18;
	vm15 =	vcmask $0x1F1C;
	_ =	strace $0x80000047;
	s8 =	ssub.s32 $0x2, s5;
	s5 =	smul.u32 $0x64000, s5  }
0xd: {  	s19 =	simm.s32 $0x16400;
	s7 =	smul.u32 $0x6400, s6;
	s20 =	sshrl.u32 s8, $0x1;
	v2 =	vor.u32 $0x40, v1;
	v13 =	vsel vm0, v3, v4;
	v4 =	vimm.s32 $0x300  }
0xe: {  	s6 =	smul.u32 $0x320000, s6;
	s22 =	sadd.s32 s3, s9;
	v3 =	vor.u32 $0x80, v1;
	s26 =	sadd.s32 s23, s1;
	v10 =	vor.u32 $0x240, v1;
	v12 =	vor.u32 $0x2C0, v1  }
0xf: {  	v15 =	vadd.s32 $0x60, v1;
	v16 =	vadd.s32 $0xA0, v1;
	s23 =	simm.s32 $0x7;
	v17 =	vadd.s32 $0xE0, v1;
	s10 =	ssub.s32 s8, s20;
	[dreg:$0x5] =	wrdreg s22  }
0x10: {  	v18 =	vadd.s32 $0x120, v1;
	v19 =	vadd.s32 $0x160, v1;
	v5 =	vsel vm9, $0x304, v4;
	s20 =	simm.s32 $0x2;
	s22 =	simm.s32 $0x3;
	s7 =	sshrl.u32 s7, $0x3  }
0x11: {  	v20 =	vadd.s32 $0x1A0, v1;
	v21 =	vadd.s32 $0x1E0, v1;
	s6 =	sshrl.u32 s6, $0x3;
	v6 =	vsel vm10, $0x308, v5;
	s9 =	smax.u32 s10, $0x1;
	s0 =	sadd.s32 s7, s0  }
0x12: {  	v22 =	vadd.s32 $0x220, v1;
	v23 =	vadd.s32 $0x260, v1;
	s24 =	sadd.s32 s1, s6;
	v7 =	vsel vm11, $0x30C, v6;
	s1 =	simm.s32 $0x0;
	s0 =	sadd.s32 $0xA00, s0  }
.Ltmp0:
0x13: {  	v24 =	vadd.s32 $0x2A0, v1;
	v25 =	vadd.s32 $0x2E0, v1;
	s25 =	sadd.s32 $0x63000, s24;
	s8 =	sadd.s32 $0x63800, s24;
	v8 =	vsel vm12, $0x310, v7;
	(pc) =	sbr.rel .LBB2_1-.Ltmp0, $4  }
0x14: {  	v4 =	vor.u32 $0xC0, v1;
	v5 =	vor.u32 $0x100, v1;
	s24 =	simm.s32 $0x4;
	[dreg:$0x4] =	wrdreg s0;
	s0 =	sshrl.u32 s21, $0x2;
	v9 =	vsel vm13, $0x314, v8  }
0x15: {  	v6 =	vor.u32 $0x140, v1;
	v7 =	vor.u32 $0x180, v1;
	[dreg:$0x7] =	wrdreg s25;
	s21 =	simm.s32 $0x1A400;
	s0 =	sadd.s32 s0, s4;
	v11 =	vsel vm14, $0x318, v9  }
0x16: {  	v8 =	vor.u32 $0x1C0, v1;
	s25 =	simm.s32 $0x8;
	v9 =	vor.u32 $0x200, v1;
	[dreg:$0x6] =	wrdreg s0;
	s0 =	sadd.s32 s5, s26;
	v14 =	vsel vm15, $0x31C, v11  }
0x17: {  	v11 =	vor.u32 $0x280, v1;
	s26 =	simm.s32 $0x5;
	s4 =	sadd.s32 $0x2800, s0;
	v13 =	vcombine.low v14, v13;
	v14 =	vadd.s32 $0x20, v1;
	s0 =	simm.s32 $0xC  }
.LBB2_7:
0x18: {  	_ =	swait.ge [sflag:s30], $0x4000  }
0x19: {  	[sflag:s30] =	ssyncset.done $0x0  }
0x1a: {  	[sflag:s30] =	ssyncadd.s32 $0xFFFFC000  }
0x1b: {  	_ =	swait.ge [sflag:s18], $0x4000  }
0x1c: {  	[sflag:s18] =	ssyncset.done $0x0  }
0x1d: {  	s5 =	rddreg [dreg:$0x7];
	[sflag:s18] =	ssyncadd.s32 $0xFFFFC000  }
0x1e: {  	[hbm4b:s5+s2] =	stream.linear.scatter [tilespmem:s13], [sflag:$0x7], $0x4000, $0x38;
	[tilespmem:$0x1FD00] =	vst v63  }
0x1f: {  	_ =	swait.ge [sflag:s31], $0x4000  }
0x20: {  	[sflag:s31] =	ssyncset.done $0x0  }
0x21: {  	[sflag:s31] =	ssyncadd.s32 $0xFFFFC000  }
0x22: {  	_ =	swait.ge [sflag:s20], $0x4000  }
0x23: {  	[sflag:s20] =	ssyncset.done $0x0  }
0x24: {  	[sflag:s20] =	ssyncadd.s32 $0xFFFFC000  }
0x25: {  	[hbm4b:s8+s2] =	stream.linear.scatter [tilespmem:s14], [sflag:$0x8], $0x4000, $0x38;
	[tilespmem:$0x1FD00] =	vst v63  }
0x26: {  	_ =	swait.ge [sflag:s0], $0x4000  }
0x27: {  	[sflag:s0] =	ssyncset.done $0x0  }
0x28: {  	s1 =	sadd.s32 $0x1, s1;
	[sflag:s0] =	ssyncadd.s32 $0xFFFFC000  }
0x29: {  	p1 =	sne.s32 s1, s9;
	_ =	swait.ge [sflag:s23], $0x4000  }
.Ltmp1:
0x2a: {  	[sflag:s23] =	ssyncset.done $0x0;
	(pc) =	sbr.rel @!p1 .LBB2_8-.Ltmp1, $4  }
0x2b: {  	[sflag:s23] =	ssyncadd.s32 $0xFFFFC000  }
0x2c: {  	_ =	swait.ge [sflag:s25], $0x4000  }
0x2d: {  	[sflag:s25] =	ssyncset.done $0x0  }
0x2e: {  	[sflag:s25] =	ssyncadd.s32 $0xFFFFC000  }
.LBB2_1:
0x2f: {  	s5 =	rddreg [dreg:$0x4]  }
0x30: {  	[tilespmem:s2], [sflag:$0xD] =	stream.linear.gather [hbm4b:s5+s2], $0x6400, $0x38;
	[tilespmem:$0x1FD00] =	vst v63  }
0x31: {  	s10 =	simm.s32 @!p0 $0x6400;
	s6 =	rddreg [dreg:$0x5];
	s5 =	simm.s32 @!p0 $0x0  }
0x32: {  	[tilespmem:s10], [sflag:$0xE] =	stream.linear.gather @!p0 [hbm4b:s6+s5], $0x2800, $0x38;
	[tilespmem:$0x1FD00] =	vst v63  }
0x33: {  	s5 =	simm.s32 @!p0 $0xE  }
0x34: {  	_ =	swait.ge @!p0 [sflag:s5], $0x2800  }
0x35: {  	[sflag:s5] =	ssyncset.done @!p0 $0x0  }
0x36: {  	s6 =	rddreg [dreg:$0x6];
	[sflag:s5] =	ssyncadd.s32 @!p0 $0xFFFFD800  }
0x37: {  	[spmem:s6] =	stream.linear.scatter @!p0 [tilespmem:s10], [sflag:$0xE], $0x2800, $0x38;
	[tilespmem:$0x1FD00] =	vst v63  }
0x38: {  	_ =	swait.ge @!p0 [sflag:s5], $0x2800  }
0x39: {  	[sflag:s5] =	ssyncset.done @!p0 $0x0  }
0x3a: {  	[sflag:s5] =	ssyncadd.s32 @!p0 $0xFFFFD800  }
0x3b: {  	[bflag:$0x0] =	sbarrier.arrive $0xFFFF  }
0x3c: {  	_ =	swait.ge [sflag:s11], $0x6400  }
0x3d: {  	[sflag:s11] =	ssyncset.done $0x0  }
0x3e: {  	[sflag:s11] =	ssyncadd.s32 $0xFFFF9C00  }
0x3f: {  	v26 =	vld [tilespmem:$0x0]  }
0x40: {  	v27 =	vld [tilespmem:$0x10]  }
0x41: {  	v28 =	vld [tilespmem:$0x20]  }
0x42: {  	v29 =	vld [tilespmem:$0x30]  }
0x43: {  	v30 =	vld [tilespmem:$0x40]  }
0x44: {  	v31 =	vld [tilespmem:$0x50];
	v26 =	vadd.s32 v1, v26  }
0x45: {  	[tilespmem:$0x0] =	vst v26;
	v26 =	vadd.s32 v2, v27;
	v27 =	vld [tilespmem:$0x60]  }
0x46: {  	v44 =	vld [tilespmem:$0x70];
	[tilespmem:$0x10] =	vst v26;
	v26 =	vadd.s32 v3, v28  }
0x47: {  	v45 =	vld [tilespmem:$0x80];
	[tilespmem:$0x20] =	vst v26;
	v26 =	vadd.s32 v4, v29  }
0x48: {  	v46 =	vld [tilespmem:$0x90];
	[tilespmem:$0x30] =	vst v26;
	v26 =	vadd.s32 v5, v30  }
0x49: {  	v47 =	vld [tilespmem:$0xA0];
	[tilespmem:$0x40] =	vst v26;
	v26 =	vadd.s32 v6, v31  }
0x4a: {  	[tilespmem:$0x50] =	vst v26;
	v26 =	vadd.s32 v7, v27;
	v27 =	vld [tilespmem:$0xB0]  }
0x4b: {  	v48 =	vld [tilespmem:$0xC0];
	[tilespmem:$0x60] =	vst v26;
	v26 =	vadd.s32 v8, v44  }
0x4c: {  	v49 =	vld [tilespmem:$0xD0];
	[tilespmem:$0x70] =	vst v26;
	v26 =	vadd.s32 v9, v45  }
0x4d: {  	v50 =	vld [tilespmem:$0xE0];
	[tilespmem:$0x80] =	vst v26;
	v26 =	vadd.s32 v10, v46  }
0x4e: {  	v51 =	vld [tilespmem:$0xF0];
	[tilespmem:$0x90] =	vst v26;
	v26 =	vadd.s32 v11, v47  }
0x4f: {  	[tilespmem:$0xA0] =	vst v26;
	v26 =	vadd.s32 v12, v27;
	v27 =	vld [tilespmem:$0x100]  }
0x50: {  	v52 =	vld [tilespmem:$0x110];
	[tilespmem:$0xB0] =	vst v26;
	v26 =	vadd.s32 v13, v48  }
0x51: {  	v53 =	vld [tilespmem:$0x120];
	[tilespmem:$0xC0] =	vst v26;
	v26 =	vadd.s32 v14, v49  }
0x52: {  	v54 =	vld [tilespmem:$0x130];
	[tilespmem:$0xD0] =	vst v26;
	v26 =	vadd.s32 v15, v50  }
0x53: {  	v55 =	vld [tilespmem:$0x140];
	[tilespmem:$0xE0] =	vst v26;
	v26 =	vadd.s32 v16, v51  }
0x54: {  	[tilespmem:$0xF0] =	vst v26;
	v26 =	vadd.s32 v17, v27;
	v27 =	vld [tilespmem:$0x150]  }
0x55: {  	v56 =	vld [tilespmem:$0x160];
	[tilespmem:$0x100] =	vst v26;
	v26 =	vadd.s32 v18, v52  }
0x56: {  	v57 =	vld [tilespmem:$0x170];
	[tilespmem:$0x110] =	vst v26;
	v26 =	vadd.s32 v19, v53  }
0x57: {  	v58 =	vld [tilespmem:$0x180];
	[tilespmem:$0x120] =	vst v26;
	v26 =	vadd.s32 v20, v54  }
0x58: {  	v59 =	vld [tilespmem:$0x190];
	[tilespmem:$0x130] =	vst v26;
	v26 =	vadd.s32 v21, v55  }
0x59: {  	[tilespmem:$0x140] =	vst v26;
	v26 =	vadd.s32 v22, v27;
	v27 =	vld [tilespmem:$0x1A0]  }
0x5a: {  	v60 =	vld [tilespmem:$0x1B0];
	[tilespmem:$0x150] =	vst v26;
	v26 =	vadd.s32 v23, v56  }
0x5b: {  	v61 =	vld [tilespmem:$0x1C0];
	[tilespmem:$0x160] =	vst v26;
	v26 =	vadd.s32 v24, v57  }
0x5c: {  	v62 =	vld [tilespmem:$0x1D0];
	[tilespmem:$0x170] =	vst v26;
	v26 =	vadd.s32 v25, v58  }
0x5d: {  	v63 =	vld [tilespmem:$0x1E0];
	[tilespmem:$0x180] =	vst v26;
	v26 =	vadd.s32 v1, v59  }
0x5e: {  	[tilespmem:$0x190] =	vst v26;
	v26 =	vadd.s32 v2, v27;
	v27 =	vld [tilespmem:$0x1F0]  }
0x5f: {  	[tilespmem:$0x1A0] =	vst v26;
	v26 =	vadd.s32 v3, v60  }
0x60: {  	[tilespmem:$0x1B0] =	vst v26;
	v26 =	vadd.s32 v4, v61  }
0x61: {  	[tilespmem:$0x1C0] =	vst v26;
	v26 =	vadd.s32 v5, v62  }
0x62: {  	[tilespmem:$0x1D0] =	vst v26;
	v26 =	vadd.s32 v6, v63  }
0x63: {  	[tilespmem:$0x1E0] =	vst v26;
	v26 =	vadd.s32 v7, v27  }
0x64: {  	[tilespmem:$0x1F0] =	vst v26  }
0x65: {  	[tilespmem:s13], [sflag:$0x1] =	stream.indirect.gather [hbm4b:s3+s12], $0x80, s2, s12, $0xb8;
	[tilespmem:$0x1FD00] =	vst v63  }
.Ltmp2:
0x66: {  	_ = 	snop;
	(pc) =	sbr.rel .LBB2_2-.Ltmp2, $4  }
0x67: {  	[tilespmem:s14], [sflag:$0x2] =	stream.indirect.gather [hbm4b:s3+s12], $0x80, s12, s12, $0xb8;
	[tilespmem:$0x1FD00] =	vst v63  }
0x68: {  	s15 =	simm.s32 $0x100  }
0x69: {  	[tilespmem:s16], [sflag:$0x3] =	stream.indirect.gather [hbm4b:s3+s12], $0x80, s15, s12, $0xb8;
	[tilespmem:$0x1FD00] =	vst v63  }
0x6a: {  	s10 =	smov.u32 s4;
	s5 =	simm.s32 $0x4F0;
	s15 =	simm.s32 $0x4F0  }
.LBB2_6:
0x6b: {  	s15 =	sadd.s32 $0x300, s15  }
0x6c: {  	p1 =	sne.s32 s15, $0x67F0  }
.Ltmp3:
0x6d: {  	_ =	swait.ge [sflag:s29], $0x4000;
	(pc) =	sbr.rel @!p1 .LBB2_7-.Ltmp3, $4  }
0x6e: {  	[sflag:s29] =	ssyncset.done $0x0  }
0x6f: {  	[sflag:s29] =	ssyncadd.s32 $0xFFFFC000  }
0x70: {  	[hbm4b:s10+s2] =	stream.linear.scatter [tilespmem:s21], [sflag:$0xC], $0x4000, $0x38;
	[tilespmem:$0x1FD00] =	vst v63  }
0x71: {  	s5 =	sadd.s32 $0x300, s5;
	s10 =	sadd.s32 $0x3000, s10  }
.LBB2_2:
0x72: {  	p1 =	seq.s32 s15, $0x4F0  }
0x73: {  	s6 =	simm.s32 @!p1 $0xA  }
0x74: {  	s7 =	sadd.s32 $0xFFFFFD10, s15;
	_ =	swait.ge @!p1 [sflag:s6], $0x4000  }
0x75: {  	v26 =	vor.u32 s7, v0;
	[sflag:s6] =	ssyncset.done @!p1 $0x0  }
0x76: {  	s7 =	sadd.s32 $0xFFFFFC90, s5;
	v27 =	vmulhi.u32 $0x51EB851F, v26;
	[sflag:s6] =	ssyncadd.s32 @!p1 $0xFFFFC000  }
0x77: {  	[tilespmem:s17], [sflag:$0x4] =	stream.indirect.gather [hbm4b:s3+s12], $0x80, s7, s12, $0xb8;
	[tilespmem:$0x1FD00] =	vst v63  }
0x78: {  	v27 =	vshrl.u32 v27, $0x6;
	v28 =	vld [tilespmem:s5+$0xFFFFFD10]  }
0x79: {  	v27 =	vmul.u32 $0xC8, v27  }
0x7a: {  	s7 =	sadd.s32 $0xFFFFFD20, s15  }
0x7b: {  	v26 =	vsub.s32 v26, v27;
	v27 =	vor.u32 s7, v0  }
0x7c: {  	v26 =	vshll.u32 v26, $0x2;
	v33 =	vmulhi.u32 $0x51EB851F, v27  }
0x7d: {  	v26 =	vadd.s32 v26, v28  }
0x7e: {  	v28 =	vshrl.u32 v33, $0x6;
	[tilespmem:s5+$0xFFFFFD10] =	vst v26;
	v26 =	vld [tilespmem:s5+$0xFFFFFD20]  }
0x7f: {  	v28 =	vmul.u32 $0xC8, v28;
	_ =	sdelay $0x1  }
0x80: {  	s7 =	sadd.s32 $0xFFFFFD30, s15;
	v27 =	vsub.s32 v27, v28  }
0x81: {  	v34 =	vor.u32 s7, v0;
	v27 =	vshll.u32 v27, $0x2  }
0x82: {  	v26 =	vadd.s32 v27, v26;
	v27 =	vmulhi.u32 $0x51EB851F, v34;
	_ =	sdelay $0x1  }
0x83: {  	[tilespmem:s5+$0xFFFFFD20] =	vst v26;
	v26 =	vld [tilespmem:s5+$0xFFFFFD30];
	v27 =	vshrl.u32 v27, $0x6  }
0x84: {  	v27 =	vmul.u32 $0xC8, v27;
	_ =	sdelay $0x1  }
0x85: {  	s7 =	sadd.s32 $0xFFFFFD40, s15;
	v27 =	vsub.s32 v34, v27  }
0x86: {  	v35 =	vor.u32 s7, v0;
	v27 =	vshll.u32 v27, $0x2  }
0x87: {  	v26 =	vadd.s32 v27, v26;
	v27 =	vmulhi.u32 $0x51EB851F, v35;
	_ =	sdelay $0x1  }
0x88: {  	[tilespmem:s5+$0xFFFFFD30] =	vst v26;
	v26 =	vld [tilespmem:s5+$0xFFFFFD40];
	v27 =	vshrl.u32 v27, $0x6  }
0x89: {  	v27 =	vmul.u32 $0xC8, v27;
	_ =	sdelay $0x1  }
0x8a: {  	s7 =	sadd.s32 $0xFFFFFD50, s15;
	v27 =	vsub.s32 v35, v27  }
0x8b: {  	v36 =	vor.u32 s7, v0;
	v27 =	vshll.u32 v27, $0x2  }
0x8c: {  	v26 =	vadd.s32 v27, v26;
	v27 =	vmulhi.u32 $0x51EB851F, v36;
	_ =	sdelay $0x1  }
0x8d: {  	[tilespmem:s5+$0xFFFFFD40] =	vst v26;
	v26 =	vld [tilespmem:s5+$0xFFFFFD50];
	v27 =	vshrl.u32 v27, $0x6  }
0x8e: {  	v27 =	vmul.u32 $0xC8, v27;
	_ =	sdelay $0x1  }
0x8f: {  	s7 =	sadd.s32 $0xFFFFFD60, s15;
	v27 =	vsub.s32 v36, v27  }
0x90: {  	v37 =	vor.u32 s7, v0;
	v27 =	vshll.u32 v27, $0x2  }
0x91: {  	v26 =	vadd.s32 v27, v26;
	v27 =	vmulhi.u32 $0x51EB851F, v37;
	_ =	sdelay $0x1  }
0x92: {  	[tilespmem:s5+$0xFFFFFD50] =	vst v26;
	v26 =	vld [tilespmem:s5+$0xFFFFFD60];
	v27 =	vshrl.u32 v27, $0x6  }
0x93: {  	v27 =	vmul.u32 $0xC8, v27;
	_ =	sdelay $0x1  }
0x94: {  	s7 =	sadd.s32 $0xFFFFFD70, s15;
	v27 =	vsub.s32 v37, v27  }
0x95: {  	v38 =	vor.u32 s7, v0;
	v27 =	vshll.u32 v27, $0x2  }
0x96: {  	v26 =	vadd.s32 v27, v26;
	v27 =	vmulhi.u32 $0x51EB851F, v38;
	_ =	sdelay $0x1  }
0x97: {  	[tilespmem:s5+$0xFFFFFD60] =	vst v26;
	v26 =	vld [tilespmem:s5+$0xFFFFFD70];
	v27 =	vshrl.u32 v27, $0x6  }
0x98: {  	v27 =	vmul.u32 $0xC8, v27;
	_ =	sdelay $0x1  }
0x99: {  	s7 =	sadd.s32 $0xFFFFFD80, s15;
	v27 =	vsub.s32 v38, v27  }
0x9a: {  	v39 =	vor.u32 s7, v0;
	v27 =	vshll.u32 v27, $0x2  }
0x9b: {  	v26 =	vadd.s32 v27, v26;
	v27 =	vmulhi.u32 $0x51EB851F, v39;
	_ =	sdelay $0x1  }
0x9c: {  	[tilespmem:s5+$0xFFFFFD70] =	vst v26;
	v26 =	vld [tilespmem:s5+$0xFFFFFD80];
	v27 =	vshrl.u32 v27, $0x6  }
0x9d: {  	v27 =	vmul.u32 $0xC8, v27;
	_ =	sdelay $0x1  }
0x9e: {  	v27 =	vsub.s32 v39, v27  }
0x9f: {  	v27 =	vshll.u32 v27, $0x2  }
0xa0: {  	v26 =	vadd.s32 v27, v26  }
0xa1: {  	[tilespmem:s5+$0xFFFFFD80] =	vst v26  }
0xa2: {  	_ =	swait.ge [sflag:s18], $0x4000  }
0xa3: {  	[sflag:s18] =	ssyncset.done $0x0  }
0xa4: {  	s6 =	simm.s32 @!p1 $0xB;
	s7 =	sadd.s32 $0xFFFFD800, s10;
	[sflag:s18] =	ssyncadd.s32 $0xFFFFC000  }
0xa5: {  	[hbm4b:s7+s2] =	stream.linear.scatter [tilespmem:s13], [sflag:$0x7], $0x4000, $0x38;
	[tilespmem:$0x1FD00] =	vst v63  }
0xa6: {  	s7 =	sadd.s32 $0xFFFFFD90, s15;
	_ =	swait.ge @!p1 [sflag:s6], $0x4000  }
0xa7: {  	v26 =	vor.u32 s7, v0;
	[sflag:s6] =	ssyncset.done @!p1 $0x0  }
0xa8: {  	s7 =	sadd.s32 $0xFFFFFD10, s5;
	v27 =	vmulhi.u32 $0x51EB851F, v26;
	[sflag:s6] =	ssyncadd.s32 @!p1 $0xFFFFC000  }
0xa9: {  	[tilespmem:s19], [sflag:$0x5] =	stream.indirect.gather [hbm4b:s3+s12], $0x80, s7, s12, $0xb8;
	[tilespmem:$0x1FD00] =	vst v63  }
0xaa: {  	v27 =	vshrl.u32 v27, $0x6;
	v40 =	vld [tilespmem:s5+$0xFFFFFD90]  }
0xab: {  	v27 =	vmul.u32 $0xC8, v27  }
0xac: {  	s7 =	sadd.s32 $0xFFFFFDA0, s15  }
0xad: {  	v26 =	vsub.s32 v26, v27;
	v27 =	vor.u32 s7, v0  }
0xae: {  	v26 =	vshll.u32 v26, $0x2;
	v41 =	vmulhi.u32 $0x51EB851F, v27  }
0xaf: {  	v26 =	vadd.s32 v26, v40  }
0xb0: {  	v28 =	vshrl.u32 v41, $0x6;
	[tilespmem:s5+$0xFFFFFD90] =	vst v26;
	v26 =	vld [tilespmem:s5+$0xFFFFFDA0]  }
0xb1: {  	v28 =	vmul.u32 $0xC8, v28;
	_ =	sdelay $0x1  }
0xb2: {  	s7 =	sadd.s32 $0xFFFFFDB0, s15;
	v27 =	vsub.s32 v27, v28  }
0xb3: {  	v42 =	vor.u32 s7, v0;
	v27 =	vshll.u32 v27, $0x2  }
0xb4: {  	v26 =	vadd.s32 v27, v26;
	v27 =	vmulhi.u32 $0x51EB851F, v42;
	_ =	sdelay $0x1  }
0xb5: {  	[tilespmem:s5+$0xFFFFFDA0] =	vst v26;
	v26 =	vld [tilespmem:s5+$0xFFFFFDB0];
	v27 =	vshrl.u32 v27, $0x6  }
0xb6: {  	v27 =	vmul.u32 $0xC8, v27;
	_ =	sdelay $0x1  }
0xb7: {  	s7 =	sadd.s32 $0xFFFFFDC0, s15;
	v27 =	vsub.s32 v42, v27  }
0xb8: {  	v43 =	vor.u32 s7, v0;
	v27 =	vshll.u32 v27, $0x2  }
0xb9: {  	v26 =	vadd.s32 v27, v26;
	v27 =	vmulhi.u32 $0x51EB851F, v43;
	_ =	sdelay $0x1  }
0xba: {  	[tilespmem:s5+$0xFFFFFDB0] =	vst v26;
	v26 =	vld [tilespmem:s5+$0xFFFFFDC0];
	v27 =	vshrl.u32 v27, $0x6  }
0xbb: {  	v27 =	vmul.u32 $0xC8, v27;
	_ =	sdelay $0x1  }
0xbc: {  	s7 =	sadd.s32 $0xFFFFFDD0, s15;
	v27 =	vsub.s32 v43, v27  }
0xbd: {  	v44 =	vor.u32 s7, v0;
	v27 =	vshll.u32 v27, $0x2  }
0xbe: {  	v26 =	vadd.s32 v27, v26;
	v27 =	vmulhi.u32 $0x51EB851F, v44;
	_ =	sdelay $0x1  }
0xbf: {  	[tilespmem:s5+$0xFFFFFDC0] =	vst v26;
	v26 =	vld [tilespmem:s5+$0xFFFFFDD0];
	v27 =	vshrl.u32 v27, $0x6  }
0xc0: {  	v27 =	vmul.u32 $0xC8, v27;
	_ =	sdelay $0x1  }
0xc1: {  	s7 =	sadd.s32 $0xFFFFFDE0, s15;
	v27 =	vsub.s32 v44, v27  }
0xc2: {  	v45 =	vor.u32 s7, v0;
	v27 =	vshll.u32 v27, $0x2  }
0xc3: {  	v26 =	vadd.s32 v27, v26;
	v27 =	vmulhi.u32 $0x51EB851F, v45;
	_ =	sdelay $0x1  }
0xc4: {  	[tilespmem:s5+$0xFFFFFDD0] =	vst v26;
	v26 =	vld [tilespmem:s5+$0xFFFFFDE0];
	v27 =	vshrl.u32 v27, $0x6  }
0xc5: {  	v27 =	vmul.u32 $0xC8, v27;
	_ =	sdelay $0x1  }
0xc6: {  	s7 =	sadd.s32 $0xFFFFFDF0, s15;
	v27 =	vsub.s32 v45, v27  }
0xc7: {  	v46 =	vor.u32 s7, v0;
	v27 =	vshll.u32 v27, $0x2  }
0xc8: {  	v26 =	vadd.s32 v27, v26;
	v27 =	vmulhi.u32 $0x51EB851F, v46;
	_ =	sdelay $0x1  }
0xc9: {  	[tilespmem:s5+$0xFFFFFDE0] =	vst v26;
	v26 =	vld [tilespmem:s5+$0xFFFFFDF0];
	v27 =	vshrl.u32 v27, $0x6  }
0xca: {  	v27 =	vmul.u32 $0xC8, v27;
	_ =	sdelay $0x1  }
0xcb: {  	s7 =	sadd.s32 $0xFFFFFE00, s15;
	v27 =	vsub.s32 v46, v27  }
0xcc: {  	v47 =	vor.u32 s7, v0;
	v27 =	vshll.u32 v27, $0x2  }
0xcd: {  	v26 =	vadd.s32 v27, v26;
	v27 =	vmulhi.u32 $0x51EB851F, v47;
	_ =	sdelay $0x1  }
0xce: {  	[tilespmem:s5+$0xFFFFFDF0] =	vst v26;
	v26 =	vld [tilespmem:s5+$0xFFFFFE00];
	v27 =	vshrl.u32 v27, $0x6  }
0xcf: {  	v27 =	vmul.u32 $0xC8, v27;
	_ =	sdelay $0x1  }
0xd0: {  	v27 =	vsub.s32 v47, v27  }
0xd1: {  	v27 =	vshll.u32 v27, $0x2  }
0xd2: {  	v26 =	vadd.s32 v27, v26  }
0xd3: {  	[tilespmem:s5+$0xFFFFFE00] =	vst v26  }
0xd4: {  	_ =	swait.ge [sflag:s20], $0x4000  }
0xd5: {  	[sflag:s20] =	ssyncset.done $0x0  }
0xd6: {  	s6 =	simm.s32 @!p1 $0xC;
	s7 =	sadd.s32 $0xFFFFE000, s10;
	[sflag:s20] =	ssyncadd.s32 $0xFFFFC000  }
0xd7: {  	[hbm4b:s7+s2] =	stream.linear.scatter [tilespmem:s14], [sflag:$0x8], $0x4000, $0x38;
	[tilespmem:$0x1FD00] =	vst v63  }
0xd8: {  	s7 =	sadd.s32 $0xFFFFFE10, s15;
	_ =	swait.ge @!p1 [sflag:s6], $0x4000  }
0xd9: {  	v26 =	vor.u32 s7, v0;
	[sflag:s6] =	ssyncset.done @!p1 $0x0  }
0xda: {  	s7 =	sadd.s32 $0xFFFFFD90, s5;
	v27 =	vmulhi.u32 $0x51EB851F, v26;
	[sflag:s6] =	ssyncadd.s32 @!p1 $0xFFFFC000  }
0xdb: {  	[tilespmem:s21], [sflag:$0x6] =	stream.indirect.gather [hbm4b:s3+s12], $0x80, s7, s12, $0xb8;
	[tilespmem:$0x1FD00] =	vst v63  }
0xdc: {  	v27 =	vshrl.u32 v27, $0x6;
	v48 =	vld [tilespmem:s5+$0xFFFFFE10]  }
0xdd: {  	v27 =	vmul.u32 $0xC8, v27  }
0xde: {  	s7 =	sadd.s32 $0xFFFFFE20, s15  }
0xdf: {  	v26 =	vsub.s32 v26, v27;
	v27 =	vor.u32 s7, v0  }
0xe0: {  	v26 =	vshll.u32 v26, $0x2;
	v49 =	vmulhi.u32 $0x51EB851F, v27  }
0xe1: {  	v26 =	vadd.s32 v26, v48  }
0xe2: {  	v28 =	vshrl.u32 v49, $0x6;
	[tilespmem:s5+$0xFFFFFE10] =	vst v26;
	v26 =	vld [tilespmem:s5+$0xFFFFFE20]  }
0xe3: {  	v28 =	vmul.u32 $0xC8, v28;
	_ =	sdelay $0x1  }
0xe4: {  	s7 =	sadd.s32 $0xFFFFFE30, s15;
	v27 =	vsub.s32 v27, v28  }
0xe5: {  	v50 =	vor.u32 s7, v0;
	v27 =	vshll.u32 v27, $0x2  }
0xe6: {  	v26 =	vadd.s32 v27, v26;
	v27 =	vmulhi.u32 $0x51EB851F, v50;
	_ =	sdelay $0x1  }
0xe7: {  	[tilespmem:s5+$0xFFFFFE20] =	vst v26;
	v26 =	vld [tilespmem:s5+$0xFFFFFE30];
	v27 =	vshrl.u32 v27, $0x6  }
0xe8: {  	v27 =	vmul.u32 $0xC8, v27;
	_ =	sdelay $0x1  }
0xe9: {  	s7 =	sadd.s32 $0xFFFFFE40, s15;
	v27 =	vsub.s32 v50, v27  }
0xea: {  	v51 =	vor.u32 s7, v0;
	v27 =	vshll.u32 v27, $0x2  }
0xeb: {  	v26 =	vadd.s32 v27, v26;
	v27 =	vmulhi.u32 $0x51EB851F, v51;
	_ =	sdelay $0x1  }
0xec: {  	[tilespmem:s5+$0xFFFFFE30] =	vst v26;
	v26 =	vld [tilespmem:s5+$0xFFFFFE40];
	v27 =	vshrl.u32 v27, $0x6  }
0xed: {  	v27 =	vmul.u32 $0xC8, v27;
	_ =	sdelay $0x1  }
0xee: {  	s7 =	sadd.s32 $0xFFFFFE50, s15;
	v27 =	vsub.s32 v51, v27  }
0xef: {  	v52 =	vor.u32 s7, v0;
	v27 =	vshll.u32 v27, $0x2  }
0xf0: {  	v26 =	vadd.s32 v27, v26;
	v27 =	vmulhi.u32 $0x51EB851F, v52;
	_ =	sdelay $0x1  }
0xf1: {  	[tilespmem:s5+$0xFFFFFE40] =	vst v26;
	v26 =	vld [tilespmem:s5+$0xFFFFFE50];
	v27 =	vshrl.u32 v27, $0x6  }
0xf2: {  	v27 =	vmul.u32 $0xC8, v27;
	_ =	sdelay $0x1  }
0xf3: {  	s7 =	sadd.s32 $0xFFFFFE60, s15;
	v27 =	vsub.s32 v52, v27  }
0xf4: {  	v53 =	vor.u32 s7, v0;
	v27 =	vshll.u32 v27, $0x2  }
0xf5: {  	v26 =	vadd.s32 v27, v26;
	v27 =	vmulhi.u32 $0x51EB851F, v53;
	_ =	sdelay $0x1  }
0xf6: {  	[tilespmem:s5+$0xFFFFFE50] =	vst v26;
	v26 =	vld [tilespmem:s5+$0xFFFFFE60];
	v27 =	vshrl.u32 v27, $0x6  }
0xf7: {  	v27 =	vmul.u32 $0xC8, v27;
	_ =	sdelay $0x1  }
0xf8: {  	s7 =	sadd.s32 $0xFFFFFE70, s15;
	v27 =	vsub.s32 v53, v27  }
0xf9: {  	v54 =	vor.u32 s7, v0;
	v27 =	vshll.u32 v27, $0x2  }
0xfa: {  	v26 =	vadd.s32 v27, v26;
	v27 =	vmulhi.u32 $0x51EB851F, v54;
	_ =	sdelay $0x1  }
0xfb: {  	[tilespmem:s5+$0xFFFFFE60] =	vst v26;
	v26 =	vld [tilespmem:s5+$0xFFFFFE70];
	v27 =	vshrl.u32 v27, $0x6  }
0xfc: {  	v27 =	vmul.u32 $0xC8, v27;
	_ =	sdelay $0x1  }
0xfd: {  	s7 =	sadd.s32 $0xFFFFFE80, s15;
	v27 =	vsub.s32 v54, v27  }
0xfe: {  	v55 =	vor.u32 s7, v0;
	v27 =	vshll.u32 v27, $0x2  }
0xff: {  	v26 =	vadd.s32 v27, v26;
	v27 =	vmulhi.u32 $0x51EB851F, v55;
	_ =	sdelay $0x1  }
0x100: {  	[tilespmem:s5+$0xFFFFFE70] =	vst v26;
	v26 =	vld [tilespmem:s5+$0xFFFFFE80];
	v27 =	vshrl.u32 v27, $0x6  }
0x101: {  	v27 =	vmul.u32 $0xC8, v27;
	_ =	sdelay $0x1  }
0x102: {  	v27 =	vsub.s32 v55, v27  }
0x103: {  	v27 =	vshll.u32 v27, $0x2  }
0x104: {  	v26 =	vadd.s32 v27, v26  }
0x105: {  	[tilespmem:s5+$0xFFFFFE80] =	vst v26  }
0x106: {  	_ =	swait.ge [sflag:s22], $0x4000  }
0x107: {  	[sflag:s22] =	ssyncset.done $0x0  }
0x108: {  	s7 =	sadd.s32 $0xFFFFE800, s10;
	[sflag:s22] =	ssyncadd.s32 $0xFFFFC000  }
0x109: {  	[hbm4b:s7+s2] =	stream.linear.scatter [tilespmem:s16], [sflag:$0x9], $0x4000, $0x38;
	[tilespmem:$0x1FD00] =	vst v63  }
0x10a: {  	s7 =	sadd.s32 $0xFFFFFE90, s15;
	_ =	swait.ge [sflag:s23], $0x4000  }
0x10b: {  	v26 =	vor.u32 s7, v0;
	[sflag:s23] =	ssyncset.done $0x0  }
0x10c: {  	s7 =	sadd.s32 $0xFFFFFE10, s5;
	v27 =	vmulhi.u32 $0x51EB851F, v26;
	[sflag:s23] =	ssyncadd.s32 $0xFFFFC000  }
0x10d: {  	[tilespmem:s13], [sflag:$0x1] =	stream.indirect.gather [hbm4b:s3+s12], $0x80, s7, s12, $0xb8;
	[tilespmem:$0x1FD00] =	vst v63  }
0x10e: {  	v27 =	vshrl.u32 v27, $0x6;
	v56 =	vld [tilespmem:s5+$0xFFFFFE90]  }
0x10f: {  	v27 =	vmul.u32 $0xC8, v27  }
0x110: {  	s7 =	sadd.s32 $0xFFFFFEA0, s15  }
0x111: {  	v26 =	vsub.s32 v26, v27;
	v27 =	vor.u32 s7, v0  }
0x112: {  	v26 =	vshll.u32 v26, $0x2;
	v57 =	vmulhi.u32 $0x51EB851F, v27  }
0x113: {  	v26 =	vadd.s32 v26, v56  }
0x114: {  	v28 =	vshrl.u32 v57, $0x6;
	[tilespmem:s5+$0xFFFFFE90] =	vst v26;
	v26 =	vld [tilespmem:s5+$0xFFFFFEA0]  }
0x115: {  	v28 =	vmul.u32 $0xC8, v28;
	_ =	sdelay $0x1  }
0x116: {  	s7 =	sadd.s32 $0xFFFFFEB0, s15;
	v27 =	vsub.s32 v27, v28  }
0x117: {  	v58 =	vor.u32 s7, v0;
	v27 =	vshll.u32 v27, $0x2  }
0x118: {  	v26 =	vadd.s32 v27, v26;
	v27 =	vmulhi.u32 $0x51EB851F, v58;
	_ =	sdelay $0x1  }
0x119: {  	[tilespmem:s5+$0xFFFFFEA0] =	vst v26;
	v26 =	vld [tilespmem:s5+$0xFFFFFEB0];
	v27 =	vshrl.u32 v27, $0x6  }
0x11a: {  	v27 =	vmul.u32 $0xC8, v27;
	_ =	sdelay $0x1  }
0x11b: {  	s7 =	sadd.s32 $0xFFFFFEC0, s15;
	v27 =	vsub.s32 v58, v27  }
0x11c: {  	v59 =	vor.u32 s7, v0;
	v27 =	vshll.u32 v27, $0x2  }
0x11d: {  	v26 =	vadd.s32 v27, v26;
	v27 =	vmulhi.u32 $0x51EB851F, v59;
	_ =	sdelay $0x1  }
0x11e: {  	[tilespmem:s5+$0xFFFFFEB0] =	vst v26;
	v26 =	vld [tilespmem:s5+$0xFFFFFEC0];
	v27 =	vshrl.u32 v27, $0x6  }
0x11f: {  	v27 =	vmul.u32 $0xC8, v27;
	_ =	sdelay $0x1  }
0x120: {  	s7 =	sadd.s32 $0xFFFFFED0, s15;
	v27 =	vsub.s32 v59, v27  }
0x121: {  	v60 =	vor.u32 s7, v0;
	v27 =	vshll.u32 v27, $0x2  }
0x122: {  	v26 =	vadd.s32 v27, v26;
	v27 =	vmulhi.u32 $0x51EB851F, v60;
	_ =	sdelay $0x1  }
0x123: {  	[tilespmem:s5+$0xFFFFFEC0] =	vst v26;
	v26 =	vld [tilespmem:s5+$0xFFFFFED0];
	v27 =	vshrl.u32 v27, $0x6  }
0x124: {  	v27 =	vmul.u32 $0xC8, v27;
	_ =	sdelay $0x1  }
0x125: {  	s7 =	sadd.s32 $0xFFFFFEE0, s15;
	v27 =	vsub.s32 v60, v27  }
0x126: {  	v61 =	vor.u32 s7, v0;
	v27 =	vshll.u32 v27, $0x2  }
0x127: {  	v26 =	vadd.s32 v27, v26;
	v27 =	vmulhi.u32 $0x51EB851F, v61;
	_ =	sdelay $0x1  }
0x128: {  	[tilespmem:s5+$0xFFFFFED0] =	vst v26;
	v26 =	vld [tilespmem:s5+$0xFFFFFEE0];
	v27 =	vshrl.u32 v27, $0x6  }
0x129: {  	v27 =	vmul.u32 $0xC8, v27;
	_ =	sdelay $0x1  }
0x12a: {  	s7 =	sadd.s32 $0xFFFFFEF0, s15;
	v27 =	vsub.s32 v61, v27  }
0x12b: {  	v62 =	vor.u32 s7, v0;
	v27 =	vshll.u32 v27, $0x2  }
0x12c: {  	v26 =	vadd.s32 v27, v26;
	v27 =	vmulhi.u32 $0x51EB851F, v62;
	_ =	sdelay $0x1  }
0x12d: {  	[tilespmem:s5+$0xFFFFFEE0] =	vst v26;
	v26 =	vld [tilespmem:s5+$0xFFFFFEF0];
	v27 =	vshrl.u32 v27, $0x6  }
0x12e: {  	v27 =	vmul.u32 $0xC8, v27;
	_ =	sdelay $0x1  }
0x12f: {  	s7 =	sadd.s32 $0xFFFFFF00, s15;
	v27 =	vsub.s32 v62, v27  }
0x130: {  	v63 =	vor.u32 s7, v0;
	v27 =	vshll.u32 v27, $0x2  }
0x131: {  	v26 =	vadd.s32 v27, v26;
	v27 =	vmulhi.u32 $0x51EB851F, v63;
	_ =	sdelay $0x1  }
0x132: {  	[tilespmem:s5+$0xFFFFFEF0] =	vst v26;
	v26 =	vld [tilespmem:s5+$0xFFFFFF00];
	v27 =	vshrl.u32 v27, $0x6  }
0x133: {  	v27 =	vmul.u32 $0xC8, v27;
	_ =	sdelay $0x1  }
0x134: {  	v27 =	vsub.s32 v63, v27  }
0x135: {  	v27 =	vshll.u32 v27, $0x2  }
0x136: {  	v26 =	vadd.s32 v27, v26  }
0x137: {  	[tilespmem:s5+$0xFFFFFF00] =	vst v26  }
0x138: {  	_ =	swait.ge [sflag:s24], $0x4000  }
0x139: {  	[sflag:s24] =	ssyncset.done $0x0  }
0x13a: {  	p1 =	seq.s32 s15, $0x64F0;
	s7 =	sadd.s32 $0xFFFFF000, s10;
	[sflag:s24] =	ssyncadd.s32 $0xFFFFC000  }
0x13b: {  	[hbm4b:s7+s2] =	stream.linear.scatter [tilespmem:s17], [sflag:$0xA], $0x4000, $0x38;
	[tilespmem:$0x1FD00] =	vst v63  }
.Ltmp4:
0x13c: {  	_ = 	snop;
	(pc) =	sbr.rel @p1 .LBB2_4-.Ltmp4, $4  }
0x13d: {  	_ =	swait.ge [sflag:s25], $0x4000  }
0x13e: {  	[sflag:s25] =	ssyncset.done $0x0  }
0x13f: {  	s7 =	sadd.s32 $0xFFFFFE90, s5;
	[sflag:s25] =	ssyncadd.s32 $0xFFFFC000  }
0x140: {  	[tilespmem:s14], [sflag:$0x2] =	stream.indirect.gather [hbm4b:s3+s12], $0x80, s7, s12, $0xb8;
	[tilespmem:$0x1FD00] =	vst v63  }
0x141: {  	s6 =	sadd.s32 $0xFFFFFF10, s15  }
0x142: {  	v26 =	vor.u32 s6, v0  }
0x143: {  	v27 =	vmulhi.u32 $0x51EB851F, v26;
	_ =	sdelay $0x1  }
0x144: {  	v28 =	vld [tilespmem:s5+$0xFFFFFF10];
	v27 =	vshrl.u32 v27, $0x6  }
0x145: {  	v27 =	vmul.u32 $0xC8, v27  }
0x146: {  	s7 =	sadd.s32 $0xFFFFFF20, s15  }
0x147: {  	v26 =	vsub.s32 v26, v27;
	v27 =	vor.u32 s7, v0  }
0x148: {  	v26 =	vshll.u32 v26, $0x2;
	v57 =	vmulhi.u32 $0x51EB851F, v27  }
0x149: {  	v26 =	vadd.s32 v26, v28  }
0x14a: {  	[tilespmem:s5+$0xFFFFFF10] =	vst v26;
	v26 =	vld [tilespmem:s5+$0xFFFFFF20];
	v28 =	vshrl.u32 v57, $0x6  }
0x14b: {  	v28 =	vmul.u32 $0xC8, v28;
	_ =	sdelay $0x1  }
0x14c: {  	s7 =	sadd.s32 $0xFFFFFF30, s15;
	v27 =	vsub.s32 v27, v28  }
0x14d: {  	v58 =	vor.u32 s7, v0;
	v27 =	vshll.u32 v27, $0x2  }
0x14e: {  	v26 =	vadd.s32 v27, v26;
	v27 =	vmulhi.u32 $0x51EB851F, v58;
	_ =	sdelay $0x1  }
0x14f: {  	[tilespmem:s5+$0xFFFFFF20] =	vst v26;
	v26 =	vld [tilespmem:s5+$0xFFFFFF30];
	v27 =	vshrl.u32 v27, $0x6  }
0x150: {  	v27 =	vmul.u32 $0xC8, v27;
	_ =	sdelay $0x1  }
0x151: {  	s7 =	sadd.s32 $0xFFFFFF40, s15;
	v27 =	vsub.s32 v58, v27  }
0x152: {  	v59 =	vor.u32 s7, v0;
	v27 =	vshll.u32 v27, $0x2  }
0x153: {  	v26 =	vadd.s32 v27, v26;
	v27 =	vmulhi.u32 $0x51EB851F, v59;
	_ =	sdelay $0x1  }
0x154: {  	[tilespmem:s5+$0xFFFFFF30] =	vst v26;
	v26 =	vld [tilespmem:s5+$0xFFFFFF40];
	v27 =	vshrl.u32 v27, $0x6  }
0x155: {  	v27 =	vmul.u32 $0xC8, v27;
	_ =	sdelay $0x1  }
0x156: {  	s7 =	sadd.s32 $0xFFFFFF50, s15;
	v27 =	vsub.s32 v59, v27  }
0x157: {  	v60 =	vor.u32 s7, v0;
	v27 =	vshll.u32 v27, $0x2  }
0x158: {  	v26 =	vadd.s32 v27, v26;
	v27 =	vmulhi.u32 $0x51EB851F, v60;
	_ =	sdelay $0x1  }
0x159: {  	[tilespmem:s5+$0xFFFFFF40] =	vst v26;
	v26 =	vld [tilespmem:s5+$0xFFFFFF50];
	v27 =	vshrl.u32 v27, $0x6  }
0x15a: {  	v27 =	vmul.u32 $0xC8, v27;
	_ =	sdelay $0x1  }
0x15b: {  	s7 =	sadd.s32 $0xFFFFFF60, s15;
	v27 =	vsub.s32 v60, v27  }
0x15c: {  	v61 =	vor.u32 s7, v0;
	v27 =	vshll.u32 v27, $0x2  }
0x15d: {  	v26 =	vadd.s32 v27, v26;
	v27 =	vmulhi.u32 $0x51EB851F, v61;
	_ =	sdelay $0x1  }
0x15e: {  	[tilespmem:s5+$0xFFFFFF50] =	vst v26;
	v26 =	vld [tilespmem:s5+$0xFFFFFF60];
	v27 =	vshrl.u32 v27, $0x6  }
0x15f: {  	v27 =	vmul.u32 $0xC8, v27;
	_ =	sdelay $0x1  }
0x160: {  	s7 =	sadd.s32 $0xFFFFFF70, s15;
	v27 =	vsub.s32 v61, v27  }
0x161: {  	v62 =	vor.u32 s7, v0;
	v27 =	vshll.u32 v27, $0x2  }
0x162: {  	v26 =	vadd.s32 v27, v26;
	v27 =	vmulhi.u32 $0x51EB851F, v62;
	_ =	sdelay $0x1  }
0x163: {  	[tilespmem:s5+$0xFFFFFF60] =	vst v26;
	v26 =	vld [tilespmem:s5+$0xFFFFFF70];
	v27 =	vshrl.u32 v27, $0x6  }
0x164: {  	v27 =	vmul.u32 $0xC8, v27;
	_ =	sdelay $0x1  }
0x165: {  	s7 =	sadd.s32 $0xFFFFFF80, s15;
	v27 =	vsub.s32 v62, v27  }
0x166: {  	v63 =	vor.u32 s7, v0;
	v27 =	vshll.u32 v27, $0x2  }
0x167: {  	v26 =	vadd.s32 v27, v26;
	v27 =	vmulhi.u32 $0x51EB851F, v63;
	_ =	sdelay $0x1  }
0x168: {  	[tilespmem:s5+$0xFFFFFF70] =	vst v26;
	v26 =	vld [tilespmem:s5+$0xFFFFFF80];
	v27 =	vshrl.u32 v27, $0x6  }
0x169: {  	v27 =	vmul.u32 $0xC8, v27;
	_ =	sdelay $0x1  }
0x16a: {  	v27 =	vsub.s32 v63, v27  }
0x16b: {  	v27 =	vshll.u32 v27, $0x2  }
0x16c: {  	v26 =	vadd.s32 v27, v26  }
0x16d: {  	[tilespmem:s5+$0xFFFFFF80] =	vst v26  }
.LBB2_4:
0x16e: {  	_ =	swait.ge [sflag:s26], $0x4000  }
0x16f: {  	[sflag:s26] =	ssyncset.done $0x0  }
.Ltmp5:
0x170: {  	s6 =	sadd.s32 $0xFFFFF800, s10;
	[sflag:s26] =	ssyncadd.s32 $0xFFFFC000;
	(pc) =	sbr.rel @p1 .LBB2_6-.Ltmp5, $4  }
0x171: {  	[hbm4b:s6+s2] =	stream.linear.scatter [tilespmem:s19], [sflag:$0xB], $0x4000, $0x38;
	[tilespmem:$0x1FD00] =	vst v63  }
0x172: {  	_ =	swait.ge [sflag:s28], $0x4000  }
0x173: {  	[sflag:s28] =	ssyncset.done $0x0  }
0x174: {  	[sflag:s28] =	ssyncadd.s32 $0xFFFFC000  }
0x175: {  	s6 =	sadd.s32 $0xFFFFFF90, s15  }
0x176: {  	v26 =	vor.u32 s6, v0  }
0x177: {  	s7 =	sadd.s32 $0xFFFFFF10, s5;
	v27 =	vmulhi.u32 $0x51EB851F, v26  }
0x178: {  	[tilespmem:s16], [sflag:$0x3] =	stream.indirect.gather [hbm4b:s3+s12], $0x80, s7, s12, $0xb8;
	[tilespmem:$0x1FD00] =	vst v63  }
0x179: {  	v28 =	vld [tilespmem:s5+$0xFFFFFF90];
	v27 =	vshrl.u32 v27, $0x6  }
0x17a: {  	v27 =	vmul.u32 $0xC8, v27  }
0x17b: {  	s7 =	sadd.s32 $0xFFFFFFA0, s15  }
0x17c: {  	v26 =	vsub.s32 v26, v27;
	v27 =	vor.u32 s7, v0  }
0x17d: {  	v26 =	vshll.u32 v26, $0x2;
	v57 =	vmulhi.u32 $0x51EB851F, v27  }
0x17e: {  	v26 =	vadd.s32 v26, v28  }
0x17f: {  	[tilespmem:s5+$0xFFFFFF90] =	vst v26;
	v26 =	vld [tilespmem:s5+$0xFFFFFFA0];
	v28 =	vshrl.u32 v57, $0x6  }
0x180: {  	v28 =	vmul.u32 $0xC8, v28;
	_ =	sdelay $0x1  }
0x181: {  	s7 =	sadd.s32 $0xFFFFFFB0, s15;
	v27 =	vsub.s32 v27, v28  }
0x182: {  	v58 =	vor.u32 s7, v0;
	v27 =	vshll.u32 v27, $0x2  }
0x183: {  	v26 =	vadd.s32 v27, v26;
	v27 =	vmulhi.u32 $0x51EB851F, v58;
	_ =	sdelay $0x1  }
0x184: {  	[tilespmem:s5+$0xFFFFFFA0] =	vst v26;
	v26 =	vld [tilespmem:s5+$0xFFFFFFB0];
	v27 =	vshrl.u32 v27, $0x6  }
0x185: {  	v27 =	vmul.u32 $0xC8, v27;
	_ =	sdelay $0x1  }
0x186: {  	s7 =	sadd.s32 $0xFFFFFFC0, s15;
	v27 =	vsub.s32 v58, v27  }
0x187: {  	v59 =	vor.u32 s7, v0;
	v27 =	vshll.u32 v27, $0x2  }
0x188: {  	v26 =	vadd.s32 v27, v26;
	v27 =	vmulhi.u32 $0x51EB851F, v59;
	_ =	sdelay $0x1  }
0x189: {  	[tilespmem:s5+$0xFFFFFFB0] =	vst v26;
	v26 =	vld [tilespmem:s5+$0xFFFFFFC0];
	v27 =	vshrl.u32 v27, $0x6  }
0x18a: {  	v27 =	vmul.u32 $0xC8, v27;
	_ =	sdelay $0x1  }
0x18b: {  	s7 =	sadd.s32 $0xFFFFFFD0, s15;
	v27 =	vsub.s32 v59, v27  }
0x18c: {  	v60 =	vor.u32 s7, v0;
	v27 =	vshll.u32 v27, $0x2  }
0x18d: {  	v26 =	vadd.s32 v27, v26;
	v27 =	vmulhi.u32 $0x51EB851F, v60;
	_ =	sdelay $0x1  }
0x18e: {  	[tilespmem:s5+$0xFFFFFFC0] =	vst v26;
	v26 =	vld [tilespmem:s5+$0xFFFFFFD0];
	v27 =	vshrl.u32 v27, $0x6  }
0x18f: {  	v27 =	vmul.u32 $0xC8, v27;
	_ =	sdelay $0x1  }
0x190: {  	s7 =	sadd.s32 $0xFFFFFFE0, s15;
	v27 =	vsub.s32 v60, v27  }
0x191: {  	v61 =	vor.u32 s7, v0;
	v27 =	vshll.u32 v27, $0x2  }
0x192: {  	v26 =	vadd.s32 v27, v26;
	v27 =	vmulhi.u32 $0x51EB851F, v61;
	_ =	sdelay $0x1  }
0x193: {  	[tilespmem:s5+$0xFFFFFFD0] =	vst v26;
	v26 =	vld [tilespmem:s5+$0xFFFFFFE0];
	v27 =	vshrl.u32 v27, $0x6  }
0x194: {  	v27 =	vmul.u32 $0xC8, v27;
	_ =	sdelay $0x1  }
0x195: {  	s7 =	sadd.s32 $0xFFFFFFF0, s15;
	v27 =	vsub.s32 v61, v27  }
0x196: {  	v62 =	vor.u32 s7, v0;
	v27 =	vshll.u32 v27, $0x2  }
0x197: {  	v26 =	vadd.s32 v27, v26;
	v27 =	vmulhi.u32 $0x51EB851F, v62;
	_ =	sdelay $0x1  }
0x198: {  	[tilespmem:s5+$0xFFFFFFE0] =	vst v26;
	v26 =	vld [tilespmem:s5+$0xFFFFFFF0];
	v27 =	vshrl.u32 v27, $0x6  }
0x199: {  	v27 =	vmul.u32 $0xC8, v27;
	_ =	sdelay $0x1  }
0x19a: {  	v27 =	vsub.s32 v62, v27  }
0x19b: {  	v63 =	vor.u32 s15, v0;
	v27 =	vshll.u32 v27, $0x2  }
0x19c: {  	v26 =	vadd.s32 v27, v26;
	v27 =	vmulhi.u32 $0x51EB851F, v63;
	_ =	sdelay $0x1  }
0x19d: {  	[tilespmem:s5+$0xFFFFFFF0] =	vst v26;
	v26 =	vld [tilespmem:s5+$0x0];
	v27 =	vshrl.u32 v27, $0x6  }
0x19e: {  	v27 =	vmul.u32 $0xC8, v27  }
.Ltmp6:
0x19f: {  	_ = 	snop;
	(pc) =	sbr.rel .LBB2_6-.Ltmp6, $4  }
0x1a0: {  	v27 =	vsub.s32 v63, v27  }
0x1a1: {  	v27 =	vshll.u32 v27, $0x2  }
0x1a2: {  	v26 =	vadd.s32 v27, v26  }
0x1a3: {  	[tilespmem:s5+$0x0] =	vst v26  }
.LBB2_8:
0x1a4: {  	_ =	sfence.sel $0x180000  }
0x1a5: {  	[bflag:$0x0] =	sbarrier.arrive $0xFFFF  }
0x1a6: {  	_ =	strace $0x90000047  }
0x1a7: {  	s0 =	stileid.u32;
	[bflag:$0x2] =	sbarrier.arrive $0xFFFF  }
0x1a8: {  	p0 =	sne.s32 s0, $0x0;
	s0 =	rddreg [dreg:$0x3]  }
0x1a9: {  	s0 =	sadd.s32 @!p0 $0x100000, s0  }
0x1aa: {  	[sflag:s0] =	ssyncadd.tile.s32 @!p0 $0x1;
	_ =	shalt  }
.Lfunc_end2:
_tile_overlayer_lowered:
.L_overlay_start_2:
0x1ab: {  	(tag) =	ssettag $0x2  }
0x1ac: {  	s0 =	rddreg [dreg:$0x0];
	s2 =	stileid.u32  }
0x1ad: {  	s1 =	rddreg [dreg:$0x1];
	p0 =	sne.s32 s2, $0x0  }
0x1ae: {  	s3 =	rddreg [dreg:$0x2];
	[bflag:$0x3] =	sbarrier.arrive $0xFFFF;
	s2 =	simm.s32 @!p0 $0x1C0E  }
0x1af: {  	[timem:s3], [sflag:s2] =	dma.local @!p0 [hbm:s0], s1  }
0x1b0: {  	s0 =	simm.s32 @!p0 $0xE  }
0x1b1: {  	_ =	swait.ge @!p0 [sflag:s0], s1  }
0x1b2: {  	s1 =	ssub.s32 @!p0 $0x0, s1;
	[sflag:s0] =	ssyncset.done @!p0 $0x0  }
0x1b3: {  	[sflag:s0] =	ssyncadd.s32 @!p0 s1  }
0x1b4: {  	[bflag:$0x3] =	sbarrier.arrive $0xFFFF  }
0x1b5: {  	_ =	shalt  }

</sc_bundles>
